<compile_context>
chip_gen: v7x
topology: tpu7x:2x2x1
jax: 0.10.2.dev20260603
libtpu: 0.0.44.dev20260713+nightly
codegen_flags: <defaults>
</compile_context>

<pallas_src>
import jax
import jax.numpy as jnp
from jax import lax
from jax.experimental import pallas as pl

N = 10000
E = 160000
K = 30
ER = 1250


def _dotT(a, w):
    return lax.dot_general(a, w, (((1,), (1,)), ((), ())),
                           preferred_element_type=jnp.float32)


def _edge_body(ks, kd, a0, a1, a2, d0, d1, d2, w_o, s0_o):
    w_o[...] = (ks[...] == kd[...]).astype(jnp.float32)
    e0 = a0[...] - d0[...]
    e1 = a1[...] - d1[...]
    e2 = a2[...] - d2[...]
    s0_o[...] = jnp.exp((e0 * e0 + e1 * e1 + e2 * e2) * (-1.0 / 255.0))


_edge = pl.pallas_call(
    _edge_body,
    out_shape=(jax.ShapeDtypeStruct((ER, 128), jnp.float32),
               jax.ShapeDtypeStruct((ER, 128), jnp.float32)))


def _l0_body(agg, col, cnt, wl, wr, b, h, x1_o):
    mean = (agg[...] + col[...]) / cnt[...]
    z = jnp.maximum(_dotT(mean, wl[...]) + _dotT(col[...], wr[...]) + b[...],
                    0.0)
    x1_o[...] = (z + h[...]) * 0.5


_tc_l0 = pl.pallas_call(
    _l0_body, out_shape=jax.ShapeDtypeStruct((N, 64), jnp.float32))


_RB = 2000


def _l1_body(agg, x1, cnt, h, wl, wr, b, wl2, x2_o, y2_o):
    mean = (agg[...] + x1[...]) / cnt[...]
    z = jnp.maximum(_dotT(mean, wl[...]) + _dotT(x1[...], wr[...]) + b[...],
                    0.0)
    x2 = (z + h[...]) * 0.5
    x2_o[...] = x2
    y2_o[...] = _dotT(x2, wl2[...])


def _row_spec(d):
    return pl.BlockSpec((_RB, d), lambda i: (i, 0))


def _full_spec(shape):
    return pl.BlockSpec(shape, lambda i: tuple(0 for _ in shape))


_tc_l1 = pl.pallas_call(
    _l1_body,
    grid=(N // _RB,),
    in_specs=[_row_spec(64), _row_spec(64), _row_spec(1), _row_spec(512),
              _full_spec((512, 64)), _full_spec((512, 64)),
              _full_spec((1, 512)), _full_spec((256, 512))],
    out_specs=(_row_spec(512), _row_spec(256)),
    out_shape=(jax.ShapeDtypeStruct((N, 512), jnp.float32),
               jax.ShapeDtypeStruct((N, 256), jnp.float32)))


def _fin_body(agg, y2, x2, cnt, wr, b, h, mu, cg_o, x3_o):
    meanp = (agg[...] + y2[...]) / cnt[...]
    z = jnp.maximum(meanp + _dotT(x2[...], wr[...]) + b[...], 0.0)
    x3 = (z + h[...]) * 0.5
    x3_o[...] = x3
    m = mu[...]
    d2 = (jnp.sum(x3 * x3, axis=1, keepdims=True)
          + jnp.sum(m * m, axis=1)[None, :] - 2.0 * _dotT(x3, m))
    d2 = jnp.maximum(d2, 0.0)
    q = 1.0 / (1.0 + d2)
    q = q / jnp.sum(q, axis=1, keepdims=True)
    eq = jnp.exp(q - jnp.max(q, axis=1, keepdims=True))
    cg_o[...] = eq / jnp.sum(eq, axis=1, keepdims=True)


_tc_fin = pl.pallas_call(
    _fin_body,
    grid=(N // _RB,),
    in_specs=[_row_spec(256), _row_spec(256), _row_spec(512), _row_spec(1),
              _full_spec((256, 512)), _full_spec((1, 256)), _row_spec(256),
              _full_spec((K, 256))],
    out_specs=(_row_spec(K), _row_spec(256)),
    out_shape=(jax.ShapeDtypeStruct((N, K), jnp.float32),
               jax.ShapeDtypeStruct((N, 256), jnp.float32)))


def kernel(nodes_color, probas, edges_nn, clusters, h0, h1, h2,
           Wl0, Wr0, b0, Wl1, Wr1, b1, Wl2, Wr2, b2, mu):
    src = edges_nn[:, 0].astype(jnp.int32)
    dst = edges_nn[:, 1].astype(jnp.int32)
    key = (2 * jnp.argmax(clusters, axis=1).astype(jnp.int32)
           + (probas >= 0.5).astype(jnp.int32))
    cs = nodes_color[src]
    cd = nodes_color[dst]
    w2, s02 = _edge(key[src].reshape(ER, 128), key[dst].reshape(ER, 128),
                    cs[:, 0].reshape(ER, 128), cs[:, 1].reshape(ER, 128),
                    cs[:, 2].reshape(ER, 128), cd[:, 0].reshape(ER, 128),
                    cd[:, 1].reshape(ER, 128), cd[:, 2].reshape(ER, 128))
    w = w2.reshape(E)
    S0 = s02.reshape(E)

    cnt_col = (jax.ops.segment_sum(w, dst, num_segments=N) + 1.0).reshape(N, 1)
    agg0 = jax.ops.segment_sum(cs * w[:, None], dst, num_segments=N)
    x1 = _tc_l0(agg0, nodes_color, cnt_col, Wl0, Wr0, b0.reshape(1, 64), h0)

    agg1 = jax.ops.segment_sum(x1[src] * w[:, None], dst, num_segments=N)
    x2, y2 = _tc_l1(agg1, x1, cnt_col, h1, Wl1, Wr1, b1.reshape(1, 512), Wl2)

    agg2 = jax.ops.segment_sum(y2[src] * w[:, None], dst, num_segments=N)
    cg, x3 = _tc_fin(agg2, y2, x2, cnt_col, Wr2, b2.reshape(1, 256), h2, mu)
    return cg, x3, S0

# --- scband reference (transcript-rebuilt; emitter-appended) ---
"""Pipeline reference for scband-siamese-35536559407307 (READ-ONLY COPY).

The authoritative reference and input builder live on the scoring server;
editing this copy changes nothing except your own understanding.
"""

import jax, jax.numpy as jnp
import numpy as np

N = 10000
E = 160000
K = 30
ALPHA = 1.0

def setup_inputs(seed: int = 0):
    key = jax.random.key(seed)
    ks = jax.random.split(key, 8)
    inp = {}
    inp['nodes_color'] = jax.random.uniform(ks[0], (N, 3), dtype=jnp.float32)
    inp['probas'] = jax.random.uniform(ks[1], (N,), dtype=jnp.float32)
    inp['edges_nn'] = jax.random.randint(ks[2], (E, 2), 0, N).astype(jnp.int64)
    inp['clusters'] = jax.random.uniform(ks[3], (N, K), dtype=jnp.float32)
    inp['h0'] = jax.random.normal(ks[4], (N, 64), dtype=jnp.float32)
    inp['h1'] = jax.random.normal(ks[5], (N, 512), dtype=jnp.float32)
    inp['h2'] = jax.random.normal(ks[6], (N, 256), dtype=jnp.float32)
    wk = jax.random.split(ks[7], 7)
    inp['Wl0'] = jax.random.normal(wk[0], (64, 3), dtype=jnp.float32) / np.sqrt(3.0)
    inp['Wr0'] = jax.random.normal(wk[1], (64, 3), dtype=jnp.float32) / np.sqrt(3.0)
    inp['b0'] = jnp.zeros((64,), dtype=jnp.float32)
    inp['Wl1'] = jax.random.normal(wk[2], (512, 64), dtype=jnp.float32) / np.sqrt(64.0)
    inp['Wr1'] = jax.random.normal(wk[3], (512, 64), dtype=jnp.float32) / np.sqrt(64.0)
    inp['b1'] = jnp.zeros((512,), dtype=jnp.float32)
    inp['Wl2'] = jax.random.normal(wk[4], (256, 512), dtype=jnp.float32) / np.sqrt(512.0)
    inp['Wr2'] = jax.random.normal(wk[5], (256, 512), dtype=jnp.float32) / np.sqrt(512.0)
    inp['b2'] = jnp.zeros((256,), dtype=jnp.float32)
    inp['mu'] = jax.random.normal(wk[6], (K, 256), dtype=jnp.float32)
    return inp

def _sage(x, src, dst, w, Wl, Wr, b):
    # SAGEConv (mean aggregation) over the filtered edge set; self-loops
    # (from gutls.add_self_loops) are folded in by adding x / +1 to sum/count.
    msgs = x[src] * w[:, None]
    agg = jax.ops.segment_sum(msgs, dst, num_segments=N) + x
    cnt = jax.ops.segment_sum(w, dst, num_segments=N) + 1.0
    mean = agg / cnt[:, None]
    return mean @ Wl.T + x @ Wr.T + b

def reference(nodes_color, probas, edges_nn, clusters, h0, h1, h2, Wl0, Wr0, b0, Wl1, Wr1, b1, Wl2, Wr2, b2, mu):
    src = edges_nn[:, 0]
    dst = edges_nn[:, 1]
    p0 = probas[src]
    p1 = probas[dst]
    # edge filtering by probas thresholds (thrs=[0.5, 0.5]) ...
    m1 = jnp.logical_or(jnp.logical_and(p0 >= 0.5, p1 >= 0.5), jnp.logical_and(p0 < 0.5, p1 < 0.5))
    # ... and by cluster-assignment agreement
    m2 = jnp.argmax(clusters[src], axis=1) == jnp.argmax(clusters[dst], axis=1)
    w = jnp.logical_and(m1, m2).astype(jnp.float32)
    # edge similarity S0 (edge_attr in the original; SAGEConv does not consume it)
    diff = nodes_color[src] - nodes_color[dst]
    S0 = jnp.exp(-jnp.sum(diff * diff, axis=-1) / 255.0)
    x = nodes_color
    for (Wl, Wr, b, h) in ((Wl0, Wr0, b0, h0), (Wl1, Wr1, b1, h1), (Wl2, Wr2, b2, h2)):
        Z = jax.nn.relu(_sage(x, src, dst, w, Wl, Wr, b))
        # average GCN output with the superpixel-pooled decoder feature map
        x = (Z + h) * 0.5
    # DEC transform: Student-t soft assignment against cluster centers mu
    d2 = jnp.sum(x * x, axis=1)[:, None] + jnp.sum(mu * mu, axis=1)[None, :] - 2.0 * (x @ mu.T)
    d2 = jnp.maximum(d2, 0.0)
    q = (1.0 + d2 / ALPHA) ** (-(ALPHA + 1.0) / 2.0)
    q = q / jnp.sum(q, axis=1, keepdims=True)
    clusters_gcn = jax.nn.softmax(q, axis=1)
    return clusters_gcn, x, S0

if __name__ == "__main__":
    import jax
    _d = setup_inputs()
    print(jax.jit(kernel)(*tuple(_d.values())))

</pallas_src>

<mosaic_0001>
module attributes {stable_mosaic.version = 14 : i64} {
  func.func @_edge_body(%arg0: memref<1250x128xi32, #tpu.memory_space<vmem>>, %arg1: memref<1250x128xi32, #tpu.memory_space<vmem>>, %arg2: memref<1250x128xf32, #tpu.memory_space<vmem>>, %arg3: memref<1250x128xf32, #tpu.memory_space<vmem>>, %arg4: memref<1250x128xf32, #tpu.memory_space<vmem>>, %arg5: memref<1250x128xf32, #tpu.memory_space<vmem>>, %arg6: memref<1250x128xf32, #tpu.memory_space<vmem>>, %arg7: memref<1250x128xf32, #tpu.memory_space<vmem>>, %arg8: memref<1250x128xf32, #tpu.memory_space<vmem>>, %arg9: memref<1250x128xf32, #tpu.memory_space<vmem>>) attributes {dimension_semantics = [], scalar_prefetch = 0 : i64, scratch_operands = 0 : i64, tpu.core_type = #tpu.core_type<tc>} {
    %get3A = arith.constant 0 : index
    %get3A_0 = arith.constant 0 : index
    %get3A_1 = vector.load %arg0[%get3A, %get3A_0] : memref<1250x128xi32, #tpu.memory_space<vmem>>, vector<1250x128xi32>
    %get3A_2 = arith.constant 0 : index
    %get3A_3 = arith.constant 0 : index
    %get3A_4 = vector.load %arg1[%get3A_2, %get3A_3] : memref<1250x128xi32, #tpu.memory_space<vmem>>, vector<1250x128xi32>
    %eq3A = arith.cmpi eq, %get3A_1, %get3A_4 : vector<1250x128xi32>
    %convert_element_type3A = arith.extui %eq3A : vector<1250x128xi1> to vector<1250x128xi32>
    %convert_element_type3A_5 = arith.sitofp %convert_element_type3A : vector<1250x128xi32> to vector<1250x128xf32>
    %swap3A = arith.constant 0 : index
    %swap3A_6 = arith.constant 0 : index
    %swap3A_7 = vector.load %arg8[%swap3A, %swap3A_6] : memref<1250x128xf32, #tpu.memory_space<vmem>>, vector<1250x128xf32>
    tpu.vector_store %arg8[%swap3A, %swap3A_6], %convert_element_type3A_5 {strides = array<i32>} : memref<1250x128xf32, #tpu.memory_space<vmem>>, vector<1250x128xf32>,
    %get3A_8 = arith.constant 0 : index
    %get3A_9 = arith.constant 0 : index
    %get3A_10 = vector.load %arg2[%get3A_8, %get3A_9] : memref<1250x128xf32, #tpu.memory_space<vmem>>, vector<1250x128xf32>
    %get3A_11 = arith.constant 0 : index
    %get3A_12 = arith.constant 0 : index
    %get3A_13 = vector.load %arg5[%get3A_11, %get3A_12] : memref<1250x128xf32, #tpu.memory_space<vmem>>, vector<1250x128xf32>
    %sub3A = arith.subf %get3A_10, %get3A_13 : vector<1250x128xf32>
    %get3A_14 = arith.constant 0 : index
    %get3A_15 = arith.constant 0 : index
    %get3A_16 = vector.load %arg3[%get3A_14, %get3A_15] : memref<1250x128xf32, #tpu.memory_space<vmem>>, vector<1250x128xf32>
    %get3A_17 = arith.constant 0 : index
    %get3A_18 = arith.constant 0 : index
    %get3A_19 = vector.load %arg6[%get3A_17, %get3A_18] : memref<1250x128xf32, #tpu.memory_space<vmem>>, vector<1250x128xf32>
    %sub3A_20 = arith.subf %get3A_16, %get3A_19 : vector<1250x128xf32>
    %get3A_21 = arith.constant 0 : index
    %get3A_22 = arith.constant 0 : index
    %get3A_23 = vector.load %arg4[%get3A_21, %get3A_22] : memref<1250x128xf32, #tpu.memory_space<vmem>>, vector<1250x128xf32>
    %get3A_24 = arith.constant 0 : index
    %get3A_25 = arith.constant 0 : index
    %get3A_26 = vector.load %arg7[%get3A_24, %get3A_25] : memref<1250x128xf32, #tpu.memory_space<vmem>>, vector<1250x128xf32>
    %sub3A_27 = arith.subf %get3A_23, %get3A_26 : vector<1250x128xf32>
    %mul3A = arith.mulf %sub3A, %sub3A : vector<1250x128xf32>
    %mul3A_28 = arith.mulf %sub3A_20, %sub3A_20 : vector<1250x128xf32>
    %add3A = arith.addf %mul3A, %mul3A_28 : vector<1250x128xf32>
    %mul3A_29 = arith.mulf %sub3A_27, %sub3A_27 : vector<1250x128xf32>
    %add3A_30 = arith.addf %add3A, %mul3A_29 : vector<1250x128xf32>
    %mul3A_31 = arith.constant -0.00392156886 : f32
    %mul3A_32 = vector.broadcast %mul3A_31 : f32 to vector<1250x128xf32>
    %mul3A_33 = arith.mulf %add3A_30, %mul3A_32 : vector<1250x128xf32>
    %exp3A = math.exp %mul3A_33 : vector<1250x128xf32>
    %swap3A_34 = arith.constant 0 : index
    %swap3A_35 = arith.constant 0 : index
    %swap3A_36 = vector.load %arg9[%swap3A_34, %swap3A_35] : memref<1250x128xf32, #tpu.memory_space<vmem>>, vector<1250x128xf32>
    tpu.vector_store %arg9[%swap3A_34, %swap3A_35], %exp3A {strides = array<i32>} : memref<1250x128xf32, #tpu.memory_space<vmem>>, vector<1250x128xf32>,
    return
  }
}

module attributes {stable_mosaic.version = 14 : i64} {
  func.func @_l0_body(%arg0: memref<10000x3xf32, #tpu.memory_space<vmem>>, %arg1: memref<10000x3xf32, #tpu.memory_space<vmem>>, %arg2: memref<10000x1xf32, #tpu.memory_space<vmem>>, %arg3: memref<64x3xf32, #tpu.memory_space<vmem>>, %arg4: memref<64x3xf32, #tpu.memory_space<vmem>>, %arg5: memref<1x64xf32, #tpu.memory_space<vmem>>, %arg6: memref<10000x64xf32, #tpu.memory_space<vmem>>, %arg7: memref<10000x64xf32, #tpu.memory_space<vmem>>) attributes {dimension_semantics = [], scalar_prefetch = 0 : i64, scratch_operands = 0 : i64, tpu.core_type = #tpu.core_type<tc>} {
    %get3A = arith.constant 0 : index
    %get3A_0 = arith.constant 0 : index
    %get3A_1 = vector.load %arg0[%get3A, %get3A_0] : memref<10000x3xf32, #tpu.memory_space<vmem>>, vector<10000x3xf32>
    %get3A_2 = arith.constant 0 : index
    %get3A_3 = arith.constant 0 : index
    %get3A_4 = vector.load %arg1[%get3A_2, %get3A_3] : memref<10000x3xf32, #tpu.memory_space<vmem>>, vector<10000x3xf32>
    %add3A = arith.addf %get3A_1, %get3A_4 : vector<10000x3xf32>
    %get3A_5 = arith.constant 0 : index
    %get3A_6 = arith.constant 0 : index
    %get3A_7 = vector.load %arg2[%get3A_5, %get3A_6] : memref<10000x1xf32, #tpu.memory_space<vmem>>, vector<10000x1xf32>
    %div3A = vector.broadcast %get3A_7 : vector<10000x1xf32> to vector<10000x3xf32>
    %div3A_8 = arith.divf %add3A, %div3A : vector<10000x3xf32>
    %get3A_9 = arith.constant 0 : index
    %get3A_10 = arith.constant 0 : index
    %get3A_11 = vector.load %arg3[%get3A_9, %get3A_10] : memref<64x3xf32, #tpu.memory_space<vmem>>, vector<64x3xf32>
    %dot_general3A = arith.constant dense<0.000000e+00> : vector<10000x64xf32>
    %dot_general3A_12 = tpu.matmul %div3A_8, %get3A_11, %dot_general3A {dimension_numbers = #tpu.dot_dimension_numbers<[1], [1], [0], [0], [0, 0, 1, 0], [], []>, transpose_lhs_hint = false} : vector<10000x3xf32>, vector<64x3xf32>, vector<10000x64xf32> -> vector<10000x64xf32>
    %get3A_13 = arith.constant 0 : index
    %get3A_14 = arith.constant 0 : index
    %get3A_15 = vector.load %arg1[%get3A_13, %get3A_14] : memref<10000x3xf32, #tpu.memory_space<vmem>>, vector<10000x3xf32>
    %get3A_16 = arith.constant 0 : index
    %get3A_17 = arith.constant 0 : index
    %get3A_18 = vector.load %arg4[%get3A_16, %get3A_17] : memref<64x3xf32, #tpu.memory_space<vmem>>, vector<64x3xf32>
    %dot_general3A_19 = arith.constant dense<0.000000e+00> : vector<10000x64xf32>
    %dot_general3A_20 = tpu.matmul %get3A_15, %get3A_18, %dot_general3A_19 {dimension_numbers = #tpu.dot_dimension_numbers<[1], [1], [0], [0], [0, 0, 1, 0], [], []>, transpose_lhs_hint = false} : vector<10000x3xf32>, vector<64x3xf32>, vector<10000x64xf32> -> vector<10000x64xf32>
    %add3A_21 = arith.addf %dot_general3A_12, %dot_general3A_20 : vector<10000x64xf32>
    %get3A_22 = arith.constant 0 : index
    %get3A_23 = arith.constant 0 : index
    %get3A_24 = vector.load %arg5[%get3A_22, %get3A_23] : memref<1x64xf32, #tpu.memory_space<vmem>>, vector<1x64xf32>
    %add3A_25 = vector.broadcast %get3A_24 : vector<1x64xf32> to vector<10000x64xf32>
    %add3A_26 = arith.addf %add3A_21, %add3A_25 : vector<10000x64xf32>
    %max3A = arith.constant 0.000000e+00 : f32
    %max3A_27 = vector.broadcast %max3A : f32 to vector<10000x64xf32>
    %max3A_28 = arith.maximumf %add3A_26, %max3A_27 : vector<10000x64xf32>
    %get3A_29 = arith.constant 0 : index
    %get3A_30 = arith.constant 0 : index
    %get3A_31 = vector.load %arg6[%get3A_29, %get3A_30] : memref<10000x64xf32, #tpu.memory_space<vmem>>, vector<10000x64xf32>
    %add3A_32 = arith.addf %max3A_28, %get3A_31 : vector<10000x64xf32>
    %mul3A = arith.constant 5.000000e-01 : f32
    %mul3A_33 = vector.broadcast %mul3A : f32 to vector<10000x64xf32>
    %mul3A_34 = arith.mulf %add3A_32, %mul3A_33 : vector<10000x64xf32>
    %swap3A = arith.constant 0 : index
    %swap3A_35 = arith.constant 0 : index
    %swap3A_36 = vector.load %arg7[%swap3A, %swap3A_35] : memref<10000x64xf32, #tpu.memory_space<vmem>>, vector<10000x64xf32>
    tpu.vector_store %arg7[%swap3A, %swap3A_35], %mul3A_34 {strides = array<i32>} : memref<10000x64xf32, #tpu.memory_space<vmem>>, vector<10000x64xf32>,
    return
  }
}

module attributes {stable_mosaic.version = 14 : i64} {
  func.func @_l1_body(%arg0: i32, %arg1: memref<2000x64xf32, #tpu.memory_space<vmem>>, %arg2: memref<2000x64xf32, #tpu.memory_space<vmem>>, %arg3: memref<2000x1xf32, #tpu.memory_space<vmem>>, %arg4: memref<2000x512xf32, #tpu.memory_space<vmem>>, %arg5: memref<512x64xf32, #tpu.memory_space<vmem>>, %arg6: memref<512x64xf32, #tpu.memory_space<vmem>>, %arg7: memref<1x512xf32, #tpu.memory_space<vmem>>, %arg8: memref<256x512xf32, #tpu.memory_space<vmem>>, %arg9: memref<2000x512xf32, #tpu.memory_space<vmem>>, %arg10: memref<2000x256xf32, #tpu.memory_space<vmem>>) attributes {dimension_semantics = [#tpu.dimension_semantics<arbitrary>], iteration_bounds = array<i64: 5>, scalar_prefetch = 0 : i64, scratch_operands = 0 : i64, tpu.core_type = #tpu.core_type<tc>, window_params = [{transform_indices = @transform_0, window_bounds = array<i64: 2000, 64>}, {transform_indices = @transform_1, window_bounds = array<i64: 2000, 64>}, {transform_indices = @transform_2, window_bounds = array<i64: 2000, 1>}, {transform_indices = @transform_3, window_bounds = array<i64: 2000, 512>}, {pipeline_mode = #tpu.pipeline_mode<synchronous>, transform_indices = @transform_4, window_bounds = array<i64: 512, 64>}, {pipeline_mode = #tpu.pipeline_mode<synchronous>, transform_indices = @transform_5, window_bounds = array<i64: 512, 64>}, {pipeline_mode = #tpu.pipeline_mode<synchronous>, transform_indices = @transform_6, window_bounds = array<i64: 1, 512>}, {pipeline_mode = #tpu.pipeline_mode<synchronous>, transform_indices = @transform_7, window_bounds = array<i64: 256, 512>}, {transform_indices = @transform_8, window_bounds = array<i64: 2000, 512>}, {transform_indices = @transform_9, window_bounds = array<i64: 2000, 256>}]} {
    %get3A = arith.constant 0 : index
    %get3A_0 = arith.constant 0 : index
    %get3A_1 = vector.load %arg1[%get3A, %get3A_0] : memref<2000x64xf32, #tpu.memory_space<vmem>>, vector<2000x64xf32>
    %get3A_2 = arith.constant 0 : index
    %get3A_3 = arith.constant 0 : index
    %get3A_4 = vector.load %arg2[%get3A_2, %get3A_3] : memref<2000x64xf32, #tpu.memory_space<vmem>>, vector<2000x64xf32>
    %add3A = arith.addf %get3A_1, %get3A_4 : vector<2000x64xf32>
    %get3A_5 = arith.constant 0 : index
    %get3A_6 = arith.constant 0 : index
    %get3A_7 = vector.load %arg3[%get3A_5, %get3A_6] : memref<2000x1xf32, #tpu.memory_space<vmem>>, vector<2000x1xf32>
    %div3A = vector.broadcast %get3A_7 : vector<2000x1xf32> to vector<2000x64xf32>
    %div3A_8 = arith.divf %add3A, %div3A : vector<2000x64xf32>
    %get3A_9 = arith.constant 0 : index
    %get3A_10 = arith.constant 0 : index
    %get3A_11 = vector.load %arg5[%get3A_9, %get3A_10] : memref<512x64xf32, #tpu.memory_space<vmem>>, vector<512x64xf32>
    %dot_general3A = arith.constant dense<0.000000e+00> : vector<2000x512xf32>
    %dot_general3A_12 = tpu.matmul %div3A_8, %get3A_11, %dot_general3A {dimension_numbers = #tpu.dot_dimension_numbers<[1], [1], [0], [0], [0, 0, 1, 0], [], []>, transpose_lhs_hint = false} : vector<2000x64xf32>, vector<512x64xf32>, vector<2000x512xf32> -> vector<2000x512xf32>
    %get3A_13 = arith.constant 0 : index
    %get3A_14 = arith.constant 0 : index
    %get3A_15 = vector.load %arg2[%get3A_13, %get3A_14] : memref<2000x64xf32, #tpu.memory_space<vmem>>, vector<2000x64xf32>
    %get3A_16 = arith.constant 0 : index
    %get3A_17 = arith.constant 0 : index
    %get3A_18 = vector.load %arg6[%get3A_16, %get3A_17] : memref<512x64xf32, #tpu.memory_space<vmem>>, vector<512x64xf32>
    %dot_general3A_19 = arith.constant dense<0.000000e+00> : vector<2000x512xf32>
    %dot_general3A_20 = tpu.matmul %get3A_15, %get3A_18, %dot_general3A_19 {dimension_numbers = #tpu.dot_dimension_numbers<[1], [1], [0], [0], [0, 0, 1, 0], [], []>, transpose_lhs_hint = false} : vector<2000x64xf32>, vector<512x64xf32>, vector<2000x512xf32> -> vector<2000x512xf32>
    %add3A_21 = arith.addf %dot_general3A_12, %dot_general3A_20 : vector<2000x512xf32>
    %get3A_22 = arith.constant 0 : index
    %get3A_23 = arith.constant 0 : index
    %get3A_24 = vector.load %arg7[%get3A_22, %get3A_23] : memref<1x512xf32, #tpu.memory_space<vmem>>, vector<1x512xf32>
    %add3A_25 = vector.broadcast %get3A_24 : vector<1x512xf32> to vector<2000x512xf32>
    %add3A_26 = arith.addf %add3A_21, %add3A_25 : vector<2000x512xf32>
    %max3A = arith.constant 0.000000e+00 : f32
    %max3A_27 = vector.broadcast %max3A : f32 to vector<2000x512xf32>
    %max3A_28 = arith.maximumf %add3A_26, %max3A_27 : vector<2000x512xf32>
    %get3A_29 = arith.constant 0 : index
    %get3A_30 = arith.constant 0 : index
    %get3A_31 = vector.load %arg4[%get3A_29, %get3A_30] : memref<2000x512xf32, #tpu.memory_space<vmem>>, vector<2000x512xf32>
    %add3A_32 = arith.addf %max3A_28, %get3A_31 : vector<2000x512xf32>
    %mul3A = arith.constant 5.000000e-01 : f32
    %mul3A_33 = vector.broadcast %mul3A : f32 to vector<2000x512xf32>
    %mul3A_34 = arith.mulf %add3A_32, %mul3A_33 : vector<2000x512xf32>
    %swap3A = arith.constant 0 : index
    %swap3A_35 = arith.constant 0 : index
    %swap3A_36 = vector.load %arg9[%swap3A, %swap3A_35] : memref<2000x512xf32, #tpu.memory_space<vmem>>, vector<2000x512xf32>
    tpu.vector_store %arg9[%swap3A, %swap3A_35], %mul3A_34 {strides = array<i32>} : memref<2000x512xf32, #tpu.memory_space<vmem>>, vector<2000x512xf32>,
    %get3A_37 = arith.constant 0 : index
    %get3A_38 = arith.constant 0 : index
    %get3A_39 = vector.load %arg8[%get3A_37, %get3A_38] : memref<256x512xf32, #tpu.memory_space<vmem>>, vector<256x512xf32>
    %dot_general3A_40 = arith.constant dense<0.000000e+00> : vector<2000x256xf32>
    %dot_general3A_41 = tpu.matmul %mul3A_34, %get3A_39, %dot_general3A_40 {dimension_numbers = #tpu.dot_dimension_numbers<[1], [1], [0], [0], [0, 0, 1, 0], [], []>, transpose_lhs_hint = false} : vector<2000x512xf32>, vector<256x512xf32>, vector<2000x256xf32> -> vector<2000x256xf32>
    %swap3A_42 = arith.constant 0 : index
    %swap3A_43 = arith.constant 0 : index
    %swap3A_44 = vector.load %arg10[%swap3A_42, %swap3A_43] : memref<2000x256xf32, #tpu.memory_space<vmem>>, vector<2000x256xf32>
    tpu.vector_store %arg10[%swap3A_42, %swap3A_43], %dot_general3A_41 {strides = array<i32>} : memref<2000x256xf32, #tpu.memory_space<vmem>>, vector<2000x256xf32>,
    return
  }
  func.func @transform_0(%arg0: i32) -> (i32, i32) {
    %c0_i32 = arith.constant 0 : i32
    %c0_i32_0 = arith.constant 0 : i32
    return %arg0, %c0_i32 : i32, i32
  }
  func.func @transform_1(%arg0: i32) -> (i32, i32) {
    %c0_i32 = arith.constant 0 : i32
    %c0_i32_0 = arith.constant 0 : i32
    return %arg0, %c0_i32 : i32, i32
  }
  func.func @transform_2(%arg0: i32) -> (i32, i32) {
    %c0_i32 = arith.constant 0 : i32
    %c0_i32_0 = arith.constant 0 : i32
    return %arg0, %c0_i32 : i32, i32
  }
  func.func @transform_3(%arg0: i32) -> (i32, i32) {
    %c0_i32 = arith.constant 0 : i32
    %c0_i32_0 = arith.constant 0 : i32
    return %arg0, %c0_i32 : i32, i32
  }
  func.func @transform_4(%arg0: i32) -> (i32, i32) {
    %c0_i32 = arith.constant 0 : i32
    %c0_i32_0 = arith.constant 0 : i32
    %c0_i32_1 = arith.constant 0 : i32
    return %c0_i32, %c0_i32_0 : i32, i32
  }
  func.func @transform_5(%arg0: i32) -> (i32, i32) {
    %c0_i32 = arith.constant 0 : i32
    %c0_i32_0 = arith.constant 0 : i32
    %c0_i32_1 = arith.constant 0 : i32
    return %c0_i32, %c0_i32_0 : i32, i32
  }
  func.func @transform_6(%arg0: i32) -> (i32, i32) {
    %c0_i32 = arith.constant 0 : i32
    %c0_i32_0 = arith.constant 0 : i32
    %c0_i32_1 = arith.constant 0 : i32
    return %c0_i32, %c0_i32_0 : i32, i32
  }
  func.func @transform_7(%arg0: i32) -> (i32, i32) {
    %c0_i32 = arith.constant 0 : i32
    %c0_i32_0 = arith.constant 0 : i32
    %c0_i32_1 = arith.constant 0 : i32
    return %c0_i32, %c0_i32_0 : i32, i32
  }
  func.func @transform_8(%arg0: i32) -> (i32, i32) {
    %c0_i32 = arith.constant 0 : i32
    %c0_i32_0 = arith.constant 0 : i32
    return %arg0, %c0_i32 : i32, i32
  }
  func.func @transform_9(%arg0: i32) -> (i32, i32) {
    %c0_i32 = arith.constant 0 : i32
    %c0_i32_0 = arith.constant 0 : i32
    return %arg0, %c0_i32 : i32, i32
  }
}

module attributes {stable_mosaic.version = 14 : i64} {
  func.func @_fin_body(%arg0: i32, %arg1: memref<2000x256xf32, #tpu.memory_space<vmem>>, %arg2: memref<2000x256xf32, #tpu.memory_space<vmem>>, %arg3: memref<2000x512xf32, #tpu.memory_space<vmem>>, %arg4: memref<2000x1xf32, #tpu.memory_space<vmem>>, %arg5: memref<256x512xf32, #tpu.memory_space<vmem>>, %arg6: memref<1x256xf32, #tpu.memory_space<vmem>>, %arg7: memref<2000x256xf32, #tpu.memory_space<vmem>>, %arg8: memref<30x256xf32, #tpu.memory_space<vmem>>, %arg9: memref<2000x30xf32, #tpu.memory_space<vmem>>, %arg10: memref<2000x256xf32, #tpu.memory_space<vmem>>) attributes {dimension_semantics = [#tpu.dimension_semantics<arbitrary>], iteration_bounds = array<i64: 5>, scalar_prefetch = 0 : i64, scratch_operands = 0 : i64, tpu.core_type = #tpu.core_type<tc>, window_params = [{transform_indices = @transform_0, window_bounds = array<i64: 2000, 256>}, {transform_indices = @transform_1, window_bounds = array<i64: 2000, 256>}, {transform_indices = @transform_2, window_bounds = array<i64: 2000, 512>}, {transform_indices = @transform_3, window_bounds = array<i64: 2000, 1>}, {pipeline_mode = #tpu.pipeline_mode<synchronous>, transform_indices = @transform_4, window_bounds = array<i64: 256, 512>}, {pipeline_mode = #tpu.pipeline_mode<synchronous>, transform_indices = @transform_5, window_bounds = array<i64: 1, 256>}, {transform_indices = @transform_6, window_bounds = array<i64: 2000, 256>}, {pipeline_mode = #tpu.pipeline_mode<synchronous>, transform_indices = @transform_7, window_bounds = array<i64: 30, 256>}, {transform_indices = @transform_8, window_bounds = array<i64: 2000, 30>}, {transform_indices = @transform_9, window_bounds = array<i64: 2000, 256>}]} {
    %get3A = arith.constant 0 : index
    %get3A_0 = arith.constant 0 : index
    %get3A_1 = vector.load %arg1[%get3A, %get3A_0] : memref<2000x256xf32, #tpu.memory_space<vmem>>, vector<2000x256xf32>
    %get3A_2 = arith.constant 0 : index
    %get3A_3 = arith.constant 0 : index
    %get3A_4 = vector.load %arg2[%get3A_2, %get3A_3] : memref<2000x256xf32, #tpu.memory_space<vmem>>, vector<2000x256xf32>
    %add3A = arith.addf %get3A_1, %get3A_4 : vector<2000x256xf32>
    %get3A_5 = arith.constant 0 : index
    %get3A_6 = arith.constant 0 : index
    %get3A_7 = vector.load %arg4[%get3A_5, %get3A_6] : memref<2000x1xf32, #tpu.memory_space<vmem>>, vector<2000x1xf32>
    %div3A = vector.broadcast %get3A_7 : vector<2000x1xf32> to vector<2000x256xf32>
    %div3A_8 = arith.divf %add3A, %div3A : vector<2000x256xf32>
    %get3A_9 = arith.constant 0 : index
    %get3A_10 = arith.constant 0 : index
    %get3A_11 = vector.load %arg3[%get3A_9, %get3A_10] : memref<2000x512xf32, #tpu.memory_space<vmem>>, vector<2000x512xf32>
    %get3A_12 = arith.constant 0 : index
    %get3A_13 = arith.constant 0 : index
    %get3A_14 = vector.load %arg5[%get3A_12, %get3A_13] : memref<256x512xf32, #tpu.memory_space<vmem>>, vector<256x512xf32>
    %dot_general3A = arith.constant dense<0.000000e+00> : vector<2000x256xf32>
    %dot_general3A_15 = tpu.matmul %get3A_11, %get3A_14, %dot_general3A {dimension_numbers = #tpu.dot_dimension_numbers<[1], [1], [0], [0], [0, 0, 1, 0], [], []>, transpose_lhs_hint = false} : vector<2000x512xf32>, vector<256x512xf32>, vector<2000x256xf32> -> vector<2000x256xf32>
    %add3A_16 = arith.addf %div3A_8, %dot_general3A_15 : vector<2000x256xf32>
    %get3A_17 = arith.constant 0 : index
    %get3A_18 = arith.constant 0 : index
    %get3A_19 = vector.load %arg6[%get3A_17, %get3A_18] : memref<1x256xf32, #tpu.memory_space<vmem>>, vector<1x256xf32>
    %add3A_20 = vector.broadcast %get3A_19 : vector<1x256xf32> to vector<2000x256xf32>
    %add3A_21 = arith.addf %add3A_16, %add3A_20 : vector<2000x256xf32>
    %max3A = arith.constant 0.000000e+00 : f32
    %max3A_22 = vector.broadcast %max3A : f32 to vector<2000x256xf32>
    %max3A_23 = arith.maximumf %add3A_21, %max3A_22 : vector<2000x256xf32>
    %get3A_24 = arith.constant 0 : index
    %get3A_25 = arith.constant 0 : index
    %get3A_26 = vector.load %arg7[%get3A_24, %get3A_25] : memref<2000x256xf32, #tpu.memory_space<vmem>>, vector<2000x256xf32>
    %add3A_27 = arith.addf %max3A_23, %get3A_26 : vector<2000x256xf32>
    %mul3A = arith.constant 5.000000e-01 : f32
    %mul3A_28 = vector.broadcast %mul3A : f32 to vector<2000x256xf32>
    %mul3A_29 = arith.mulf %add3A_27, %mul3A_28 : vector<2000x256xf32>
    %swap3A = arith.constant 0 : index
    %swap3A_30 = arith.constant 0 : index
    %swap3A_31 = vector.load %arg10[%swap3A, %swap3A_30] : memref<2000x256xf32, #tpu.memory_space<vmem>>, vector<2000x256xf32>
    tpu.vector_store %arg10[%swap3A, %swap3A_30], %mul3A_29 {strides = array<i32>} : memref<2000x256xf32, #tpu.memory_space<vmem>>, vector<2000x256xf32>,
    %get3A_32 = arith.constant 0 : index
    %get3A_33 = arith.constant 0 : index
    %get3A_34 = vector.load %arg8[%get3A_32, %get3A_33] : memref<30x256xf32, #tpu.memory_space<vmem>>, vector<30x256xf32>
    %mul3A_35 = arith.mulf %mul3A_29, %mul3A_29 : vector<2000x256xf32>
    %reduce_sum3A = arith.constant dense<0.000000e+00> : vector<2000xf32>
    %reduce_sum3A_36 = vector.multi_reduction <add>, %mul3A_35, %reduce_sum3A [1] : vector<2000x256xf32> to vector<2000xf32>
    %broadcast_in_dim3A = vector.shape_cast %reduce_sum3A_36 : vector<2000xf32> to vector<2000x1xf32>
    %mul3A_37 = arith.mulf %get3A_34, %get3A_34 : vector<30x256xf32>
    %reduce_sum3A_38 = arith.constant dense<0.000000e+00> : vector<30xf32>
    %reduce_sum3A_39 = vector.multi_reduction <add>, %mul3A_37, %reduce_sum3A_38 [1] : vector<30x256xf32> to vector<30xf32>
    %broadcast_in_dim3A_40 = vector.shape_cast %reduce_sum3A_39 : vector<30xf32> to vector<1x30xf32>
    %add3A_41 = vector.broadcast %broadcast_in_dim3A : vector<2000x1xf32> to vector<2000x30xf32>
    %add3A_42 = vector.broadcast %broadcast_in_dim3A_40 : vector<1x30xf32> to vector<2000x30xf32>
    %add3A_43 = arith.addf %add3A_41, %add3A_42 : vector<2000x30xf32>
    %dot_general3A_44 = arith.constant dense<0.000000e+00> : vector<2000x30xf32>
    %dot_general3A_45 = tpu.matmul %mul3A_29, %get3A_34, %dot_general3A_44 {dimension_numbers = #tpu.dot_dimension_numbers<[1], [1], [0], [0], [0, 0, 1, 0], [], []>, transpose_lhs_hint = false} : vector<2000x256xf32>, vector<30x256xf32>, vector<2000x30xf32> -> vector<2000x30xf32>
    %mul3A_46 = arith.constant 2.000000e+00 : f32
    %mul3A_47 = vector.broadcast %mul3A_46 : f32 to vector<2000x30xf32>
    %mul3A_48 = arith.mulf %mul3A_47, %dot_general3A_45 : vector<2000x30xf32>
    %sub3A = arith.subf %add3A_43, %mul3A_48 : vector<2000x30xf32>
    %max3A_49 = arith.constant 0.000000e+00 : f32
    %max3A_50 = vector.broadcast %max3A_49 : f32 to vector<2000x30xf32>
    %max3A_51 = arith.maximumf %sub3A, %max3A_50 : vector<2000x30xf32>
    %add3A_52 = arith.constant 1.000000e+00 : f32
    %add3A_53 = vector.broadcast %add3A_52 : f32 to vector<2000x30xf32>
    %add3A_54 = arith.addf %add3A_53, %max3A_51 : vector<2000x30xf32>
    %div3A_55 = arith.constant 1.000000e+00 : f32
    %div3A_56 = vector.broadcast %div3A_55 : f32 to vector<2000x30xf32>
    %div3A_57 = arith.divf %div3A_56, %add3A_54 : vector<2000x30xf32>
    %reduce_sum3A_58 = arith.constant dense<0.000000e+00> : vector<2000xf32>
    %reduce_sum3A_59 = vector.multi_reduction <add>, %div3A_57, %reduce_sum3A_58 [1] : vector<2000x30xf32> to vector<2000xf32>
    %broadcast_in_dim3A_60 = vector.shape_cast %reduce_sum3A_59 : vector<2000xf32> to vector<2000x1xf32>
    %div3A_61 = vector.broadcast %broadcast_in_dim3A_60 : vector<2000x1xf32> to vector<2000x30xf32>
    %div3A_62 = arith.divf %div3A_57, %div3A_61 : vector<2000x30xf32>
    %reduce_max3A = arith.constant dense<0xFF800000> : vector<2000xf32>
    %reduce_max3A_63 = vector.multi_reduction <maximumf>, %div3A_62, %reduce_max3A [1] : vector<2000x30xf32> to vector<2000xf32>
    %broadcast_in_dim3A_64 = vector.shape_cast %reduce_max3A_63 : vector<2000xf32> to vector<2000x1xf32>
    %sub3A_65 = vector.broadcast %broadcast_in_dim3A_64 : vector<2000x1xf32> to vector<2000x30xf32>
    %sub3A_66 = arith.subf %div3A_62, %sub3A_65 : vector<2000x30xf32>
    %exp3A = math.exp %sub3A_66 : vector<2000x30xf32>
    %reduce_sum3A_67 = arith.constant dense<0.000000e+00> : vector<2000xf32>
    %reduce_sum3A_68 = vector.multi_reduction <add>, %exp3A, %reduce_sum3A_67 [1] : vector<2000x30xf32> to vector<2000xf32>
    %broadcast_in_dim3A_69 = vector.shape_cast %reduce_sum3A_68 : vector<2000xf32> to vector<2000x1xf32>
    %div3A_70 = vector.broadcast %broadcast_in_dim3A_69 : vector<2000x1xf32> to vector<2000x30xf32>
    %div3A_71 = arith.divf %exp3A, %div3A_70 : vector<2000x30xf32>
    %swap3A_72 = arith.constant 0 : index
    %swap3A_73 = arith.constant 0 : index
    %swap3A_74 = vector.load %arg9[%swap3A_72, %swap3A_73] : memref<2000x30xf32, #tpu.memory_space<vmem>>, vector<2000x30xf32>
    tpu.vector_store %arg9[%swap3A_72, %swap3A_73], %div3A_71 {strides = array<i32>} : memref<2000x30xf32, #tpu.memory_space<vmem>>, vector<2000x30xf32>,
    return
  }
  func.func @transform_0(%arg0: i32) -> (i32, i32) {
    %c0_i32 = arith.constant 0 : i32
    %c0_i32_0 = arith.constant 0 : i32
    return %arg0, %c0_i32 : i32, i32
  }
  func.func @transform_1(%arg0: i32) -> (i32, i32) {
    %c0_i32 = arith.constant 0 : i32
    %c0_i32_0 = arith.constant 0 : i32
    return %arg0, %c0_i32 : i32, i32
  }
  func.func @transform_2(%arg0: i32) -> (i32, i32) {
    %c0_i32 = arith.constant 0 : i32
    %c0_i32_0 = arith.constant 0 : i32
    return %arg0, %c0_i32 : i32, i32
  }
  func.func @transform_3(%arg0: i32) -> (i32, i32) {
    %c0_i32 = arith.constant 0 : i32
    %c0_i32_0 = arith.constant 0 : i32
    return %arg0, %c0_i32 : i32, i32
  }
  func.func @transform_4(%arg0: i32) -> (i32, i32) {
    %c0_i32 = arith.constant 0 : i32
    %c0_i32_0 = arith.constant 0 : i32
    %c0_i32_1 = arith.constant 0 : i32
    return %c0_i32, %c0_i32_0 : i32, i32
  }
  func.func @transform_5(%arg0: i32) -> (i32, i32) {
    %c0_i32 = arith.constant 0 : i32
    %c0_i32_0 = arith.constant 0 : i32
    %c0_i32_1 = arith.constant 0 : i32
    return %c0_i32, %c0_i32_0 : i32, i32
  }
  func.func @transform_6(%arg0: i32) -> (i32, i32) {
    %c0_i32 = arith.constant 0 : i32
    %c0_i32_0 = arith.constant 0 : i32
    return %arg0, %c0_i32 : i32, i32
  }
  func.func @transform_7(%arg0: i32) -> (i32, i32) {
    %c0_i32 = arith.constant 0 : i32
    %c0_i32_0 = arith.constant 0 : i32
    %c0_i32_1 = arith.constant 0 : i32
    return %c0_i32, %c0_i32_0 : i32, i32
  }
  func.func @transform_8(%arg0: i32) -> (i32, i32) {
    %c0_i32 = arith.constant 0 : i32
    %c0_i32_0 = arith.constant 0 : i32
    return %arg0, %c0_i32 : i32, i32
  }
  func.func @transform_9(%arg0: i32) -> (i32, i32) {
    %c0_i32 = arith.constant 0 : i32
    %c0_i32_0 = arith.constant 0 : i32
    return %arg0, %c0_i32 : i32, i32
  }
}

</mosaic_0001>

<sc_bundles>
// kernel: scatter_offload_async_start.1
scs
__scs_entry_jumppad:
0x0: {  	(pc) =	sbr.rel $0x88, $3  }
0x1: {  	(tag) =	ssettag $0x0;
	lr =	simm.s32 $0x1  }
0x2: {  	[smem:$0x3F90] =	sst lr;
	_ =	strace $0xD0000000  }
0x3: {  	_ = 	snop  }
0x4: {  	_ = 	snop  }
0x5: {  	_ = 	snop  }
0x6: {  	_ = 	snop  }
0x7: {  	_ = 	snop  }
__scs_overlays_trampoline_lowered:
0x8: {  	[smem:$0x3F9F] =	sst s0  }
0x9: {  	[smem:$0x3FA0] =	sst s1  }
0xa: {  	[smem:$0x3FA1] =	sst s2  }
0xb: {  	[smem:$0x3FA2] =	sst s3  }
0xc: {  	[smem:$0x3FA3] =	sst s4  }
0xd: {  	[smem:$0x3FA4] =	sst s5  }
0xe: {  	[smem:$0x3FA5] =	sst s6  }
0xf: {  	[smem:$0x3FA6] =	sst s7  }
0x10: {  	[smem:$0x3FA7] =	sst s8  }
0x11: {  	[smem:$0x3FA8] =	sst s9;
	s0 =	simm.s32 @!p0 $0x0  }
0x12: {  	s1 =	sld [smem:$0x3F8E];
	s0 =	simm.s32 @p0 $0x1  }
0x13: {  	[smem:$0x3FA9] =	sst s0;
	s0 =	simm.s32 @!p1 $0x0  }
0x14: {  	s2 =	sld [smem:$0x3F8D];
	s0 =	simm.s32 @p1 $0x1  }
0x15: {  	[smem:$0x3FAA] =	sst s0;
	s0 =	simm.s32 @!p2 $0x0  }
0x16: {  	s3 =	sld [smem:$0x3FDB];
	s0 =	simm.s32 @p2 $0x1  }
0x17: {  	s4 =	simm.s32 $0x1BF5;
	[smem:$0x3FAC] =	sst s0  }
0x18: {  	s0 =	sld [smem:$0x3F8F];
	_ =	swait.ge [sflag:s4], $0x0  }
0x19: {  	s7 =	sld [smem:$0x3F90]  }
0x1a: {  	s8 =	sadd.s32 $0xFFFFE003, lr  }
0x1b: {  	s9 =	sadd.s32 $0xFFFFFEF7, lr;
	s5 =	simm.s32 $0xFFFFFFFF;
	p2 =	slt.u32 s8, $0xFFFFF086  }
0x1c: {  	p1 =	slt.u32 s9, $0xF7A;
	s5 =	simm.s32 @!p2 $0x0  }
0x1d: {  	s5 =	simm.s32 @p1 $0x1;
	p0 =	seq.s32 s7, s2  }
0x1e: {  	s7 =	smul.u32 @!p0 $0xF7A, s2;
	p2 =	seq.s32 @!p0 s5, $0x0  }
0x1f: {  	s9 =	smul.u32 $0xF7A, s1;
	s8 =	simm.s32 @!p0 $0x1BF5;
	p2 =	por !p2, p0  }
0x20: {  	[sflag:s8] =	ssyncset.s32 @!p0 $0xFFFFF086;
	s6 =	sadd.s32 @!p0 s3, s7;
	s7 =	simm.s32 @!p0 $0x108  }
0x21: {  	s3 =	sadd.s32 s3, s9;
	s6 =	sadd.s32 @!p0 $0x88, s6;
	s7 =	simm.s32 @p2 $0x1082  }
0x22: {  	[simem:s7], [sflag:s8] =	dma.local @!p0 [hbm:s6], $0xF7A  }
0x23: {  	s9 =	sor.u32 $0xD0000000, s2;
	s6 =	simm.s32 $0x108;
	_ =	swait.ge @!p0 [sflag:s8], $0x0  }
0x24: {  	s3 =	sadd.s32 $0x88, s3;
	s6 =	simm.s32 @!p1 $0x1082;
	[sflag:s4] =	ssyncset.s32 $0xFFFFF086  }
0x25: {  	[simem:s6], [sflag:s4] =	dma.local [hbm:s3], $0xF7A  }
0x26: {  	[smem:$0x3F90] =	sst s1;
	(tag) =	ssettag s2;
	_ =	strace s9  }
0x27: {  	s1 =	sld [smem:$0x3FA0]  }
0x28: {  	s2 =	sld [smem:$0x3FA1]  }
0x29: {  	s4 =	sld [smem:$0x3FA3]  }
0x2a: {  	p0 =	seq.s32 s5, $0x0;
	s5 =	sld [smem:$0x3FA4]  }
0x2b: {  	s6 =	sld [smem:$0x3FA5]  }
0x2c: {  	s7 =	sld [smem:$0x3FA6]  }
0x2d: {  	s3 =	simm.s32 $0x108;
	s8 =	sld [smem:$0x3FA7]  }
0x2e: {  	s3 =	simm.s32 @!p0 $0x1082;
	s9 =	sld [smem:$0x3FA8]  }
0x2f: {  	lr =	sadd.s32 s0, s3;
	s0 =	sld [smem:$0x3F9F]  }
0x30: {  	s3 =	sld [smem:$0x3FA2]  }
0x31: {  	[smem:$0x3FAB] =	sst s10  }
0x32: {  	s10 =	sld [smem:$0x3FA9];
	_ =	sdelay $0x3  }
0x33: {  	p0 =	seq.s32 s10, $0x1;
	s10 =	sld [smem:$0x3FAB];
	_ =	sdelay $0x3  }
0x34: {  	[smem:$0x3FAB] =	sst s10  }
0x35: {  	s10 =	sld [smem:$0x3FAA];
	_ =	sdelay $0x3  }
0x36: {  	p1 =	seq.s32 s10, $0x1;
	s10 =	sld [smem:$0x3FAB];
	_ =	sdelay $0x3  }
0x37: {  	[smem:$0x3FAB] =	sst s10  }
0x38: {  	s10 =	sld [smem:$0x3FAC]  }
0x39: {  	_ = 	snop;
	(pc) =	sbr.ind lr, $3  }
0x3a: {  	_ = 	snop  }
0x3b: {  	_ = 	snop  }
0x3c: {  	p2 =	seq.s32 s10, $0x1;
	s10 =	sld [smem:$0x3FAB]  }
0x3d: {  	_ =	shalt  }
0x3e: {  	_ =	shalt  }
0x3f: {  	_ =	shalt  }
0x40: {  	_ =	shalt  }
0x41: {  	_ =	shalt  }
0x42: {  	_ =	shalt  }
0x43: {  	_ =	shalt  }
0x44: {  	_ =	shalt  }
0x45: {  	_ =	shalt  }
0x46: {  	_ =	shalt  }
0x47: {  	_ =	shalt  }
0x48: {  	_ =	shalt  }
0x49: {  	_ =	shalt  }
0x4a: {  	_ =	shalt  }
0x4b: {  	_ =	shalt  }
0x4c: {  	_ =	shalt  }
0x4d: {  	_ =	shalt  }
0x4e: {  	_ =	shalt  }
0x4f: {  	_ =	shalt  }
0x50: {  	_ =	shalt  }
0x51: {  	_ =	shalt  }
0x52: {  	_ =	shalt  }
0x53: {  	_ =	shalt  }
0x54: {  	_ =	shalt  }
0x55: {  	_ =	shalt  }
0x56: {  	_ =	shalt  }
0x57: {  	_ =	shalt  }
0x58: {  	_ =	shalt  }
0x59: {  	_ =	shalt  }
0x5a: {  	_ =	shalt  }
0x5b: {  	_ =	shalt  }
0x5c: {  	_ =	shalt  }
0x5d: {  	_ =	shalt  }
0x5e: {  	_ =	shalt  }
0x5f: {  	_ =	shalt  }
0x60: {  	_ =	shalt  }
0x61: {  	_ =	shalt  }
0x62: {  	_ =	shalt  }
0x63: {  	_ =	shalt  }
0x64: {  	_ =	shalt  }
0x65: {  	_ =	shalt  }
0x66: {  	_ =	shalt  }
0x67: {  	_ =	shalt  }
0x68: {  	_ =	shalt  }
0x69: {  	_ =	shalt  }
0x6a: {  	_ =	shalt  }
0x6b: {  	_ =	shalt  }
0x6c: {  	_ =	shalt  }
0x6d: {  	_ =	shalt  }
0x6e: {  	_ =	shalt  }
0x6f: {  	_ =	shalt  }
0x70: {  	_ =	shalt  }
0x71: {  	_ =	shalt  }
0x72: {  	_ =	shalt  }
0x73: {  	_ =	shalt  }
0x74: {  	_ =	shalt  }
0x75: {  	_ =	shalt  }
0x76: {  	_ =	shalt  }
0x77: {  	_ =	shalt  }
0x78: {  	_ =	shalt  }
0x79: {  	_ =	shalt  }
0x7a: {  	_ =	shalt  }
0x7b: {  	_ =	shalt  }
0x7c: {  	_ =	shalt  }
0x7d: {  	_ =	shalt  }
0x7e: {  	_ =	shalt  }
0x7f: {  	_ =	shalt  }
0x80: {  	_ =	shalt  }
0x81: {  	_ =	shalt  }
0x82: {  	_ =	shalt  }
0x83: {  	_ =	shalt  }
0x84: {  	_ =	shalt  }
0x85: {  	_ =	shalt  }
0x86: {  	_ =	shalt  }
0x87: {  	_ =	shalt  }
.Lfunc_end0:
.L_simem_size_0:
called_computation.1_lowered:
.L_overlay_start_0:
0x88: {  	s2 =	sld [smem:$0x3FD9]  }
0x89: {  	s3 =	sld [smem:$0x3FFE];
	_ =	sdelay $0x1  }
0x8a: {  	s1 =	srdreg.scid  }
0x8b: {  	s0 =	sand.u32 $0x1, s1  }
0x8c: {  	s15 =	sshll.u32 s0, $0xA;
	s2 =	sadd.s32 s3, s2  }
0x8d: {  	s2 =	sadd.s32 s2, s15  }
0x8e: {  	[smem:$0x3FB7] =	sst s2  }
0x8f: {  	_ = 	snop  }
0x90: {  	s2 =	sld [smem:$0x3FD0];
	_ =	sdelay $0x2  }
0x91: {  	s4 =	simm.s32 $0xB;
	s16 =	simm.s32 $0x10  }
0x92: {  	[smem:s16], [sflag:s4] =	dma.local [hbm:s2], $0x1  }
0x93: {  	_ =	swait.eq [sflag:s4], $0x1  }
0x94: {  	[sflag:s4] =	ssyncset.done $0x0  }
0x95: {  	s17 =	sld [smem:$0x10];
	[sflag:s4] =	ssyncadd.s32 $0xFFFFFFFF  }
0x96: {  	s18 =	sld [smem:$0x11];
	(tm) =	ssettm $0x1  }
0x97: {  	s19 =	sld [smem:$0x3FFB];
	_ =	sdelay $0x3  }
0x98: {  	_ =	strace s19  }
0x99: {  	s2 =	sld [smem:$0x3FFC];
	_ =	sdelay $0x3  }
0x9a: {  	_ =	strace s2  }
0x9b: {  	s2 =	sld [smem:$0x3FFD];
	_ =	sdelay $0x3  }
0x9c: {  	_ =	strace s2  }
0x9d: {  	_ =	strace $0x8FFFFFFF  }
0x9e: {  	s20 =	sld [smem:$0x3FDB];
	_ =	sdelay $0x1  }
0x9f: {  	s5 =	simm.s32 $_scs_section_size  }
0xa0: {  	s6 =	simm.s32 $_size__tile_overlayer_lowered;
	s7 =	simm.s32 $_tile_overlayer_lowered  }
0xa1: {  	s8 =	simm.s32 $0x1BFF;
	s21 =	sshll.u32 s7, $0x1;
	s5 =	sadd.s32 s5, s20  }
0xa2: {  	s22 =	simm.s32 $0x0;
	s6 =	sshll.u32 s6, $0x1;
	s7 =	sadd.s32 s21, s5  }
0xa3: {  	[timem:s22], [sflag:s8] =	dma.local [hbm:s7], s6  }
0xa4: {  	_ =	swait.ge [sflag:s8], s6  }
0xa5: {  	s6 =	ssub.s32 $0x0, s6;
	[sflag:s8] =	ssyncset.done $0x0  }
0xa6: {  	[sflag:s8] =	ssyncadd.s32 s6;
	_ =	sdelay $0x1  }
0xa7: {  	s23 =	simm.s32 $0x1B8B  }
0xa8: {  	_ =	swait.ge [sflag:s23], $0x1  }
0xa9: {  	[sflag:s23] =	ssyncset.done $0x0  }
0xaa: {  	[sflag:s23] =	ssyncadd.s32 $0xFFFFFFFF  }
0xab: {  	s6 =	sld [smem:$0x0]  }
0xac: {  	s7 =	sand.u32 $0xFFFFFFFE, s1  }
0xad: {  	p0 =	sne.s32 s1, s7  }
0xae: {  	s7 =	sshll.u32 @p0 s7, $0xE  }
0xaf: {  	s7 =	sadd.s32 @p0 $0x11B8D, s7;
	s8 =	sshll.u32 @p0 s6, $0x11  }
0xb0: {  	s7 =	sor.u32 @p0 s8, s7  }
0xb1: {  	[sflag:s7] =	ssyncadd.remote.s32 @p0 $0x1;
	_ =	sdelay $0x1  }
0xb2: {  	s7 =	simm.s32 @p0 $0x1B8D  }
0xb3: {  	_ =	swait.eq @p0 [sflag:s7], $0x1  }
0xb4: {  	[sflag:s7] =	ssyncadd.s32 @p0 $0xFFFFFFFF  }
0xb5: {  	s8 =	sshll.u32 @!p0 s1, $0xE  }
0xb6: {  	s8 =	sor.u32 @!p0 $0x4000, s8;
	s7 =	simm.s32 @!p0 $0x1B8D  }
0xb7: {  	s9 =	sshll.u32 @!p0 s6, $0x11;
	s8 =	sadd.s32 @!p0 $0x11B8D, s8;
	_ =	swait.eq @!p0 [sflag:s7], $0x1  }
0xb8: {  	[sflag:s7] =	ssyncadd.s32 @!p0 $0xFFFFFFFF;
	s7 =	sor.u32 @!p0 s9, s8  }
0xb9: {  	s25 =	simm.s32 $0x1B8E;
	s24 =	sld [smem:$0x3FFE];
	[sflag:s7] =	ssyncadd.remote.s32 @!p0 $0x1  }
0xba: {  	s26 =	simm.s32 $execute0_lowered;
	[smem:$0x3FD2] =	sst s25  }
0xbb: {  	s8 =	sshll.u32 s26, $0x1;
	_ =	strace $0x80000049;
	[dreg:$0x1] =	wrdreg $0xFFFFFFFF  }
0xbc: {  	s28 =	simm.s32 $_size_execute0_lowered;
	s5 =	sadd.s32 s5, s8;
	[dreg:$0x0] =	wrdreg $0x0  }
0xbd: {  	s8 =	sshll.u32 s28, $0x1;
	[dreg:$0x2] =	wrdreg s5  }
0xbe: {  	[dreg:$0x3] =	wrdreg s8  }
0xbf: {  	[dreg:$0x4] =	wrdreg $0xC0  }
0xc0: {  	_ =	task [dreg:s22], $0x5FFFF  }
0xc1: {  	[dreg:$0x1] =	wrdreg $0xFFFFFFFF  }
0xc2: {  	[dreg:$0x0] =	wrdreg $0x60  }
0xc3: {  	[dreg:$0x2] =	wrdreg s18  }
0xc4: {  	[dreg:$0x3] =	wrdreg s17  }
0xc5: {  	[dreg:$0x4] =	wrdreg s24  }
0xc6: {  	[dreg:$0x5] =	wrdreg s1  }
0xc7: {  	[dreg:$0x6] =	wrdreg s6  }
0xc8: {  	[dreg:$0x7] =	wrdreg $0xA  }
0xc9: {  	_ =	task.clear_ibuf [dreg:s22], $0x8FFFF;
	_ =	strace $0x90000049  }
0xca: {  	s29 =	simm.s32 $0xA;
	_ =	strace $0x8000004B  }
0xcb: {  	_ =	swait.ge [sflag:s29], $0x1  }
0xcc: {  	[sflag:s29] =	ssyncadd.s32 $0xFFFFFFFF  }
0xcd: {  	_ =	strace $0x9000004B  }
0xce: {  	_ =	sfence  }
0xcf: {  	s30 =	sld [smem:$0x0];
	_ =	sdelay $0x2  }
0xd0: {  	s31 =	sshll.u32 s1, $0xD;
	s1 =	sshrl.u32 s1, $0x2  }
0xd1: {  	s4 =	sand.u32 $0x4000, s31;
	s1 =	sadd.s32 s1, s30  }
0xd2: {  	s0 =	sor.u32 s4, s0;
	s1 =	sshll.u32 s1, $0x11  }
0xd3: {  	s0 =	sor.u32 s1, s0  }
0xd4: {  	s0 =	sadd.s32 $0x8F2B, s0  }
0xd5: {  	[sflag:s0] =	ssyncadd.remote.s32 $0x1  }
0xd6: {  	_ =	sfence.sel $0xFFFF  }
0xd7: {  	[dreg:$0x0] =	wrdreg $0xFFFFFFFF;
	(pc) =	sbr.abs _section_cstart, $3  }
0xd8: {  	[dreg:$0x1] =	wrdreg $0xFFFFFFFF  }
0xd9: {  	_ =	task.clear_ibuf [dreg:s22], $0x2FFFF;
	_ =	strace $0x9FFFFFFF  }
0xda: {  	(tm) =	ssettm $0x7FFFFFFF  }
0xdb: {  	_ =	shalt  }
tec
execute0_lowered:
.L_overlay_start_1:
0x0: {  	(tag) =	ssettag $0x1  }
0x1: {  	s1 =	rddreg [dreg:$0x0]  }
0x2: {  	s14 =	rddreg [dreg:$0x1]  }
0x3: {  	s12 =	rddreg [dreg:$0x2]  }
0x4: {  	s3 =	rddreg [dreg:$0x3];
	_ =	strace $0x8000004A;
	s13 =	simm.s32 $0x1  }
0x5: {  	v0 =	vimm.s32 $0x0;
	[sflag:s13] =	ssyncpa.u1 $0x0  }
0x6: {  	[tilespmem:$0x28] =	vst v0  }
0x7: {  	[tilespmem:$0x38] =	vst v0  }
0x8: {  	[tilespmem:$0x48] =	vst v0  }
0x9: {  	[tilespmem:$0x58] =	vst v0  }
0xa: {  	[tilespmem:$0x68] =	vst v0  }
0xb: {  	[tilespmem:$0x78] =	vst v0  }
0xc: {  	[tilespmem:$0x88] =	vst v0  }
0xd: {  	[tilespmem:$0x98] =	vst v0  }
0xe: {  	[tilespmem:$0xA8] =	vst v0  }
0xf: {  	[tilespmem:$0xB8] =	vst v0  }
0x10: {  	[tilespmem:$0xC8] =	vst v0  }
0x11: {  	[tilespmem:$0xD8] =	vst v0  }
0x12: {  	[tilespmem:$0xE8] =	vst v0  }
0x13: {  	[tilespmem:$0xF8] =	vst v0  }
0x14: {  	[tilespmem:$0x108] =	vst v0  }
0x15: {  	[tilespmem:$0x118] =	vst v0  }
0x16: {  	[tilespmem:$0x128] =	vst v0  }
0x17: {  	[tilespmem:$0x138] =	vst v0  }
0x18: {  	[tilespmem:$0x148] =	vst v0  }
0x19: {  	[tilespmem:$0x158] =	vst v0  }
0x1a: {  	[tilespmem:$0x168] =	vst v0  }
0x1b: {  	[tilespmem:$0x178] =	vst v0  }
0x1c: {  	[tilespmem:$0x188] =	vst v0  }
0x1d: {  	[tilespmem:$0x198] =	vst v0  }
0x1e: {  	[tilespmem:$0x1A8] =	vst v0  }
0x1f: {  	[tilespmem:$0x1B8] =	vst v0  }
0x20: {  	[tilespmem:$0x1C8] =	vst v0  }
0x21: {  	[tilespmem:$0x1D8] =	vst v0  }
0x22: {  	[tilespmem:$0x1E8] =	vst v0  }
0x23: {  	[tilespmem:$0x1F8] =	vst v0  }
0x24: {  	[tilespmem:$0x208] =	vst v0  }
0x25: {  	[tilespmem:$0x218] =	vst v0  }
0x26: {  	[tilespmem:$0x228] =	vst v0  }
0x27: {  	[tilespmem:$0x238] =	vst v0  }
0x28: {  	[tilespmem:$0x248] =	vst v0  }
0x29: {  	[tilespmem:$0x258] =	vst v0  }
0x2a: {  	[tilespmem:$0x268] =	vst v0  }
0x2b: {  	[tilespmem:$0x278] =	vst v0  }
0x2c: {  	[tilespmem:$0x288] =	vst v0  }
0x2d: {  	[tilespmem:$0x298] =	vst v0  }
0x2e: {  	[tilespmem:$0x2A8] =	vst v0  }
0x2f: {  	[tilespmem:$0x2B8] =	vst v0  }
0x30: {  	[tilespmem:$0x2C8] =	vst v0  }
0x31: {  	[tilespmem:$0x2D8] =	vst v0  }
0x32: {  	[tilespmem:$0x2E8] =	vst v0  }
0x33: {  	[tilespmem:$0x2F8] =	vst v0  }
0x34: {  	[tilespmem:$0x308] =	vst v0  }
0x35: {  	[tilespmem:$0x318] =	vst v0  }
0x36: {  	[tilespmem:$0x328] =	vst v0  }
0x37: {  	[tilespmem:$0x338] =	vst v0  }
0x38: {  	[tilespmem:$0x348] =	vst v0  }
0x39: {  	[tilespmem:$0x358] =	vst v0  }
0x3a: {  	[tilespmem:$0x368] =	vst v0  }
0x3b: {  	[tilespmem:$0x378] =	vst v0  }
0x3c: {  	[tilespmem:$0x388] =	vst v0  }
0x3d: {  	[tilespmem:$0x398] =	vst v0  }
0x3e: {  	[tilespmem:$0x3A8] =	vst v0  }
0x3f: {  	[tilespmem:$0x3B8] =	vst v0  }
0x40: {  	[tilespmem:$0x3C8] =	vst v0  }
0x41: {  	[tilespmem:$0x3D8] =	vst v0  }
0x42: {  	[tilespmem:$0x3E8] =	vst v0  }
0x43: {  	[tilespmem:$0x3F8] =	vst v0  }
0x44: {  	[tilespmem:$0x408] =	vst v0  }
0x45: {  	[tilespmem:$0x418] =	vst v0  }
0x46: {  	[tilespmem:$0x428] =	vst v0  }
0x47: {  	[tilespmem:$0x438] =	vst v0  }
0x48: {  	[tilespmem:$0x448] =	vst v0  }
0x49: {  	[tilespmem:$0x458] =	vst v0  }
0x4a: {  	[tilespmem:$0x468] =	vst v0  }
0x4b: {  	[tilespmem:$0x478] =	vst v0  }
0x4c: {  	[tilespmem:$0x488] =	vst v0  }
0x4d: {  	[tilespmem:$0x498] =	vst v0  }
0x4e: {  	[tilespmem:$0x4A8] =	vst v0  }
0x4f: {  	[tilespmem:$0x4B8] =	vst v0  }
0x50: {  	[tilespmem:$0x4C8] =	vst v0  }
0x51: {  	[tilespmem:$0x4D8] =	vst v0  }
0x52: {  	[tilespmem:$0x4E8] =	vst v0  }
0x53: {  	[tilespmem:$0x4F8] =	vst v0  }
0x54: {  	[tilespmem:$0x508] =	vst v0  }
0x55: {  	[tilespmem:$0x518] =	vst v0  }
0x56: {  	[tilespmem:$0x528] =	vst v0  }
0x57: {  	[tilespmem:$0x538] =	vst v0  }
0x58: {  	[tilespmem:$0x548] =	vst v0  }
0x59: {  	[tilespmem:$0x558] =	vst v0  }
0x5a: {  	[tilespmem:$0x568] =	vst v0  }
0x5b: {  	[tilespmem:$0x578] =	vst v0  }
0x5c: {  	[tilespmem:$0x588] =	vst v0  }
0x5d: {  	[tilespmem:$0x598] =	vst v0  }
0x5e: {  	[tilespmem:$0x5A8] =	vst v0  }
0x5f: {  	[tilespmem:$0x5B8] =	vst v0  }
0x60: {  	[tilespmem:$0x5C8] =	vst v0  }
0x61: {  	[tilespmem:$0x5D8] =	vst v0  }
0x62: {  	[tilespmem:$0x5E8] =	vst v0  }
0x63: {  	[tilespmem:$0x5F8] =	vst v0  }
0x64: {  	[tilespmem:$0x608] =	vst v0  }
0x65: {  	[tilespmem:$0x618] =	vst v0  }
0x66: {  	[tilespmem:$0x628] =	vst v0  }
0x67: {  	[tilespmem:$0x638] =	vst v0  }
0x68: {  	[tilespmem:$0x648] =	vst v0  }
0x69: {  	[tilespmem:$0x658] =	vst v0  }
0x6a: {  	[tilespmem:$0x668] =	vst v0  }
0x6b: {  	[tilespmem:$0x678] =	vst v0  }
0x6c: {  	[tilespmem:$0x688] =	vst v0  }
0x6d: {  	[tilespmem:$0x698] =	vst v0  }
0x6e: {  	[tilespmem:$0x6A8] =	vst v0  }
0x6f: {  	[tilespmem:$0x6B8] =	vst v0  }
0x70: {  	[tilespmem:$0x6C8] =	vst v0  }
0x71: {  	[tilespmem:$0x6D8] =	vst v0  }
0x72: {  	[tilespmem:$0x6E8] =	vst v0  }
0x73: {  	[tilespmem:$0x6F8] =	vst v0  }
0x74: {  	[tilespmem:$0x708] =	vst v0  }
0x75: {  	[tilespmem:$0x718] =	vst v0  }
0x76: {  	[tilespmem:$0x728] =	vst v0  }
0x77: {  	[tilespmem:$0x738] =	vst v0  }
0x78: {  	[tilespmem:$0x748] =	vst v0  }
0x79: {  	[tilespmem:$0x758] =	vst v0  }
0x7a: {  	[tilespmem:$0x768] =	vst v0  }
0x7b: {  	[tilespmem:$0x778] =	vst v0  }
0x7c: {  	[tilespmem:$0x788] =	vst v0  }
0x7d: {  	[tilespmem:$0x798] =	vst v0  }
0x7e: {  	[tilespmem:$0x7A8] =	vst v0  }
0x7f: {  	[tilespmem:$0x7B8] =	vst v0  }
0x80: {  	[tilespmem:$0x7C8] =	vst v0  }
0x81: {  	[tilespmem:$0x7D8] =	vst v0  }
0x82: {  	[tilespmem:$0x7E8] =	vst v0  }
0x83: {  	[tilespmem:$0x7F8] =	vst v0  }
0x84: {  	[tilespmem:$0x808] =	vst v0  }
0x85: {  	[tilespmem:$0x818] =	vst v0  }
0x86: {  	[tilespmem:$0x828] =	vst v0  }
0x87: {  	[tilespmem:$0x838] =	vst v0  }
0x88: {  	[tilespmem:$0x848] =	vst v0  }
0x89: {  	[tilespmem:$0x858] =	vst v0  }
0x8a: {  	[tilespmem:$0x868] =	vst v0  }
0x8b: {  	[tilespmem:$0x878] =	vst v0  }
0x8c: {  	[tilespmem:$0x888] =	vst v0  }
0x8d: {  	[tilespmem:$0x898] =	vst v0  }
0x8e: {  	[tilespmem:$0x8A8] =	vst v0  }
0x8f: {  	[tilespmem:$0x8B8] =	vst v0  }
0x90: {  	[tilespmem:$0x8C8] =	vst v0  }
0x91: {  	[tilespmem:$0x8D8] =	vst v0  }
0x92: {  	[tilespmem:$0x8E8] =	vst v0  }
0x93: {  	[tilespmem:$0x8F8] =	vst v0  }
0x94: {  	[tilespmem:$0x908] =	vst v0  }
0x95: {  	[tilespmem:$0x918] =	vst v0  }
0x96: {  	[tilespmem:$0x928] =	vst v0  }
0x97: {  	[tilespmem:$0x938] =	vst v0  }
0x98: {  	[tilespmem:$0x948] =	vst v0  }
0x99: {  	[tilespmem:$0x958] =	vst v0  }
0x9a: {  	[tilespmem:$0x968] =	vst v0  }
0x9b: {  	[tilespmem:$0x978] =	vst v0  }
0x9c: {  	[tilespmem:$0x988] =	vst v0  }
0x9d: {  	[tilespmem:$0x998] =	vst v0  }
0x9e: {  	[tilespmem:$0x9A8] =	vst v0  }
0x9f: {  	[tilespmem:$0x9B8] =	vst v0  }
0xa0: {  	[tilespmem:$0x9C8] =	vst v0  }
0xa1: {  	[tilespmem:$0x9D8] =	vst v0  }
0xa2: {  	[tilespmem:$0x9E8] =	vst v0  }
0xa3: {  	[tilespmem:$0x9F8] =	vst v0  }
0xa4: {  	[tilespmem:$0xA08] =	vst v0  }
0xa5: {  	[tilespmem:$0xA18] =	vst v0  }
0xa6: {  	[tilespmem:$0xA28] =	vst v0  }
0xa7: {  	[tilespmem:$0xA38] =	vst v0  }
0xa8: {  	[tilespmem:$0xA48] =	vst v0  }
0xa9: {  	[tilespmem:$0xA58] =	vst v0  }
0xaa: {  	[tilespmem:$0xA68] =	vst v0  }
0xab: {  	[tilespmem:$0xA78] =	vst v0  }
0xac: {  	[tilespmem:$0xA88] =	vst v0  }
0xad: {  	[tilespmem:$0xA98] =	vst v0  }
0xae: {  	[tilespmem:$0xAA8] =	vst v0  }
0xaf: {  	[tilespmem:$0xAB8] =	vst v0  }
0xb0: {  	[tilespmem:$0xAC8] =	vst v0  }
0xb1: {  	[tilespmem:$0xAD8] =	vst v0  }
0xb2: {  	[tilespmem:$0xAE8] =	vst v0  }
0xb3: {  	[tilespmem:$0xAF8] =	vst v0  }
0xb4: {  	[tilespmem:$0xB08] =	vst v0  }
0xb5: {  	[tilespmem:$0xB18] =	vst v0  }
0xb6: {  	[tilespmem:$0xB28] =	vst v0  }
0xb7: {  	[tilespmem:$0xB38] =	vst v0  }
0xb8: {  	[tilespmem:$0xB48] =	vst v0  }
0xb9: {  	[tilespmem:$0xB58] =	vst v0  }
0xba: {  	[tilespmem:$0xB68] =	vst v0  }
0xbb: {  	[tilespmem:$0xB78] =	vst v0  }
0xbc: {  	[tilespmem:$0xB88] =	vst v0  }
0xbd: {  	[tilespmem:$0xB98] =	vst v0  }
0xbe: {  	[tilespmem:$0xBA8] =	vst v0  }
0xbf: {  	[tilespmem:$0xBB8] =	vst v0  }
0xc0: {  	[tilespmem:$0xBC8] =	vst v0  }
0xc1: {  	[tilespmem:$0xBD8] =	vst v0  }
0xc2: {  	[tilespmem:$0xBE8] =	vst v0  }
0xc3: {  	[tilespmem:$0xBF8] =	vst v0  }
0xc4: {  	[tilespmem:$0xC08] =	vst v0  }
0xc5: {  	[tilespmem:$0xC18] =	vst v0  }
0xc6: {  	[tilespmem:$0xC28] =	vst v0  }
0xc7: {  	[tilespmem:$0xC38] =	vst v0  }
0xc8: {  	[tilespmem:$0xC48] =	vst v0  }
0xc9: {  	[tilespmem:$0xC58] =	vst v0  }
0xca: {  	[tilespmem:$0xC68] =	vst v0  }
0xcb: {  	[tilespmem:$0xC78] =	vst v0  }
0xcc: {  	[tilespmem:$0xC88] =	vst v0  }
0xcd: {  	[tilespmem:$0xC98] =	vst v0  }
0xce: {  	[tilespmem:$0xCA8] =	vst v0  }
0xcf: {  	[tilespmem:$0xCB8] =	vst v0  }
0xd0: {  	[tilespmem:$0xCC8] =	vst v0  }
0xd1: {  	[tilespmem:$0xCD8] =	vst v0  }
0xd2: {  	[tilespmem:$0xCE8] =	vst v0  }
0xd3: {  	[tilespmem:$0xCF8] =	vst v0  }
0xd4: {  	[tilespmem:$0xD08] =	vst v0  }
0xd5: {  	[tilespmem:$0xD18] =	vst v0  }
0xd6: {  	[tilespmem:$0xD28] =	vst v0  }
0xd7: {  	[tilespmem:$0xD38] =	vst v0  }
0xd8: {  	[tilespmem:$0xD48] =	vst v0  }
0xd9: {  	[tilespmem:$0xD58] =	vst v0  }
0xda: {  	[tilespmem:$0xD68] =	vst v0  }
0xdb: {  	[tilespmem:$0xD78] =	vst v0  }
0xdc: {  	[tilespmem:$0xD88] =	vst v0  }
0xdd: {  	[tilespmem:$0xD98] =	vst v0  }
0xde: {  	[tilespmem:$0xDA8] =	vst v0  }
0xdf: {  	[tilespmem:$0xDB8] =	vst v0  }
0xe0: {  	[tilespmem:$0xDC8] =	vst v0  }
0xe1: {  	[tilespmem:$0xDD8] =	vst v0  }
0xe2: {  	[tilespmem:$0xDE8] =	vst v0  }
0xe3: {  	[tilespmem:$0xDF8] =	vst v0  }
0xe4: {  	[tilespmem:$0xE08] =	vst v0  }
0xe5: {  	[tilespmem:$0xE18] =	vst v0  }
0xe6: {  	[tilespmem:$0xE28] =	vst v0  }
0xe7: {  	[tilespmem:$0xE38] =	vst v0  }
0xe8: {  	[tilespmem:$0xE48] =	vst v0  }
0xe9: {  	[tilespmem:$0xE58] =	vst v0  }
0xea: {  	[tilespmem:$0xE68] =	vst v0  }
0xeb: {  	[tilespmem:$0xE78] =	vst v0  }
0xec: {  	[tilespmem:$0xE88] =	vst v0  }
0xed: {  	[tilespmem:$0xE98] =	vst v0  }
0xee: {  	[tilespmem:$0xEA8] =	vst v0  }
0xef: {  	[tilespmem:$0xEB8] =	vst v0  }
0xf0: {  	[tilespmem:$0xEC8] =	vst v0  }
0xf1: {  	[tilespmem:$0xED8] =	vst v0  }
0xf2: {  	[tilespmem:$0xEE8] =	vst v0  }
0xf3: {  	[tilespmem:$0xEF8] =	vst v0  }
0xf4: {  	[tilespmem:$0xF08] =	vst v0  }
0xf5: {  	[tilespmem:$0xF18] =	vst v0  }
0xf6: {  	[tilespmem:$0xF28] =	vst v0  }
0xf7: {  	[tilespmem:$0xF38] =	vst v0  }
0xf8: {  	[tilespmem:$0xF48] =	vst v0  }
0xf9: {  	[tilespmem:$0xF58] =	vst v0  }
0xfa: {  	[tilespmem:$0xF68] =	vst v0  }
0xfb: {  	[tilespmem:$0xF78] =	vst v0  }
0xfc: {  	[tilespmem:$0xF88] =	vst v0  }
0xfd: {  	[tilespmem:$0xF98] =	vst v0  }
0xfe: {  	[tilespmem:$0xFA8] =	vst v0  }
0xff: {  	[tilespmem:$0xFB8] =	vst v0  }
0x100: {  	[tilespmem:$0xFC8] =	vst v0  }
0x101: {  	[tilespmem:$0xFD8] =	vst v0  }
0x102: {  	[tilespmem:$0xFE8] =	vst v0  }
0x103: {  	[tilespmem:$0xFF8] =	vst v0  }
0x104: {  	[tilespmem:$0x1008] =	vst v0  }
0x105: {  	[tilespmem:$0x10D8] =	vst v0  }
0x106: {  	[tilespmem:$0x1048] =	vst v0  }
0x107: {  	[tilespmem:$0x1B28] =	vst v0  }
0x108: {  	[tilespmem:$0x1B18] =	vst v0  }
0x109: {  	[tilespmem:$0x1B08] =	vst v0  }
0x10a: {  	[tilespmem:$0x1AF8] =	vst v0  }
0x10b: {  	[tilespmem:$0x1AE8] =	vst v0  }
0x10c: {  	[tilespmem:$0x1AD8] =	vst v0  }
0x10d: {  	[tilespmem:$0x1AC8] =	vst v0  }
0x10e: {  	[tilespmem:$0x1AB8] =	vst v0  }
0x10f: {  	[tilespmem:$0x1AA8] =	vst v0  }
0x110: {  	[tilespmem:$0x1A98] =	vst v0  }
0x111: {  	[tilespmem:$0x1A88] =	vst v0  }
0x112: {  	[tilespmem:$0x1A78] =	vst v0  }
0x113: {  	[tilespmem:$0x1A68] =	vst v0  }
0x114: {  	[tilespmem:$0x1A58] =	vst v0  }
0x115: {  	[tilespmem:$0x1A48] =	vst v0  }
0x116: {  	[tilespmem:$0x1A38] =	vst v0  }
0x117: {  	[tilespmem:$0x1A28] =	vst v0  }
0x118: {  	[tilespmem:$0x1A18] =	vst v0  }
0x119: {  	[tilespmem:$0x1A08] =	vst v0  }
0x11a: {  	[tilespmem:$0x19F8] =	vst v0  }
0x11b: {  	[tilespmem:$0x19E8] =	vst v0  }
0x11c: {  	[tilespmem:$0x19D8] =	vst v0  }
0x11d: {  	[tilespmem:$0x19C8] =	vst v0  }
0x11e: {  	[tilespmem:$0x19B8] =	vst v0  }
0x11f: {  	[tilespmem:$0x19A8] =	vst v0  }
0x120: {  	[tilespmem:$0x1998] =	vst v0  }
0x121: {  	[tilespmem:$0x1988] =	vst v0  }
0x122: {  	[tilespmem:$0x1978] =	vst v0  }
0x123: {  	[tilespmem:$0x1968] =	vst v0  }
0x124: {  	[tilespmem:$0x1958] =	vst v0  }
0x125: {  	[tilespmem:$0x1948] =	vst v0  }
0x126: {  	[tilespmem:$0x1938] =	vst v0  }
0x127: {  	[tilespmem:$0x1928] =	vst v0  }
0x128: {  	[tilespmem:$0x1918] =	vst v0  }
0x129: {  	[tilespmem:$0x1908] =	vst v0  }
0x12a: {  	[tilespmem:$0x18F8] =	vst v0  }
0x12b: {  	[tilespmem:$0x18E8] =	vst v0  }
0x12c: {  	[tilespmem:$0x18D8] =	vst v0  }
0x12d: {  	[tilespmem:$0x18C8] =	vst v0  }
0x12e: {  	[tilespmem:$0x18B8] =	vst v0  }
0x12f: {  	[tilespmem:$0x18A8] =	vst v0  }
0x130: {  	[tilespmem:$0x1898] =	vst v0  }
0x131: {  	[tilespmem:$0x1888] =	vst v0  }
0x132: {  	[tilespmem:$0x1878] =	vst v0  }
0x133: {  	[tilespmem:$0x1868] =	vst v0  }
0x134: {  	[tilespmem:$0x1858] =	vst v0  }
0x135: {  	[tilespmem:$0x1848] =	vst v0  }
0x136: {  	[tilespmem:$0x1838] =	vst v0  }
0x137: {  	[tilespmem:$0x1828] =	vst v0  }
0x138: {  	[tilespmem:$0x1818] =	vst v0  }
0x139: {  	[tilespmem:$0x1808] =	vst v0  }
0x13a: {  	[tilespmem:$0x17F8] =	vst v0  }
0x13b: {  	[tilespmem:$0x17E8] =	vst v0  }
0x13c: {  	[tilespmem:$0x17D8] =	vst v0  }
0x13d: {  	[tilespmem:$0x17C8] =	vst v0  }
0x13e: {  	[tilespmem:$0x17B8] =	vst v0  }
0x13f: {  	[tilespmem:$0x17A8] =	vst v0  }
0x140: {  	[tilespmem:$0x1798] =	vst v0  }
0x141: {  	[tilespmem:$0x1788] =	vst v0  }
0x142: {  	[tilespmem:$0x1778] =	vst v0  }
0x143: {  	[tilespmem:$0x1768] =	vst v0  }
0x144: {  	[tilespmem:$0x1758] =	vst v0  }
0x145: {  	[tilespmem:$0x1748] =	vst v0  }
0x146: {  	[tilespmem:$0x1738] =	vst v0  }
0x147: {  	[tilespmem:$0x1728] =	vst v0  }
0x148: {  	[tilespmem:$0x1718] =	vst v0  }
0x149: {  	[tilespmem:$0x1708] =	vst v0  }
0x14a: {  	[tilespmem:$0x16F8] =	vst v0  }
0x14b: {  	[tilespmem:$0x16E8] =	vst v0  }
0x14c: {  	[tilespmem:$0x16D8] =	vst v0  }
0x14d: {  	[tilespmem:$0x16C8] =	vst v0  }
0x14e: {  	[tilespmem:$0x16B8] =	vst v0  }
0x14f: {  	[tilespmem:$0x16A8] =	vst v0  }
0x150: {  	[tilespmem:$0x1698] =	vst v0  }
0x151: {  	[tilespmem:$0x1688] =	vst v0  }
0x152: {  	[tilespmem:$0x1678] =	vst v0  }
0x153: {  	[tilespmem:$0x1668] =	vst v0  }
0x154: {  	[tilespmem:$0x1658] =	vst v0  }
0x155: {  	[tilespmem:$0x1648] =	vst v0  }
0x156: {  	[tilespmem:$0x1638] =	vst v0  }
0x157: {  	[tilespmem:$0x1628] =	vst v0  }
0x158: {  	[tilespmem:$0x1618] =	vst v0  }
0x159: {  	[tilespmem:$0x1608] =	vst v0  }
0x15a: {  	[tilespmem:$0x15F8] =	vst v0  }
0x15b: {  	[tilespmem:$0x15E8] =	vst v0  }
0x15c: {  	[tilespmem:$0x15D8] =	vst v0  }
0x15d: {  	[tilespmem:$0x15C8] =	vst v0  }
0x15e: {  	[tilespmem:$0x15B8] =	vst v0  }
0x15f: {  	[tilespmem:$0x15A8] =	vst v0  }
0x160: {  	[tilespmem:$0x1598] =	vst v0  }
0x161: {  	[tilespmem:$0x1588] =	vst v0  }
0x162: {  	[tilespmem:$0x1578] =	vst v0  }
0x163: {  	[tilespmem:$0x1568] =	vst v0  }
0x164: {  	[tilespmem:$0x1558] =	vst v0  }
0x165: {  	[tilespmem:$0x1548] =	vst v0  }
0x166: {  	[tilespmem:$0x1538] =	vst v0  }
0x167: {  	[tilespmem:$0x1528] =	vst v0  }
0x168: {  	[tilespmem:$0x1518] =	vst v0  }
0x169: {  	[tilespmem:$0x1508] =	vst v0  }
0x16a: {  	[tilespmem:$0x14F8] =	vst v0  }
0x16b: {  	[tilespmem:$0x14E8] =	vst v0  }
0x16c: {  	[tilespmem:$0x14D8] =	vst v0  }
0x16d: {  	[tilespmem:$0x14C8] =	vst v0  }
0x16e: {  	[tilespmem:$0x14B8] =	vst v0  }
0x16f: {  	[tilespmem:$0x14A8] =	vst v0  }
0x170: {  	[tilespmem:$0x1498] =	vst v0  }
0x171: {  	[tilespmem:$0x1488] =	vst v0  }
0x172: {  	[tilespmem:$0x1478] =	vst v0  }
0x173: {  	[tilespmem:$0x1468] =	vst v0  }
0x174: {  	[tilespmem:$0x1458] =	vst v0  }
0x175: {  	[tilespmem:$0x1448] =	vst v0  }
0x176: {  	[tilespmem:$0x1438] =	vst v0  }
0x177: {  	[tilespmem:$0x1428] =	vst v0  }
0x178: {  	[tilespmem:$0x1418] =	vst v0  }
0x179: {  	[tilespmem:$0x1408] =	vst v0  }
0x17a: {  	[tilespmem:$0x13F8] =	vst v0  }
0x17b: {  	[tilespmem:$0x13E8] =	vst v0  }
0x17c: {  	[tilespmem:$0x13D8] =	vst v0  }
0x17d: {  	[tilespmem:$0x13C8] =	vst v0  }
0x17e: {  	[tilespmem:$0x13B8] =	vst v0  }
0x17f: {  	[tilespmem:$0x13A8] =	vst v0  }
0x180: {  	[tilespmem:$0x1398] =	vst v0  }
0x181: {  	[tilespmem:$0x1388] =	vst v0  }
0x182: {  	[tilespmem:$0x1378] =	vst v0  }
0x183: {  	[tilespmem:$0x1368] =	vst v0  }
0x184: {  	[tilespmem:$0x1358] =	vst v0  }
0x185: {  	[tilespmem:$0x1348] =	vst v0  }
0x186: {  	[tilespmem:$0x1338] =	vst v0  }
0x187: {  	[tilespmem:$0x1328] =	vst v0  }
0x188: {  	[tilespmem:$0x1318] =	vst v0  }
0x189: {  	[tilespmem:$0x1308] =	vst v0  }
0x18a: {  	[tilespmem:$0x12F8] =	vst v0  }
0x18b: {  	[tilespmem:$0x12E8] =	vst v0  }
0x18c: {  	[tilespmem:$0x12D8] =	vst v0  }
0x18d: {  	[tilespmem:$0x12C8] =	vst v0  }
0x18e: {  	[tilespmem:$0x12B8] =	vst v0  }
0x18f: {  	[tilespmem:$0x12A8] =	vst v0  }
0x190: {  	[tilespmem:$0x1298] =	vst v0  }
0x191: {  	[tilespmem:$0x1288] =	vst v0  }
0x192: {  	[tilespmem:$0x1278] =	vst v0  }
0x193: {  	[tilespmem:$0x1268] =	vst v0  }
0x194: {  	[tilespmem:$0x1258] =	vst v0  }
0x195: {  	[tilespmem:$0x1248] =	vst v0  }
0x196: {  	[tilespmem:$0x1238] =	vst v0  }
0x197: {  	[tilespmem:$0x1228] =	vst v0  }
0x198: {  	[tilespmem:$0x1218] =	vst v0  }
0x199: {  	[tilespmem:$0x1208] =	vst v0  }
0x19a: {  	[tilespmem:$0x11F8] =	vst v0  }
0x19b: {  	[tilespmem:$0x11E8] =	vst v0  }
0x19c: {  	[tilespmem:$0x11D8] =	vst v0  }
0x19d: {  	[tilespmem:$0x11C8] =	vst v0  }
0x19e: {  	[tilespmem:$0x11B8] =	vst v0  }
0x19f: {  	[tilespmem:$0x11A8] =	vst v0  }
0x1a0: {  	[tilespmem:$0x1198] =	vst v0  }
0x1a1: {  	[tilespmem:$0x1188] =	vst v0  }
0x1a2: {  	[tilespmem:$0x1178] =	vst v0  }
0x1a3: {  	[tilespmem:$0x1168] =	vst v0  }
0x1a4: {  	[tilespmem:$0x1158] =	vst v0  }
0x1a5: {  	[tilespmem:$0x1148] =	vst v0  }
0x1a6: {  	[tilespmem:$0x1138] =	vst v0  }
0x1a7: {  	[tilespmem:$0x1128] =	vst v0  }
0x1a8: {  	s4 =	stileid.u32;
	[tilespmem:$0x1118] =	vst v0  }
0x1a9: {  	s0 =	smul.u32 $0xB, s4;
	[tilespmem:$0x1108] =	vst v0  }
0x1aa: {  	s2 =	smin.u32 s4, $0xA;
	[tilespmem:$0x10F8] =	vst v0  }
0x1ab: {  	[tilespmem:$0x10E8] =	vst v0;
	s0 =	sadd.s32 s2, s0  }
0x1ac: {  	p0 =	slt.u32 s4, $0xA;
	[tilespmem:$0x10B8] =	vst v0;
	s2 =	simm.s32 $0x1440;
	s6 =	smul.u32 $0x1B0, s0  }
0x1ad: {  	s2 =	simm.s32 @!p0 $0x1290;
	[tilespmem:$0x10C8] =	vst v0  }
0x1ae: {  	[tilespmem:$0x10A8] =	vst v0;
	s0 =	sadd.s32 s2, s6  }
0x1af: {  	s8 =	simm.s32 $0x2;
	[tilespmem:$0x1038] =	vst v0;
	s7 =	smin.u32 s0, $0x13880  }
0x1b0: {  	s28 =	simm.s32 $0x9;
	s11 =	simm.s32 $0xA;
	[tilespmem:$0x1098] =	vst v0;
	s0 =	ssub.s32 s7, s6  }
0x1b1: {  	s29 =	simm.s32 $0xB;
	s16 =	simm.s32 $0x0;
	[tilespmem:$0x1088] =	vst v0;
	p0 =	sgt.s32 s0, $0x0  }
0x1b2: {  	p4 =	por $0x0, $0x0;
	s17 =	simm.s32 $0xC;
	[tilespmem:$0x1078] =	vst v0;
	s0 =	simm.s32 @!p0 $0x0  }
0x1b3: {  	s21 =	simm.s32 $0x0;
	s18 =	simm.s32 $0x0;
	[tilespmem:$0x1068] =	vst v0;
	s25 =	smulhi.u32 $0x4BDA12F7, s0  }
0x1b4: {  	s20 =	simm.s32 $0x0;
	s5 =	sand.u32 $0x1, s3;
	s9 =	sadd.s32 $0x29D200, s12;
	[tilespmem:$0x1058] =	vst v0  }
0x1b5: {  	[dreg:$0x7] =	wrdreg s5;
	s5 =	smul.u32 $0x2710, s5;
	[tilespmem:$0x1028] =	vst v0;
	s2 =	sshrl.u32 s25, $0x7  }
0x1b6: {  	s31 =	sshll.u32 s4, $0x5;
	[tilespmem:$0x1018] =	vst v0;
	[sflag:s8] =	ssyncpa.u1 $0x0;
	v0 =	vimm.s32 $0xFFFFFFFF;
	s26 =	smul.u32 $0x1B0, s2  }
.Ltmp0:
0x1b7: {  	[dreg:$0x6] =	wrdreg s31;
	[tilespmem:$0x3648] =	vst v0;
	[sflag:s28] =	ssyncpa.u1 $0x0;
	(pc) =	sbr.rel .LBB2_1-.Ltmp0, $4  }
0x1b8: {  	[sflag:s11] =	ssyncpa.u1 $0x0;
	s30 =	sadd.s32 s5, s12;
	p0 =	sne.s32 s0, s26  }
0x1b9: {  	s15 =	sadd.s32 s5, s14;
	[sflag:s29] =	ssyncpa.u1 $0x0;
	s13 =	simm.s32 @!p0 $0x0  }
0x1ba: {  	s8 =	sadd.s32 $0x3B200, s30;
	s19 =	smov.u32 s6;
	s12 =	sadd.s32 s13, s2  }
0x1bb: {  	v0 =	vlaneseq.u32;
	[dreg:$0x8] =	wrdreg s6;
	p0 =	por $0x1, $0x1;
	s4 =	sadd.s32 $0x1, s12  }
.LBB2_18:
0x1bc: {  	s0 =	simm.s32 $0x2  }
0x1bd: {  	_ =	swait.ge [sflag:s0], $0x0  }
0x1be: {  	[sflag:s0] =	ssyncset.done $0x0;
	s0 =	simm.s32 $0x0  }
.LBB2_19:
0x1bf: {  	_ =	swait.ge [sflag:s17], s0  }
0x1c0: {  	s31 =	ssub.s32 $0x0, s0;
	v1 =	vmov s23;
	vm0 =	veq.s32 v0, $0x0;
	[sflag:s17] =	ssyncset.done $0x0  }
0x1c1: {  	vm15 =	veq.s32 v0, $0x2;
	v1 =	vsel vm0, s28, v1;
	[sflag:s17] =	ssyncadd.s32 s31  }
0x1c2: {  	v1 =	vsel vm15, s21, v1;
	[sflag:s17] =	ssyncpa.u1 $0x1  }
0x1c3: {  	[tilespmem:$0x3648] =	vst v1  }
.LBB2_20:
0x1c4: {  	s0 =	sadd.s32 $0x1B0, s19  }
0x1c5: {  	s2 =	smov.u32 s6;
	p1 =	slt.s32 s0, s7  }
0x1c6: {  	s2 =	smov.u32 @p1 s0;
	p1 =	sne.s32 s20, s4  }
.Ltmp1:
0x1c7: {  	_ = 	snop;
	(pc) =	sbr.rel @!p1 .LBB2_21-.Ltmp1, $4  }
0x1c8: {  	_ = 	snop  }
0x1c9: {  	s21 =	smov.u32 s18  }
0x1ca: {  	s31 =	sadd.s32 $0x1, s20;
	s18 =	smov.u32 s19;
	p0 =	por !p0, !p0  }
0x1cb: {  	p4 =	por !p4, !p4;
	s20 =	smov.u32 s31;
	s19 =	smov.u32 s2  }
.LBB2_1:
0x1cc: {  	p2 =	sge.u32 s20, s12  }
0x1cd: {  	s0 =	smulhi.u32 @!p2 $0xAAAAAAAB, s20  }
0x1ce: {  	s2 =	smov.u32 s19;
	p3 =	sgt.s32 @!p2 s19, $0x136D0  }
0x1cf: {  	s3 =	sshra.s32 @!p2 s19, $0x1F;
	p3 =	por !p3, p2;
	s0 =	sshrl.u32 @!p2 s0, $0x1  }
0x1d0: {  	s3 =	sand.u32 @!p2 s3, s19;
	s2 =	simm.s32 @p3 $0x136D0;
	s0 =	smul.u32 @!p2 $0x3, s0  }
0x1d1: {  	s2 =	ssub.s32 @!p2 s2, s3  }
0x1d2: {  	s23 =	sadd.s32 $0xFFFFFFFF, s20;
	s2 =	sadd.s32 @!p2 $0xFFFEC930, s2;
	s0 =	ssub.s32 @!p2 s20, s0  }
0x1d3: {  	s3 =	sshll.u32 @!p2 s2, $0x2;
	p3 =	sgt.s32 @!p2 s2, $0x1AF;
	s0 =	smul.u32 @!p2 $0x6C0, s0  }
0x1d4: {  	s5 =	sand.u32 @!p2 $0x7, s19;
	s2 =	ssub.s32 @!p2 $0x6C0, s3;
	p3 =	por !p3, p2  }
0x1d5: {  	s3 =	sshrl.u32 @!p2 s19, $0x3;
	s2 =	sshrl.u32 @!p2 s2, $0x2;
	s0 =	sshrl.u32 @!p2 s0, $0x2  }
0x1d6: {  	s3 =	sadd.s32 @!p2 s3, s8;
	s2 =	simm.s32 @!p3 $0x0;
	s0 =	sadd.s32 @!p2 $0x3888, s0  }
0x1d7: {  	[tilespmem:s0], [sflag:$0xA] =	stream.linear.gather @!p2 [hbm4b:s3+s5], s2, $0x38;
	[tilespmem:$0x1F0F8] =	vst v63  }
0x1d8: {  	p2 =	sge.u32 s23, s12  }
0x1d9: {  	p3 =	sgt.s32 @!p2 s18, $0x136D0  }
0x1da: {  	s0 =	smov.u32 s18;
	s2 =	sshra.s32 @!p2 s18, $0x1F;
	p3 =	por !p3, p2  }
0x1db: {  	s2 =	sand.u32 @!p2 s2, s18;
	s0 =	simm.s32 @p3 $0x136D0  }
0x1dc: {  	s0 =	ssub.s32 @!p2 s0, s2  }
0x1dd: {  	s0 =	sadd.s32 @!p2 $0xFFFEC930, s0  }
0x1de: {  	s2 =	sshll.u32 @!p2 s0, $0x2  }
0x1df: {  	p3 =	sgt.s32 @!p2 s0, $0x1AF;
	s0 =	ssub.s32 @!p2 $0x6C0, s2  }
0x1e0: {  	s22 =	ssub.s32 @!p2 $0x13880, s18;
	p3 =	por !p3, p2;
	s0 =	sshrl.u32 @!p2 s0, $0x2  }
0x1e1: {  	s2 =	sand.u32 @!p2 $0x1, s23;
	s0 =	simm.s32 @!p3 $0x0;
	p3 =	slt.s32 @!p2 s22, $0x1  }
0x1e2: {  	s3 =	simm.s32 @!p2 $0xA;
	s2 =	smul.u32 @!p2 $0x6C0, s2;
	p3 =	por p2, p3  }
.Ltmp2:
0x1e3: {  	_ =	swait.ge @!p2 [sflag:s3], s0;
	(pc) =	sbr.rel @p3 .LBB2_7-.Ltmp2, $4  }
0x1e4: {  	s5 =	ssub.s32 @!p2 $0x0, s0;
	[sflag:s3] =	ssyncset.done @!p2 $0x0  }
0x1e5: {  	s2 =	sshrl.u32 @!p2 s2, $0x2;
	[sflag:s3] =	ssyncadd.s32 @!p2 s5;
	s3 =	sshrl.u32 @!p2 s18, $0x3  }
0x1e6: {  	s2 =	sadd.s32 @!p2 $0x3D98, s2;
	s5 =	sand.u32 @!p2 $0x7, s18;
	s3 =	sadd.s32 @!p2 s3, s15  }
0x1e7: {  	[tilespmem:s2], [sflag:$0xB] =	stream.linear.gather @!p2 [hbm4b:s3+s5], s0, $0x38;
	[tilespmem:$0x1F0F8] =	vst v63  }
0x1e8: {  	s0 =	smulhi.u32 $0xAAAAAAAB, s23;
	_ =	sdelay $0x1  }
0x1e9: {  	s0 =	sshrl.u32 s0, $0x1  }
0x1ea: {  	s0 =	smul.u32 $0x3, s0;
	_ =	sdelay $0x1  }
0x1eb: {  	s0 =	ssub.s32 s23, s0  }
0x1ec: {  	s2 =	simm.s32 $0x1;
	s0 =	smul.u32 $0x6C0, s0  }
.Ltmp3:
0x1ed: {  	s2 =	simm.s32 @!p0 $0x0;
	(pc) =	sbr.rel .LBB2_4-.Ltmp3, $4  }
0x1ee: {  	s2 =	smul.u32 $0x36000, s2  }
0x1ef: {  	p3 =	slt.s32 @!p2 s22, $0x1B0;
	s0 =	sshrl.u32 s0, $0x2  }
0x1f0: {  	p2 =	por !p3, p2;
	s2 =	sshrl.u32 s2, $0x2;
	s0 =	sadd.s32 $0x3888, s0  }
0x1f1: {  	s24 =	simm.s32 $0x0;
	s22 =	simm.s32 @p2 $0x1B0;
	s23 =	sadd.s32 $0x40F8, s2;
	v1 =	vmov s0  }
.LBB2_3:
0x1f2: {  	p2 =	sge.s32 s24, s22  }
.Ltmp4:
0x1f3: {  	_ = 	snop;
	(pc) =	sbr.rel @p2 .LBB2_7-.Ltmp4, $2  }
0x1f4: {  	_ =	sdelay $0x2  }
0x1f5: {  	s23 =	sadd.s32 $0x800, s23  }
.LBB2_4:
0x1f6: {  	p2 =	sle.s32 s22, s24  }
.Ltmp5:
0x1f7: {  	_ = 	snop;
	(pc) =	sbr.rel @p2 .LBB2_3-.Ltmp5, $2  }
0x1f8: {  	_ =	sdelay $0x2  }
0x1f9: {  	s0 =	smov.u32 s24;
	s24 =	sadd.s32 $0x10, s24  }
0x1fa: {  	s2 =	ssub.s32 s22, s0  }
0x1fb: {  	p2 =	slt.s32 s2, $0x10  }
0x1fc: {  	s2 =	simm.s32 @!p2 $0x10  }
0x1fd: {  	v2 =	vmov s2  }
0x1fe: {  	vm0 =	vgt.s32 v2, v0;
	_ =	sdelay $0x5  }
0x1ff: {  	v2 =	vld.idx.msk [tilespmem:v1+s0+$0x0 ss:$0x1], vm0;
	_ =	sdelay $0x2  }
0x200: {  	p2 =	slt.s32 s24, s22;
	s2 =	smov.u32 s22  }
0x201: {  	s3 =	smov.u32 s23;
	s25 =	simm.s32 $0x0;
	s2 =	smov.u32 @p2 s24  }
.LBB2_6:
0x202: {  	(v2sf) =	vpush v2, s25;
	_ =	sdelay $0xc  }
0x203: {  	s25 =	sadd.s32 $0x1, s25  }
0x204: {  	s31 =	sadd.s32 s25, s0  }
0x205: {  	p2 =	slt.s32 s31, s2;
	s5 =	spop (v2sf)  }
.Ltmp6:
0x206: {  	s5 =	sshll.u32 s5, $0x4;
	(pc) =	sbr.rel @p2 .LBB2_6-.Ltmp6, $4  }
0x207: {  	s5 =	sand.u32 $0x1FFFFFF0, s5  }
0x208: {  	s5 =	sadd.s32 s9, s5  }
0x209: {  	[tilespmem:s3], [sflag:$0x9] =	stream.linear.gather [hbm4b:s5+s16], $0x3, $0x38;
	[tilespmem:$0x1F0F8] =	vst v63  }
0x20a: {  	s3 =	sadd.s32 $0x80, s3  }
.Ltmp7:
0x20b: {  	_ = 	snop;
	(pc) =	sbr.rel .LBB2_3-.Ltmp7, $1  }
0x20c: {  	_ =	sdelay $0x3  }
.LBB2_7:
0x20d: {  	p2 =	slt.u32 s20, $0x2  }
.Ltmp8:
0x20e: {  	_ = 	snop;
	(pc) =	sbr.rel @p2 .LBB2_20-.Ltmp8, $1  }
0x20f: {  	_ =	sdelay $0x3  }
0x210: {  	s0 =	ssub.s32 $0x13880, s21;
	p2 =	sgt.s32 s21, $0x136D0  }
0x211: {  	s2 =	smov.u32 s21;
	s3 =	sshra.s32 s21, $0x1F;
	p3 =	slt.s32 s0, $0x1B0  }
0x212: {  	s2 =	simm.s32 @!p2 $0x136D0;
	s3 =	sand.u32 s3, s21;
	s0 =	simm.s32 @!p3 $0x1B0  }
0x213: {  	s2 =	ssub.s32 s2, s3;
	s0 =	smul.u32 $0xC, s0  }
0x214: {  	s2 =	sadd.s32 $0xFFFEC930, s2  }
0x215: {  	s26 =	simm.s32 $0x9;
	s24 =	sshll.u32 s2, $0x2;
	s0 =	sshrl.u32 s0, $0x2  }
0x216: {  	p2 =	sgt.s32 s2, $0x1AF;
	s25 =	ssub.s32 $0x6C0, s24;
	_ =	swait.ge [sflag:s26], s0  }
0x217: {  	s0 =	ssub.s32 $0x0, s0;
	s2 =	sshrl.u32 s25, $0x2;
	[sflag:s26] =	ssyncset.done $0x0  }
0x218: {  	s28 =	simm.s32 $0xB;
	s2 =	simm.s32 @p2 $0x0;
	[sflag:s26] =	ssyncadd.s32 s0  }
0x219: {  	_ =	swait.ge [sflag:s28], s2  }
0x21a: {  	s30 =	ssub.s32 $0x0, s2;
	[sflag:s28] =	ssyncset.done $0x0  }
0x21b: {  	[sflag:s28] =	ssyncadd.s32 s30  }
0x21c: {  	v1 =	vld [tilespmem:$0x3648];
	_ =	sdelay $0x4  }
0x21d: {  	(v2sf) =	vpush v1, $0x0  }
0x21e: {  	(v2sf) =	vpush v1, $0x1  }
0x21f: {  	(v2sf) =	vpush v1, $0x2;
	_ =	sdelay $0x3  }
0x220: {  	s0 =	sadd.s32 $0x1B0, s21  }
0x221: {  	p2 =	slt.s32 s7, s0;
	s2 =	ssub.s32 $0x27100, s21  }
0x222: {  	s0 =	smov.u32 @p2 s7;
	p2 =	sgt.s32 s2, $0x0  }
0x223: {  	s25 =	ssub.s32 s0, s21;
	s2 =	simm.s32 @!p2 $0x0  }
0x224: {  	p2 =	slt.s32 s2, s25  }
0x225: {  	s25 =	smov.u32 @p2 s2  }
0x226: {  	s24 =	simm.s32 $0x1;
	p2 =	slt.s32 s25, $0x1  }
.Ltmp9:
0x227: {  	s24 =	simm.s32 @!p4 $0x0;
	(pc) =	sbr.rel @p2 .LBB2_12-.Ltmp9, $4  }
0x228: {  	s31 =	smul.u32 $0x6C0, s24  }
0x229: {  	s26 =	spop (v2sf)  }
0x22a: {  	s0 =	sshrl.u32 s31, $0x2;
	s29 =	spop (v2sf)  }
0x22b: {  	s22 =	sadd.s32 $0x3D98, s0;
	s21 =	spop (v2sf)  }
0x22c: {  	s0 =	smin.u32 s25, $0x10  }
0x22d: {  	v1 =	vmov s0  }
0x22e: {  	p3 =	sgt.s32 s25, $0x10;
	vm1 =	vgt.u32 v1, v0  }
.Ltmp10:
0x22f: {  	_ = 	snop;
	(pc) =	sbr.rel @!p3 .LBB2_11-.Ltmp10, $2  }
0x230: {  	_ =	sdelay $0x2  }
0x231: {  	s23 =	simm.s32 $0x10;
	s28 =	sadd.s32 $0xFFFFFFF0, s25;
	s0 =	smov.u32 s22;
	vm0 =	vmmov vm1  }
.LBB2_10:
0x232: {  	s2 =	smin.u32 s28, $0x10;
	s23 =	sadd.s32 $0x10, s23;
	v1 =	vld.msk [tilespmem:s0+$0x0 ss:$0x1], vm1  }
0x233: {  	v2 =	vmov s2;
	p3 =	slt.s32 s23, s25  }
0x234: {  	vm1 =	vgt.u32 v2, v0  }
.Ltmp11:
0x235: {  	(pc) =	sbr.rel @p3 .LBB2_10-.Ltmp11, $3  }
0x236: {  	_ =	sdelay $0x1  }
0x237: {  	v1 =	vshll.u32 v1, $0x4  }
0x238: {  	s28 =	sadd.s32 $0xFFFFFFF0, s28;
	[tilespmem:s0+$0x0] =	vst.msk vm0, v1;
	s0 =	sadd.s32 $0x10, s0;
	vm0 =	vmmov vm1  }
.LBB2_11:
0x239: {  	_ =	sdelay $0x4  }
0x23a: {  	v1 =	vld.msk [tilespmem:s0+$0x0 ss:$0x1], vm1;
	_ =	sdelay $0x4  }
0x23b: {  	v1 =	vshll.u32 v1, $0x4  }
0x23c: {  	[tilespmem:s0+$0x0] =	vst.msk vm0, v1  }
.LBB2_12:
0x23d: {  	s0 =	sand.u32 $0x1, s20  }
0x23e: {  	s0 =	smul.u32 $0x1B0, s0  }
0x23f: {  	p3 =	sne.s32 s29, $0xFFFFFFFF  }
0x240: {  	v1 =	vld.msk @!p3 [tilespmem:s0+$0x3D98], $0x1;
	_ =	sdelay $0x4  }
0x241: {  	(v2sf) =	vpush @!p3 v1, $0x0;
	_ =	sdelay $0xc  }
.Ltmp12:
0x242: {  	_ = 	snop;
	(pc) =	sbr.rel @p2 .LBB2_18-.Ltmp12, $4  }
0x243: {  	_ = 	snop  }
0x244: {  	s28 =	spop @!p3 (v2sf)  }
0x245: {  	s21 =	simm.s32 @!p3 $0x0;
	s23 =	smov.u32 s28  }
0x246: {  	[sflag:s17] =	ssyncpa.u1 $0x0;
	s28 =	smov.u32 @p3 s26;
	s23 =	smov.u32 @p3 s29  }
0x247: {  	v1 =	vld.msk [tilespmem:s22+$0x0], $0x1;
	_ =	sdelay $0x4  }
0x248: {  	(v2sf) =	vpush v1, $0x0;
	_ =	sdelay $0xe  }
0x249: {  	s0 =	simm.s32 @!p4 $0x0;
	s26 =	smul.u32 $0x36000, s24;
	s31 =	spop (v2sf)  }
0x24a: {  	s29 =	ssub.s32 $0x0, s25;
	s0 =	simm.s32 @p4 $0x1;
	p2 =	seq.s32 s28, s31  }
0x24b: {  	s2 =	smov.u32 s28;
	[smem:$0x7FD] =	sst s0;
	p3 =	sgt.s32 @!p2 s28, $0x0  }
0x24c: {  	s0 =	sshrl.u32 s26, $0x2;
	s26 =	sadd.s32 $0x1, s29;
	p3 =	por !p3, p2  }
0x24d: {  	s2 =	simm.s32 @p3 $0x0;
	p3 =	seq.s32 s26, $0x0  }
.Ltmp13:
0x24e: {  	_ = 	snop;
	(pc) =	sbr.rel @p3 .LBB2_15-.Ltmp13, $4  }
0x24f: {  	s6 =	smov.u32 s4;
	s14 =	smov.u32 s8;
	s25 =	simm.s32 $0x0  }
0x250: {  	s24 =	sadd.s32 $0x40F8, s0;
	s0 =	simm.s32 @!p2 $0x1;
	s3 =	smin.u32 @!p2 s2, $0x270FF  }
0x251: {  	s30 =	sadd.s32 $0x1, s22;
	s0 =	smov.u32 @p2 s25;
	s5 =	sand.u32 @!p2 $0x3FFF8, s3  }
0x252: {  	s2 =	simm.s32 @!p2 $0x1B38;
	s3 =	sand.u32 @!p2 $0x7, s3;
	s5 =	sadd.s32 @!p2 s1, s5  }
.LBB2_14:
0x253: {  	s4 =	smov.u32 s0  }
0x254: {  	[tilespmem:s2], [sflag:$0x2] =	stream.linear.gather @!p2 [hbm4b:s5+s3], $0x3, $0x38;
	[tilespmem:$0x1F0F8] =	vst v63  }
0x255: {  	s26 =	sadd.s32 $0x1, s26;
	s3 =	smov.u32 s31;
	v1 =	vld.msk [tilespmem:s30+$0x0], $0x1  }
0x256: {  	p3 =	seq.s32 s26, $0x0;
	_ =	sdelay $0x3  }
0x257: {  	(v2sf) =	vpush v1, $0x0;
	_ =	sdelay $0xe  }
0x258: {  	s31 =	spop (v2sf)  }
0x259: {  	p2 =	seq.s32 s3, s31  }
0x25a: {  	p4 =	sgt.s32 @!p2 s3, $0x0;
	s2 =	sshll.u32 @!p2 s0, $0x6;
	s0 =	sadd.s32 @!p2 $0x1, s0  }
.Ltmp14:
0x25b: {  	p4 =	por !p4, p2;
	s2 =	sshra.s32 @!p2 s2, $0x2;
	(pc) =	sbr.rel @!p3 .LBB2_14-.Ltmp14, $4  }
0x25c: {  	s0 =	smov.u32 @p2 s4;
	s3 =	simm.s32 @p4 $0x0;
	s2 =	sadd.s32 @!p2 $0x1B38, s2  }
0x25d: {  	s3 =	smin.u32 @!p2 s3, $0x270FF  }
0x25e: {  	s4 =	sand.u32 @!p2 $0x3FFF8, s3;
	s3 =	sand.u32 @!p2 $0x7, s3  }
0x25f: {  	s30 =	sadd.s32 $0x1, s30;
	s5 =	sadd.s32 @!p2 s1, s4  }
.LBB2_15:
0x260: {  	s0 =	smul.u32 $0xC, s0  }
0x261: {  	[tilespmem:s2], [sflag:$0x2] =	stream.linear.gather @!p2 [hbm4b:s5+s3], $0x3, $0x38;
	[tilespmem:$0x1F0F8] =	vst v63  }
0x262: {  	s31 =	simm.s32 $0x2;
	s0 =	sshrl.u32 s0, $0x2  }
0x263: {  	_ =	swait.ge [sflag:s31], s0  }
0x264: {  	s0 =	ssub.s32 $0x0, s0;
	[sflag:s31] =	ssyncset.done $0x0  }
0x265: {  	[sflag:s31] =	ssyncadd.s32 s0  }
0x266: {  	v1 =	vld.msk [tilespmem:s22+$0x0], $0x1;
	_ =	sdelay $0x4  }
0x267: {  	(v2sf) =	vpush v1, $0x0;
	_ =	sdelay $0xe  }
0x268: {  	s26 =	spop (v2sf)  }
0x269: {  	p2 =	sne.s32 s28, s26  }
0x26a: {  	p4 =	sne.s32 @p2 s28, s23  }
0x26b: {  	p3 =	por !p4, !p2  }
0x26c: {  	s0 =	simm.s32 @!p3 $0x0  }
0x26d: {  	v1 =	vld.msk @!p3 [tilespmem:s0+$0x1B38], $0x7  }
0x26e: {  	p5 =	sgt.u32 @!p3 s28, $0x270FF  }
0x26f: {  	s2 =	sshll.u32 @!p3 s21, $0x6;
	p6 =	por @p2 p5, !p4  }
0x270: {  	s2 =	sshra.s32 @!p3 s2, $0x2;
	p1 =	por p6, !p2;
	p6 =	por p4, !p2  }
0x271: {  	s3 =	sadd.s32 @!p3 $0x28, s2;
	s4 =	sand.u32 @!p1 $0x3FFF8, s28;
	s5 =	sshll.u32 @!p6 s21, $0x6  }
0x272: {  	s28 =	sand.u32 @!p1 $0x7, s28;
	[tilespmem:s2+$0x28] =	vst.add.f32.msk @!p3 $0x7, v1;
	s2 =	sadd.s32 @!p1 s1, s4;
	s4 =	sshra.s32 @!p6 s5, $0x2  }
0x273: {  	[hbm4b:s2+s28] =	stream.linear.scatter @!p1 [tilespmem:s3], [sflag:$0xC], $0x3, $0x38;
	[tilespmem:$0x1F0F8] =	vst v63  }
0x274: {  	s0 =	rddreg [dreg:$0x6];
	s2 =	sadd.s32 @!p6 $0x28, s4;
	s3 =	simm.s32 @!p6 $0x1  }
0x275: {  	[spmem:s0] =	stream.linear.scatter @!p6 [tilespmem:s2], [sflag:$0x1], $0x3, $0x38;
	[tilespmem:$0x1F0F8] =	vst v63  }
0x276: {  	s0 =	sadd.s32 @p2 $0x1, s21;
	_ =	swait.ge @!p6 [sflag:s3], $0x3  }
0x277: {  	s2 =	sshrl.u32 @p2 s0, $0x4;
	[sflag:s3] =	ssyncset.done @!p6 $0x0  }
0x278: {  	s2 =	smulhi.u32 @p2 $0x97B425F, s2;
	[sflag:s3] =	ssyncadd.s32 @!p6 $0xFFFFFFFD  }
0x279: {  	s28 =	sadd.s32 $0x1, s29;
	v1 =	vld.msk @p2 [tilespmem:s24+$0x0], $0x7  }
0x27a: {  	p1 =	por @p2 !p5, !p4;
	p4 =	seq.s32 s28, $0x0;
	s2 =	smul.u32 @p2 $0x1B0, s2  }
.Ltmp15:
0x27b: {  	p1 =	por !p1, !p2;
	s3 =	simm.s32 @!p3 $0x0;
	(pc) =	sbr.rel @p4 .LBB2_17-.Ltmp15, $4  }
0x27c: {  	s4 =	sshll.u32 @!p2 s21, $0x6;
	s3 =	simm.s32 @!p1 $0xC;
	s0 =	ssub.s32 @p2 s0, s2  }
0x27d: {  	s29 =	simm.s32 $0x0;
	s3 =	sadd.s32 @!p3 $0x0, s3;
	s5 =	sshll.u32 @p2 s0, $0x4  }
0x27e: {  	s30 =	sshra.s32 @!p2 s4, $0x2;
	s2 =	simm.s32 @p2 $0x1;
	s3 =	smov.u32 @p3 s25;
	[tilespmem:s5+$0x28] =	vst.msk @p2 $0x7, v1  }
0x27f: {  	s21 =	smov.u32 @p2 s0;
	s29 =	smov.u32 @p2 s3;
	s25 =	smov.u32 @p2 s2;
	v1 =	vld.msk @!p2 [tilespmem:s24+$0x0], $0x7  }
.LBB2_16:
0x280: {  	_ =	sdelay $0x3  }
0x281: {  	s22 =	sadd.s32 $0x1, s22;
	[tilespmem:s30+$0x28] =	vst.add.f32.msk @!p2 $0x7, v1  }
0x282: {  	v1 =	vld.msk [tilespmem:s22+$0x0], $0x1;
	_ =	sdelay $0x4  }
0x283: {  	(v2sf) =	vpush v1, $0x0;
	_ =	sdelay $0xe  }
0x284: {  	s0 =	smov.u32 s26;
	s26 =	spop (v2sf)  }
0x285: {  	p2 =	sne.s32 s0, s26  }
0x286: {  	p5 =	sne.s32 @p2 s0, s23  }
0x287: {  	s4 =	sshll.u32 @!p2 s21, $0x6;
	p4 =	por !p5, !p2  }
0x288: {  	s30 =	sshra.s32 @!p2 s4, $0x2;
	s4 =	sshll.u32 @!p4 s25, $0x6  }
0x289: {  	s4 =	sshra.s32 @!p4 s4, $0x2  }
0x28a: {  	p1 =	sgt.u32 @!p4 s0, $0x270FF;
	v1 =	vld.msk @!p4 [tilespmem:s4+$0x1B38], $0x7  }
0x28b: {  	s31 =	sshll.u32 @!p4 s21, $0x6;
	p6 =	por @p2 p1, !p5;
	p1 =	por @p2 !p1, !p5  }
0x28c: {  	s8 =	simm.s32 @!p4 $0x0;
	s31 =	sshra.s32 @!p4 s31, $0x2;
	p1 =	por !p1, !p2  }
0x28d: {  	p5 =	por p5, !p2;
	s8 =	simm.s32 @!p1 $0xC;
	p1 =	por p6, !p2  }
0x28e: {  	s4 =	sadd.s32 @!p4 $0x28, s31;
	s13 =	sshll.u32 @!p5 s21, $0x6;
	s11 =	sand.u32 @!p1 $0x3FFF8, s0  }
0x28f: {  	s13 =	sshra.s32 @!p5 s13, $0x2;
	s0 =	sand.u32 @!p1 $0x7, s0;
	s11 =	sadd.s32 @!p1 s1, s11;
	[tilespmem:s31+$0x28] =	vst.add.f32.msk @!p4 $0x7, v1  }
0x290: {  	[hbm4b:s11+s0] =	stream.linear.scatter @!p1 [tilespmem:s4], [sflag:$0xC], $0x3, $0x38;
	[tilespmem:$0x1F0F8] =	vst v63  }
0x291: {  	s2 =	rddreg [dreg:$0x6];
	s0 =	sadd.s32 @!p5 $0x28, s13;
	s4 =	simm.s32 @!p5 $0x1  }
0x292: {  	[spmem:s2] =	stream.linear.scatter @!p5 [tilespmem:s0], [sflag:$0x1], $0x3, $0x38;
	[tilespmem:$0x1F0F8] =	vst v63  }
0x293: {  	s3 =	sadd.s32 @p2 $0x1, s21;
	_ =	swait.ge @!p5 [sflag:s4], $0x3  }
0x294: {  	s5 =	sshrl.u32 @p2 s3, $0x4;
	[sflag:s4] =	ssyncset.done @!p5 $0x0  }
0x295: {  	s24 =	sadd.s32 $0x80, s24;
	s5 =	smulhi.u32 @p2 $0x97B425F, s5;
	[sflag:s4] =	ssyncadd.s32 @!p5 $0xFFFFFFFD  }
0x296: {  	s28 =	sadd.s32 $0x1, s28;
	v1 =	vld.msk @p2 [tilespmem:s24+$0x0], $0x7  }
0x297: {  	p3 =	seq.s32 s28, $0x0;
	s5 =	smul.u32 @p2 $0x1B0, s5  }
.Ltmp16:
0x298: {  	_ = 	snop;
	(pc) =	sbr.rel @!p3 .LBB2_16-.Ltmp16, $4  }
0x299: {  	s3 =	ssub.s32 @p2 s3, s5  }
0x29a: {  	s8 =	sadd.s32 @!p4 s8, s29;
	s5 =	sshll.u32 @p2 s3, $0x4  }
0x29b: {  	s10 =	sadd.s32 @p2 $0x1, s25;
	s8 =	smov.u32 @p4 s29;
	[tilespmem:s5+$0x28] =	vst.msk @p2 $0x7, v1  }
0x29c: {  	s25 =	smov.u32 @p2 s10;
	s21 =	smov.u32 @p2 s3;
	s29 =	smov.u32 @p2 s8;
	v1 =	vld.msk @!p2 [tilespmem:s24+$0x0], $0x7  }
.LBB2_17:
.Ltmp17:
0x29d: {  	_ = 	snop;
	(pc) =	sbr.rel .LBB2_19-.Ltmp17, $3  }
0x29e: {  	s2 =	sld [smem:$0x7FD];
	_ =	sdelay $0x1  }
0x29f: {  	s0 =	sshrl.u32 s29, $0x2;
	s28 =	smov.u32 s26;
	s8 =	smov.u32 s14  }
0x2a0: {  	s4 =	smov.u32 s6;
	s6 =	rddreg [dreg:$0x8];
	p4 =	seq.s32 s2, $0x1;
	[tilespmem:s30+$0x28] =	vst.add.f32.msk @!p2 $0x7, v1  }
.LBB2_21:
0x2a1: {  	_ =	sfence.sel $0x180000  }
0x2a2: {  	s0 =	simm.s32 $0x9;
	[bflag:$0x0] =	sbarrier.arrive $0xFFFF  }
0x2a3: {  	s24 =	simm.s32 $0xA;
	[sflag:s0] =	ssyncpa.u1 $0x1  }
0x2a4: {  	s25 =	simm.s32 $0xB;
	[sflag:s24] =	ssyncpa.u1 $0x1  }
0x2a5: {  	s26 =	simm.s32 $0x2;
	[sflag:s25] =	ssyncpa.u1 $0x1  }
0x2a6: {  	[sflag:s26] =	ssyncpa.u1 $0x1  }
0x2a7: {  	v0 =	vld [tilespmem:$0x3648];
	_ =	sdelay $0x4  }
0x2a8: {  	(v2sf) =	vpush v0, $0x0  }
0x2a9: {  	(v2sf) =	vpush v0, $0x1;
	_ =	sdelay $0x1  }
0x2aa: {  	(v2sf) =	vpush v0, $0x2;
	_ =	sdelay $0xb  }
0x2ab: {  	s0 =	spop (v2sf)  }
0x2ac: {  	s2 =	spop (v2sf)  }
0x2ad: {  	s3 =	smov.u32 s0;
	p0 =	sne.s32 s0, s2  }
0x2ae: {  	s4 =	spop (v2sf);
	s3 =	simm.s32 @!p0 $0xFFFFFFFF  }
0x2af: {  	v2 =	vimm.s32 $0x1;
	v3 =	vlaneseq.u32;
	p0 =	seq.s32 s4, $0xFFFFFFFF;
	v1 =	vmov s3  }
0x2b0: {  	s16 =	stileid.u32;
	v0 =	vperm.xlane v0, v2;
	p1 =	sne.s32 @!p0 s0, s2;
	v1 =	vperm.xlane v1, v3  }
0x2b1: {  	vm0 =	vcmask $0x3F04;
	s6 =	simm.s32 $0x3648;
	s0 =	simm.s32 @!p0 $0x1;
	p1 =	por !p1, p0  }
0x2b2: {  	s3 =	sshll.u32 s16, $0x1;
	s2 =	sshll.u32 @!p0 s4, $0x6;
	s0 =	simm.s32 @p1 $0x0;
	v0 =	vsel vm0, v1, v0  }
0x2b3: {  	s5 =	sor.u32 $0x200, s3;
	s2 =	sshra.s32 @!p0 s2, $0x2;
	s0 =	sor.u32 @!p0 s0, s3;
	[tilespmem:$0x3648] =	vst v0  }
0x2b4: {  	[spmem:s5] =	stream.linear.scatter [tilespmem:s6], [sflag:$0x1], $0x2, $0x38;
	[tilespmem:$0x1F0F8] =	vst v63  }
0x2b5: {  	s2 =	sadd.s32 @!p0 $0x28, s2;
	s0 =	sshll.u32 @!p0 s0, $0x4  }
0x2b6: {  	[spmem:s0] =	stream.linear.scatter @!p0 [tilespmem:s2], [sflag:$0x1], $0x10, $0x38;
	[tilespmem:$0x1F0F8] =	vst v63  }
0x2b7: {  	s0 =	simm.s32 @!p0 $0x12  }
0x2b8: {  	s28 =	simm.s32 $0x1;
	s0 =	simm.s32 @p0 $0x2  }
0x2b9: {  	_ =	swait.ge [sflag:s28], s0  }
0x2ba: {  	s0 =	ssub.s32 $0x0, s0;
	[sflag:s28] =	ssyncset.done $0x0  }
0x2bb: {  	p0 =	sne.s32 s16, $0x0;
	[sflag:s28] =	ssyncadd.s32 s0  }
.Ltmp18:
0x2bc: {  	_ =	sfence.stream.spmem;
	(pc) =	sbr.rel @p0 .LBB2_38-.Ltmp18, $4  }
0x2bd: {  	s29 =	simm.s32 $0x3;
	[bflag:$0x0] =	sbarrier.arrive $0xFFFF  }
0x2be: {  	s30 =	simm.s32 $0x4;
	[sflag:s29] =	ssyncpa.u1 $0x1  }
0x2bf: {  	s31 =	simm.s32 $0x3C;
	[sflag:s30] =	ssyncpa.u1 $0x1  }
0x2c0: {  	s17 =	rddreg [dreg:$0x7];
	[sflag:s31] =	ssyncpa.u1 $0x1  }
0x2c1: {  	_ =	sfence.stream.spmem;
	s0 =	simm.s32 $0x5  }
0x2c2: {  	s2 =	simm.s32 $0x200;
	s3 =	simm.s32 $0x3658;
	[sflag:s0] =	ssyncpa.u1 $0x0  }
0x2c3: {  	[tilespmem:s3], [sflag:$0x5] =	stream.linear.gather [spmem:s2], $0x20, $0x38;
	[tilespmem:$0x1F0F8] =	vst v63  }
0x2c4: {  	s26 =	simm.s32 $0x0;
	s28 =	simm.s32 $0x3678  }
0x2c5: {  	[tilespmem:s28], [sflag:$0x5] =	stream.linear.gather [spmem:s26], $0x200, $0x38;
	[tilespmem:$0x1F0F8] =	vst v63  }
0x2c6: {  	_ =	swait.ge [sflag:s0], $0x220  }
0x2c7: {  	[sflag:s0] =	ssyncset.done $0x0  }
0x2c8: {  	s29 =	simm.s32 $0x0;
	[sflag:s0] =	ssyncadd.s32 $0xFFFFFDE0  }
0x2c9: {  	v0 =	vld.msk [tilespmem:s29+$0x3658], $0x1;
	_ =	sdelay $0x1  }
0x2ca: {  	s30 =	simm.s32 $0x1  }
0x2cb: {  	v1 =	vld.msk [tilespmem:s30+$0x3658], $0x1;
	_ =	sdelay $0x1  }
0x2cc: {  	(v2sf) =	vpush v0, $0x0;
	_ =	sdelay $0x2  }
0x2cd: {  	(v2sf) =	vpush v1, $0x0;
	_ =	sdelay $0x2  }
0x2ce: {  	s31 =	simm.s32 $0x2  }
0x2cf: {  	v0 =	vld.msk [tilespmem:s31+$0x3658], $0x1;
	_ =	sdelay $0x2  }
0x2d0: {  	s6 =	simm.s32 $0xFFFFFFFF;
	s2 =	simm.s32 $0xFFFFFFFF;
	s0 =	simm.s32 $0xC  }
.LBB2_23:
0x2d1: {  	s3 =	smov.u32 s6;
	s4 =	smov.u32 s2  }
0x2d2: {  	s2 =	sshra.s32 s0, $0x2;
	p1 =	sne.s32 s0, $0x7C;
	s0 =	sadd.s32 $0x4, s0;
	(v2sf) =	vpush v0, $0x0  }
0x2d3: {  	v0 =	vld.msk [tilespmem:s2+$0x3658], $0x1  }
.Ltmp19:
0x2d4: {  	(pc) =	sbr.rel @p1 .LBB2_23-.Ltmp19, $4  }
0x2d5: {  	s6 =	spop (v2sf)  }
0x2d6: {  	p2 =	sne.s32 s4, $0xFFFFFFFF;
	s2 =	smov.u32 s6  }
0x2d7: {  	p3 =	seq.s32 s6, $0xFFFFFFFF;
	s2 =	smov.u32 @p2 s4  }
0x2d8: {  	s6 =	smov.u32 @p3 s3;
	s2 =	smov.u32 @p3 s4  }
0x2d9: {  	(v2sf) =	vpush v0, $0x0;
	_ =	sdelay $0x8  }
0x2da: {  	s0 =	spop (v2sf)  }
0x2db: {  	p1 =	sne.s32 s2, $0xFFFFFFFF;
	s3 =	smov.u32 s0  }
0x2dc: {  	s9 =	simm.s32 $0x6;
	p2 =	seq.s32 s0, $0xFFFFFFFF;
	s3 =	smov.u32 @p1 s2  }
0x2dd: {  	s10 =	simm.s32 $0x3638;
	s3 =	smov.u32 @p2 s2;
	s2 =	spop (v2sf)  }
0x2de: {  	s0 =	smov.u32 @p2 s6;
	p1 =	sne.s32 s3, $0xFFFFFFFF;
	s4 =	smov.u32 s2  }
.Ltmp20:
0x2df: {  	p2 =	seq.s32 s2, $0xFFFFFFFF;
	s4 =	smov.u32 @p1 s3;
	(pc) =	sbr.rel .LBB2_25-.Ltmp20, $4  }
0x2e0: {  	s11 =	simm.s32 $0x0;
	s4 =	smov.u32 @p2 s3;
	s7 =	spop (v2sf)  }
0x2e1: {  	[sflag:s9] =	ssyncpa.u1 $0x0;
	p1 =	sne.s32 s4, $0xFFFFFFFF;
	s8 =	smov.u32 s7  }
0x2e2: {  	s2 =	smov.u32 @p2 s0;
	p2 =	seq.s32 s7, $0xFFFFFFFF;
	s8 =	smov.u32 @p1 s4  }
0x2e3: {  	s6 =	simm.s32 $0x0;
	s7 =	smov.u32 @p2 s2;
	s8 =	smov.u32 @p2 s4  }
.LBB2_30:
0x2e4: {  	p1 =	sgt.u32 s12, $0x270FF  }
0x2e5: {  	p2 =	seq.s32 @!p1 s12, s8  }
0x2e6: {  	p1 =	por p1, p2  }
0x2e7: {  	p2 =	sne.s32 @!p1 s12, s7  }
0x2e8: {  	p1 =	por p1, !p2  }
0x2e9: {  	s0 =	sshll.u32 @p1 s11, $0x6  }
0x2ea: {  	s0 =	sand.u32 @!p1 $0x3FFF8, s12  }
0x2eb: {  	s2 =	sand.u32 @!p1 $0x7, s12;
	s0 =	sadd.s32 @!p1 s1, s0  }
0x2ec: {  	[tilespmem:s10], [sflag:$0x6] =	stream.linear.gather @!p1 [hbm4b:s0+s2], $0x3, $0x38;
	[tilespmem:$0x1F0F8] =	vst v63  }
0x2ed: {  	_ =	swait.ge @!p1 [sflag:s9], $0x3  }
0x2ee: {  	[sflag:s9] =	ssyncset.done @!p1 $0x0  }
0x2ef: {  	[sflag:s9] =	ssyncadd.s32 @!p1 $0xFFFFFFFD  }
0x2f0: {  	v1 =	vld @!p1 [tilespmem:$0x3638];
	_ =	sdelay $0x2  }
0x2f1: {  	s0 =	sshll.u32 @!p1 s11, $0x6  }
0x2f2: {  	s2 =	sshrl.u32 @!p1 s0, $0x2  }
0x2f3: {  	[tilespmem:s2+$0x3678] =	vst.add.f32.msk @!p1 $0xffff, v1  }
0x2f4: {  	s0 =	sshrl.u32 s0, $0x2;
	[tilespmem:s6+$0x3658] =	vst.msk $0x1, v0  }
0x2f5: {  	v0 =	vld [tilespmem:s0+$0x3678];
	_ =	sdelay $0x2  }
0x2f6: {  	s31 =	sshll.u32 s6, $0x6  }
0x2f7: {  	s0 =	sshra.s32 s31, $0x2  }
0x2f8: {  	s6 =	sadd.s32 $0x1, s6;
	[tilespmem:s0+$0x3678] =	vst v0  }
.LBB2_32:
0x2f9: {  	s11 =	sadd.s32 $0x1, s11  }
0x2fa: {  	p1 =	sne.s32 s11, $0x20  }
.Ltmp21:
0x2fb: {  	_ = 	snop;
	(pc) =	sbr.rel @!p1 .LBB2_33-.Ltmp21, $1  }
0x2fc: {  	_ =	sdelay $0x3  }
.LBB2_25:
0x2fd: {  	v0 =	vld.msk [tilespmem:s11+$0x3658], $0x1;
	_ =	sdelay $0x4  }
0x2fe: {  	(v2sf) =	vpush v0, $0x0;
	_ =	sdelay $0xe  }
0x2ff: {  	s12 =	spop (v2sf)  }
0x300: {  	p1 =	seq.s32 s12, $0xFFFFFFFF  }
.Ltmp22:
0x301: {  	_ = 	snop;
	(pc) =	sbr.rel @p1 .LBB2_32-.Ltmp22, $1  }
0x302: {  	_ =	sdelay $0x3  }
0x303: {  	p1 =	slt.s32 s6, $0x1  }
.Ltmp23:
0x304: {  	_ = 	snop;
	(pc) =	sbr.rel @p1 .LBB2_30-.Ltmp23, $1  }
0x305: {  	_ =	sdelay $0x3  }
0x306: {  	s13 =	simm.s32 $0x3658;
	p1 =	por $0x0, $0x0  }
0x307: {  	v1 =	vld.msk @!p1 [tilespmem:s13+$0x0], $0x1;
	_ =	sdelay $0x4  }
0x308: {  	(v2sf) =	vpush @!p1 v1, $0x0;
	_ =	sdelay $0xd  }
0x309: {  	p3 =	sne.s32 s6, $0x1  }
.Ltmp24:
0x30a: {  	s0 =	spop @!p1 (v2sf);
	(pc) =	sbr.rel @!p3 .LBB2_29-.Ltmp24, $4  }
0x30b: {  	p2 =	seq.s32 @!p1 s12, s0  }
0x30c: {  	s14 =	simm.s32 $0x0;
	p2 =	por !p2, p1  }
0x30d: {  	s0 =	simm.s32 $0xFFFFFFFF;
	s14 =	simm.s32 @p2 $0xFFFFFFFF  }
0x30e: {  	s15 =	simm.s32 $0x1;
	s14 =	smov.u32 @p1 s0  }
.LBB2_28:
0x30f: {  	s0 =	smov.u32 s14;
	p1 =	sne.s32 s14, $0xFFFFFFFF  }
0x310: {  	s13 =	sadd.s32 $0x1, s13;
	s14 =	smov.u32 s15;
	s15 =	sadd.s32 $0x1, s15  }
0x311: {  	p2 =	sne.s32 s6, s15;
	v1 =	vld.msk @!p1 [tilespmem:s13+$0x0], $0x1;
	_ =	sdelay $0x4  }
0x312: {  	(v2sf) =	vpush @!p1 v1, $0x0;
	_ =	sdelay $0xe  }
.Ltmp25:
0x313: {  	s2 =	spop @!p1 (v2sf);
	(pc) =	sbr.rel @p2 .LBB2_28-.Ltmp25, $4  }
0x314: {  	p3 =	seq.s32 @!p1 s12, s2  }
0x315: {  	p3 =	por !p3, p1  }
0x316: {  	s14 =	simm.s32 @p3 $0xFFFFFFFF  }
0x317: {  	s14 =	smov.u32 @p1 s0  }
.LBB2_29:
0x318: {  	p1 =	sne.s32 s14, $0xFFFFFFFF  }
.Ltmp26:
0x319: {  	_ = 	snop;
	(pc) =	sbr.rel @!p1 .LBB2_30-.Ltmp26, $1  }
0x31a: {  	_ =	sdelay $0x3  }
0x31b: {  	s0 =	sshll.u32 s11, $0x4  }
0x31c: {  	s0 =	sand.u32 $0x3FFFFFF0, s0  }
0x31d: {  	v0 =	vld [tilespmem:s0+$0x3678]  }
.Ltmp27:
0x31e: {  	_ = 	snop;
	(pc) =	sbr.rel .LBB2_32-.Ltmp27, $4  }
0x31f: {  	_ = 	snop  }
0x320: {  	s31 =	sshll.u32 s14, $0x6  }
0x321: {  	s0 =	sshra.s32 s31, $0x2  }
0x322: {  	[tilespmem:s0+$0x3678] =	vst.add.f32.msk $0xffff, v0  }
.LBB2_33:
0x323: {  	s0 =	simm.s32 $0x6;
	p1 =	seq.s32 s6, $0x0  }
0x324: {  	[sflag:s0] =	ssyncpa.u1 $0x1;
	v0 =	vimm.s32 @p1 $0xFFFFFFFF  }
0x325: {  	s9 =	sadd.s32 $0xFFFFFFFF, s6;
	[tilespmem:$0x3878] =	vst @p1 v0  }
0x326: {  	v0 =	vld.msk @!p1 [tilespmem:s9+$0x3658], $0x1;
	_ =	sdelay $0x1  }
0x327: {  	v1 =	vld.msk @!p1 [tilespmem:$0x3658], $0x1;
	_ =	sdelay $0x2  }
0x328: {  	p2 =	seq.s32 @!p1 s9, $0x0;
	v0 =	vbroadcast @!p1 v0, $0x0  }
0x329: {  	vm0 =	vmmov @!p1 $0x1;
	p2 =	por !p2, p1  }
0x32a: {  	v1 =	vnsel @!p1 vm0, $0xFFFFFFFF, v1;
	vm0 =	vcmask @!p1 $0x308;
	v0 =	vpsel !p2, $0xFFFFFFFF, v0  }
0x32b: {  	p2 =	sne.s32 @!p1 s8, s7;
	v0 =	vsel @!p1 vm0, v1, v0  }
0x32c: {  	s0 =	simm.s32 @!p1 $0x3678;
	s2 =	simm.s32 @!p1 $0x0;
	p3 =	por !p2, p1;
	[tilespmem:$0x3878] =	vst @!p1 v0  }
0x32d: {  	[spmem:s2] =	stream.linear.scatter @!p1 [tilespmem:s0], [sflag:$0x1], $0x10, $0x38;
	[tilespmem:$0x1F0F8] =	vst v63  }
0x32e: {  	s0 =	sshll.u32 @!p3 s9, $0x6  }
0x32f: {  	s0 =	sshra.s32 @!p3 s0, $0x2  }
0x330: {  	s2 =	simm.s32 @!p3 $0x10;
	s0 =	sadd.s32 @!p3 $0x3678, s0  }
0x331: {  	[spmem:s2] =	stream.linear.scatter @!p3 [tilespmem:s0], [sflag:$0x1], $0x10, $0x38;
	[tilespmem:$0x1F0F8] =	vst v63  }
0x332: {  	s0 =	simm.s32 @!p3 $0x1  }
0x333: {  	_ =	swait.ge @!p3 [sflag:s0], $0x20  }
0x334: {  	p1 =	por p2, p1;
	[sflag:s0] =	ssyncset.done @!p3 $0x0  }
0x335: {  	[sflag:s0] =	ssyncadd.s32 @!p3 $0xFFFFFFE0;
	s0 =	simm.s32 @!p1 $0x1  }
0x336: {  	_ =	swait.ge @!p1 [sflag:s0], $0x10  }
0x337: {  	s29 =	simm.s32 $0x3878;
	[sflag:s0] =	ssyncset.done @!p1 $0x0  }
0x338: {  	s30 =	simm.s32 $0x200;
	s31 =	simm.s32 $0x1;
	[sflag:s0] =	ssyncadd.s32 @!p1 $0xFFFFFFF0  }
0x339: {  	[spmem:s30] =	stream.linear.scatter [tilespmem:s29], [sflag:$0x1], $0x10, $0x38;
	[tilespmem:$0x1F0F8] =	vst v63  }
0x33a: {  	_ =	swait.ge [sflag:s31], $0x10  }
0x33b: {  	[sflag:s31] =	ssyncset.done $0x0  }
0x33c: {  	p1 =	seq.s32 s17, $0x0;
	s8 =	rddreg [dreg:$0x3];
	[sflag:s31] =	ssyncadd.s32 $0xFFFFFFF0  }
0x33d: {  	s2 =	sshll.u32 @p1 s8, $0xE;
	s7 =	rddreg [dreg:$0x4]  }
0x33e: {  	s0 =	sadd.s32 @p1 $0x15C3C, s2;
	s2 =	sshll.u32 @p1 s7, $0x11  }
0x33f: {  	_ =	sfence.stream.spmem;
	s0 =	sor.u32 @p1 s2, s0  }
0x340: {  	[sflag:s0] =	ssyncadd.remote.s32 @p1 $0x1;
	s0 =	simm.s32 @p1 $0x4  }
0x341: {  	s3 =	simm.s32 @!p1 $0x3C;
	s2 =	sand.u32 $0xFFFFFFFE, s8;
	_ =	swait.ge @p1 [sflag:s0], $0x6  }
0x342: {  	s4 =	simm.s32 @!p1 $0x0;
	s2 =	sadd.s32 @!p1 $0x4, s2;
	[sflag:s0] =	ssyncset.done @p1 $0x0  }
0x343: {  	s5 =	simm.s32 @!p1 $0x20;
	[sflag:s0] =	ssyncadd.s32 @p1 $0xFFFFFFFA;
	s0 =	sshll.u32 @!p1 s2, $0x1A  }
0x344: {  	s2 =	sshll.u32 @!p1 s2, $0xD;
	s0 =	sor.u32 @!p1 s0, s7;
	_ =	swait.eq @!p1 [sflag:s3], $0x1  }
0x345: {  	s2 =	sor.u32 @!p1 $0x1C04, s2;
	s3 =	simm.s32 @!p1 $0x1C03;
	s0 =	sor.u32 @!p1 $0x80004000, s0  }
0x346: {  	[spmem:s5], [sflag:s2] =	dma.general @!p1 [spmem:s4], [sflag:s3], length:$0x4, [dreg:$0x0], stride_count:$0x0, ici_dest:s0, dma_misc:DstOpCode:WRITE  }
0x347: {  	p2 =	slt.s32 s9, $0x2;
	s4 =	simm.s32 @!p1 $0x40;
	s5 =	simm.s32 @!p1 $0x42  }
0x348: {  	[spmem:s5], [sflag:s2] =	dma.general @!p1 [spmem:s4], [sflag:s3], length:$0x2, [dreg:$0x0], stride_count:$0x0, ici_dest:s0, dma_misc:DstOpCode:WRITE  }
.Ltmp28:
0x349: {  	s0 =	simm.s32 @!p1 $0x3;
	(pc) =	sbr.rel @p2 .LBB2_37-.Ltmp28, $4  }
0x34a: {  	s2 =	sshll.u32 @!p1 s8, $0xE;
	_ =	swait.ge @!p1 [sflag:s0], $0x6  }
0x34b: {  	s3 =	sshll.u32 @!p1 s7, $0x11;
	s2 =	sadd.s32 @!p1 $0x11C3C, s2;
	[sflag:s0] =	ssyncset.done @!p1 $0x0  }
0x34c: {  	[sflag:s0] =	ssyncadd.s32 @!p1 $0xFFFFFFFA;
	s0 =	sor.u32 @!p1 s3, s2  }
0x34d: {  	[sflag:s0] =	ssyncadd.remote.s32 @!p1 $0xFFFFFFFF;
	s0 =	simm.s32 $0x0  }
0x34e: {  	s0 =	simm.s32 $0x3659  }
0x34f: {  	v0 =	vld.msk [tilespmem:s0+$0x0], $0x1;
	_ =	sdelay $0x4  }
0x350: {  	(v2sf) =	vpush v0, $0x0;
	_ =	sdelay $0xd  }
0x351: {  	s3 =	sadd.s32 $0xFFFFFFFE, s6  }
0x352: {  	s3 =	sadd.s32 $0xFFFFFFFF, s3;
	s0 =	spop (v2sf)  }
0x353: {  	p2 =	sne.s32 s3, $0x0;
	p1 =	sgt.u32 s0, $0x270FF  }
.Ltmp29:
0x354: {  	s4 =	sand.u32 @!p1 $0x3FFF8, s0;
	(pc) =	sbr.rel @!p2 .LBB2_36-.Ltmp29, $4  }
0x355: {  	s2 =	simm.s32 $0x3688;
	s0 =	sand.u32 @!p1 $0x7, s0;
	s4 =	sadd.s32 @!p1 s1, s4  }
0x356: {  	[hbm4b:s4+s0] =	stream.linear.scatter @!p1 [tilespmem:s2], [sflag:$0x5], $0x3, $0x38;
	[tilespmem:$0x1F0F8] =	vst v63  }
0x357: {  	s0 =	simm.s32 $0x0  }
0x358: {  	s6 =	simm.s32 $0x0;
	s7 =	simm.s32 $0x365A;
	s0 =	simm.s32 @!p1 $0xC  }
.LBB2_35:
0x359: {  	v0 =	vld.msk [tilespmem:s7+$0x0], $0x1;
	s3 =	sadd.s32 $0xFFFFFFFF, s3;
	s6 =	sadd.s32 s6, s0  }
0x35a: {  	p1 =	sne.s32 s3, $0x0;
	_ =	sdelay $0x3  }
0x35b: {  	(v2sf) =	vpush v0, $0x0;
	_ =	sdelay $0xe  }
.Ltmp30:
0x35c: {  	s4 =	spop (v2sf);
	(pc) =	sbr.rel @p1 .LBB2_35-.Ltmp30, $4  }
0x35d: {  	s0 =	simm.s32 $0x0;
	p2 =	sgt.u32 s4, $0x270FF  }
0x35e: {  	s2 =	sadd.s32 $0x10, s2;
	s0 =	simm.s32 @!p2 $0xC;
	s5 =	sand.u32 @!p2 $0x3FFF8, s4  }
0x35f: {  	s7 =	sadd.s32 $0x1, s7;
	s4 =	sand.u32 @!p2 $0x7, s4;
	s5 =	sadd.s32 @!p2 s1, s5  }
0x360: {  	[hbm4b:s5+s4] =	stream.linear.scatter @!p2 [tilespmem:s2], [sflag:$0x5], $0x3, $0x38;
	[tilespmem:$0x1F0F8] =	vst v63  }
.LBB2_36:
0x361: {  	s0 =	sadd.s32 s6, s0  }
0x362: {  	s0 =	sshrl.u32 s0, $0x2  }
.LBB2_37:
0x363: {  	s2 =	simm.s32 $0x5  }
0x364: {  	_ =	swait.ge [sflag:s2], s0  }
0x365: {  	s31 =	ssub.s32 $0x0, s0;
	[sflag:s2] =	ssyncset.done $0x0  }
0x366: {  	[sflag:s2] =	ssyncadd.s32 s31  }
0x367: {  	[sflag:s2] =	ssyncpa.u1 $0x1  }
.LBB2_38:
0x368: {  	s0 =	sor.u32 s17, s16  }
0x369: {  	p1 =	sne.s32 s0, $0x0  }
.Ltmp31:
0x36a: {  	_ = 	snop;
	(pc) =	sbr.rel @p1 .LBB2_53-.Ltmp31, $3  }
0x36b: {  	_ =	sdelay $0x1  }
0x36c: {  	[bflag:$0x0] =	sbarrier.arrive $0xFFFF  }
0x36d: {  	_ =	sfence  }
0x36e: {  	s0 =	simm.s32 $0x7  }
0x36f: {  	s2 =	simm.s32 $0x200;
	s3 =	simm.s32 $0x3658;
	[sflag:s0] =	ssyncpa.u1 $0x0  }
0x370: {  	[tilespmem:s3], [sflag:$0x7] =	stream.linear.gather [spmem:s2], $0x20, $0x38;
	[tilespmem:$0x1F0F8] =	vst v63  }
0x371: {  	s30 =	simm.s32 $0x3678;
	s2 =	simm.s32 $0x0  }
0x372: {  	[tilespmem:s30], [sflag:$0x7] =	stream.linear.gather [spmem:s2], $0x200, $0x38;
	[tilespmem:$0x1F0F8] =	vst v63  }
.Ltmp32:
0x373: {  	_ = 	snop;
	(pc) =	sbr.rel .LBB2_40-.Ltmp32, $4  }
0x374: {  	_ =	swait.ge [sflag:s0], $0x220  }
0x375: {  	[sflag:s0] =	ssyncset.done $0x0  }
0x376: {  	s31 =	simm.s32 $0x8;
	[sflag:s0] =	ssyncadd.s32 $0xFFFFFDE0  }
0x377: {  	s3 =	simm.s32 $0x0;
	[sflag:s31] =	ssyncpa.u1 $0x0  }
.LBB2_45:
0x378: {  	p1 =	slt.u32 s4, $0x27100  }
0x379: {  	s0 =	sand.u32 @p1 $0x3FFF8, s4  }
0x37a: {  	s4 =	sand.u32 @p1 $0x7, s4;
	s5 =	simm.s32 @p1 $0x3638;
	s0 =	sadd.s32 @p1 s1, s0  }
0x37b: {  	[tilespmem:s5], [sflag:$0x8] =	stream.linear.gather @p1 [hbm4b:s0+s4], $0x3, $0x38;
	[tilespmem:$0x1F0F8] =	vst v63  }
0x37c: {  	s0 =	simm.s32 @p1 $0x8  }
0x37d: {  	_ =	swait.ge @p1 [sflag:s0], $0x3  }
0x37e: {  	[sflag:s0] =	ssyncset.done @p1 $0x0  }
0x37f: {  	[sflag:s0] =	ssyncadd.s32 @p1 $0xFFFFFFFD  }
0x380: {  	v1 =	vld @p1 [tilespmem:$0x3638];
	_ =	sdelay $0x2  }
0x381: {  	s0 =	sshll.u32 @p1 s3, $0x6  }
0x382: {  	s5 =	sshll.u32 @!p1 s3, $0x6;
	s4 =	sshrl.u32 @p1 s0, $0x2  }
0x383: {  	s5 =	smov.u32 @p1 s0;
	[tilespmem:s4+$0x3678] =	vst.add.f32.msk @p1 $0xffff, v1  }
0x384: {  	s0 =	sshrl.u32 s5, $0x2;
	[tilespmem:s2+$0x3658] =	vst.msk $0x1, v0  }
0x385: {  	v0 =	vld [tilespmem:s0+$0x3678];
	_ =	sdelay $0x2  }
0x386: {  	s31 =	sshll.u32 s2, $0x6  }
0x387: {  	s0 =	sshra.s32 s31, $0x2  }
0x388: {  	s2 =	sadd.s32 $0x1, s2;
	[tilespmem:s0+$0x3678] =	vst v0  }
.LBB2_47:
0x389: {  	s3 =	sadd.s32 $0x1, s3  }
0x38a: {  	p1 =	sne.s32 s3, $0x20  }
.Ltmp33:
0x38b: {  	_ = 	snop;
	(pc) =	sbr.rel @!p1 .LBB2_48-.Ltmp33, $1  }
0x38c: {  	_ =	sdelay $0x3  }
.LBB2_40:
0x38d: {  	v0 =	vld.msk [tilespmem:s3+$0x3658], $0x1;
	_ =	sdelay $0x4  }
0x38e: {  	(v2sf) =	vpush v0, $0x0;
	_ =	sdelay $0xe  }
0x38f: {  	s4 =	spop (v2sf)  }
0x390: {  	p1 =	seq.s32 s4, $0xFFFFFFFF  }
.Ltmp34:
0x391: {  	_ = 	snop;
	(pc) =	sbr.rel @p1 .LBB2_47-.Ltmp34, $1  }
0x392: {  	_ =	sdelay $0x3  }
0x393: {  	p1 =	slt.s32 s2, $0x1  }
.Ltmp35:
0x394: {  	_ = 	snop;
	(pc) =	sbr.rel @p1 .LBB2_45-.Ltmp35, $1  }
0x395: {  	_ =	sdelay $0x3  }
0x396: {  	s5 =	simm.s32 $0x3658;
	p1 =	por $0x0, $0x0  }
0x397: {  	v1 =	vld.msk @!p1 [tilespmem:s5+$0x0], $0x1;
	_ =	sdelay $0x4  }
0x398: {  	(v2sf) =	vpush @!p1 v1, $0x0;
	_ =	sdelay $0xd  }
0x399: {  	p3 =	sne.s32 s2, $0x1  }
.Ltmp36:
0x39a: {  	s0 =	spop @!p1 (v2sf);
	(pc) =	sbr.rel @!p3 .LBB2_44-.Ltmp36, $4  }
0x39b: {  	p2 =	seq.s32 @!p1 s4, s0  }
0x39c: {  	s6 =	simm.s32 $0x0;
	p2 =	por !p2, p1  }
0x39d: {  	s0 =	simm.s32 $0xFFFFFFFF;
	s6 =	simm.s32 @p2 $0xFFFFFFFF  }
0x39e: {  	s7 =	simm.s32 $0x1;
	s6 =	smov.u32 @p1 s0  }
.LBB2_43:
0x39f: {  	s0 =	smov.u32 s6;
	p1 =	sne.s32 s6, $0xFFFFFFFF  }
0x3a0: {  	s5 =	sadd.s32 $0x1, s5;
	s6 =	smov.u32 s7;
	s7 =	sadd.s32 $0x1, s7  }
0x3a1: {  	p2 =	sne.s32 s2, s7;
	v1 =	vld.msk @!p1 [tilespmem:s5+$0x0], $0x1;
	_ =	sdelay $0x4  }
0x3a2: {  	(v2sf) =	vpush @!p1 v1, $0x0;
	_ =	sdelay $0xe  }
.Ltmp37:
0x3a3: {  	s8 =	spop @!p1 (v2sf);
	(pc) =	sbr.rel @p2 .LBB2_43-.Ltmp37, $4  }
0x3a4: {  	p3 =	seq.s32 @!p1 s4, s8  }
0x3a5: {  	p3 =	por !p3, p1  }
0x3a6: {  	s6 =	simm.s32 @p3 $0xFFFFFFFF  }
0x3a7: {  	s6 =	smov.u32 @p1 s0  }
.LBB2_44:
0x3a8: {  	p1 =	sne.s32 s6, $0xFFFFFFFF  }
.Ltmp38:
0x3a9: {  	_ = 	snop;
	(pc) =	sbr.rel @!p1 .LBB2_45-.Ltmp38, $1  }
0x3aa: {  	_ =	sdelay $0x3  }
0x3ab: {  	s0 =	sshll.u32 s3, $0x4  }
0x3ac: {  	s0 =	sand.u32 $0x3FFFFFF0, s0  }
0x3ad: {  	v0 =	vld [tilespmem:s0+$0x3678]  }
.Ltmp39:
0x3ae: {  	_ = 	snop;
	(pc) =	sbr.rel .LBB2_47-.Ltmp39, $4  }
0x3af: {  	_ = 	snop  }
0x3b0: {  	s31 =	sshll.u32 s6, $0x6  }
0x3b1: {  	s0 =	sshra.s32 s31, $0x2  }
0x3b2: {  	[tilespmem:s0+$0x3678] =	vst.add.f32.msk $0xffff, v0  }
.LBB2_48:
0x3b3: {  	p1 =	slt.s32 s2, $0x1  }
.Ltmp40:
0x3b4: {  	_ = 	snop;
	(pc) =	sbr.rel @p1 .LBB2_52-.Ltmp40, $3  }
0x3b5: {  	_ =	sdelay $0x1  }
0x3b6: {  	s0 =	simm.s32 $0x8  }
0x3b7: {  	s3 =	simm.s32 $0x0;
	[sflag:s0] =	ssyncpa.u1 $0x1  }
0x3b8: {  	s0 =	simm.s32 $0x3658  }
0x3b9: {  	v0 =	vld.msk [tilespmem:s0+$0x0], $0x1;
	_ =	sdelay $0x4  }
0x3ba: {  	(v2sf) =	vpush v0, $0x0;
	_ =	sdelay $0xe  }
0x3bb: {  	s2 =	sadd.s32 $0xFFFFFFFF, s2;
	s0 =	spop (v2sf)  }
0x3bc: {  	p2 =	sne.s32 s2, $0x0;
	p1 =	sgt.u32 s0, $0x270FF  }
.Ltmp41:
0x3bd: {  	s5 =	sand.u32 @!p1 $0x3FFF8, s0;
	(pc) =	sbr.rel @!p2 .LBB2_51-.Ltmp41, $4  }
0x3be: {  	s4 =	simm.s32 $0x3678;
	s0 =	sand.u32 @!p1 $0x7, s0;
	s5 =	sadd.s32 @!p1 s1, s5  }
0x3bf: {  	[hbm4b:s5+s0] =	stream.linear.scatter @!p1 [tilespmem:s4], [sflag:$0x7], $0x3, $0x38;
	[tilespmem:$0x1F0F8] =	vst v63  }
0x3c0: {  	s0 =	simm.s32 $0x0  }
0x3c1: {  	s5 =	simm.s32 $0x3659;
	s0 =	simm.s32 @!p1 $0xC  }
.LBB2_50:
0x3c2: {  	v0 =	vld.msk [tilespmem:s5+$0x0], $0x1;
	s2 =	sadd.s32 $0xFFFFFFFF, s2;
	s3 =	sadd.s32 s3, s0  }
0x3c3: {  	p1 =	sne.s32 s2, $0x0;
	_ =	sdelay $0x3  }
0x3c4: {  	(v2sf) =	vpush v0, $0x0;
	_ =	sdelay $0xe  }
.Ltmp42:
0x3c5: {  	s6 =	spop (v2sf);
	(pc) =	sbr.rel @p1 .LBB2_50-.Ltmp42, $4  }
0x3c6: {  	s0 =	simm.s32 $0x0;
	p2 =	sgt.u32 s6, $0x270FF  }
0x3c7: {  	s4 =	sadd.s32 $0x10, s4;
	s0 =	simm.s32 @!p2 $0xC;
	s7 =	sand.u32 @!p2 $0x3FFF8, s6  }
0x3c8: {  	s5 =	sadd.s32 $0x1, s5;
	s6 =	sand.u32 @!p2 $0x7, s6;
	s7 =	sadd.s32 @!p2 s1, s7  }
0x3c9: {  	[hbm4b:s7+s6] =	stream.linear.scatter @!p2 [tilespmem:s4], [sflag:$0x7], $0x3, $0x38;
	[tilespmem:$0x1F0F8] =	vst v63  }
.LBB2_51:
0x3ca: {  	s0 =	sadd.s32 s3, s0  }
0x3cb: {  	s3 =	sshrl.u32 s0, $0x2  }
.LBB2_52:
0x3cc: {  	s0 =	simm.s32 $0x7  }
0x3cd: {  	_ =	swait.ge [sflag:s0], s3  }
0x3ce: {  	s1 =	ssub.s32 $0x0, s3;
	[sflag:s0] =	ssyncset.done $0x0  }
0x3cf: {  	[sflag:s0] =	ssyncadd.s32 s1  }
0x3d0: {  	[sflag:s0] =	ssyncpa.u1 $0x1  }
.LBB2_53:
0x3d1: {  	_ =	sfence;
	s0 =	simm.s32 $0x1  }
0x3d2: {  	[sflag:s0] =	ssyncpa.u1 $0x1  }
0x3d3: {  	_ =	strace $0x9000004A  }
0x3d4: {  	[bflag:$0x2] =	sbarrier.arrive $0xFFFF  }
0x3d5: {  	s0 =	rddreg [dreg:$0x5]  }
0x3d6: {  	s0 =	sadd.s32 @!p0 $0x100000, s0  }
0x3d7: {  	[sflag:s0] =	ssyncadd.tile.s32 @!p0 $0x1;
	_ =	shalt  }
.Lfunc_end2:
_tile_overlayer_lowered:
.L_overlay_start_2:
0x3d8: {  	(tag) =	ssettag $0x2  }
0x3d9: {  	s0 =	rddreg [dreg:$0x0];
	s2 =	stileid.u32  }
0x3da: {  	s1 =	rddreg [dreg:$0x1];
	p0 =	sne.s32 s2, $0x0  }
0x3db: {  	s3 =	rddreg [dreg:$0x2];
	[bflag:$0x3] =	sbarrier.arrive $0xFFFF;
	s2 =	simm.s32 @!p0 $0x1C01  }
0x3dc: {  	[timem:s3], [sflag:s2] =	dma.local @!p0 [hbm:s0], s1  }
0x3dd: {  	s0 =	simm.s32 @!p0 $0x1  }
0x3de: {  	_ =	swait.ge @!p0 [sflag:s0], s1  }
0x3df: {  	s1 =	ssub.s32 @!p0 $0x0, s1;
	[sflag:s0] =	ssyncset.done @!p0 $0x0  }
0x3e0: {  	[sflag:s0] =	ssyncadd.s32 @!p0 s1  }
0x3e1: {  	[bflag:$0x3] =	sbarrier.arrive $0xFFFF  }
0x3e2: {  	_ =	shalt  }

// kernel: scatter_offload_async_start.2
scs
__scs_entry_jumppad:
0x0: {  	(pc) =	sbr.rel $0x88, $3  }
0x1: {  	(tag) =	ssettag $0x0;
	lr =	simm.s32 $0x1  }
0x2: {  	[smem:$0x3F90] =	sst lr;
	_ =	strace $0xD0000000  }
0x3: {  	_ = 	snop  }
0x4: {  	_ = 	snop  }
0x5: {  	_ = 	snop  }
0x6: {  	_ = 	snop  }
0x7: {  	_ = 	snop  }
__scs_overlays_trampoline_lowered:
0x8: {  	[smem:$0x3F9F] =	sst s0  }
0x9: {  	[smem:$0x3FA0] =	sst s1  }
0xa: {  	[smem:$0x3FA1] =	sst s2  }
0xb: {  	[smem:$0x3FA2] =	sst s3  }
0xc: {  	[smem:$0x3FA3] =	sst s4  }
0xd: {  	[smem:$0x3FA4] =	sst s5  }
0xe: {  	[smem:$0x3FA5] =	sst s6  }
0xf: {  	[smem:$0x3FA6] =	sst s7  }
0x10: {  	[smem:$0x3FA7] =	sst s8  }
0x11: {  	[smem:$0x3FA8] =	sst s9;
	s0 =	simm.s32 @!p0 $0x0  }
0x12: {  	s1 =	sld [smem:$0x3F8E];
	s0 =	simm.s32 @p0 $0x1  }
0x13: {  	[smem:$0x3FA9] =	sst s0;
	s0 =	simm.s32 @!p1 $0x0  }
0x14: {  	s2 =	sld [smem:$0x3F8D];
	s0 =	simm.s32 @p1 $0x1  }
0x15: {  	[smem:$0x3FAA] =	sst s0;
	s0 =	simm.s32 @!p2 $0x0  }
0x16: {  	s3 =	sld [smem:$0x3FDB];
	s0 =	simm.s32 @p2 $0x1  }
0x17: {  	s4 =	simm.s32 $0x1BF5;
	[smem:$0x3FAC] =	sst s0  }
0x18: {  	s0 =	sld [smem:$0x3F8F];
	_ =	swait.ge [sflag:s4], $0x0  }
0x19: {  	s7 =	sld [smem:$0x3F90]  }
0x1a: {  	s8 =	sadd.s32 $0xFFFFE003, lr  }
0x1b: {  	s9 =	sadd.s32 $0xFFFFFEF7, lr;
	s5 =	simm.s32 $0xFFFFFFFF;
	p2 =	slt.u32 s8, $0xFFFFF086  }
0x1c: {  	p1 =	slt.u32 s9, $0xF7A;
	s5 =	simm.s32 @!p2 $0x0  }
0x1d: {  	s5 =	simm.s32 @p1 $0x1;
	p0 =	seq.s32 s7, s2  }
0x1e: {  	s7 =	smul.u32 @!p0 $0xF7A, s2;
	p2 =	seq.s32 @!p0 s5, $0x0  }
0x1f: {  	s9 =	smul.u32 $0xF7A, s1;
	s8 =	simm.s32 @!p0 $0x1BF5;
	p2 =	por !p2, p0  }
0x20: {  	[sflag:s8] =	ssyncset.s32 @!p0 $0xFFFFF086;
	s6 =	sadd.s32 @!p0 s3, s7;
	s7 =	simm.s32 @!p0 $0x108  }
0x21: {  	s3 =	sadd.s32 s3, s9;
	s6 =	sadd.s32 @!p0 $0x88, s6;
	s7 =	simm.s32 @p2 $0x1082  }
0x22: {  	[simem:s7], [sflag:s8] =	dma.local @!p0 [hbm:s6], $0xF7A  }
0x23: {  	s9 =	sor.u32 $0xD0000000, s2;
	s6 =	simm.s32 $0x108;
	_ =	swait.ge @!p0 [sflag:s8], $0x0  }
0x24: {  	s3 =	sadd.s32 $0x88, s3;
	s6 =	simm.s32 @!p1 $0x1082;
	[sflag:s4] =	ssyncset.s32 $0xFFFFF086  }
0x25: {  	[simem:s6], [sflag:s4] =	dma.local [hbm:s3], $0xF7A  }
0x26: {  	[smem:$0x3F90] =	sst s1;
	(tag) =	ssettag s2;
	_ =	strace s9  }
0x27: {  	s1 =	sld [smem:$0x3FA0]  }
0x28: {  	s2 =	sld [smem:$0x3FA1]  }
0x29: {  	s4 =	sld [smem:$0x3FA3]  }
0x2a: {  	p0 =	seq.s32 s5, $0x0;
	s5 =	sld [smem:$0x3FA4]  }
0x2b: {  	s6 =	sld [smem:$0x3FA5]  }
0x2c: {  	s7 =	sld [smem:$0x3FA6]  }
0x2d: {  	s3 =	simm.s32 $0x108;
	s8 =	sld [smem:$0x3FA7]  }
0x2e: {  	s3 =	simm.s32 @!p0 $0x1082;
	s9 =	sld [smem:$0x3FA8]  }
0x2f: {  	lr =	sadd.s32 s0, s3;
	s0 =	sld [smem:$0x3F9F]  }
0x30: {  	s3 =	sld [smem:$0x3FA2]  }
0x31: {  	[smem:$0x3FAB] =	sst s10  }
0x32: {  	s10 =	sld [smem:$0x3FA9];
	_ =	sdelay $0x3  }
0x33: {  	p0 =	seq.s32 s10, $0x1;
	s10 =	sld [smem:$0x3FAB];
	_ =	sdelay $0x3  }
0x34: {  	[smem:$0x3FAB] =	sst s10  }
0x35: {  	s10 =	sld [smem:$0x3FAA];
	_ =	sdelay $0x3  }
0x36: {  	p1 =	seq.s32 s10, $0x1;
	s10 =	sld [smem:$0x3FAB];
	_ =	sdelay $0x3  }
0x37: {  	[smem:$0x3FAB] =	sst s10  }
0x38: {  	s10 =	sld [smem:$0x3FAC]  }
0x39: {  	_ = 	snop;
	(pc) =	sbr.ind lr, $3  }
0x3a: {  	_ = 	snop  }
0x3b: {  	_ = 	snop  }
0x3c: {  	p2 =	seq.s32 s10, $0x1;
	s10 =	sld [smem:$0x3FAB]  }
0x3d: {  	_ =	shalt  }
0x3e: {  	_ =	shalt  }
0x3f: {  	_ =	shalt  }
0x40: {  	_ =	shalt  }
0x41: {  	_ =	shalt  }
0x42: {  	_ =	shalt  }
0x43: {  	_ =	shalt  }
0x44: {  	_ =	shalt  }
0x45: {  	_ =	shalt  }
0x46: {  	_ =	shalt  }
0x47: {  	_ =	shalt  }
0x48: {  	_ =	shalt  }
0x49: {  	_ =	shalt  }
0x4a: {  	_ =	shalt  }
0x4b: {  	_ =	shalt  }
0x4c: {  	_ =	shalt  }
0x4d: {  	_ =	shalt  }
0x4e: {  	_ =	shalt  }
0x4f: {  	_ =	shalt  }
0x50: {  	_ =	shalt  }
0x51: {  	_ =	shalt  }
0x52: {  	_ =	shalt  }
0x53: {  	_ =	shalt  }
0x54: {  	_ =	shalt  }
0x55: {  	_ =	shalt  }
0x56: {  	_ =	shalt  }
0x57: {  	_ =	shalt  }
0x58: {  	_ =	shalt  }
0x59: {  	_ =	shalt  }
0x5a: {  	_ =	shalt  }
0x5b: {  	_ =	shalt  }
0x5c: {  	_ =	shalt  }
0x5d: {  	_ =	shalt  }
0x5e: {  	_ =	shalt  }
0x5f: {  	_ =	shalt  }
0x60: {  	_ =	shalt  }
0x61: {  	_ =	shalt  }
0x62: {  	_ =	shalt  }
0x63: {  	_ =	shalt  }
0x64: {  	_ =	shalt  }
0x65: {  	_ =	shalt  }
0x66: {  	_ =	shalt  }
0x67: {  	_ =	shalt  }
0x68: {  	_ =	shalt  }
0x69: {  	_ =	shalt  }
0x6a: {  	_ =	shalt  }
0x6b: {  	_ =	shalt  }
0x6c: {  	_ =	shalt  }
0x6d: {  	_ =	shalt  }
0x6e: {  	_ =	shalt  }
0x6f: {  	_ =	shalt  }
0x70: {  	_ =	shalt  }
0x71: {  	_ =	shalt  }
0x72: {  	_ =	shalt  }
0x73: {  	_ =	shalt  }
0x74: {  	_ =	shalt  }
0x75: {  	_ =	shalt  }
0x76: {  	_ =	shalt  }
0x77: {  	_ =	shalt  }
0x78: {  	_ =	shalt  }
0x79: {  	_ =	shalt  }
0x7a: {  	_ =	shalt  }
0x7b: {  	_ =	shalt  }
0x7c: {  	_ =	shalt  }
0x7d: {  	_ =	shalt  }
0x7e: {  	_ =	shalt  }
0x7f: {  	_ =	shalt  }
0x80: {  	_ =	shalt  }
0x81: {  	_ =	shalt  }
0x82: {  	_ =	shalt  }
0x83: {  	_ =	shalt  }
0x84: {  	_ =	shalt  }
0x85: {  	_ =	shalt  }
0x86: {  	_ =	shalt  }
0x87: {  	_ =	shalt  }
.Lfunc_end0:
.L_simem_size_0:
called_computation.2_lowered:
.L_overlay_start_0:
0x88: {  	s2 =	sld [smem:$0x3FD9]  }
0x89: {  	s3 =	sld [smem:$0x3FFE];
	_ =	sdelay $0x1  }
0x8a: {  	s1 =	srdreg.scid  }
0x8b: {  	s0 =	sand.u32 $0x1, s1  }
0x8c: {  	s13 =	sshll.u32 s0, $0xA;
	s2 =	sadd.s32 s3, s2  }
0x8d: {  	s2 =	sadd.s32 s2, s13  }
0x8e: {  	[smem:$0x3FB7] =	sst s2  }
0x8f: {  	_ = 	snop  }
0x90: {  	s2 =	sld [smem:$0x3FD0];
	_ =	sdelay $0x2  }
0x91: {  	s14 =	simm.s32 $0xB;
	s4 =	simm.s32 $0x10  }
0x92: {  	[smem:s4], [sflag:s14] =	dma.local [hbm:s2], $0x1  }
0x93: {  	_ =	swait.eq [sflag:s14], $0x1  }
0x94: {  	[sflag:s14] =	ssyncset.done $0x0  }
0x95: {  	s15 =	sld [smem:$0x10];
	[sflag:s14] =	ssyncadd.s32 $0xFFFFFFFF  }
0x96: {  	s16 =	sld [smem:$0x11];
	(tm) =	ssettm $0x1  }
0x97: {  	s17 =	sld [smem:$0x3FFB];
	_ =	sdelay $0x3  }
0x98: {  	_ =	strace s17  }
0x99: {  	s4 =	sld [smem:$0x3FFC];
	_ =	sdelay $0x3  }
0x9a: {  	_ =	strace s4  }
0x9b: {  	s4 =	sld [smem:$0x3FFD];
	_ =	sdelay $0x3  }
0x9c: {  	_ =	strace s4  }
0x9d: {  	_ =	strace $0x8FFFFFFF  }
0x9e: {  	s18 =	sld [smem:$0x3FDB];
	_ =	sdelay $0x1  }
0x9f: {  	s5 =	simm.s32 $_scs_section_size  }
0xa0: {  	s6 =	simm.s32 $_size__tile_overlayer_lowered;
	s7 =	simm.s32 $_tile_overlayer_lowered  }
0xa1: {  	s21 =	simm.s32 $0x1BFF;
	s20 =	sshll.u32 s7, $0x1;
	s4 =	sadd.s32 s5, s18  }
0xa2: {  	s8 =	simm.s32 $0x0;
	s19 =	sshll.u32 s6, $0x1;
	s6 =	sadd.s32 s20, s4  }
0xa3: {  	[timem:s8], [sflag:s21] =	dma.local [hbm:s6], s19  }
0xa4: {  	_ =	swait.ge [sflag:s21], s19  }
0xa5: {  	s5 =	ssub.s32 $0x0, s19;
	[sflag:s21] =	ssyncset.done $0x0  }
0xa6: {  	[sflag:s21] =	ssyncadd.s32 s5;
	_ =	sdelay $0x1  }
0xa7: {  	s22 =	simm.s32 $0x1B8B  }
0xa8: {  	_ =	swait.ge [sflag:s22], $0x1  }
0xa9: {  	[sflag:s22] =	ssyncset.done $0x0  }
0xaa: {  	s23 =	sld [smem:$0x3FFE];
	[sflag:s22] =	ssyncadd.s32 $0xFFFFFFFF  }
0xab: {  	s25 =	simm.s32 $0x1B8E;
	s24 =	sld [smem:$0x0]  }
0xac: {  	s26 =	simm.s32 $execute0_lowered;
	[smem:$0x3FD2] =	sst s25  }
0xad: {  	s7 =	sshll.u32 s26, $0x1;
	_ =	strace $0x8000004C;
	[dreg:$0x1] =	wrdreg $0xFFFFFFFF  }
0xae: {  	s28 =	simm.s32 $_size_execute0_lowered;
	s4 =	sadd.s32 s4, s7;
	[dreg:$0x0] =	wrdreg $0x0  }
0xaf: {  	s7 =	sshll.u32 s28, $0x1;
	[dreg:$0x2] =	wrdreg s4  }
0xb0: {  	[dreg:$0x3] =	wrdreg s7  }
0xb1: {  	[dreg:$0x4] =	wrdreg $0xC0  }
0xb2: {  	_ =	task [dreg:s8], $0x5FFFF  }
0xb3: {  	[dreg:$0x1] =	wrdreg $0xFFFFFFFF  }
0xb4: {  	[dreg:$0x0] =	wrdreg $0x60  }
0xb5: {  	[dreg:$0x2] =	wrdreg s16  }
0xb6: {  	[dreg:$0x3] =	wrdreg s15  }
0xb7: {  	[dreg:$0x4] =	wrdreg s23  }
0xb8: {  	[dreg:$0x5] =	wrdreg s1  }
0xb9: {  	[dreg:$0x6] =	wrdreg s24  }
0xba: {  	[dreg:$0x7] =	wrdreg $0x9  }
0xbb: {  	_ =	task.clear_ibuf [dreg:s8], $0x8FFFF;
	_ =	strace $0x9000004C  }
0xbc: {  	s29 =	simm.s32 $0x9;
	_ =	strace $0x8000004E  }
0xbd: {  	_ =	swait.ge [sflag:s29], $0x1  }
0xbe: {  	[sflag:s29] =	ssyncadd.s32 $0xFFFFFFFF  }
0xbf: {  	_ =	strace $0x9000004E  }
0xc0: {  	_ =	sfence  }
0xc1: {  	s30 =	sld [smem:$0x0];
	_ =	sdelay $0x2  }
0xc2: {  	s31 =	sshll.u32 s1, $0xD;
	s1 =	sshrl.u32 s1, $0x2  }
0xc3: {  	s3 =	sand.u32 $0x4000, s31;
	s1 =	sadd.s32 s1, s30  }
0xc4: {  	s0 =	sor.u32 s3, s0;
	s1 =	sshll.u32 s1, $0x11  }
0xc5: {  	s0 =	sor.u32 s1, s0  }
0xc6: {  	s0 =	sadd.s32 $0x8F2B, s0  }
0xc7: {  	[sflag:s0] =	ssyncadd.remote.s32 $0x1  }
0xc8: {  	_ =	sfence.sel $0xFFFF  }
0xc9: {  	[dreg:$0x0] =	wrdreg $0xFFFFFFFF;
	(pc) =	sbr.abs _section_cstart, $3  }
0xca: {  	[dreg:$0x1] =	wrdreg $0xFFFFFFFF  }
0xcb: {  	_ =	task.clear_ibuf [dreg:s8], $0x2FFFF;
	_ =	strace $0x9FFFFFFF  }
0xcc: {  	(tm) =	ssettm $0x7FFFFFFF  }
0xcd: {  	_ =	shalt  }
tec
execute0_lowered:
.L_overlay_start_1:
0x0: {  	(tag) =	ssettag $0x1  }
0x1: {  	s1 =	rddreg [dreg:$0x0]  }
0x2: {  	s0 =	rddreg [dreg:$0x1]  }
0x3: {  	s2 =	rddreg [dreg:$0x2]  }
0x4: {  	s4 =	rddreg [dreg:$0x3];
	_ =	strace $0x8000004D;
	s3 =	simm.s32 $0x1  }
0x5: {  	v0 =	vimm.s32 $0x0;
	[sflag:s3] =	ssyncpa.u1 $0x0;
	s3 =	simm.s32 $0x88  }
0x6: {  	[tilespmem:s3+$0x30] =	vst v0  }
0x7: {  	s6 =	sadd.s32 $0x8EC00, s2;
	[tilespmem:s3+$0x20] =	vst v0  }
0x8: {  	s2 =	sadd.s32 $0x3B200, s2;
	s7 =	sand.u32 $0x1, s4;
	s4 =	simm.s32 $0x40;
	[tilespmem:s3+$0x10] =	vst v0  }
.LBB2_1:
0x9: {  	s4 =	sadd.s32 $0x40, s4  }
0xa: {  	[tilespmem:s3+$0x0] =	vst v0;
	s3 =	sadd.s32 $0x40, s3;
	p0 =	slt.u32 s4, $0x5040  }
.Ltmp0:
0xb: {  	(pc) =	sbr.rel @p0 .LBB2_1-.Ltmp0, $4  }
0xc: {  	_ = 	snop  }
0xd: {  	[tilespmem:s3+$0x30] =	vst v0  }
0xe: {  	[tilespmem:s3+$0x20] =	vst v0  }
0xf: {  	[tilespmem:s3+$0x10] =	vst v0  }
0x10: {  	s8 =	stileid.u32  }
0x11: {  	s4 =	smul.u32 $0xF, s8  }
0x12: {  	s5 =	smin.u32 s8, $0xA  }
0x13: {  	s4 =	sadd.s32 s5, s4  }
0x14: {  	p0 =	slt.u32 s8, $0xA;
	s12 =	smul.u32 $0x140, s4;
	s4 =	simm.s32 $0x1400  }
0x15: {  	s4 =	simm.s32 @!p0 $0x12C0  }
0x16: {  	s25 =	simm.s32 $0x2;
	s4 =	sadd.s32 s4, s12  }
0x17: {  	s28 =	simm.s32 $0x9;
	s9 =	simm.s32 $0xA;
	s14 =	smin.u32 s4, $0x13880  }
0x18: {  	s30 =	simm.s32 $0xB;
	[dreg:$0x6] =	wrdreg s7;
	s4 =	ssub.s32 s14, s12  }
0x19: {  	s31 =	smul.u32 $0x2710, s7;
	s13 =	simm.s32 $0x1;
	p0 =	sgt.s32 s4, $0x0  }
0x1a: {  	s19 =	simm.s32 $0x0;
	s20 =	simm.s32 $0xA808;
	s4 =	simm.s32 @!p0 $0x0  }
0x1b: {  	s21 =	simm.s32 $0xFFFFFFFF;
	p1 =	por $0x0, $0x0;
	s26 =	smulhi.u32 $0x66666667, s4  }
0x1c: {  	[tilespmem:s3+$0x0] =	vst v0;
	s23 =	simm.s32 $0x0;
	[sflag:s25] =	ssyncpa.u1 $0x0;
	s18 =	sshll.u32 s8, $0x7  }
0x1d: {  	s0 =	sadd.s32 s31, s0;
	[dreg:$0xc] =	wrdreg s18;
	s3 =	sshrl.u32 s26, $0x7  }
0x1e: {  	v0 =	vimm.s32 $0xFFFFFFFF;
	s17 =	sadd.s32 s31, s2;
	[dreg:$0xb] =	wrdreg s0;
	s29 =	smul.u32 $0x140, s3  }
0x1f: {  	s25 =	simm.s32 $0x0;
	[tilespmem:$0xA108] =	vst v0;
	[sflag:s28] =	ssyncpa.u1 $0x0;
	[dreg:$0xa] =	wrdreg s17  }
.Ltmp1:
0x20: {  	p0 =	sne.s32 s4, s29;
	s4 =	simm.s32 $0x1;
	(pc) =	sbr.rel .LBB2_3-.Ltmp1, $4  }
0x21: {  	[sflag:s9] =	ssyncpa.u1 $0x0;
	[dreg:$0x7] =	wrdreg s12;
	s4 =	simm.s32 @!p0 $0x0  }
0x22: {  	[sflag:s30] =	ssyncpa.u1 $0x0;
	[dreg:$0x8] =	wrdreg s14;
	s15 =	sadd.s32 s4, s3  }
0x23: {  	s24 =	smov.u32 s12;
	s22 =	sadd.s32 $0x1, s15;
	[dreg:$0x9] =	wrdreg s15  }
0x24: {  	v0 =	vlaneseq.u32;
	s26 =	simm.s32 $0x0;
	p0 =	por $0x1, $0x1;
	[dreg:$0xd] =	wrdreg s22  }
.LBB2_22:
0x25: {  	s0 =	sshrl.u32 s3, $0x2  }
.LBB2_24:
0x26: {  	s3 =	simm.s32 $0xC  }
0x27: {  	_ =	swait.ge [sflag:s3], s0  }
0x28: {  	s31 =	ssub.s32 $0x0, s0;
	v1 =	vmov s4;
	vm0 =	veq.s32 v0, $0x0;
	[sflag:s3] =	ssyncset.done $0x0  }
0x29: {  	vm15 =	veq.s32 v0, $0x2;
	v1 =	vsel vm0, s2, v1;
	[sflag:s3] =	ssyncadd.s32 s31  }
0x2a: {  	v1 =	vsel vm15, s26, v1;
	[sflag:s3] =	ssyncpa.u1 $0x1  }
0x2b: {  	[tilespmem:$0xA108] =	vst v1  }
.LBB2_25:
0x2c: {  	s0 =	sadd.s32 $0x140, s24  }
0x2d: {  	s2 =	smov.u32 s12;
	p2 =	slt.s32 s0, s14  }
0x2e: {  	s2 =	smov.u32 @p2 s0;
	p2 =	sne.s32 s25, s22  }
.Ltmp2:
0x2f: {  	_ = 	snop;
	(pc) =	sbr.rel @!p2 .LBB2_26-.Ltmp2, $4  }
0x30: {  	_ = 	snop  }
0x31: {  	s26 =	smov.u32 s23;
	s31 =	sadd.s32 $0x1, s25;
	p0 =	por !p0, !p0  }
0x32: {  	s23 =	smov.u32 s24;
	s20 =	sadd.s32 $0x140, s20;
	s21 =	sadd.s32 $0x1, s21  }
0x33: {  	p1 =	por !p1, !p1;
	s25 =	smov.u32 s31;
	s24 =	smov.u32 s2  }
.LBB2_3:
0x34: {  	p2 =	sge.u32 s25, s15  }
0x35: {  	s0 =	smulhi.u32 @!p2 $0xAAAAAAAB, s25  }
0x36: {  	s2 =	smov.u32 s24;
	p3 =	sgt.s32 @!p2 s24, $0x13740  }
0x37: {  	s3 =	sshra.s32 @!p2 s24, $0x1F;
	p3 =	por !p3, p2;
	s0 =	sshrl.u32 @!p2 s0, $0x1  }
0x38: {  	s3 =	sand.u32 @!p2 s3, s24;
	s2 =	simm.s32 @p3 $0x13740;
	s0 =	smul.u32 @!p2 $0x3, s0  }
0x39: {  	s2 =	ssub.s32 @!p2 s2, s3  }
0x3a: {  	s2 =	sadd.s32 @!p2 $0xFFFEC8C0, s2;
	s0 =	ssub.s32 @!p2 s25, s0  }
0x3b: {  	s3 =	sshll.u32 @!p2 s2, $0x2;
	p3 =	sgt.s32 @!p2 s2, $0x13F;
	s0 =	smul.u32 @!p2 $0x500, s0  }
0x3c: {  	s4 =	sand.u32 @!p2 $0x7, s24;
	s2 =	ssub.s32 @!p2 $0x500, s3;
	p3 =	por !p3, p2  }
0x3d: {  	s3 =	sshrl.u32 @!p2 s24, $0x3;
	s2 =	sshrl.u32 @!p2 s2, $0x2;
	s0 =	sshrl.u32 @!p2 s0, $0x2  }
0x3e: {  	s3 =	sadd.s32 @!p2 s3, s17;
	s2 =	simm.s32 @!p3 $0x0;
	s0 =	sadd.s32 @!p2 $0xA948, s0  }
0x3f: {  	[tilespmem:s0], [sflag:$0xA] =	stream.linear.gather @!p2 [hbm4b:s3+s4], s2, $0x38;
	[tilespmem:$0x1EF88] =	vst v63  }
0x40: {  	s0 =	sadd.s32 $0xFFFFFFFF, s25  }
0x41: {  	p2 =	sge.u32 s0, s15  }
.Ltmp3:
0x42: {  	_ = 	snop;
	(pc) =	sbr.rel @p2 .LBB2_7-.Ltmp3, $1  }
0x43: {  	_ =	sdelay $0x3  }
0x44: {  	p2 =	sgt.s32 s23, $0x13740;
	s2 =	smov.u32 s23;
	s3 =	sshra.s32 s23, $0x1F  }
0x45: {  	s2 =	simm.s32 @!p2 $0x13740;
	s3 =	sand.u32 s3, s23  }
0x46: {  	s17 =	smulhi.u32 $0xAAAAAAAB, s21;
	s2 =	ssub.s32 s2, s3  }
0x47: {  	s0 =	sand.u32 $0x1, s0;
	s2 =	sadd.s32 $0xFFFEC8C0, s2  }
0x48: {  	s5 =	simm.s32 $0xA;
	s3 =	sshrl.u32 s17, $0x1;
	s4 =	sshll.u32 s2, $0x2  }
0x49: {  	s7 =	sshrl.u32 s23, $0x3;
	s3 =	smul.u32 $0xFFFFF100, s3;
	s4 =	ssub.s32 $0x500, s4  }
0x4a: {  	s18 =	smul.u32 $0x500, s0;
	p2 =	sgt.s32 s2, $0x13F;
	s2 =	sshrl.u32 s4, $0x2  }
0x4b: {  	s9 =	sand.u32 $0x7, s23;
	s3 =	sshra.s32 s3, $0x2;
	s2 =	simm.s32 @p2 $0x0  }
0x4c: {  	s0 =	sadd.s32 s3, s20;
	s4 =	sshrl.u32 s18, $0x2;
	_ =	swait.ge [sflag:s5], s2  }
0x4d: {  	s22 =	ssub.s32 $0x0, s2;
	[sflag:s5] =	ssyncset.done $0x0;
	s8 =	rddreg [dreg:$0xb]  }
0x4e: {  	s4 =	sadd.s32 $0xAD08, s4;
	[sflag:s5] =	ssyncadd.s32 s22;
	s3 =	sadd.s32 s7, s8  }
0x4f: {  	[tilespmem:s4], [sflag:$0xB] =	stream.linear.gather [hbm4b:s3+s9], s2, $0x38;
	[tilespmem:$0x1EF88] =	vst v63  }
0x50: {  	v1 =	vld.msk [tilespmem:s0+$0x0], $0xffff;
	_ =	sdelay $0x4  }
0x51: {  	v1 =	vshll.u32 v1, $0x4  }
0x52: {  	(v2sf) =	vpush v1, $0x0  }
0x53: {  	(v2sf) =	vpush v1, $0x1  }
0x54: {  	(v2sf) =	vpush v1, $0x2;
	_ =	sdelay $0x3  }
0x55: {  	(v2sf) =	vpush v1, $0x3;
	_ =	sdelay $0x1  }
0x56: {  	(v2sf) =	vpush v1, $0x4  }
0x57: {  	s2 =	simm.s32 $0x1;
	(v2sf) =	vpush v1, $0x5  }
0x58: {  	s2 =	simm.s32 @!p0 $0x0  }
0x59: {  	s2 =	smul.u32 $0x28000, s2;
	(v2sf) =	vpush v1, $0x6;
	_ =	sdelay $0x1  }
0x5a: {  	s2 =	sshrl.u32 s2, $0x2  }
0x5b: {  	s28 =	sadd.s32 $0xB708, s2  }
0x5c: {  	s12 =	sadd.s32 $0xFFFFF880, s28;
	s17 =	sadd.s32 $0xFFFFF900, s28;
	s10 =	spop (v2sf);
	(v2sf) =	vpush v1, $0x7  }
0x5d: {  	s18 =	sadd.s32 $0xFFFFF980, s28;
	s11 =	sand.u32 $0x1FFFFFF0, s10;
	s14 =	spop (v2sf)  }
0x5e: {  	(v2sf) =	vpush v1, $0x8;
	s2 =	sadd.s32 s6, s11;
	s15 =	sand.u32 $0x1FFFFFF0, s14;
	s16 =	spop (v2sf)  }
0x5f: {  	[tilespmem:s12], [sflag:$0x9] =	stream.linear.gather [hbm4b:s2+s19], $0x40, $0x38;
	[tilespmem:$0x1EF88] =	vst v63  }
0x60: {  	s5 =	sadd.s32 $0xFFFFFA00, s28;
	s2 =	sadd.s32 s6, s15;
	s3 =	sand.u32 $0x1FFFFFF0, s16  }
0x61: {  	(v2sf) =	vpush v1, $0x9;
	[tilespmem:s17], [sflag:$0x9] =	stream.linear.gather [hbm4b:s2+s19], $0x40, $0x38;
	[tilespmem:$0x1EF88] =	vst v63  }
0x62: {  	s7 =	sadd.s32 $0xFFFFFA80, s28;
	s22 =	spop (v2sf);
	s3 =	sadd.s32 s6, s3  }
0x63: {  	(v2sf) =	vpush v1, $0xA;
	[tilespmem:s18], [sflag:$0x9] =	stream.linear.gather [hbm4b:s3+s19], $0x40, $0x38;
	[tilespmem:$0x1EF88] =	vst v63  }
0x64: {  	s11 =	sadd.s32 $0xFFFFFB00, s28;
	s4 =	spop (v2sf);
	(v2sf) =	vpush v1, $0xB;
	s3 =	sand.u32 $0x1FFFFFF0, s22  }
0x65: {  	s8 =	spop (v2sf);
	s2 =	sadd.s32 s6, s3;
	s3 =	sand.u32 $0x1FFFFFF0, s4  }
0x66: {  	(v2sf) =	vpush v1, $0xC;
	[tilespmem:s5], [sflag:$0x9] =	stream.linear.gather [hbm4b:s2+s19], $0x40, $0x38;
	[tilespmem:$0x1EF88] =	vst v63  }
0x67: {  	s9 =	sand.u32 $0x1FFFFFF0, s8;
	s10 =	spop (v2sf);
	s3 =	sadd.s32 s6, s3  }
0x68: {  	(v2sf) =	vpush v1, $0xD;
	[tilespmem:s7], [sflag:$0x9] =	stream.linear.gather [hbm4b:s3+s19], $0x40, $0x38;
	[tilespmem:$0x1EF88] =	vst v63  }
0x69: {  	s12 =	sadd.s32 $0xFFFFFB80, s28;
	s2 =	sadd.s32 s6, s9;
	s3 =	sand.u32 $0x1FFFFFF0, s10  }
0x6a: {  	[tilespmem:s11], [sflag:$0x9] =	stream.linear.gather [hbm4b:s2+s19], $0x40, $0x38;
	[tilespmem:$0x1EF88] =	vst v63  }
0x6b: {  	s17 =	sadd.s32 $0xFFFFFC00, s28;
	s3 =	sadd.s32 s6, s3;
	s14 =	spop (v2sf)  }
0x6c: {  	[tilespmem:s12], [sflag:$0x9] =	stream.linear.gather [hbm4b:s3+s19], $0x40, $0x38;
	(v2sf) =	vpush v1, $0xE;
	[tilespmem:$0x1EF88] =	vst v63  }
0x6d: {  	s18 =	sadd.s32 $0xFFFFFC80, s28;
	s15 =	sand.u32 $0x1FFFFFF0, s14;
	s16 =	spop (v2sf)  }
0x6e: {  	s5 =	sadd.s32 $0xFFFFFD00, s28;
	(v2sf) =	vpush v1, $0xF;
	s2 =	sadd.s32 s6, s15;
	s3 =	sand.u32 $0x1FFFFFF0, s16  }
0x6f: {  	[tilespmem:s17], [sflag:$0x9] =	stream.linear.gather [hbm4b:s2+s19], $0x40, $0x38;
	[tilespmem:$0x1EF88] =	vst v63  }
0x70: {  	s7 =	sadd.s32 $0xFFFFFD80, s28;
	s22 =	spop (v2sf);
	s3 =	sadd.s32 s6, s3  }
0x71: {  	[tilespmem:s18], [sflag:$0x9] =	stream.linear.gather [hbm4b:s3+s19], $0x40, $0x38;
	[tilespmem:$0x1EF88] =	vst v63  }
0x72: {  	s11 =	sadd.s32 $0xFFFFFE00, s28;
	s4 =	spop (v2sf);
	s3 =	sand.u32 $0x1FFFFFF0, s22  }
0x73: {  	s8 =	spop (v2sf);
	s2 =	sadd.s32 s6, s3;
	s3 =	sand.u32 $0x1FFFFFF0, s4  }
0x74: {  	[tilespmem:s5], [sflag:$0x9] =	stream.linear.gather [hbm4b:s2+s19], $0x40, $0x38;
	[tilespmem:$0x1EF88] =	vst v63  }
0x75: {  	s9 =	sand.u32 $0x1FFFFFF0, s8;
	s10 =	spop (v2sf);
	s3 =	sadd.s32 s6, s3  }
0x76: {  	[tilespmem:s7], [sflag:$0x9] =	stream.linear.gather [hbm4b:s3+s19], $0x40, $0x38;
	[tilespmem:$0x1EF88] =	vst v63  }
0x77: {  	s14 =	spop (v2sf);
	s2 =	sadd.s32 s6, s9;
	s3 =	sand.u32 $0x1FFFFFF0, s10  }
0x78: {  	[tilespmem:s11], [sflag:$0x9] =	stream.linear.gather [hbm4b:s2+s19], $0x40, $0x38;
	[tilespmem:$0x1EF88] =	vst v63  }
0x79: {  	s12 =	sadd.s32 $0xFFFFFE80, s28;
	s15 =	sand.u32 $0x1FFFFFF0, s14;
	s3 =	sadd.s32 s6, s3  }
0x7a: {  	[tilespmem:s12], [sflag:$0x9] =	stream.linear.gather [hbm4b:s3+s19], $0x40, $0x38;
	[tilespmem:$0x1EF88] =	vst v63  }
0x7b: {  	s17 =	sadd.s32 $0xFFFFFF00, s28;
	s2 =	sadd.s32 s6, s15;
	s16 =	spop (v2sf)  }
0x7c: {  	[tilespmem:s17], [sflag:$0x9] =	stream.linear.gather [hbm4b:s2+s19], $0x40, $0x38;
	[tilespmem:$0x1EF88] =	vst v63  }
0x7d: {  	s29 =	simm.s32 $0x0;
	s3 =	sand.u32 $0x1FFFFFF0, s16;
	s18 =	spop (v2sf)  }
0x7e: {  	s22 =	sadd.s32 $0xFFFFFF80, s28;
	s3 =	sadd.s32 s6, s3;
	s2 =	sand.u32 $0x1FFFFFF0, s18  }
0x7f: {  	[tilespmem:s22], [sflag:$0x9] =	stream.linear.gather [hbm4b:s3+s19], $0x40, $0x38;
	[tilespmem:$0x1EF88] =	vst v63  }
0x80: {  	s31 =	sadd.s32 $0x10, s0;
	s30 =	sadd.s32 $0x800, s28;
	s2 =	sadd.s32 s6, s2  }
.LBB2_5:
0x81: {  	[tilespmem:s28], [sflag:$0x9] =	stream.linear.gather [hbm4b:s2+s19], $0x40, $0x38;
	[tilespmem:$0x1EF88] =	vst v63  }
0x82: {  	s29 =	sadd.s32 $0x10, s29;
	s28 =	smov.u32 s30  }
0x83: {  	p2 =	slt.u32 s29, $0x130;
	v1 =	vld.msk [tilespmem:s31+$0x0], $0xffff;
	_ =	sdelay $0x4  }
0x84: {  	v1 =	vshll.u32 v1, $0x4  }
0x85: {  	(v2sf) =	vpush v1, $0x0  }
0x86: {  	(v2sf) =	vpush v1, $0x1  }
0x87: {  	(v2sf) =	vpush v1, $0x2;
	_ =	sdelay $0x1  }
0x88: {  	(v2sf) =	vpush v1, $0x3;
	_ =	sdelay $0x1  }
0x89: {  	(v2sf) =	vpush v1, $0x4;
	_ =	sdelay $0x1  }
0x8a: {  	(v2sf) =	vpush v1, $0x5;
	_ =	sdelay $0x1  }
0x8b: {  	(v2sf) =	vpush v1, $0x6  }
0x8c: {  	s4 =	sadd.s32 $0xFFFFFE80, s30;
	s0 =	sadd.s32 $0xFFFFFF00, s30  }
0x8d: {  	s3 =	sadd.s32 $0xFFFFFD00, s30;
	s2 =	sadd.s32 $0xFFFFFD80, s30;
	s5 =	sadd.s32 $0xFFFFFE00, s30;
	(v2sf) =	vpush v1, $0x7  }
0x8e: {  	s10 =	sadd.s32 $0xFFFFFB80, s30;
	s9 =	sadd.s32 $0xFFFFFC00, s30;
	s16 =	sadd.s32 $0xFFFFFC80, s30  }
0x8f: {  	s11 =	sadd.s32 $0xFFFFFA00, s30;
	s12 =	sadd.s32 $0xFFFFFA80, s30;
	s15 =	sadd.s32 $0xFFFFFB00, s30;
	(v2sf) =	vpush v1, $0x8  }
0x90: {  	s18 =	sadd.s32 $0xFFFFF900, s30;
	s7 =	sadd.s32 $0xFFFFF980, s30;
	s22 =	spop (v2sf)  }
0x91: {  	s8 =	sadd.s32 $0xFFFFF880, s30;
	s22 =	sand.u32 $0x1FFFFFF0, s22;
	s14 =	spop (v2sf);
	(v2sf) =	vpush v1, $0x9  }
0x92: {  	s22 =	sadd.s32 s6, s22;
	s14 =	sand.u32 $0x1FFFFFF0, s14;
	s17 =	spop (v2sf)  }
0x93: {  	[tilespmem:s8], [sflag:$0x9] =	stream.linear.gather [hbm4b:s22+s19], $0x40, $0x38;
	(v2sf) =	vpush v1, $0xA;
	[tilespmem:$0x1EF88] =	vst v63  }
0x94: {  	s8 =	sadd.s32 s6, s14;
	s14 =	sand.u32 $0x1FFFFFF0, s17;
	s17 =	spop (v2sf)  }
0x95: {  	[tilespmem:s18], [sflag:$0x9] =	stream.linear.gather [hbm4b:s8+s19], $0x40, $0x38;
	(v2sf) =	vpush v1, $0xB;
	[tilespmem:$0x1EF88] =	vst v63  }
0x96: {  	s8 =	sadd.s32 s6, s14;
	s14 =	sand.u32 $0x1FFFFFF0, s17;
	s17 =	spop (v2sf)  }
0x97: {  	[tilespmem:s7], [sflag:$0x9] =	stream.linear.gather [hbm4b:s8+s19], $0x40, $0x38;
	(v2sf) =	vpush v1, $0xC;
	[tilespmem:$0x1EF88] =	vst v63  }
0x98: {  	s7 =	sadd.s32 s6, s14;
	s8 =	sand.u32 $0x1FFFFFF0, s17;
	s14 =	spop (v2sf)  }
0x99: {  	[tilespmem:s11], [sflag:$0x9] =	stream.linear.gather [hbm4b:s7+s19], $0x40, $0x38;
	(v2sf) =	vpush v1, $0xD;
	[tilespmem:$0x1EF88] =	vst v63  }
0x9a: {  	s7 =	sadd.s32 s6, s8;
	s8 =	sand.u32 $0x1FFFFFF0, s14;
	s11 =	spop (v2sf)  }
0x9b: {  	[tilespmem:s12], [sflag:$0x9] =	stream.linear.gather [hbm4b:s7+s19], $0x40, $0x38;
	(v2sf) =	vpush v1, $0xE;
	[tilespmem:$0x1EF88] =	vst v63  }
0x9c: {  	s7 =	sadd.s32 s6, s8;
	s8 =	sand.u32 $0x1FFFFFF0, s11;
	s11 =	spop (v2sf)  }
0x9d: {  	[tilespmem:s15], [sflag:$0x9] =	stream.linear.gather [hbm4b:s7+s19], $0x40, $0x38;
	(v2sf) =	vpush v1, $0xF;
	[tilespmem:$0x1EF88] =	vst v63  }
0x9e: {  	s7 =	sadd.s32 s6, s8;
	s8 =	sand.u32 $0x1FFFFFF0, s11;
	s11 =	spop (v2sf)  }
0x9f: {  	[tilespmem:s10], [sflag:$0x9] =	stream.linear.gather [hbm4b:s7+s19], $0x40, $0x38;
	[tilespmem:$0x1EF88] =	vst v63  }
0xa0: {  	s7 =	sadd.s32 s6, s8;
	s8 =	sand.u32 $0x1FFFFFF0, s11;
	s10 =	spop (v2sf)  }
0xa1: {  	[tilespmem:s9], [sflag:$0x9] =	stream.linear.gather [hbm4b:s7+s19], $0x40, $0x38;
	[tilespmem:$0x1EF88] =	vst v63  }
0xa2: {  	s7 =	sadd.s32 s6, s8;
	s8 =	sand.u32 $0x1FFFFFF0, s10;
	s9 =	spop (v2sf)  }
0xa3: {  	[tilespmem:s16], [sflag:$0x9] =	stream.linear.gather [hbm4b:s7+s19], $0x40, $0x38;
	[tilespmem:$0x1EF88] =	vst v63  }
0xa4: {  	s7 =	sadd.s32 s6, s8;
	s8 =	sand.u32 $0x1FFFFFF0, s9;
	s9 =	spop (v2sf)  }
0xa5: {  	[tilespmem:s3], [sflag:$0x9] =	stream.linear.gather [hbm4b:s7+s19], $0x40, $0x38;
	[tilespmem:$0x1EF88] =	vst v63  }
0xa6: {  	s3 =	sadd.s32 s6, s8;
	s7 =	sand.u32 $0x1FFFFFF0, s9;
	s8 =	spop (v2sf)  }
0xa7: {  	[tilespmem:s2], [sflag:$0x9] =	stream.linear.gather [hbm4b:s3+s19], $0x40, $0x38;
	[tilespmem:$0x1EF88] =	vst v63  }
0xa8: {  	s2 =	sadd.s32 s6, s7;
	s3 =	sand.u32 $0x1FFFFFF0, s8;
	s7 =	spop (v2sf)  }
0xa9: {  	[tilespmem:s5], [sflag:$0x9] =	stream.linear.gather [hbm4b:s2+s19], $0x40, $0x38;
	[tilespmem:$0x1EF88] =	vst v63  }
0xaa: {  	s2 =	sadd.s32 s6, s3;
	s3 =	sand.u32 $0x1FFFFFF0, s7;
	s5 =	spop (v2sf)  }
0xab: {  	[tilespmem:s4], [sflag:$0x9] =	stream.linear.gather [hbm4b:s2+s19], $0x40, $0x38;
	[tilespmem:$0x1EF88] =	vst v63  }
0xac: {  	s2 =	sadd.s32 s6, s3  }
.Ltmp4:
0xad: {  	s3 =	sand.u32 $0x1FFFFFF0, s5;
	s4 =	spop (v2sf);
	(pc) =	sbr.rel @p2 .LBB2_5-.Ltmp4, $4  }
0xae: {  	[tilespmem:s0], [sflag:$0x9] =	stream.linear.gather [hbm4b:s2+s19], $0x40, $0x38;
	[tilespmem:$0x1EF88] =	vst v63  }
0xaf: {  	s0 =	sadd.s32 s6, s3;
	s2 =	sadd.s32 $0xFFFFFF80, s30;
	s3 =	sand.u32 $0x1FFFFFF0, s4  }
0xb0: {  	[tilespmem:s2], [sflag:$0x9] =	stream.linear.gather [hbm4b:s0+s19], $0x40, $0x38;
	[tilespmem:$0x1EF88] =	vst v63  }
0xb1: {  	s31 =	sadd.s32 $0x10, s31;
	s30 =	sadd.s32 $0x800, s30;
	s2 =	sadd.s32 s6, s3  }
0xb2: {  	[tilespmem:s28], [sflag:$0x9] =	stream.linear.gather [hbm4b:s2+s19], $0x40, $0x38;
	[tilespmem:$0x1EF88] =	vst v63  }
0xb3: {  	s12 =	rddreg [dreg:$0x7]  }
0xb4: {  	s14 =	rddreg [dreg:$0x8]  }
0xb5: {  	s15 =	rddreg [dreg:$0x9]  }
0xb6: {  	s17 =	rddreg [dreg:$0xa]  }
0xb7: {  	s18 =	rddreg [dreg:$0xc]  }
0xb8: {  	s22 =	rddreg [dreg:$0xd]  }
.LBB2_7:
0xb9: {  	p2 =	slt.u32 s25, $0x2  }
.Ltmp5:
0xba: {  	_ = 	snop;
	(pc) =	sbr.rel @p2 .LBB2_25-.Ltmp5, $1  }
0xbb: {  	_ =	sdelay $0x3  }
0xbc: {  	p2 =	sgt.s32 s26, $0x13740;
	s0 =	smov.u32 s26;
	s2 =	sshra.s32 s26, $0x1F  }
0xbd: {  	s0 =	simm.s32 @!p2 $0x13740;
	s2 =	sand.u32 s2, s26  }
0xbe: {  	s0 =	ssub.s32 s0, s2  }
0xbf: {  	s0 =	sadd.s32 $0xFFFEC8C0, s0  }
0xc0: {  	s3 =	simm.s32 $0x9;
	s29 =	sshll.u32 s0, $0x2  }
0xc1: {  	_ =	swait.ge [sflag:s3], $0x5000;
	s2 =	ssub.s32 $0x500, s29  }
0xc2: {  	[sflag:s3] =	ssyncset.done $0x0;
	p2 =	sgt.s32 s0, $0x13F;
	s0 =	sshrl.u32 s2, $0x2  }
0xc3: {  	s30 =	simm.s32 $0xB;
	[sflag:s3] =	ssyncadd.s32 $0xFFFFB000;
	s0 =	simm.s32 @p2 $0x0  }
0xc4: {  	_ =	swait.ge [sflag:s30], s0  }
0xc5: {  	s0 =	ssub.s32 $0x0, s0;
	[sflag:s30] =	ssyncset.done $0x0  }
0xc6: {  	[sflag:s30] =	ssyncadd.s32 s0  }
0xc7: {  	v1 =	vld [tilespmem:$0xA108];
	_ =	sdelay $0x4  }
0xc8: {  	(v2sf) =	vpush v1, $0x0  }
0xc9: {  	(v2sf) =	vpush v1, $0x1  }
0xca: {  	(v2sf) =	vpush v1, $0x2;
	_ =	sdelay $0x3  }
0xcb: {  	s0 =	sadd.s32 $0x140, s26  }
0xcc: {  	s4 =	ssub.s32 $0x27100, s26;
	p2 =	slt.s32 s14, s0  }
0xcd: {  	s0 =	smov.u32 @p2 s14;
	p2 =	sgt.s32 s4, $0x0  }
0xce: {  	s0 =	ssub.s32 s0, s26;
	s4 =	simm.s32 @!p2 $0x0  }
0xcf: {  	p2 =	slt.s32 s4, s0  }
0xd0: {  	s0 =	smov.u32 @p2 s4  }
0xd1: {  	s2 =	simm.s32 $0x1;
	p2 =	slt.s32 s0, $0x1  }
.Ltmp6:
0xd2: {  	s2 =	simm.s32 @!p1 $0x0;
	(pc) =	sbr.rel @p2 .LBB2_12-.Ltmp6, $4  }
0xd3: {  	s7 =	smul.u32 $0x500, s2  }
0xd4: {  	s3 =	spop (v2sf)  }
0xd5: {  	s31 =	sshrl.u32 s7, $0x2;
	s5 =	spop (v2sf)  }
0xd6: {  	s28 =	sadd.s32 $0xAD08, s31;
	s26 =	spop (v2sf)  }
0xd7: {  	s4 =	smin.u32 s0, $0x10  }
0xd8: {  	v1 =	vmov s4  }
0xd9: {  	p3 =	sgt.s32 s0, $0x10;
	vm1 =	vgt.u32 v1, v0  }
.Ltmp7:
0xda: {  	_ = 	snop;
	(pc) =	sbr.rel @!p3 .LBB2_11-.Ltmp7, $2  }
0xdb: {  	_ =	sdelay $0x2  }
0xdc: {  	s9 =	simm.s32 $0x10;
	s10 =	sadd.s32 $0xFFFFFFF0, s0;
	s4 =	smov.u32 s28;
	vm0 =	vmmov vm1  }
.LBB2_10:
0xdd: {  	s7 =	smin.u32 s10, $0x10;
	s9 =	sadd.s32 $0x10, s9;
	v1 =	vld.msk [tilespmem:s4+$0x0 ss:$0x1], vm1  }
0xde: {  	v2 =	vmov s7;
	p3 =	slt.s32 s9, s0  }
0xdf: {  	vm1 =	vgt.u32 v2, v0  }
.Ltmp8:
0xe0: {  	(pc) =	sbr.rel @p3 .LBB2_10-.Ltmp8, $3  }
0xe1: {  	_ =	sdelay $0x1  }
0xe2: {  	v1 =	vshll.u32 v1, $0x4  }
0xe3: {  	s10 =	sadd.s32 $0xFFFFFFF0, s10;
	[tilespmem:s4+$0x0] =	vst.msk vm0, v1;
	s4 =	sadd.s32 $0x10, s4;
	vm0 =	vmmov vm1  }
.LBB2_11:
0xe4: {  	_ =	sdelay $0x4  }
0xe5: {  	v1 =	vld.msk [tilespmem:s4+$0x0 ss:$0x1], vm1;
	_ =	sdelay $0x4  }
0xe6: {  	v1 =	vshll.u32 v1, $0x4  }
0xe7: {  	[tilespmem:s4+$0x0] =	vst.msk vm0, v1  }
.LBB2_12:
0xe8: {  	s4 =	sand.u32 $0x1, s25  }
0xe9: {  	s4 =	smul.u32 $0x140, s4  }
0xea: {  	p3 =	sne.s32 s5, $0xFFFFFFFF  }
0xeb: {  	v1 =	vld.msk @!p3 [tilespmem:s4+$0xAD08], $0x1;
	_ =	sdelay $0x4  }
0xec: {  	(v2sf) =	vpush @!p3 v1, $0x0;
	_ =	sdelay $0xc  }
.Ltmp9:
0xed: {  	_ = 	snop;
	(pc) =	sbr.rel @p2 .LBB2_23-.Ltmp9, $4  }
0xee: {  	_ = 	snop  }
0xef: {  	s29 =	spop @!p3 (v2sf)  }
0xf0: {  	s31 =	simm.s32 $0xC;
	s26 =	simm.s32 @!p3 $0x0;
	s4 =	smov.u32 s29  }
0xf1: {  	[sflag:s31] =	ssyncpa.u1 $0x0;
	s29 =	smov.u32 @p3 s3;
	s4 =	smov.u32 @p3 s5  }
0xf2: {  	v1 =	vld.msk [tilespmem:s28+$0x0], $0x1;
	_ =	sdelay $0x4  }
0xf3: {  	(v2sf) =	vpush v1, $0x0;
	_ =	sdelay $0xe  }
0xf4: {  	s2 =	smul.u32 $0x28000, s2;
	s5 =	spop (v2sf)  }
0xf5: {  	s31 =	ssub.s32 $0x0, s0;
	p2 =	seq.s32 s29, s5  }
0xf6: {  	s3 =	smov.u32 s29;
	s2 =	sshrl.u32 s2, $0x2;
	p3 =	sgt.s32 @!p2 s29, $0x0  }
0xf7: {  	s30 =	sadd.s32 $0xAFA8, s2;
	s2 =	sadd.s32 $0x1, s31;
	p3 =	por !p3, p2  }
0xf8: {  	s3 =	simm.s32 @p3 $0x0;
	p3 =	seq.s32 s2, $0x0  }
.Ltmp10:
0xf9: {  	_ = 	snop;
	(pc) =	sbr.rel @p3 .LBB2_15-.Ltmp10, $4  }
0xfa: {  	_ = 	snop  }
0xfb: {  	s0 =	simm.s32 $0x0;
	s9 =	simm.s32 @!p2 $0x1;
	s3 =	smin.u32 @!p2 s3, $0x270F8  }
0xfc: {  	s10 =	simm.s32 @!p2 $0x50C8;
	s9 =	smov.u32 @p2 s0;
	s7 =	sand.u32 @!p2 $0x3FFF8, s3  }
0xfd: {  	s16 =	sand.u32 @!p2 $0x7, s3;
	s3 =	sadd.s32 $0x1, s28;
	s11 =	sadd.s32 @!p2 s1, s7  }
.LBB2_14:
0xfe: {  	s7 =	smov.u32 s9  }
0xff: {  	[tilespmem:s10], [sflag:$0x2] =	stream.linear.gather @!p2 [hbm4b:s11+s16], $0x40, $0x38;
	[tilespmem:$0x1EF88] =	vst v63  }
0x100: {  	s2 =	sadd.s32 $0x1, s2;
	s8 =	smov.u32 s5;
	v1 =	vld.msk [tilespmem:s3+$0x0], $0x1  }
0x101: {  	p3 =	seq.s32 s2, $0x0;
	_ =	sdelay $0x3  }
0x102: {  	(v2sf) =	vpush v1, $0x0;
	_ =	sdelay $0xe  }
0x103: {  	s5 =	spop (v2sf)  }
0x104: {  	p2 =	seq.s32 s8, s5  }
0x105: {  	p4 =	sgt.s32 @!p2 s8, $0x0;
	s10 =	sshll.u32 @!p2 s9, $0x8;
	s9 =	sadd.s32 @!p2 $0x1, s9  }
.Ltmp11:
0x106: {  	p4 =	por !p4, p2;
	s10 =	sshra.s32 @!p2 s10, $0x2;
	(pc) =	sbr.rel @!p3 .LBB2_14-.Ltmp11, $4  }
0x107: {  	s9 =	smov.u32 @p2 s7;
	s8 =	simm.s32 @p4 $0x0;
	s10 =	sadd.s32 @!p2 $0x50C8, s10  }
0x108: {  	s7 =	smin.u32 @!p2 s8, $0x270F8  }
0x109: {  	s8 =	sand.u32 @!p2 $0x3FFF8, s7;
	s16 =	sand.u32 @!p2 $0x7, s7  }
0x10a: {  	s3 =	sadd.s32 $0x1, s3;
	s11 =	sadd.s32 @!p2 s1, s8  }
.LBB2_15:
0x10b: {  	[tilespmem:s10], [sflag:$0x2] =	stream.linear.gather @!p2 [hbm4b:s11+s16], $0x40, $0x38;
	[tilespmem:$0x1EF88] =	vst v63  }
.Ltmp12:
0x10c: {  	s2 =	sshll.u32 s9, $0x6;
	(pc) =	sbr.rel .LBB2_16-.Ltmp12, $4  }
0x10d: {  	s3 =	simm.s32 $0x2;
	s2 =	sand.u32 $0x3FFFFFC0, s2  }
0x10e: {  	_ =	swait.ge [sflag:s3], s2  }
0x10f: {  	s2 =	ssub.s32 $0x0, s2;
	[sflag:s3] =	ssyncset.done $0x0  }
0x110: {  	[sflag:s3] =	ssyncadd.s32 s2;
	s3 =	simm.s32 $0x0  }
.LBB2_17:
0x111: {  	v1 =	vld [tilespmem:s30+$0xFFFFFFE0];
	_ =	sdelay $0x4  }
0x112: {  	[tilespmem:s5+$0x88] =	vst.add.f32.msk $0xffff, v1  }
0x113: {  	v1 =	vld [tilespmem:s30+$0xFFFFFFF0];
	_ =	sdelay $0x4  }
0x114: {  	[tilespmem:s5+$0x98] =	vst.add.f32.msk $0xffff, v1  }
0x115: {  	v1 =	vld [tilespmem:s30+$0x0];
	_ =	sdelay $0x4  }
0x116: {  	[tilespmem:s5+$0xA8] =	vst.add.f32.msk $0xffff, v1  }
0x117: {  	v1 =	vld [tilespmem:s30+$0x10];
	_ =	sdelay $0x4  }
0x118: {  	[tilespmem:s5+$0xB8] =	vst.add.f32.msk $0xffff, v1  }
.LBB2_21:
0x119: {  	s31 =	sadd.s32 $0x1, s31  }
0x11a: {  	p2 =	seq.s32 s31, $0x0  }
.Ltmp13:
0x11b: {  	_ = 	snop;
	(pc) =	sbr.rel @p2 .LBB2_22-.Ltmp13, $2  }
0x11c: {  	_ =	sdelay $0x2  }
0x11d: {  	s30 =	sadd.s32 $0x80, s30;
	s28 =	sadd.s32 $0x1, s28;
	s29 =	smov.u32 s2  }
.LBB2_16:
0x11e: {  	v1 =	vld.msk [tilespmem:s28+$0x0], $0x1;
	_ =	sdelay $0x4  }
0x11f: {  	(v2sf) =	vpush v1, $0x0;
	_ =	sdelay $0xe  }
0x120: {  	s2 =	spop (v2sf)  }
0x121: {  	p2 =	sne.s32 s29, s2  }
.Ltmp14:
0x122: {  	_ = 	snop;
	(pc) =	sbr.rel @!p2 .LBB2_17-.Ltmp14, $3  }
0x123: {  	_ =	sdelay $0x1  }
0x124: {  	s5 =	sshll.u32 s26, $0x8  }
0x125: {  	s5 =	sshra.s32 s5, $0x2  }
0x126: {  	p2 =	seq.s32 s29, s4  }
.Ltmp15:
0x127: {  	_ = 	snop;
	(pc) =	sbr.rel @!p2 .LBB2_19-.Ltmp15, $1  }
0x128: {  	_ =	sdelay $0x3  }
.Ltmp16:
0x129: {  	s5 =	sadd.s32 $0x88, s5;
	(pc) =	sbr.rel .LBB2_20-.Ltmp16, $4  }
0x12a: {  	[spmem:s18] =	stream.linear.scatter [tilespmem:s5], [sflag:$0x1], $0x40, $0x38;
	[tilespmem:$0x1EF88] =	vst v63  }
0x12b: {  	_ =	swait.ge [sflag:s13], $0x40  }
0x12c: {  	[sflag:s13] =	ssyncset.done $0x0  }
0x12d: {  	[sflag:s13] =	ssyncadd.s32 $0xFFFFFFC0  }
.LBB2_19:
0x12e: {  	s7 =	sshll.u32 s0, $0x8  }
0x12f: {  	s7 =	sshra.s32 s7, $0x2  }
0x130: {  	v1 =	vld [tilespmem:s7+$0x50C8];
	_ =	sdelay $0x4  }
0x131: {  	[tilespmem:s5+$0x88] =	vst.add.f32.msk $0xffff, v1  }
0x132: {  	v1 =	vld [tilespmem:s7+$0x50D8];
	_ =	sdelay $0x4  }
0x133: {  	[tilespmem:s5+$0x98] =	vst.add.f32.msk $0xffff, v1  }
0x134: {  	v1 =	vld [tilespmem:s7+$0x50E8];
	_ =	sdelay $0x4  }
0x135: {  	[tilespmem:s5+$0xA8] =	vst.add.f32.msk $0xffff, v1  }
0x136: {  	v1 =	vld [tilespmem:s7+$0x50F8];
	_ =	sdelay $0x2  }
0x137: {  	p2 =	sgt.u32 s29, $0x270F8  }
0x138: {  	s7 =	sand.u32 @!p2 $0x3FFF8, s29  }
0x139: {  	s8 =	sadd.s32 $0x88, s5;
	[tilespmem:s5+$0xB8] =	vst.add.f32.msk $0xffff, v1;
	s5 =	sadd.s32 @!p2 s1, s7;
	s7 =	sand.u32 @!p2 $0x7, s29  }
0x13a: {  	[hbm4b:s5+s7] =	stream.linear.scatter @!p2 [tilespmem:s8], [sflag:$0xC], $0x40, $0x38;
	[tilespmem:$0x1EF88] =	vst v63  }
0x13b: {  	s5 =	simm.s32 $0x0  }
0x13c: {  	s5 =	simm.s32 @!p2 $0x100  }
0x13d: {  	s3 =	sadd.s32 s5, s3  }
.LBB2_20:
0x13e: {  	s5 =	sadd.s32 $0x1, s26  }
0x13f: {  	s7 =	smulhi.u32 $0xCCCCCCCD, s5;
	_ =	sdelay $0x1  }
0x140: {  	v1 =	vld [tilespmem:s30+$0xFFFFFFE0];
	s7 =	sshrl.u32 s7, $0x8  }
0x141: {  	s7 =	smul.u32 $0x140, s7;
	_ =	sdelay $0x1  }
0x142: {  	s26 =	ssub.s32 s5, s7  }
0x143: {  	s5 =	sshll.u32 s26, $0x6  }
0x144: {  	[tilespmem:s5+$0x88] =	vst v1  }
0x145: {  	v1 =	vld [tilespmem:s30+$0xFFFFFFF0];
	_ =	sdelay $0x4  }
0x146: {  	[tilespmem:s5+$0x98] =	vst v1  }
0x147: {  	v1 =	vld [tilespmem:s30+$0x0];
	_ =	sdelay $0x4  }
0x148: {  	[tilespmem:s5+$0xA8] =	vst v1  }
0x149: {  	v1 =	vld [tilespmem:s30+$0x10]  }
.Ltmp17:
0x14a: {  	_ = 	snop;
	(pc) =	sbr.rel .LBB2_21-.Ltmp17, $2  }
0x14b: {  	_ =	sdelay $0x2  }
0x14c: {  	s0 =	sadd.s32 $0x1, s0;
	[tilespmem:s5+$0xB8] =	vst v1  }
.LBB2_23:
.Ltmp18:
0x14d: {  	(pc) =	sbr.rel .LBB2_24-.Ltmp18, $4  }
0x14e: {  	_ = 	snop  }
0x14f: {  	s0 =	simm.s32 $0x2  }
0x150: {  	_ =	swait.ge [sflag:s0], $0x0  }
0x151: {  	s2 =	smov.u32 s29;
	[sflag:s0] =	ssyncset.done $0x0;
	s0 =	simm.s32 $0x0  }
.LBB2_26:
0x152: {  	_ =	sfence.sel $0x180000  }
0x153: {  	s0 =	simm.s32 $0x9;
	[bflag:$0x0] =	sbarrier.arrive $0xFFFF  }
0x154: {  	s24 =	simm.s32 $0xA;
	[sflag:s0] =	ssyncpa.u1 $0x1  }
0x155: {  	s25 =	simm.s32 $0xB;
	[sflag:s24] =	ssyncpa.u1 $0x1  }
0x156: {  	s26 =	simm.s32 $0x2;
	[sflag:s25] =	ssyncpa.u1 $0x1  }
0x157: {  	[sflag:s26] =	ssyncpa.u1 $0x1  }
0x158: {  	v0 =	vld [tilespmem:$0xA108];
	_ =	sdelay $0x4  }
0x159: {  	(v2sf) =	vpush v0, $0x0  }
0x15a: {  	(v2sf) =	vpush v0, $0x1;
	_ =	sdelay $0x1  }
0x15b: {  	(v2sf) =	vpush v0, $0x2;
	_ =	sdelay $0xb  }
0x15c: {  	s0 =	spop (v2sf)  }
0x15d: {  	s2 =	spop (v2sf)  }
0x15e: {  	s3 =	smov.u32 s0;
	p0 =	sne.s32 s0, s2  }
0x15f: {  	s4 =	spop (v2sf);
	s3 =	simm.s32 @!p0 $0xFFFFFFFF  }
0x160: {  	v2 =	vimm.s32 $0x1;
	v3 =	vlaneseq.u32;
	p0 =	seq.s32 s4, $0xFFFFFFFF;
	v1 =	vmov s3  }
0x161: {  	s14 =	stileid.u32;
	v0 =	vperm.xlane v0, v2;
	p1 =	sne.s32 @!p0 s0, s2;
	v1 =	vperm.xlane v1, v3  }
0x162: {  	vm0 =	vcmask $0x3F04;
	s6 =	simm.s32 $0xA108;
	s0 =	simm.s32 @!p0 $0x1;
	p1 =	por !p1, p0  }
0x163: {  	s3 =	sshll.u32 s14, $0x1;
	s2 =	sshll.u32 @!p0 s4, $0x8;
	s0 =	simm.s32 @p1 $0x0;
	v0 =	vsel vm0, v1, v0  }
0x164: {  	s5 =	sor.u32 $0x800, s3;
	s2 =	sshra.s32 @!p0 s2, $0x2;
	s0 =	sor.u32 @!p0 s0, s3;
	[tilespmem:$0xA108] =	vst v0  }
0x165: {  	[spmem:s5] =	stream.linear.scatter [tilespmem:s6], [sflag:$0x1], $0x2, $0x38;
	[tilespmem:$0x1EF88] =	vst v63  }
0x166: {  	s2 =	sadd.s32 @!p0 $0x88, s2;
	s0 =	sshll.u32 @!p0 s0, $0x6  }
0x167: {  	[spmem:s0] =	stream.linear.scatter @!p0 [tilespmem:s2], [sflag:$0x1], $0x40, $0x38;
	[tilespmem:$0x1EF88] =	vst v63  }
0x168: {  	s0 =	simm.s32 @!p0 $0x42  }
0x169: {  	s28 =	simm.s32 $0x1;
	s0 =	simm.s32 @p0 $0x2  }
0x16a: {  	_ =	swait.ge [sflag:s28], s0  }
0x16b: {  	s0 =	ssub.s32 $0x0, s0;
	[sflag:s28] =	ssyncset.done $0x0  }
0x16c: {  	p0 =	sne.s32 s14, $0x0;
	[sflag:s28] =	ssyncadd.s32 s0  }
.Ltmp19:
0x16d: {  	_ =	sfence.stream.spmem;
	(pc) =	sbr.rel @p0 .LBB2_43-.Ltmp19, $4  }
0x16e: {  	s29 =	simm.s32 $0x3;
	[bflag:$0x0] =	sbarrier.arrive $0xFFFF  }
0x16f: {  	s30 =	simm.s32 $0x4;
	[sflag:s29] =	ssyncpa.u1 $0x1  }
0x170: {  	s31 =	simm.s32 $0x3C;
	[sflag:s30] =	ssyncpa.u1 $0x1  }
0x171: {  	s13 =	rddreg [dreg:$0x6];
	[sflag:s31] =	ssyncpa.u1 $0x1  }
0x172: {  	_ =	sfence.stream.spmem;
	s0 =	simm.s32 $0x5  }
0x173: {  	s2 =	simm.s32 $0x800;
	s3 =	simm.s32 $0xA118;
	[sflag:s0] =	ssyncpa.u1 $0x0  }
0x174: {  	[tilespmem:s3], [sflag:$0x5] =	stream.linear.gather [spmem:s2], $0x20, $0x38;
	[tilespmem:$0x1EF88] =	vst v63  }
0x175: {  	s26 =	simm.s32 $0x0;
	s28 =	simm.s32 $0xA138  }
0x176: {  	[tilespmem:s28], [sflag:$0x5] =	stream.linear.gather [spmem:s26], $0x800, $0x38;
	[tilespmem:$0x1EF88] =	vst v63  }
0x177: {  	_ =	swait.ge [sflag:s0], $0x820  }
0x178: {  	[sflag:s0] =	ssyncset.done $0x0  }
0x179: {  	s29 =	simm.s32 $0x0;
	[sflag:s0] =	ssyncadd.s32 $0xFFFFF7E0  }
0x17a: {  	v0 =	vld.msk [tilespmem:s29+$0xA118], $0x1;
	_ =	sdelay $0x1  }
0x17b: {  	s30 =	simm.s32 $0x1  }
0x17c: {  	v1 =	vld.msk [tilespmem:s30+$0xA118], $0x1;
	_ =	sdelay $0x1  }
0x17d: {  	(v2sf) =	vpush v0, $0x0;
	_ =	sdelay $0x2  }
0x17e: {  	(v2sf) =	vpush v1, $0x0;
	_ =	sdelay $0x2  }
0x17f: {  	s31 =	simm.s32 $0x2  }
0x180: {  	v0 =	vld.msk [tilespmem:s31+$0xA118], $0x1;
	_ =	sdelay $0x2  }
0x181: {  	s2 =	simm.s32 $0xFFFFFFFF;
	s3 =	simm.s32 $0xFFFFFFFF;
	s0 =	simm.s32 $0xC  }
.LBB2_28:
0x182: {  	s4 =	smov.u32 s3;
	s5 =	smov.u32 s2  }
0x183: {  	s2 =	sshra.s32 s0, $0x2;
	p1 =	sne.s32 s0, $0x7C;
	s0 =	sadd.s32 $0x4, s0;
	(v2sf) =	vpush v0, $0x0  }
0x184: {  	v0 =	vld.msk [tilespmem:s2+$0xA118], $0x1  }
.Ltmp20:
0x185: {  	(pc) =	sbr.rel @p1 .LBB2_28-.Ltmp20, $4  }
0x186: {  	s3 =	spop (v2sf)  }
0x187: {  	p2 =	sne.s32 s5, $0xFFFFFFFF;
	s2 =	smov.u32 s3  }
0x188: {  	p3 =	seq.s32 s3, $0xFFFFFFFF;
	s2 =	smov.u32 @p2 s5  }
0x189: {  	s3 =	smov.u32 @p3 s4;
	s2 =	smov.u32 @p3 s5  }
0x18a: {  	(v2sf) =	vpush v0, $0x0;
	_ =	sdelay $0x8  }
0x18b: {  	s0 =	spop (v2sf)  }
0x18c: {  	p1 =	sne.s32 s2, $0xFFFFFFFF;
	s4 =	smov.u32 s0  }
0x18d: {  	s6 =	simm.s32 $0x0;
	p2 =	seq.s32 s0, $0xFFFFFFFF;
	s4 =	smov.u32 @p1 s2  }
0x18e: {  	s9 =	simm.s32 $0xA0C8;
	s4 =	smov.u32 @p2 s2;
	s2 =	spop (v2sf)  }
0x18f: {  	s0 =	smov.u32 @p2 s3;
	p1 =	sne.s32 s4, $0xFFFFFFFF;
	s5 =	smov.u32 s2  }
.Ltmp21:
0x190: {  	p2 =	seq.s32 s2, $0xFFFFFFFF;
	s5 =	smov.u32 @p1 s4;
	(pc) =	sbr.rel .LBB2_30-.Ltmp21, $4  }
0x191: {  	s10 =	simm.s32 $0x0;
	s5 =	smov.u32 @p2 s4;
	s7 =	spop (v2sf)  }
0x192: {  	s2 =	smov.u32 @p2 s0;
	p1 =	sne.s32 s5, $0xFFFFFFFF;
	s8 =	smov.u32 s7  }
0x193: {  	s0 =	simm.s32 $0x6;
	p2 =	seq.s32 s7, $0xFFFFFFFF;
	s8 =	smov.u32 @p1 s5  }
0x194: {  	[sflag:s0] =	ssyncpa.u1 $0x0;
	s7 =	smov.u32 @p2 s2;
	s8 =	smov.u32 @p2 s5  }
.LBB2_36:
0x195: {  	p1 =	sgt.u32 s2, $0x270F8  }
0x196: {  	p2 =	seq.s32 @!p1 s2, s8  }
0x197: {  	p1 =	por p1, p2  }
0x198: {  	p2 =	sne.s32 @!p1 s2, s7  }
0x199: {  	p1 =	por p1, !p2  }
0x19a: {  	s2 =	sshll.u32 @p1 s10, $0x8  }
0x19b: {  	s3 =	sand.u32 @!p1 $0x3FFF8, s2  }
0x19c: {  	s2 =	sand.u32 @!p1 $0x7, s2;
	s3 =	sadd.s32 @!p1 s1, s3  }
0x19d: {  	[tilespmem:s9], [sflag:$0x6] =	stream.linear.gather @!p1 [hbm4b:s3+s2], $0x40, $0x38;
	[tilespmem:$0x1EF88] =	vst v63  }
0x19e: {  	_ =	swait.ge @!p1 [sflag:s0], $0x40  }
0x19f: {  	[sflag:s0] =	ssyncset.done @!p1 $0x0  }
0x1a0: {  	[sflag:s0] =	ssyncadd.s32 @!p1 $0xFFFFFFC0  }
0x1a1: {  	v1 =	vld @!p1 [tilespmem:$0xA0C8];
	_ =	sdelay $0x2  }
0x1a2: {  	s2 =	sshll.u32 @!p1 s10, $0x8  }
0x1a3: {  	s3 =	sshrl.u32 @!p1 s2, $0x2  }
0x1a4: {  	[tilespmem:s3+$0xA138] =	vst.add.f32.msk @!p1 $0xffff, v1  }
0x1a5: {  	v1 =	vld @!p1 [tilespmem:$0xA0D8];
	_ =	sdelay $0x4  }
0x1a6: {  	[tilespmem:s3+$0xA148] =	vst.add.f32.msk @!p1 $0xffff, v1  }
0x1a7: {  	v1 =	vld @!p1 [tilespmem:$0xA0E8];
	_ =	sdelay $0x4  }
0x1a8: {  	[tilespmem:s3+$0xA158] =	vst.add.f32.msk @!p1 $0xffff, v1  }
0x1a9: {  	v1 =	vld @!p1 [tilespmem:$0xA0F8];
	_ =	sdelay $0x4  }
0x1aa: {  	[tilespmem:s3+$0xA168] =	vst.add.f32.msk @!p1 $0xffff, v1  }
0x1ab: {  	s2 =	sshrl.u32 s2, $0x2;
	[tilespmem:s6+$0xA118] =	vst.msk $0x1, v0  }
0x1ac: {  	v0 =	vld [tilespmem:s2+$0xA138];
	_ =	sdelay $0x2  }
0x1ad: {  	s31 =	sshll.u32 s6, $0x8  }
0x1ae: {  	s3 =	sshra.s32 s31, $0x2  }
0x1af: {  	[tilespmem:s3+$0xA138] =	vst v0  }
0x1b0: {  	v0 =	vld [tilespmem:s2+$0xA148];
	_ =	sdelay $0x4  }
0x1b1: {  	[tilespmem:s3+$0xA148] =	vst v0  }
0x1b2: {  	v0 =	vld [tilespmem:s2+$0xA158];
	_ =	sdelay $0x4  }
0x1b3: {  	[tilespmem:s3+$0xA158] =	vst v0  }
0x1b4: {  	v0 =	vld [tilespmem:s2+$0xA168];
	_ =	sdelay $0x4  }
0x1b5: {  	s6 =	sadd.s32 $0x1, s6;
	[tilespmem:s3+$0xA168] =	vst v0  }
.LBB2_37:
0x1b6: {  	s10 =	sadd.s32 $0x1, s10  }
0x1b7: {  	p1 =	sne.s32 s10, $0x20  }
.Ltmp22:
0x1b8: {  	_ = 	snop;
	(pc) =	sbr.rel @!p1 .LBB2_38-.Ltmp22, $1  }
0x1b9: {  	_ =	sdelay $0x3  }
.LBB2_30:
0x1ba: {  	v0 =	vld.msk [tilespmem:s10+$0xA118], $0x1;
	_ =	sdelay $0x4  }
0x1bb: {  	(v2sf) =	vpush v0, $0x0;
	_ =	sdelay $0xe  }
0x1bc: {  	s2 =	spop (v2sf)  }
0x1bd: {  	p1 =	seq.s32 s2, $0xFFFFFFFF  }
.Ltmp23:
0x1be: {  	_ = 	snop;
	(pc) =	sbr.rel @p1 .LBB2_37-.Ltmp23, $1  }
0x1bf: {  	_ =	sdelay $0x3  }
0x1c0: {  	p1 =	slt.s32 s6, $0x1  }
.Ltmp24:
0x1c1: {  	_ = 	snop;
	(pc) =	sbr.rel @p1 .LBB2_36-.Ltmp24, $1  }
0x1c2: {  	_ =	sdelay $0x3  }
0x1c3: {  	s3 =	simm.s32 $0xA118;
	p1 =	por $0x0, $0x0  }
0x1c4: {  	v1 =	vld.msk @!p1 [tilespmem:s3+$0x0], $0x1;
	_ =	sdelay $0x4  }
0x1c5: {  	(v2sf) =	vpush @!p1 v1, $0x0;
	_ =	sdelay $0xd  }
0x1c6: {  	p3 =	sne.s32 s6, $0x1  }
.Ltmp25:
0x1c7: {  	s4 =	spop @!p1 (v2sf);
	(pc) =	sbr.rel @!p3 .LBB2_34-.Ltmp25, $4  }
0x1c8: {  	p2 =	seq.s32 @!p1 s2, s4  }
0x1c9: {  	s4 =	simm.s32 $0x0;
	p2 =	por !p2, p1  }
0x1ca: {  	s11 =	simm.s32 $0xFFFFFFFF;
	s4 =	simm.s32 @p2 $0xFFFFFFFF  }
0x1cb: {  	s5 =	simm.s32 $0x1;
	s4 =	smov.u32 @p1 s11  }
.LBB2_33:
0x1cc: {  	s11 =	smov.u32 s4;
	p1 =	sne.s32 s4, $0xFFFFFFFF  }
0x1cd: {  	s3 =	sadd.s32 $0x1, s3;
	s4 =	smov.u32 s5;
	s5 =	sadd.s32 $0x1, s5  }
0x1ce: {  	p2 =	sne.s32 s6, s5;
	v1 =	vld.msk @!p1 [tilespmem:s3+$0x0], $0x1;
	_ =	sdelay $0x4  }
0x1cf: {  	(v2sf) =	vpush @!p1 v1, $0x0;
	_ =	sdelay $0xe  }
.Ltmp26:
0x1d0: {  	s12 =	spop @!p1 (v2sf);
	(pc) =	sbr.rel @p2 .LBB2_33-.Ltmp26, $4  }
0x1d1: {  	p3 =	seq.s32 @!p1 s2, s12  }
0x1d2: {  	p3 =	por !p3, p1  }
0x1d3: {  	s4 =	simm.s32 @p3 $0xFFFFFFFF  }
0x1d4: {  	s4 =	smov.u32 @p1 s11  }
.LBB2_34:
0x1d5: {  	p1 =	seq.s32 s4, $0xFFFFFFFF  }
.Ltmp27:
0x1d6: {  	_ = 	snop;
	(pc) =	sbr.rel @p1 .LBB2_36-.Ltmp27, $1  }
0x1d7: {  	_ =	sdelay $0x3  }
0x1d8: {  	s2 =	sshll.u32 s10, $0x6  }
0x1d9: {  	s2 =	sand.u32 $0x3FFFFFC0, s2  }
0x1da: {  	v0 =	vld [tilespmem:s2+$0xA138];
	_ =	sdelay $0x2  }
0x1db: {  	s3 =	sshll.u32 s4, $0x8  }
0x1dc: {  	s3 =	sshra.s32 s3, $0x2  }
0x1dd: {  	[tilespmem:s3+$0xA138] =	vst.add.f32.msk $0xffff, v0  }
0x1de: {  	v0 =	vld [tilespmem:s2+$0xA148];
	_ =	sdelay $0x4  }
0x1df: {  	[tilespmem:s3+$0xA148] =	vst.add.f32.msk $0xffff, v0  }
0x1e0: {  	v0 =	vld [tilespmem:s2+$0xA158];
	_ =	sdelay $0x4  }
0x1e1: {  	[tilespmem:s3+$0xA158] =	vst.add.f32.msk $0xffff, v0  }
0x1e2: {  	v0 =	vld [tilespmem:s2+$0xA168]  }
.Ltmp28:
0x1e3: {  	_ = 	snop;
	(pc) =	sbr.rel .LBB2_37-.Ltmp28, $2  }
0x1e4: {  	_ =	sdelay $0x2  }
0x1e5: {  	[tilespmem:s3+$0xA168] =	vst.add.f32.msk $0xffff, v0  }
.LBB2_38:
0x1e6: {  	s0 =	simm.s32 $0x6;
	p1 =	seq.s32 s6, $0x0  }
0x1e7: {  	[sflag:s0] =	ssyncpa.u1 $0x1;
	v0 =	vimm.s32 @p1 $0xFFFFFFFF  }
0x1e8: {  	s0 =	sadd.s32 $0xFFFFFFFF, s6;
	[tilespmem:$0xA938] =	vst @p1 v0  }
0x1e9: {  	v0 =	vld.msk @!p1 [tilespmem:s0+$0xA118], $0x1;
	_ =	sdelay $0x1  }
0x1ea: {  	v1 =	vld.msk @!p1 [tilespmem:$0xA118], $0x1;
	_ =	sdelay $0x2  }
0x1eb: {  	p2 =	seq.s32 @!p1 s0, $0x0;
	v0 =	vbroadcast @!p1 v0, $0x0  }
0x1ec: {  	vm0 =	vmmov @!p1 $0x1;
	p2 =	por !p2, p1  }
0x1ed: {  	v1 =	vnsel @!p1 vm0, $0xFFFFFFFF, v1;
	vm0 =	vcmask @!p1 $0x308;
	v0 =	vpsel !p2, $0xFFFFFFFF, v0  }
0x1ee: {  	p2 =	sne.s32 @!p1 s8, s7;
	v0 =	vsel @!p1 vm0, v1, v0  }
0x1ef: {  	s2 =	simm.s32 @!p1 $0xA138;
	s3 =	simm.s32 @!p1 $0x0;
	p3 =	por !p2, p1;
	[tilespmem:$0xA938] =	vst @!p1 v0  }
0x1f0: {  	[spmem:s3] =	stream.linear.scatter @!p1 [tilespmem:s2], [sflag:$0x1], $0x40, $0x38;
	[tilespmem:$0x1EF88] =	vst v63  }
0x1f1: {  	s2 =	sshll.u32 @!p3 s0, $0x8  }
0x1f2: {  	s2 =	sshra.s32 @!p3 s2, $0x2  }
0x1f3: {  	s3 =	simm.s32 @!p3 $0x40;
	s2 =	sadd.s32 @!p3 $0xA138, s2  }
0x1f4: {  	[spmem:s3] =	stream.linear.scatter @!p3 [tilespmem:s2], [sflag:$0x1], $0x40, $0x38;
	[tilespmem:$0x1EF88] =	vst v63  }
0x1f5: {  	s2 =	simm.s32 @!p3 $0x1  }
0x1f6: {  	_ =	swait.ge @!p3 [sflag:s2], $0x80  }
0x1f7: {  	p1 =	por p2, p1;
	[sflag:s2] =	ssyncset.done @!p3 $0x0  }
0x1f8: {  	[sflag:s2] =	ssyncadd.s32 @!p3 $0xFFFFFF80;
	s2 =	simm.s32 @!p1 $0x1  }
0x1f9: {  	_ =	swait.ge @!p1 [sflag:s2], $0x40  }
0x1fa: {  	s29 =	simm.s32 $0xA938;
	[sflag:s2] =	ssyncset.done @!p1 $0x0  }
0x1fb: {  	s30 =	simm.s32 $0x800;
	s31 =	simm.s32 $0x1;
	[sflag:s2] =	ssyncadd.s32 @!p1 $0xFFFFFFC0  }
0x1fc: {  	[spmem:s30] =	stream.linear.scatter [tilespmem:s29], [sflag:$0x1], $0x10, $0x38;
	[tilespmem:$0x1EF88] =	vst v63  }
0x1fd: {  	_ =	swait.ge [sflag:s31], $0x10  }
0x1fe: {  	[sflag:s31] =	ssyncset.done $0x0  }
0x1ff: {  	p1 =	seq.s32 s13, $0x0;
	s9 =	rddreg [dreg:$0x3];
	[sflag:s31] =	ssyncadd.s32 $0xFFFFFFF0  }
0x200: {  	s3 =	sshll.u32 @p1 s9, $0xE;
	s8 =	rddreg [dreg:$0x4]  }
0x201: {  	s2 =	sadd.s32 @p1 $0x15C3C, s3;
	s3 =	sshll.u32 @p1 s8, $0x11  }
0x202: {  	_ =	sfence.stream.spmem;
	s2 =	sor.u32 @p1 s3, s2  }
0x203: {  	[sflag:s2] =	ssyncadd.remote.s32 @p1 $0x1;
	s2 =	simm.s32 @p1 $0x4  }
0x204: {  	s4 =	simm.s32 @!p1 $0x3C;
	s3 =	sand.u32 $0xFFFFFFFE, s9;
	_ =	swait.ge @p1 [sflag:s2], $0x12  }
0x205: {  	s5 =	simm.s32 @!p1 $0x0;
	s3 =	sadd.s32 @!p1 $0x4, s3;
	[sflag:s2] =	ssyncset.done @p1 $0x0  }
0x206: {  	s7 =	simm.s32 @!p1 $0x80;
	[sflag:s2] =	ssyncadd.s32 @p1 $0xFFFFFFEE;
	s2 =	sshll.u32 @!p1 s3, $0x1A  }
0x207: {  	s3 =	sshll.u32 @!p1 s3, $0xD;
	s2 =	sor.u32 @!p1 s2, s8;
	_ =	swait.eq @!p1 [sflag:s4], $0x1  }
0x208: {  	s3 =	sor.u32 @!p1 $0x1C04, s3;
	s4 =	simm.s32 @!p1 $0x1C03;
	s2 =	sor.u32 @!p1 $0x80004000, s2  }
0x209: {  	[spmem:s7], [sflag:s3] =	dma.general @!p1 [spmem:s5], [sflag:s4], length:$0x10, [dreg:$0x0], stride_count:$0x0, ici_dest:s2, dma_misc:DstOpCode:WRITE  }
0x20a: {  	p2 =	slt.s32 s0, $0x2;
	s5 =	simm.s32 @!p1 $0x100;
	s7 =	simm.s32 @!p1 $0x102  }
0x20b: {  	[spmem:s7], [sflag:s3] =	dma.general @!p1 [spmem:s5], [sflag:s4], length:$0x2, [dreg:$0x0], stride_count:$0x0, ici_dest:s2, dma_misc:DstOpCode:WRITE  }
.Ltmp29:
0x20c: {  	s2 =	simm.s32 @!p1 $0x3;
	(pc) =	sbr.rel @p2 .LBB2_42-.Ltmp29, $4  }
0x20d: {  	s3 =	sshll.u32 @!p1 s9, $0xE;
	_ =	swait.ge @!p1 [sflag:s2], $0x12  }
0x20e: {  	s4 =	sshll.u32 @!p1 s8, $0x11;
	s3 =	sadd.s32 @!p1 $0x11C3C, s3;
	[sflag:s2] =	ssyncset.done @!p1 $0x0  }
0x20f: {  	[sflag:s2] =	ssyncadd.s32 @!p1 $0xFFFFFFEE;
	s2 =	sor.u32 @!p1 s4, s3  }
0x210: {  	s0 =	simm.s32 $0x0;
	[sflag:s2] =	ssyncadd.remote.s32 @!p1 $0xFFFFFFFF  }
0x211: {  	s0 =	simm.s32 $0xA119  }
0x212: {  	v0 =	vld.msk [tilespmem:s0+$0x0], $0x1;
	_ =	sdelay $0x4  }
0x213: {  	(v2sf) =	vpush v0, $0x0;
	_ =	sdelay $0xc  }
0x214: {  	s2 =	sadd.s32 $0xFFFFFFFE, s6  }
0x215: {  	s2 =	sadd.s32 $0xFFFFFFFF, s2  }
0x216: {  	p2 =	sne.s32 s2, $0x0;
	s3 =	spop (v2sf)  }
.Ltmp30:
0x217: {  	p1 =	sgt.u32 s3, $0x270F8;
	(pc) =	sbr.rel @!p2 .LBB2_41-.Ltmp30, $4  }
0x218: {  	s5 =	simm.s32 $0x0;
	s4 =	sand.u32 @!p1 $0x3FFF8, s3  }
0x219: {  	s0 =	simm.s32 $0xA178;
	s3 =	sand.u32 @!p1 $0x7, s3;
	s4 =	sadd.s32 @!p1 s1, s4  }
0x21a: {  	[hbm4b:s4+s3] =	stream.linear.scatter @!p1 [tilespmem:s0], [sflag:$0x5], $0x40, $0x38;
	[tilespmem:$0x1EF88] =	vst v63  }
0x21b: {  	s5 =	simm.s32 @!p1 $0x100;
	s3 =	simm.s32 $0x0;
	s4 =	simm.s32 $0xA11A  }
.LBB2_40:
0x21c: {  	v0 =	vld.msk [tilespmem:s4+$0x0], $0x1;
	s2 =	sadd.s32 $0xFFFFFFFF, s2;
	s3 =	sadd.s32 s3, s5  }
0x21d: {  	p1 =	sne.s32 s2, $0x0;
	_ =	sdelay $0x3  }
0x21e: {  	(v2sf) =	vpush v0, $0x0;
	_ =	sdelay $0xe  }
.Ltmp31:
0x21f: {  	s6 =	spop (v2sf);
	(pc) =	sbr.rel @p1 .LBB2_40-.Ltmp31, $4  }
0x220: {  	s5 =	simm.s32 $0x0;
	p2 =	sgt.u32 s6, $0x270F8  }
0x221: {  	s0 =	sadd.s32 $0x40, s0;
	s5 =	simm.s32 @!p2 $0x100;
	s7 =	sand.u32 @!p2 $0x3FFF8, s6  }
0x222: {  	s4 =	sadd.s32 $0x1, s4;
	s6 =	sand.u32 @!p2 $0x7, s6;
	s7 =	sadd.s32 @!p2 s1, s7  }
0x223: {  	[hbm4b:s7+s6] =	stream.linear.scatter @!p2 [tilespmem:s0], [sflag:$0x5], $0x40, $0x38;
	[tilespmem:$0x1EF88] =	vst v63  }
.LBB2_41:
0x224: {  	s0 =	sadd.s32 s3, s5  }
0x225: {  	s0 =	sshrl.u32 s0, $0x2  }
.LBB2_42:
0x226: {  	s2 =	simm.s32 $0x5  }
0x227: {  	_ =	swait.ge [sflag:s2], s0  }
0x228: {  	s31 =	ssub.s32 $0x0, s0;
	[sflag:s2] =	ssyncset.done $0x0  }
0x229: {  	[sflag:s2] =	ssyncadd.s32 s31  }
0x22a: {  	[sflag:s2] =	ssyncpa.u1 $0x1  }
.LBB2_43:
0x22b: {  	s0 =	sor.u32 s13, s14  }
0x22c: {  	p1 =	sne.s32 s0, $0x0  }
.Ltmp32:
0x22d: {  	_ = 	snop;
	(pc) =	sbr.rel @p1 .LBB2_58-.Ltmp32, $3  }
0x22e: {  	_ =	sdelay $0x1  }
0x22f: {  	[bflag:$0x0] =	sbarrier.arrive $0xFFFF  }
0x230: {  	_ =	sfence  }
0x231: {  	s2 =	simm.s32 $0x7  }
0x232: {  	s0 =	simm.s32 $0x800;
	s3 =	simm.s32 $0xA118;
	[sflag:s2] =	ssyncpa.u1 $0x0  }
0x233: {  	[tilespmem:s3], [sflag:$0x7] =	stream.linear.gather [spmem:s0], $0x20, $0x38;
	[tilespmem:$0x1EF88] =	vst v63  }
0x234: {  	s30 =	simm.s32 $0xA138;
	s0 =	simm.s32 $0x0  }
0x235: {  	[tilespmem:s30], [sflag:$0x7] =	stream.linear.gather [spmem:s0], $0x800, $0x38;
	[tilespmem:$0x1EF88] =	vst v63  }
.Ltmp33:
0x236: {  	_ = 	snop;
	(pc) =	sbr.rel .LBB2_45-.Ltmp33, $4  }
0x237: {  	_ =	swait.ge [sflag:s2], $0x820  }
0x238: {  	[sflag:s2] =	ssyncset.done $0x0  }
0x239: {  	s31 =	simm.s32 $0x8;
	[sflag:s2] =	ssyncadd.s32 $0xFFFFF7E0  }
0x23a: {  	s2 =	simm.s32 $0x0;
	[sflag:s31] =	ssyncpa.u1 $0x0  }
.LBB2_51:
0x23b: {  	p1 =	slt.u32 s3, $0x270F9  }
0x23c: {  	s4 =	sand.u32 @p1 $0x3FFF8, s3  }
0x23d: {  	s3 =	sand.u32 @p1 $0x7, s3;
	s5 =	simm.s32 @p1 $0xA0C8;
	s4 =	sadd.s32 @p1 s1, s4  }
0x23e: {  	[tilespmem:s5], [sflag:$0x8] =	stream.linear.gather @p1 [hbm4b:s4+s3], $0x40, $0x38;
	[tilespmem:$0x1EF88] =	vst v63  }
0x23f: {  	s3 =	simm.s32 @p1 $0x8  }
0x240: {  	_ =	swait.ge @p1 [sflag:s3], $0x40  }
0x241: {  	[sflag:s3] =	ssyncset.done @p1 $0x0  }
0x242: {  	[sflag:s3] =	ssyncadd.s32 @p1 $0xFFFFFFC0  }
0x243: {  	v1 =	vld @p1 [tilespmem:$0xA0C8];
	_ =	sdelay $0x2  }
0x244: {  	s3 =	sshll.u32 @p1 s2, $0x8  }
0x245: {  	s4 =	sshrl.u32 @p1 s3, $0x2  }
0x246: {  	[tilespmem:s4+$0xA138] =	vst.add.f32.msk @p1 $0xffff, v1  }
0x247: {  	v1 =	vld @p1 [tilespmem:$0xA0D8];
	_ =	sdelay $0x4  }
0x248: {  	[tilespmem:s4+$0xA148] =	vst.add.f32.msk @p1 $0xffff, v1  }
0x249: {  	v1 =	vld @p1 [tilespmem:$0xA0E8];
	_ =	sdelay $0x4  }
0x24a: {  	[tilespmem:s4+$0xA158] =	vst.add.f32.msk @p1 $0xffff, v1  }
0x24b: {  	v1 =	vld @p1 [tilespmem:$0xA0F8];
	_ =	sdelay $0x3  }
0x24c: {  	s5 =	sshll.u32 @!p1 s2, $0x8  }
0x24d: {  	s5 =	smov.u32 @p1 s3;
	[tilespmem:s4+$0xA168] =	vst.add.f32.msk @p1 $0xffff, v1  }
0x24e: {  	s3 =	sshrl.u32 s5, $0x2;
	[tilespmem:s0+$0xA118] =	vst.msk $0x1, v0  }
0x24f: {  	v0 =	vld [tilespmem:s3+$0xA138];
	_ =	sdelay $0x2  }
0x250: {  	s31 =	sshll.u32 s0, $0x8  }
0x251: {  	s4 =	sshra.s32 s31, $0x2  }
0x252: {  	[tilespmem:s4+$0xA138] =	vst v0  }
0x253: {  	v0 =	vld [tilespmem:s3+$0xA148];
	_ =	sdelay $0x4  }
0x254: {  	[tilespmem:s4+$0xA148] =	vst v0  }
0x255: {  	v0 =	vld [tilespmem:s3+$0xA158];
	_ =	sdelay $0x4  }
0x256: {  	[tilespmem:s4+$0xA158] =	vst v0  }
0x257: {  	v0 =	vld [tilespmem:s3+$0xA168];
	_ =	sdelay $0x4  }
0x258: {  	s0 =	sadd.s32 $0x1, s0;
	[tilespmem:s4+$0xA168] =	vst v0  }
.LBB2_52:
0x259: {  	s2 =	sadd.s32 $0x1, s2  }
0x25a: {  	p1 =	sne.s32 s2, $0x20  }
.Ltmp34:
0x25b: {  	_ = 	snop;
	(pc) =	sbr.rel @!p1 .LBB2_53-.Ltmp34, $1  }
0x25c: {  	_ =	sdelay $0x3  }
.LBB2_45:
0x25d: {  	v0 =	vld.msk [tilespmem:s2+$0xA118], $0x1;
	_ =	sdelay $0x4  }
0x25e: {  	(v2sf) =	vpush v0, $0x0;
	_ =	sdelay $0xe  }
0x25f: {  	s3 =	spop (v2sf)  }
0x260: {  	p1 =	seq.s32 s3, $0xFFFFFFFF  }
.Ltmp35:
0x261: {  	_ = 	snop;
	(pc) =	sbr.rel @p1 .LBB2_52-.Ltmp35, $1  }
0x262: {  	_ =	sdelay $0x3  }
0x263: {  	p1 =	slt.s32 s0, $0x1  }
.Ltmp36:
0x264: {  	_ = 	snop;
	(pc) =	sbr.rel @p1 .LBB2_51-.Ltmp36, $1  }
0x265: {  	_ =	sdelay $0x3  }
0x266: {  	s4 =	simm.s32 $0xA118;
	p1 =	por $0x0, $0x0  }
0x267: {  	v1 =	vld.msk @!p1 [tilespmem:s4+$0x0], $0x1;
	_ =	sdelay $0x4  }
0x268: {  	(v2sf) =	vpush @!p1 v1, $0x0;
	_ =	sdelay $0xd  }
0x269: {  	p3 =	sne.s32 s0, $0x1  }
.Ltmp37:
0x26a: {  	s5 =	spop @!p1 (v2sf);
	(pc) =	sbr.rel @!p3 .LBB2_49-.Ltmp37, $4  }
0x26b: {  	p2 =	seq.s32 @!p1 s3, s5  }
0x26c: {  	s5 =	simm.s32 $0x0;
	p2 =	por !p2, p1  }
0x26d: {  	s7 =	simm.s32 $0xFFFFFFFF;
	s5 =	simm.s32 @p2 $0xFFFFFFFF  }
0x26e: {  	s6 =	simm.s32 $0x1;
	s5 =	smov.u32 @p1 s7  }
.LBB2_48:
0x26f: {  	s7 =	smov.u32 s5;
	p1 =	sne.s32 s5, $0xFFFFFFFF  }
0x270: {  	s4 =	sadd.s32 $0x1, s4;
	s5 =	smov.u32 s6;
	s6 =	sadd.s32 $0x1, s6  }
0x271: {  	p2 =	sne.s32 s0, s6;
	v1 =	vld.msk @!p1 [tilespmem:s4+$0x0], $0x1;
	_ =	sdelay $0x4  }
0x272: {  	(v2sf) =	vpush @!p1 v1, $0x0;
	_ =	sdelay $0xe  }
.Ltmp38:
0x273: {  	s8 =	spop @!p1 (v2sf);
	(pc) =	sbr.rel @p2 .LBB2_48-.Ltmp38, $4  }
0x274: {  	p3 =	seq.s32 @!p1 s3, s8  }
0x275: {  	p3 =	por !p3, p1  }
0x276: {  	s5 =	simm.s32 @p3 $0xFFFFFFFF  }
0x277: {  	s5 =	smov.u32 @p1 s7  }
.LBB2_49:
0x278: {  	p1 =	seq.s32 s5, $0xFFFFFFFF  }
.Ltmp39:
0x279: {  	_ = 	snop;
	(pc) =	sbr.rel @p1 .LBB2_51-.Ltmp39, $1  }
0x27a: {  	_ =	sdelay $0x3  }
0x27b: {  	s3 =	sshll.u32 s2, $0x6  }
0x27c: {  	s3 =	sand.u32 $0x3FFFFFC0, s3  }
0x27d: {  	v0 =	vld [tilespmem:s3+$0xA138];
	_ =	sdelay $0x2  }
0x27e: {  	s4 =	sshll.u32 s5, $0x8  }
0x27f: {  	s4 =	sshra.s32 s4, $0x2  }
0x280: {  	[tilespmem:s4+$0xA138] =	vst.add.f32.msk $0xffff, v0  }
0x281: {  	v0 =	vld [tilespmem:s3+$0xA148];
	_ =	sdelay $0x4  }
0x282: {  	[tilespmem:s4+$0xA148] =	vst.add.f32.msk $0xffff, v0  }
0x283: {  	v0 =	vld [tilespmem:s3+$0xA158];
	_ =	sdelay $0x4  }
0x284: {  	[tilespmem:s4+$0xA158] =	vst.add.f32.msk $0xffff, v0  }
0x285: {  	v0 =	vld [tilespmem:s3+$0xA168]  }
.Ltmp40:
0x286: {  	_ = 	snop;
	(pc) =	sbr.rel .LBB2_52-.Ltmp40, $2  }
0x287: {  	_ =	sdelay $0x2  }
0x288: {  	[tilespmem:s4+$0xA168] =	vst.add.f32.msk $0xffff, v0  }
.LBB2_53:
0x289: {  	p1 =	slt.s32 s0, $0x1  }
.Ltmp41:
0x28a: {  	_ = 	snop;
	(pc) =	sbr.rel @p1 .LBB2_57-.Ltmp41, $3  }
0x28b: {  	_ =	sdelay $0x1  }
0x28c: {  	s2 =	simm.s32 $0x8  }
0x28d: {  	[sflag:s2] =	ssyncpa.u1 $0x1;
	s2 =	simm.s32 $0x0  }
0x28e: {  	s3 =	simm.s32 $0xA118  }
0x28f: {  	v0 =	vld.msk [tilespmem:s3+$0x0], $0x1;
	_ =	sdelay $0x4  }
0x290: {  	(v2sf) =	vpush v0, $0x0;
	_ =	sdelay $0xe  }
0x291: {  	s0 =	sadd.s32 $0xFFFFFFFF, s0;
	s4 =	spop (v2sf)  }
0x292: {  	p2 =	sne.s32 s0, $0x0;
	p1 =	sgt.u32 s4, $0x270F8  }
.Ltmp42:
0x293: {  	s5 =	sand.u32 @!p1 $0x3FFF8, s4;
	(pc) =	sbr.rel @!p2 .LBB2_56-.Ltmp42, $4  }
0x294: {  	s3 =	simm.s32 $0xA138;
	s4 =	sand.u32 @!p1 $0x7, s4;
	s5 =	sadd.s32 @!p1 s1, s5  }
0x295: {  	[hbm4b:s5+s4] =	stream.linear.scatter @!p1 [tilespmem:s3], [sflag:$0x7], $0x40, $0x38;
	[tilespmem:$0x1EF88] =	vst v63  }
0x296: {  	s5 =	simm.s32 $0x0  }
0x297: {  	s4 =	simm.s32 $0xA119;
	s5 =	simm.s32 @!p1 $0x100  }
.LBB2_55:
0x298: {  	v0 =	vld.msk [tilespmem:s4+$0x0], $0x1;
	s0 =	sadd.s32 $0xFFFFFFFF, s0;
	s2 =	sadd.s32 s2, s5  }
0x299: {  	p1 =	sne.s32 s0, $0x0;
	_ =	sdelay $0x3  }
0x29a: {  	(v2sf) =	vpush v0, $0x0;
	_ =	sdelay $0xe  }
.Ltmp43:
0x29b: {  	s6 =	spop (v2sf);
	(pc) =	sbr.rel @p1 .LBB2_55-.Ltmp43, $4  }
0x29c: {  	s5 =	simm.s32 $0x0;
	p2 =	sgt.u32 s6, $0x270F8  }
0x29d: {  	s3 =	sadd.s32 $0x40, s3;
	s5 =	simm.s32 @!p2 $0x100;
	s7 =	sand.u32 @!p2 $0x3FFF8, s6  }
0x29e: {  	s4 =	sadd.s32 $0x1, s4;
	s6 =	sand.u32 @!p2 $0x7, s6;
	s7 =	sadd.s32 @!p2 s1, s7  }
0x29f: {  	[hbm4b:s7+s6] =	stream.linear.scatter @!p2 [tilespmem:s3], [sflag:$0x7], $0x40, $0x38;
	[tilespmem:$0x1EF88] =	vst v63  }
.LBB2_56:
0x2a0: {  	s0 =	sadd.s32 s2, s5  }
0x2a1: {  	s2 =	sshrl.u32 s0, $0x2  }
.LBB2_57:
0x2a2: {  	s0 =	simm.s32 $0x7  }
0x2a3: {  	_ =	swait.ge [sflag:s0], s2  }
0x2a4: {  	s1 =	ssub.s32 $0x0, s2;
	[sflag:s0] =	ssyncset.done $0x0  }
0x2a5: {  	[sflag:s0] =	ssyncadd.s32 s1  }
0x2a6: {  	[sflag:s0] =	ssyncpa.u1 $0x1  }
.LBB2_58:
0x2a7: {  	_ =	sfence;
	s0 =	simm.s32 $0x1  }
0x2a8: {  	[sflag:s0] =	ssyncpa.u1 $0x1  }
0x2a9: {  	_ =	strace $0x9000004D  }
0x2aa: {  	[bflag:$0x2] =	sbarrier.arrive $0xFFFF  }
0x2ab: {  	s0 =	rddreg [dreg:$0x5]  }
0x2ac: {  	s0 =	sadd.s32 @!p0 $0x100000, s0  }
0x2ad: {  	[sflag:s0] =	ssyncadd.tile.s32 @!p0 $0x1;
	_ =	shalt  }
.Lfunc_end2:
_tile_overlayer_lowered:
.L_overlay_start_2:
0x2ae: {  	(tag) =	ssettag $0x2  }
0x2af: {  	s0 =	rddreg [dreg:$0x0];
	s2 =	stileid.u32  }
0x2b0: {  	s1 =	rddreg [dreg:$0x1];
	p0 =	sne.s32 s2, $0x0  }
0x2b1: {  	s3 =	rddreg [dreg:$0x2];
	[bflag:$0x3] =	sbarrier.arrive $0xFFFF;
	s2 =	simm.s32 @!p0 $0x1C01  }
0x2b2: {  	[timem:s3], [sflag:s2] =	dma.local @!p0 [hbm:s0], s1  }
0x2b3: {  	s0 =	simm.s32 @!p0 $0x1  }
0x2b4: {  	_ =	swait.ge @!p0 [sflag:s0], s1  }
0x2b5: {  	s1 =	ssub.s32 @!p0 $0x0, s1;
	[sflag:s0] =	ssyncset.done @!p0 $0x0  }
0x2b6: {  	[sflag:s0] =	ssyncadd.s32 @!p0 s1  }
0x2b7: {  	[bflag:$0x3] =	sbarrier.arrive $0xFFFF  }
0x2b8: {  	_ =	shalt  }

// kernel: scatter_offload_async_start.3
scs
__scs_entry_jumppad:
0x0: {  	(pc) =	sbr.rel $0x88, $3  }
0x1: {  	(tag) =	ssettag $0x0;
	lr =	simm.s32 $0x1  }
0x2: {  	[smem:$0x3F90] =	sst lr;
	_ =	strace $0xD0000000  }
0x3: {  	_ = 	snop  }
0x4: {  	_ = 	snop  }
0x5: {  	_ = 	snop  }
0x6: {  	_ = 	snop  }
0x7: {  	_ = 	snop  }
__scs_overlays_trampoline_lowered:
0x8: {  	[smem:$0x3F9F] =	sst s0  }
0x9: {  	[smem:$0x3FA0] =	sst s1  }
0xa: {  	[smem:$0x3FA1] =	sst s2  }
0xb: {  	[smem:$0x3FA2] =	sst s3  }
0xc: {  	[smem:$0x3FA3] =	sst s4  }
0xd: {  	[smem:$0x3FA4] =	sst s5  }
0xe: {  	[smem:$0x3FA5] =	sst s6  }
0xf: {  	[smem:$0x3FA6] =	sst s7  }
0x10: {  	[smem:$0x3FA7] =	sst s8  }
0x11: {  	[smem:$0x3FA8] =	sst s9;
	s0 =	simm.s32 @!p0 $0x0  }
0x12: {  	s1 =	sld [smem:$0x3F8E];
	s0 =	simm.s32 @p0 $0x1  }
0x13: {  	[smem:$0x3FA9] =	sst s0;
	s0 =	simm.s32 @!p1 $0x0  }
0x14: {  	s2 =	sld [smem:$0x3F8D];
	s0 =	simm.s32 @p1 $0x1  }
0x15: {  	[smem:$0x3FAA] =	sst s0;
	s0 =	simm.s32 @!p2 $0x0  }
0x16: {  	s3 =	sld [smem:$0x3FDB];
	s0 =	simm.s32 @p2 $0x1  }
0x17: {  	s4 =	simm.s32 $0x1BF5;
	[smem:$0x3FAC] =	sst s0  }
0x18: {  	s0 =	sld [smem:$0x3F8F];
	_ =	swait.ge [sflag:s4], $0x0  }
0x19: {  	s7 =	sld [smem:$0x3F90]  }
0x1a: {  	s8 =	sadd.s32 $0xFFFFE003, lr  }
0x1b: {  	s9 =	sadd.s32 $0xFFFFFEF7, lr;
	s5 =	simm.s32 $0xFFFFFFFF;
	p2 =	slt.u32 s8, $0xFFFFF086  }
0x1c: {  	p1 =	slt.u32 s9, $0xF7A;
	s5 =	simm.s32 @!p2 $0x0  }
0x1d: {  	s5 =	simm.s32 @p1 $0x1;
	p0 =	seq.s32 s7, s2  }
0x1e: {  	s7 =	smul.u32 @!p0 $0xF7A, s2;
	p2 =	seq.s32 @!p0 s5, $0x0  }
0x1f: {  	s9 =	smul.u32 $0xF7A, s1;
	s8 =	simm.s32 @!p0 $0x1BF5;
	p2 =	por !p2, p0  }
0x20: {  	[sflag:s8] =	ssyncset.s32 @!p0 $0xFFFFF086;
	s6 =	sadd.s32 @!p0 s3, s7;
	s7 =	simm.s32 @!p0 $0x108  }
0x21: {  	s3 =	sadd.s32 s3, s9;
	s6 =	sadd.s32 @!p0 $0x88, s6;
	s7 =	simm.s32 @p2 $0x1082  }
0x22: {  	[simem:s7], [sflag:s8] =	dma.local @!p0 [hbm:s6], $0xF7A  }
0x23: {  	s9 =	sor.u32 $0xD0000000, s2;
	s6 =	simm.s32 $0x108;
	_ =	swait.ge @!p0 [sflag:s8], $0x0  }
0x24: {  	s3 =	sadd.s32 $0x88, s3;
	s6 =	simm.s32 @!p1 $0x1082;
	[sflag:s4] =	ssyncset.s32 $0xFFFFF086  }
0x25: {  	[simem:s6], [sflag:s4] =	dma.local [hbm:s3], $0xF7A  }
0x26: {  	[smem:$0x3F90] =	sst s1;
	(tag) =	ssettag s2;
	_ =	strace s9  }
0x27: {  	s1 =	sld [smem:$0x3FA0]  }
0x28: {  	s2 =	sld [smem:$0x3FA1]  }
0x29: {  	s4 =	sld [smem:$0x3FA3]  }
0x2a: {  	p0 =	seq.s32 s5, $0x0;
	s5 =	sld [smem:$0x3FA4]  }
0x2b: {  	s6 =	sld [smem:$0x3FA5]  }
0x2c: {  	s7 =	sld [smem:$0x3FA6]  }
0x2d: {  	s3 =	simm.s32 $0x108;
	s8 =	sld [smem:$0x3FA7]  }
0x2e: {  	s3 =	simm.s32 @!p0 $0x1082;
	s9 =	sld [smem:$0x3FA8]  }
0x2f: {  	lr =	sadd.s32 s0, s3;
	s0 =	sld [smem:$0x3F9F]  }
0x30: {  	s3 =	sld [smem:$0x3FA2]  }
0x31: {  	[smem:$0x3FAB] =	sst s10  }
0x32: {  	s10 =	sld [smem:$0x3FA9];
	_ =	sdelay $0x3  }
0x33: {  	p0 =	seq.s32 s10, $0x1;
	s10 =	sld [smem:$0x3FAB];
	_ =	sdelay $0x3  }
0x34: {  	[smem:$0x3FAB] =	sst s10  }
0x35: {  	s10 =	sld [smem:$0x3FAA];
	_ =	sdelay $0x3  }
0x36: {  	p1 =	seq.s32 s10, $0x1;
	s10 =	sld [smem:$0x3FAB];
	_ =	sdelay $0x3  }
0x37: {  	[smem:$0x3FAB] =	sst s10  }
0x38: {  	s10 =	sld [smem:$0x3FAC]  }
0x39: {  	_ = 	snop;
	(pc) =	sbr.ind lr, $3  }
0x3a: {  	_ = 	snop  }
0x3b: {  	_ = 	snop  }
0x3c: {  	p2 =	seq.s32 s10, $0x1;
	s10 =	sld [smem:$0x3FAB]  }
0x3d: {  	_ =	shalt  }
0x3e: {  	_ =	shalt  }
0x3f: {  	_ =	shalt  }
0x40: {  	_ =	shalt  }
0x41: {  	_ =	shalt  }
0x42: {  	_ =	shalt  }
0x43: {  	_ =	shalt  }
0x44: {  	_ =	shalt  }
0x45: {  	_ =	shalt  }
0x46: {  	_ =	shalt  }
0x47: {  	_ =	shalt  }
0x48: {  	_ =	shalt  }
0x49: {  	_ =	shalt  }
0x4a: {  	_ =	shalt  }
0x4b: {  	_ =	shalt  }
0x4c: {  	_ =	shalt  }
0x4d: {  	_ =	shalt  }
0x4e: {  	_ =	shalt  }
0x4f: {  	_ =	shalt  }
0x50: {  	_ =	shalt  }
0x51: {  	_ =	shalt  }
0x52: {  	_ =	shalt  }
0x53: {  	_ =	shalt  }
0x54: {  	_ =	shalt  }
0x55: {  	_ =	shalt  }
0x56: {  	_ =	shalt  }
0x57: {  	_ =	shalt  }
0x58: {  	_ =	shalt  }
0x59: {  	_ =	shalt  }
0x5a: {  	_ =	shalt  }
0x5b: {  	_ =	shalt  }
0x5c: {  	_ =	shalt  }
0x5d: {  	_ =	shalt  }
0x5e: {  	_ =	shalt  }
0x5f: {  	_ =	shalt  }
0x60: {  	_ =	shalt  }
0x61: {  	_ =	shalt  }
0x62: {  	_ =	shalt  }
0x63: {  	_ =	shalt  }
0x64: {  	_ =	shalt  }
0x65: {  	_ =	shalt  }
0x66: {  	_ =	shalt  }
0x67: {  	_ =	shalt  }
0x68: {  	_ =	shalt  }
0x69: {  	_ =	shalt  }
0x6a: {  	_ =	shalt  }
0x6b: {  	_ =	shalt  }
0x6c: {  	_ =	shalt  }
0x6d: {  	_ =	shalt  }
0x6e: {  	_ =	shalt  }
0x6f: {  	_ =	shalt  }
0x70: {  	_ =	shalt  }
0x71: {  	_ =	shalt  }
0x72: {  	_ =	shalt  }
0x73: {  	_ =	shalt  }
0x74: {  	_ =	shalt  }
0x75: {  	_ =	shalt  }
0x76: {  	_ =	shalt  }
0x77: {  	_ =	shalt  }
0x78: {  	_ =	shalt  }
0x79: {  	_ =	shalt  }
0x7a: {  	_ =	shalt  }
0x7b: {  	_ =	shalt  }
0x7c: {  	_ =	shalt  }
0x7d: {  	_ =	shalt  }
0x7e: {  	_ =	shalt  }
0x7f: {  	_ =	shalt  }
0x80: {  	_ =	shalt  }
0x81: {  	_ =	shalt  }
0x82: {  	_ =	shalt  }
0x83: {  	_ =	shalt  }
0x84: {  	_ =	shalt  }
0x85: {  	_ =	shalt  }
0x86: {  	_ =	shalt  }
0x87: {  	_ =	shalt  }
.Lfunc_end0:
.L_simem_size_0:
called_computation.3_lowered:
.L_overlay_start_0:
0x88: {  	s2 =	sld [smem:$0x3FD9]  }
0x89: {  	s3 =	sld [smem:$0x3FFE];
	_ =	sdelay $0x1  }
0x8a: {  	s1 =	srdreg.scid  }
0x8b: {  	s0 =	sand.u32 $0x1, s1  }
0x8c: {  	s13 =	sshll.u32 s0, $0xA;
	s2 =	sadd.s32 s3, s2  }
0x8d: {  	s2 =	sadd.s32 s2, s13  }
0x8e: {  	[smem:$0x3FB7] =	sst s2  }
0x8f: {  	_ = 	snop  }
0x90: {  	s2 =	sld [smem:$0x3FD0];
	_ =	sdelay $0x2  }
0x91: {  	s14 =	simm.s32 $0xB;
	s4 =	simm.s32 $0x10  }
0x92: {  	[smem:s4], [sflag:s14] =	dma.local [hbm:s2], $0x1  }
0x93: {  	_ =	swait.eq [sflag:s14], $0x1  }
0x94: {  	[sflag:s14] =	ssyncset.done $0x0  }
0x95: {  	s15 =	sld [smem:$0x10];
	[sflag:s14] =	ssyncadd.s32 $0xFFFFFFFF  }
0x96: {  	s16 =	sld [smem:$0x11];
	(tm) =	ssettm $0x1  }
0x97: {  	s17 =	sld [smem:$0x3FFB];
	_ =	sdelay $0x3  }
0x98: {  	_ =	strace s17  }
0x99: {  	s4 =	sld [smem:$0x3FFC];
	_ =	sdelay $0x3  }
0x9a: {  	_ =	strace s4  }
0x9b: {  	s4 =	sld [smem:$0x3FFD];
	_ =	sdelay $0x3  }
0x9c: {  	_ =	strace s4  }
0x9d: {  	_ =	strace $0x8FFFFFFF  }
0x9e: {  	s18 =	sld [smem:$0x3FDB];
	_ =	sdelay $0x1  }
0x9f: {  	s5 =	simm.s32 $_scs_section_size  }
0xa0: {  	s6 =	simm.s32 $_size__tile_overlayer_lowered;
	s7 =	simm.s32 $_tile_overlayer_lowered  }
0xa1: {  	s21 =	simm.s32 $0x1BFF;
	s20 =	sshll.u32 s7, $0x1;
	s4 =	sadd.s32 s5, s18  }
0xa2: {  	s8 =	simm.s32 $0x0;
	s19 =	sshll.u32 s6, $0x1;
	s6 =	sadd.s32 s20, s4  }
0xa3: {  	[timem:s8], [sflag:s21] =	dma.local [hbm:s6], s19  }
0xa4: {  	_ =	swait.ge [sflag:s21], s19  }
0xa5: {  	s5 =	ssub.s32 $0x0, s19;
	[sflag:s21] =	ssyncset.done $0x0  }
0xa6: {  	[sflag:s21] =	ssyncadd.s32 s5;
	_ =	sdelay $0x1  }
0xa7: {  	s22 =	simm.s32 $0x1B8B  }
0xa8: {  	_ =	swait.ge [sflag:s22], $0x1  }
0xa9: {  	[sflag:s22] =	ssyncset.done $0x0  }
0xaa: {  	s23 =	sld [smem:$0x3FFE];
	[sflag:s22] =	ssyncadd.s32 $0xFFFFFFFF  }
0xab: {  	s25 =	simm.s32 $0x1B8E;
	s24 =	sld [smem:$0x0]  }
0xac: {  	s26 =	simm.s32 $execute0_lowered;
	[smem:$0x3FD2] =	sst s25  }
0xad: {  	s7 =	sshll.u32 s26, $0x1;
	_ =	strace $0x8000004F;
	[dreg:$0x1] =	wrdreg $0xFFFFFFFF  }
0xae: {  	s28 =	simm.s32 $_size_execute0_lowered;
	s4 =	sadd.s32 s4, s7;
	[dreg:$0x0] =	wrdreg $0x0  }
0xaf: {  	s7 =	sshll.u32 s28, $0x1;
	[dreg:$0x2] =	wrdreg s4  }
0xb0: {  	[dreg:$0x3] =	wrdreg s7  }
0xb1: {  	[dreg:$0x4] =	wrdreg $0xC0  }
0xb2: {  	_ =	task [dreg:s8], $0x5FFFF  }
0xb3: {  	[dreg:$0x1] =	wrdreg $0xFFFFFFFF  }
0xb4: {  	[dreg:$0x0] =	wrdreg $0x60  }
0xb5: {  	[dreg:$0x2] =	wrdreg s16  }
0xb6: {  	[dreg:$0x3] =	wrdreg s15  }
0xb7: {  	[dreg:$0x4] =	wrdreg s23  }
0xb8: {  	[dreg:$0x5] =	wrdreg s1  }
0xb9: {  	[dreg:$0x6] =	wrdreg s24  }
0xba: {  	[dreg:$0x7] =	wrdreg $0x9  }
0xbb: {  	_ =	task.clear_ibuf [dreg:s8], $0x8FFFF;
	_ =	strace $0x9000004F  }
0xbc: {  	s29 =	simm.s32 $0x9;
	_ =	strace $0x80000051  }
0xbd: {  	_ =	swait.ge [sflag:s29], $0x1  }
0xbe: {  	[sflag:s29] =	ssyncadd.s32 $0xFFFFFFFF  }
0xbf: {  	_ =	strace $0x90000051  }
0xc0: {  	_ =	sfence  }
0xc1: {  	s30 =	sld [smem:$0x0];
	_ =	sdelay $0x2  }
0xc2: {  	s31 =	sshll.u32 s1, $0xD;
	s1 =	sshrl.u32 s1, $0x2  }
0xc3: {  	s3 =	sand.u32 $0x4000, s31;
	s1 =	sadd.s32 s1, s30  }
0xc4: {  	s0 =	sor.u32 s3, s0;
	s1 =	sshll.u32 s1, $0x11  }
0xc5: {  	s0 =	sor.u32 s1, s0  }
0xc6: {  	s0 =	sadd.s32 $0x8F2B, s0  }
0xc7: {  	[sflag:s0] =	ssyncadd.remote.s32 $0x1  }
0xc8: {  	_ =	sfence.sel $0xFFFF  }
0xc9: {  	[dreg:$0x0] =	wrdreg $0xFFFFFFFF;
	(pc) =	sbr.abs _section_cstart, $3  }
0xca: {  	[dreg:$0x1] =	wrdreg $0xFFFFFFFF  }
0xcb: {  	_ =	task.clear_ibuf [dreg:s8], $0x2FFFF;
	_ =	strace $0x9FFFFFFF  }
0xcc: {  	(tm) =	ssettm $0x7FFFFFFF  }
0xcd: {  	_ =	shalt  }
tec
execute0_lowered:
.L_overlay_start_1:
0x0: {  	(tag) =	ssettag $0x1  }
0x1: {  	s1 =	rddreg [dreg:$0x0]  }
0x2: {  	s0 =	rddreg [dreg:$0x1]  }
0x3: {  	s2 =	rddreg [dreg:$0x2]  }
0x4: {  	s7 =	rddreg [dreg:$0x3];
	_ =	strace $0x80000050;
	s3 =	simm.s32 $0x1  }
0x5: {  	s5 =	simm.s32 $0x208;
	v0 =	vimm.s32 $0x0;
	[sflag:s3] =	ssyncpa.u1 $0x0  }
0x6: {  	[tilespmem:s5+$0x70] =	vst v0  }
0x7: {  	[tilespmem:s5+$0x60] =	vst v0  }
0x8: {  	[tilespmem:s5+$0x50] =	vst v0  }
0x9: {  	[tilespmem:s5+$0x40] =	vst v0  }
0xa: {  	[tilespmem:s5+$0x30] =	vst v0  }
0xb: {  	s6 =	sadd.s32 $0x179200, s2;
	[tilespmem:s5+$0x20] =	vst v0  }
0xc: {  	s4 =	sadd.s32 $0x3B200, s2;
	s10 =	sand.u32 $0x1, s7;
	s2 =	simm.s32 $0x40;
	[tilespmem:s5+$0x10] =	vst v0  }
.LBB2_1:
0xd: {  	s2 =	sadd.s32 $0x40, s2;
	[tilespmem:s5+$0x0] =	vst v0;
	s5 =	sadd.s32 $0x80, s5  }
0xe: {  	p0 =	slt.u32 s2, $0x3880;
	[tilespmem:s5+$0x70] =	vst v0  }
0xf: {  	[tilespmem:s5+$0x60] =	vst v0  }
.Ltmp0:
0x10: {  	[tilespmem:s5+$0x50] =	vst v0;
	(pc) =	sbr.rel @p0 .LBB2_1-.Ltmp0, $4  }
0x11: {  	[tilespmem:s5+$0x40] =	vst v0  }
0x12: {  	[tilespmem:s5+$0x30] =	vst v0  }
0x13: {  	[tilespmem:s5+$0x20] =	vst v0  }
0x14: {  	[tilespmem:s5+$0x10] =	vst v0  }
0x15: {  	s11 =	stileid.u32  }
0x16: {  	s2 =	smul.u32 $0x2C, s11  }
0x17: {  	s3 =	smin.u32 s11, $0xB  }
0x18: {  	s2 =	sadd.s32 s3, s2  }
0x19: {  	p0 =	slt.u32 s11, $0xB;
	s20 =	smul.u32 $0x70, s2;
	s2 =	simm.s32 $0x13B0  }
0x1a: {  	s2 =	simm.s32 @!p0 $0x1340  }
0x1b: {  	s2 =	sadd.s32 s2, s20  }
0x1c: {  	s8 =	smin.u32 s2, $0x13880  }
0x1d: {  	s26 =	simm.s32 $0x2;
	s2 =	ssub.s32 s8, s20  }
0x1e: {  	s9 =	simm.s32 $0x9;
	s29 =	simm.s32 $0xA;
	p0 =	sgt.s32 s2, $0x0  }
0x1f: {  	s30 =	simm.s32 $0xB;
	s31 =	smul.u32 $0x2710, s10;
	s2 =	simm.s32 @!p0 $0x0  }
0x20: {  	[dreg:$0x6] =	wrdreg s10;
	s12 =	simm.s32 $0x1;
	s25 =	smulhi.u32 $0x92492493, s2  }
0x21: {  	s24 =	simm.s32 $0x0;
	p1 =	por $0x0, $0x0;
	s18 =	simm.s32 $0x80  }
0x22: {  	s19 =	simm.s32 $0x400;
	s17 =	simm.s32 $0xC;
	s3 =	sshrl.u32 s25, $0x6  }
0x23: {  	s21 =	simm.s32 $0x0;
	s23 =	simm.s32 $0x0;
	s28 =	smul.u32 $0x70, s3  }
.Ltmp1:
0x24: {  	[tilespmem:s5+$0x0] =	vst v0;
	v0 =	vimm.s32 $0xFFFFFFFF;
	[sflag:s26] =	ssyncpa.u1 $0x0;
	s16 =	sshll.u32 s11, $0x9;
	(pc) =	sbr.rel .LBB2_3-.Ltmp1, $4  }
0x25: {  	[tilespmem:$0xE408] =	vst v0;
	[sflag:s9] =	ssyncpa.u1 $0x0;
	p0 =	sne.s32 s2, s28;
	s2 =	simm.s32 $0x1  }
0x26: {  	s14 =	sadd.s32 s31, s4;
	[sflag:s29] =	ssyncpa.u1 $0x0;
	s2 =	simm.s32 @!p0 $0x0  }
0x27: {  	s15 =	sadd.s32 s31, s0;
	[sflag:s30] =	ssyncpa.u1 $0x0;
	s13 =	sadd.s32 s2, s3  }
0x28: {  	v0 =	vlaneseq.u32;
	s22 =	smov.u32 s20;
	p0 =	por $0x1, $0x1;
	s11 =	sadd.s32 $0x1, s13  }
.LBB2_24:
0x29: {  	s2 =	sshrl.u32 s4, $0x2  }
.LBB2_26:
0x2a: {  	_ =	swait.ge [sflag:s17], s2  }
0x2b: {  	s31 =	ssub.s32 $0x0, s2;
	v1 =	vmov s26;
	vm0 =	veq.s32 v0, $0x0;
	[sflag:s17] =	ssyncset.done $0x0  }
0x2c: {  	vm15 =	veq.s32 v0, $0x2;
	v1 =	vsel vm0, s0, v1;
	[sflag:s17] =	ssyncadd.s32 s31  }
0x2d: {  	v1 =	vsel vm15, s24, v1;
	[sflag:s17] =	ssyncpa.u1 $0x1  }
0x2e: {  	[tilespmem:$0xE408] =	vst v1  }
.LBB2_27:
0x2f: {  	s0 =	sadd.s32 $0x70, s22  }
0x30: {  	s2 =	smov.u32 s20;
	p2 =	slt.s32 s0, s8  }
0x31: {  	s2 =	smov.u32 @p2 s0;
	p2 =	sne.s32 s23, s11  }
.Ltmp2:
0x32: {  	_ = 	snop;
	(pc) =	sbr.rel @!p2 .LBB2_28-.Ltmp2, $4  }
0x33: {  	_ = 	snop  }
0x34: {  	s24 =	smov.u32 s21  }
0x35: {  	s31 =	sadd.s32 $0x1, s23;
	s21 =	smov.u32 s22;
	p0 =	por !p0, !p0  }
0x36: {  	p1 =	por !p1, !p1;
	s23 =	smov.u32 s31;
	s22 =	smov.u32 s2  }
.LBB2_3:
0x37: {  	p2 =	sge.u32 s23, s13  }
0x38: {  	s0 =	smulhi.u32 @!p2 $0xAAAAAAAB, s23  }
0x39: {  	s2 =	smov.u32 s22;
	p3 =	sgt.s32 @!p2 s22, $0x13810  }
0x3a: {  	s3 =	sshra.s32 @!p2 s22, $0x1F;
	p3 =	por !p3, p2;
	s0 =	sshrl.u32 @!p2 s0, $0x1  }
0x3b: {  	s3 =	sand.u32 @!p2 s3, s22;
	s2 =	simm.s32 @p3 $0x13810;
	s0 =	smul.u32 @!p2 $0x3, s0  }
0x3c: {  	s2 =	ssub.s32 @!p2 s2, s3  }
0x3d: {  	s2 =	sadd.s32 @!p2 $0xFFFEC7F0, s2;
	s0 =	ssub.s32 @!p2 s23, s0  }
0x3e: {  	s3 =	sshll.u32 @!p2 s2, $0x2;
	p3 =	sgt.s32 @!p2 s2, $0x6F;
	s0 =	smul.u32 @!p2 $0x1C0, s0  }
0x3f: {  	s4 =	sand.u32 @!p2 $0x7, s22;
	s2 =	ssub.s32 @!p2 $0x1C0, s3;
	p3 =	por !p3, p2  }
0x40: {  	s3 =	sshrl.u32 @!p2 s22, $0x3;
	s2 =	sshrl.u32 @!p2 s2, $0x2;
	s0 =	sshrl.u32 @!p2 s0, $0x2  }
0x41: {  	s3 =	sadd.s32 @!p2 s3, s14;
	s2 =	simm.s32 @!p3 $0x0;
	s0 =	sadd.s32 @!p2 $0x10448, s0  }
0x42: {  	[tilespmem:s0], [sflag:$0xA] =	stream.linear.gather @!p2 [hbm4b:s3+s4], s2, $0x38;
	[tilespmem:$0x1E678] =	vst v63  }
0x43: {  	s2 =	sadd.s32 $0xFFFFFFFF, s23  }
0x44: {  	p2 =	sge.u32 s2, s13  }
0x45: {  	p3 =	sgt.s32 @!p2 s21, $0x13810  }
0x46: {  	s0 =	smov.u32 s21;
	s3 =	sshra.s32 @!p2 s21, $0x1F;
	p3 =	por !p3, p2  }
0x47: {  	s3 =	sand.u32 @!p2 s3, s21;
	s0 =	simm.s32 @p3 $0x13810  }
0x48: {  	s0 =	ssub.s32 @!p2 s0, s3  }
0x49: {  	s0 =	sadd.s32 @!p2 $0xFFFEC7F0, s0  }
0x4a: {  	s3 =	sshll.u32 @!p2 s0, $0x2  }
0x4b: {  	p3 =	sgt.s32 @!p2 s0, $0x6F;
	s0 =	ssub.s32 @!p2 $0x1C0, s3  }
0x4c: {  	p3 =	por !p3, p2;
	s0 =	sshrl.u32 @!p2 s0, $0x2  }
0x4d: {  	s4 =	simm.s32 @!p2 $0xA;
	s3 =	sand.u32 @!p2 $0x1, s2;
	s0 =	simm.s32 @!p3 $0x0  }
0x4e: {  	s3 =	smul.u32 @!p2 $0x1C0, s3;
	_ =	swait.ge @!p2 [sflag:s4], s0  }
0x4f: {  	s5 =	ssub.s32 @!p2 $0x0, s0;
	[sflag:s4] =	ssyncset.done @!p2 $0x0  }
0x50: {  	s3 =	sshrl.u32 @!p2 s3, $0x2;
	[sflag:s4] =	ssyncadd.s32 @!p2 s5;
	s4 =	sshrl.u32 @!p2 s21, $0x3  }
0x51: {  	s3 =	sadd.s32 @!p2 $0x10598, s3;
	s5 =	sand.u32 @!p2 $0x7, s21;
	s4 =	sadd.s32 @!p2 s4, s15  }
0x52: {  	[tilespmem:s3], [sflag:$0xB] =	stream.linear.gather @!p2 [hbm4b:s4+s5], s0, $0x38;
	[tilespmem:$0x1E678] =	vst v63  }
0x53: {  	s0 =	ssub.s32 @!p2 $0x13880, s21  }
0x54: {  	p3 =	slt.s32 @!p2 s0, $0x1  }
0x55: {  	p3 =	por p2, p3  }
.Ltmp3:
0x56: {  	_ = 	snop;
	(pc) =	sbr.rel @p3 .LBB2_9-.Ltmp3, $1  }
0x57: {  	_ =	sdelay $0x3  }
0x58: {  	s3 =	smulhi.u32 $0xAAAAAAAB, s2;
	_ =	sdelay $0x1  }
0x59: {  	s3 =	sshrl.u32 s3, $0x1  }
0x5a: {  	s3 =	smul.u32 $0x3, s3;
	_ =	sdelay $0x1  }
0x5b: {  	s30 =	ssub.s32 s2, s3  }
0x5c: {  	s4 =	simm.s32 $0x1;
	s2 =	smul.u32 $0x1C0, s30  }
.Ltmp4:
0x5d: {  	s4 =	simm.s32 @!p0 $0x0;
	(pc) =	sbr.rel .LBB2_6-.Ltmp4, $4  }
0x5e: {  	s31 =	smul.u32 $0x1C000, s4  }
0x5f: {  	p3 =	slt.s32 @!p2 s0, $0x70;
	s2 =	sshrl.u32 s2, $0x2  }
0x60: {  	p2 =	por !p3, p2;
	s3 =	sshrl.u32 s31, $0x2;
	s5 =	sadd.s32 $0x10448, s2  }
0x61: {  	s0 =	simm.s32 @p2 $0x70;
	s4 =	sor.u32 $0x10678, s3;
	s2 =	simm.s32 $0x0;
	v1 =	vmov s5  }
.LBB2_5:
0x62: {  	p2 =	sge.s32 s2, s0  }
.Ltmp5:
0x63: {  	_ = 	snop;
	(pc) =	sbr.rel @p2 .LBB2_9-.Ltmp5, $2  }
0x64: {  	_ =	sdelay $0x2  }
0x65: {  	s4 =	sadd.s32 $0x1000, s4  }
.LBB2_6:
0x66: {  	p2 =	sle.s32 s0, s2  }
.Ltmp6:
0x67: {  	_ = 	snop;
	(pc) =	sbr.rel @p2 .LBB2_5-.Ltmp6, $2  }
0x68: {  	_ =	sdelay $0x2  }
0x69: {  	s5 =	smov.u32 s2;
	s2 =	sadd.s32 $0x10, s2  }
0x6a: {  	s3 =	ssub.s32 s0, s5  }
0x6b: {  	p2 =	slt.s32 s3, $0x10  }
0x6c: {  	s3 =	simm.s32 @!p2 $0x10  }
0x6d: {  	v2 =	vmov s3  }
0x6e: {  	vm0 =	vgt.s32 v2, v0;
	_ =	sdelay $0x5  }
0x6f: {  	v2 =	vld.idx.msk [tilespmem:v1+s5+$0x0 ss:$0x1], vm0;
	_ =	sdelay $0x2  }
0x70: {  	p2 =	slt.s32 s2, s0;
	s3 =	smov.u32 s0  }
0x71: {  	s9 =	smov.u32 s4;
	s25 =	simm.s32 $0x0;
	s3 =	smov.u32 @p2 s2  }
.LBB2_8:
0x72: {  	(v2sf) =	vpush v2, s25;
	_ =	sdelay $0xe  }
0x73: {  	s25 =	sadd.s32 $0x1, s25;
	s10 =	spop (v2sf)  }
0x74: {  	s31 =	sadd.s32 s25, s5;
	s26 =	sshll.u32 s10, $0x8;
	s10 =	sshll.u32 s10, $0x7  }
0x75: {  	p2 =	slt.s32 s31, s3;
	s26 =	sand.u32 $0xFFFFF800, s26;
	s10 =	sand.u32 $0x380, s10  }
.Ltmp7:
0x76: {  	s10 =	sor.u32 s10, s26;
	(pc) =	sbr.rel @p2 .LBB2_8-.Ltmp7, $4  }
0x77: {  	s10 =	sshrl.u32 s10, $0x3  }
0x78: {  	s10 =	sadd.s32 s6, s10  }
0x79: {  	[tilespmem:s9], [sflag:$0x9] =	stream.strided.gather [hbm4b:s10+s18], $0x100, s19, s18, $0x38;
	[tilespmem:$0x1E678] =	vst v63  }
0x7a: {  	s9 =	sadd.s32 $0x100, s9  }
.Ltmp8:
0x7b: {  	_ = 	snop;
	(pc) =	sbr.rel .LBB2_5-.Ltmp8, $1  }
0x7c: {  	_ =	sdelay $0x3  }
.LBB2_9:
0x7d: {  	p2 =	slt.u32 s23, $0x2  }
.Ltmp9:
0x7e: {  	_ = 	snop;
	(pc) =	sbr.rel @p2 .LBB2_27-.Ltmp9, $1  }
0x7f: {  	_ =	sdelay $0x3  }
0x80: {  	p2 =	sgt.s32 s24, $0x13810  }
0x81: {  	s0 =	smov.u32 s24;
	s2 =	sshra.s32 s24, $0x1F;
	s3 =	ssub.s32 $0x13880, s24  }
0x82: {  	s0 =	simm.s32 @!p2 $0x13810;
	s2 =	sand.u32 s2, s24;
	p2 =	slt.s32 s3, $0x70  }
0x83: {  	s0 =	ssub.s32 s0, s2;
	s3 =	simm.s32 @!p2 $0x70  }
0x84: {  	s0 =	sadd.s32 $0xFFFEC7F0, s0;
	s9 =	sshll.u32 s3, $0x8  }
0x85: {  	s26 =	simm.s32 $0x9;
	s10 =	sshll.u32 s0, $0x2;
	s2 =	sand.u32 $0x3FFFFF00, s9  }
0x86: {  	p2 =	sgt.s32 s0, $0x6F;
	s25 =	ssub.s32 $0x1C0, s10;
	_ =	swait.ge [sflag:s26], s2  }
0x87: {  	s2 =	ssub.s32 $0x0, s2;
	[sflag:s26] =	ssyncset.done $0x0;
	s0 =	sshrl.u32 s25, $0x2  }
0x88: {  	s29 =	simm.s32 $0xB;
	[sflag:s26] =	ssyncadd.s32 s2;
	s0 =	simm.s32 @p2 $0x0  }
0x89: {  	_ =	swait.ge [sflag:s29], s0  }
0x8a: {  	s0 =	ssub.s32 $0x0, s0;
	[sflag:s29] =	ssyncset.done $0x0  }
0x8b: {  	[sflag:s29] =	ssyncadd.s32 s0  }
0x8c: {  	v1 =	vld [tilespmem:$0xE408];
	_ =	sdelay $0x4  }
0x8d: {  	(v2sf) =	vpush v1, $0x0  }
0x8e: {  	(v2sf) =	vpush v1, $0x1  }
0x8f: {  	(v2sf) =	vpush v1, $0x2;
	_ =	sdelay $0x3  }
0x90: {  	s0 =	sadd.s32 $0x70, s24  }
0x91: {  	s2 =	ssub.s32 $0x27100, s24;
	p2 =	slt.s32 s8, s0  }
0x92: {  	s0 =	smov.u32 @p2 s8;
	p2 =	sgt.s32 s2, $0x0  }
0x93: {  	s0 =	ssub.s32 s0, s24;
	s2 =	simm.s32 @!p2 $0x0  }
0x94: {  	p2 =	slt.s32 s2, s0  }
0x95: {  	s0 =	smov.u32 @p2 s2  }
0x96: {  	s4 =	simm.s32 $0x1;
	p2 =	slt.s32 s0, $0x1  }
.Ltmp10:
0x97: {  	s4 =	simm.s32 @!p1 $0x0;
	(pc) =	sbr.rel @p2 .LBB2_14-.Ltmp10, $4  }
0x98: {  	s30 =	smul.u32 $0x1C0, s4  }
0x99: {  	s5 =	spop (v2sf)  }
0x9a: {  	s31 =	sshrl.u32 s30, $0x2;
	s28 =	spop (v2sf)  }
0x9b: {  	s25 =	sadd.s32 $0x10598, s31;
	s24 =	spop (v2sf)  }
0x9c: {  	s2 =	smin.u32 s0, $0x10  }
0x9d: {  	v1 =	vmov s2  }
0x9e: {  	vm1 =	vgt.u32 v1, v0  }
0x9f: {  	p3 =	sgt.s32 s0, $0x10  }
.Ltmp11:
0xa0: {  	_ = 	snop;
	(pc) =	sbr.rel @!p3 .LBB2_13-.Ltmp11, $2  }
0xa1: {  	_ =	sdelay $0x2  }
0xa2: {  	s26 =	simm.s32 $0x10;
	s29 =	sadd.s32 $0xFFFFFFF0, s0;
	s2 =	smov.u32 s25;
	vm0 =	vmmov vm1;
	v1 =	vld.msk [tilespmem:s25+$0x0 ss:$0x1], vm1  }
.LBB2_12:
0xa3: {  	s3 =	smin.u32 s29, $0x10;
	s26 =	sadd.s32 $0x10, s26  }
0xa4: {  	v2 =	vmov s3;
	p3 =	slt.s32 s26, s0  }
0xa5: {  	vm1 =	vgt.u32 v2, v0;
	_ =	sdelay $0x1  }
0xa6: {  	v2 =	vshll.u32 v1, $0x5;
	v1 =	vshll.u32 v1, $0x4  }
.Ltmp12:
0xa7: {  	v2 =	vand.u32 $0xFFFFFF00, v2;
	v1 =	vand.u32 $0x70, v1;
	(pc) =	sbr.rel @p3 .LBB2_12-.Ltmp12, $4  }
0xa8: {  	v1 =	vor.u32 v1, v2  }
0xa9: {  	[tilespmem:s2+$0x0] =	vst.msk vm0, v1;
	s2 =	sadd.s32 $0x10, s2;
	vm0 =	vmmov vm1  }
0xaa: {  	v1 =	vld.msk [tilespmem:s2+$0x0 ss:$0x1], vm1  }
0xab: {  	s29 =	sadd.s32 $0xFFFFFFF0, s29  }
.LBB2_13:
0xac: {  	_ =	sdelay $0x3  }
0xad: {  	v2 =	vshll.u32 v1, $0x5;
	v1 =	vshll.u32 v1, $0x4  }
0xae: {  	v2 =	vand.u32 $0xFFFFFF00, v2;
	v1 =	vand.u32 $0x70, v1  }
0xaf: {  	v1 =	vor.u32 v1, v2  }
0xb0: {  	[tilespmem:s2+$0x0] =	vst.msk vm0, v1  }
.LBB2_14:
0xb1: {  	s2 =	sand.u32 $0x1, s23  }
0xb2: {  	s2 =	smul.u32 $0x70, s2  }
0xb3: {  	p3 =	sne.s32 s28, $0xFFFFFFFF  }
0xb4: {  	v1 =	vld.msk @!p3 [tilespmem:s2+$0x10598], $0x1;
	_ =	sdelay $0x4  }
0xb5: {  	(v2sf) =	vpush @!p3 v1, $0x0;
	_ =	sdelay $0xc  }
.Ltmp13:
0xb6: {  	_ = 	snop;
	(pc) =	sbr.rel @p2 .LBB2_25-.Ltmp13, $4  }
0xb7: {  	_ = 	snop  }
0xb8: {  	s31 =	spop @!p3 (v2sf)  }
0xb9: {  	s24 =	simm.s32 @!p3 $0x0;
	s26 =	smov.u32 s31  }
0xba: {  	[sflag:s17] =	ssyncpa.u1 $0x0;
	s31 =	smov.u32 @p3 s5;
	s26 =	smov.u32 @p3 s28  }
0xbb: {  	v1 =	vld.msk [tilespmem:s25+$0x0], $0x1;
	_ =	sdelay $0x4  }
0xbc: {  	(v2sf) =	vpush v1, $0x0;
	_ =	sdelay $0xe  }
0xbd: {  	s7 =	smov.u32 s11;
	s5 =	spop (v2sf)  }
0xbe: {  	s17 =	smov.u32 s15;
	s2 =	smul.u32 $0x1C000, s4;
	p2 =	seq.s32 s31, s5  }
0xbf: {  	s3 =	smov.u32 s31;
	s29 =	ssub.s32 $0x0, s0;
	p3 =	sgt.s32 @!p2 s31, $0x0  }
0xc0: {  	s30 =	simm.s32 $0x0;
	s2 =	sshrl.u32 s2, $0x2;
	p3 =	por !p3, p2  }
0xc1: {  	s0 =	sadd.s32 $0x1, s29;
	s28 =	sor.u32 $0x106F8, s2;
	s3 =	simm.s32 @p3 $0x0  }
0xc2: {  	s2 =	simm.s32 @!p2 $0x1;
	p3 =	seq.s32 s0, $0x0;
	s3 =	smin.u32 @!p2 s3, $0x4E170  }
.Ltmp14:
0xc3: {  	s4 =	simm.s32 @!p2 $0x7308;
	s9 =	sand.u32 @!p2 $0x7FFF8, s3;
	(pc) =	sbr.rel @p3 .LBB2_17-.Ltmp14, $4  }
0xc4: {  	s10 =	sadd.s32 @!p2 $0x80, s3;
	s11 =	sadd.s32 @!p2 s1, s9;
	s9 =	sand.u32 @!p2 $0x7, s3  }
0xc5: {  	[tilespmem:s4], [sflag:$0x2] =	stream.linear.gather @!p2 [hbm4b:s11+s9], $0x80, $0x38;
	[tilespmem:$0x1E678] =	vst v63  }
0xc6: {  	s15 =	smov.u32 s14;
	s2 =	smov.u32 @p2 s30;
	s4 =	sand.u32 @!p2 $0xFFFF8, s10  }
0xc7: {  	s3 =	simm.s32 @!p2 $0x7388;
	s10 =	sadd.s32 @!p2 s1, s4;
	s4 =	sadd.s32 $0x1, s25  }
.LBB2_16:
0xc8: {  	s11 =	smov.u32 s2  }
0xc9: {  	[tilespmem:s3], [sflag:$0x2] =	stream.linear.gather @!p2 [hbm4b:s10+s9], $0x80, $0x38;
	[tilespmem:$0x1E678] =	vst v63  }
0xca: {  	s0 =	sadd.s32 $0x1, s0;
	s9 =	smov.u32 s5;
	v1 =	vld.msk [tilespmem:s4+$0x0], $0x1  }
0xcb: {  	p3 =	seq.s32 s0, $0x0;
	_ =	sdelay $0x3  }
0xcc: {  	(v2sf) =	vpush v1, $0x0;
	_ =	sdelay $0xe  }
0xcd: {  	s5 =	spop (v2sf)  }
0xce: {  	p2 =	seq.s32 s9, s5  }
0xcf: {  	p4 =	sgt.s32 @!p2 s9, $0x0;
	s3 =	sshll.u32 @!p2 s2, $0xA;
	s2 =	sadd.s32 @!p2 $0x1, s2  }
0xd0: {  	p4 =	por !p4, p2;
	s3 =	sshra.s32 @!p2 s3, $0x2;
	s2 =	smov.u32 @p2 s11  }
0xd1: {  	s9 =	simm.s32 @p4 $0x0;
	s10 =	sadd.s32 @!p2 $0x7308, s3;
	s3 =	sadd.s32 @!p2 $0x7388, s3  }
.Ltmp15:
0xd2: {  	s9 =	smin.u32 @!p2 s9, $0x4E170;
	(pc) =	sbr.rel @!p3 .LBB2_16-.Ltmp15, $4  }
0xd3: {  	s11 =	sand.u32 @!p2 $0x7FFF8, s9;
	s14 =	sadd.s32 @!p2 $0x80, s9  }
0xd4: {  	s9 =	sand.u32 @!p2 $0x7, s9;
	s11 =	sadd.s32 @!p2 s1, s11;
	s14 =	sand.u32 @!p2 $0xFFFF8, s14  }
0xd5: {  	[tilespmem:s10], [sflag:$0x2] =	stream.linear.gather @!p2 [hbm4b:s11+s9], $0x80, $0x38;
	[tilespmem:$0x1E678] =	vst v63  }
0xd6: {  	s4 =	sadd.s32 $0x1, s4;
	s10 =	sadd.s32 @!p2 s1, s14  }
.LBB2_17:
0xd7: {  	[tilespmem:s3], [sflag:$0x2] =	stream.linear.gather @!p2 [hbm4b:s10+s9], $0x80, $0x38;
	[tilespmem:$0x1E678] =	vst v63  }
0xd8: {  	s0 =	sshll.u32 s2, $0x8  }
.Ltmp16:
0xd9: {  	s14 =	simm.s32 $0x2;
	s0 =	sand.u32 $0x3FFFFF00, s0;
	(pc) =	sbr.rel .LBB2_18-.Ltmp16, $4  }
0xda: {  	_ =	swait.ge [sflag:s14], s0  }
0xdb: {  	s0 =	ssub.s32 $0x0, s0;
	[sflag:s14] =	ssyncset.done $0x0  }
0xdc: {  	s4 =	simm.s32 $0x0;
	s11 =	smov.u32 s7;
	[sflag:s14] =	ssyncadd.s32 s0  }
0xdd: {  	s14 =	smov.u32 s15;
	s15 =	smov.u32 s17;
	s17 =	simm.s32 $0xC  }
.LBB2_19:
0xde: {  	v1 =	vld [tilespmem:s28+$0xFFFFFF80];
	_ =	sdelay $0x4  }
0xdf: {  	[tilespmem:s5+$0x208] =	vst.add.f32.msk $0xffff, v1  }
0xe0: {  	v1 =	vld [tilespmem:s28+$0xFFFFFF90];
	_ =	sdelay $0x4  }
0xe1: {  	[tilespmem:s5+$0x218] =	vst.add.f32.msk $0xffff, v1  }
0xe2: {  	v1 =	vld [tilespmem:s28+$0xFFFFFFA0];
	_ =	sdelay $0x4  }
0xe3: {  	[tilespmem:s5+$0x228] =	vst.add.f32.msk $0xffff, v1  }
0xe4: {  	v1 =	vld [tilespmem:s28+$0xFFFFFFB0];
	_ =	sdelay $0x4  }
0xe5: {  	[tilespmem:s5+$0x238] =	vst.add.f32.msk $0xffff, v1  }
0xe6: {  	v1 =	vld [tilespmem:s28+$0xFFFFFFC0];
	_ =	sdelay $0x4  }
0xe7: {  	[tilespmem:s5+$0x248] =	vst.add.f32.msk $0xffff, v1  }
0xe8: {  	v1 =	vld [tilespmem:s28+$0xFFFFFFD0];
	_ =	sdelay $0x4  }
0xe9: {  	[tilespmem:s5+$0x258] =	vst.add.f32.msk $0xffff, v1  }
0xea: {  	v1 =	vld [tilespmem:s28+$0xFFFFFFE0];
	_ =	sdelay $0x4  }
0xeb: {  	[tilespmem:s5+$0x268] =	vst.add.f32.msk $0xffff, v1  }
0xec: {  	v1 =	vld [tilespmem:s28+$0xFFFFFFF0];
	_ =	sdelay $0x4  }
0xed: {  	[tilespmem:s5+$0x278] =	vst.add.f32.msk $0xffff, v1  }
0xee: {  	v1 =	vld [tilespmem:s28+$0x0];
	_ =	sdelay $0x4  }
0xef: {  	[tilespmem:s5+$0x288] =	vst.add.f32.msk $0xffff, v1  }
0xf0: {  	v1 =	vld [tilespmem:s28+$0x10];
	_ =	sdelay $0x4  }
0xf1: {  	[tilespmem:s5+$0x298] =	vst.add.f32.msk $0xffff, v1  }
0xf2: {  	v1 =	vld [tilespmem:s28+$0x20];
	_ =	sdelay $0x4  }
0xf3: {  	[tilespmem:s5+$0x2A8] =	vst.add.f32.msk $0xffff, v1  }
0xf4: {  	v1 =	vld [tilespmem:s28+$0x30];
	_ =	sdelay $0x4  }
0xf5: {  	[tilespmem:s5+$0x2B8] =	vst.add.f32.msk $0xffff, v1  }
0xf6: {  	v1 =	vld [tilespmem:s28+$0x40];
	_ =	sdelay $0x4  }
0xf7: {  	[tilespmem:s5+$0x2C8] =	vst.add.f32.msk $0xffff, v1  }
0xf8: {  	v1 =	vld [tilespmem:s28+$0x50];
	_ =	sdelay $0x4  }
0xf9: {  	[tilespmem:s5+$0x2D8] =	vst.add.f32.msk $0xffff, v1  }
0xfa: {  	v1 =	vld [tilespmem:s28+$0x60];
	_ =	sdelay $0x4  }
0xfb: {  	[tilespmem:s5+$0x2E8] =	vst.add.f32.msk $0xffff, v1  }
0xfc: {  	v1 =	vld [tilespmem:s28+$0x70];
	_ =	sdelay $0x4  }
0xfd: {  	[tilespmem:s5+$0x2F8] =	vst.add.f32.msk $0xffff, v1  }
.LBB2_23:
0xfe: {  	s29 =	sadd.s32 $0x1, s29  }
0xff: {  	p2 =	seq.s32 s29, $0x0  }
.Ltmp17:
0x100: {  	_ = 	snop;
	(pc) =	sbr.rel @p2 .LBB2_24-.Ltmp17, $2  }
0x101: {  	_ =	sdelay $0x2  }
0x102: {  	s25 =	sadd.s32 $0x1, s25;
	s28 =	sadd.s32 $0x100, s28;
	s31 =	smov.u32 s0  }
.LBB2_18:
0x103: {  	v1 =	vld.msk [tilespmem:s25+$0x0], $0x1;
	_ =	sdelay $0x4  }
0x104: {  	(v2sf) =	vpush v1, $0x0;
	_ =	sdelay $0xe  }
0x105: {  	s0 =	spop (v2sf)  }
0x106: {  	p2 =	sne.s32 s31, s0  }
.Ltmp18:
0x107: {  	_ = 	snop;
	(pc) =	sbr.rel @!p2 .LBB2_19-.Ltmp18, $3  }
0x108: {  	_ =	sdelay $0x1  }
0x109: {  	s2 =	sshll.u32 s24, $0xA  }
0x10a: {  	s5 =	sshra.s32 s2, $0x2  }
0x10b: {  	p2 =	seq.s32 s31, s26  }
.Ltmp19:
0x10c: {  	_ = 	snop;
	(pc) =	sbr.rel @!p2 .LBB2_21-.Ltmp19, $1  }
0x10d: {  	_ =	sdelay $0x3  }
.Ltmp20:
0x10e: {  	s2 =	sadd.s32 $0x208, s5;
	(pc) =	sbr.rel .LBB2_22-.Ltmp20, $4  }
0x10f: {  	[spmem:s16] =	stream.linear.scatter [tilespmem:s2], [sflag:$0x1], $0x100, $0x38;
	[tilespmem:$0x1E678] =	vst v63  }
0x110: {  	_ =	swait.ge [sflag:s12], $0x100  }
0x111: {  	[sflag:s12] =	ssyncset.done $0x0  }
0x112: {  	[sflag:s12] =	ssyncadd.s32 $0xFFFFFF00  }
.LBB2_21:
0x113: {  	s2 =	sshll.u32 s30, $0xA  }
0x114: {  	s2 =	sshra.s32 s2, $0x2  }
0x115: {  	v1 =	vld [tilespmem:s2+$0x7308];
	_ =	sdelay $0x4  }
0x116: {  	[tilespmem:s5+$0x208] =	vst.add.f32.msk $0xffff, v1  }
0x117: {  	v1 =	vld [tilespmem:s2+$0x7318];
	_ =	sdelay $0x4  }
0x118: {  	[tilespmem:s5+$0x218] =	vst.add.f32.msk $0xffff, v1  }
0x119: {  	v1 =	vld [tilespmem:s2+$0x7328];
	_ =	sdelay $0x4  }
0x11a: {  	[tilespmem:s5+$0x228] =	vst.add.f32.msk $0xffff, v1  }
0x11b: {  	v1 =	vld [tilespmem:s2+$0x7338];
	_ =	sdelay $0x4  }
0x11c: {  	[tilespmem:s5+$0x238] =	vst.add.f32.msk $0xffff, v1  }
0x11d: {  	v1 =	vld [tilespmem:s2+$0x7348];
	_ =	sdelay $0x4  }
0x11e: {  	[tilespmem:s5+$0x248] =	vst.add.f32.msk $0xffff, v1  }
0x11f: {  	v1 =	vld [tilespmem:s2+$0x7358];
	_ =	sdelay $0x4  }
0x120: {  	[tilespmem:s5+$0x258] =	vst.add.f32.msk $0xffff, v1  }
0x121: {  	v1 =	vld [tilespmem:s2+$0x7368];
	_ =	sdelay $0x4  }
0x122: {  	[tilespmem:s5+$0x268] =	vst.add.f32.msk $0xffff, v1  }
0x123: {  	v1 =	vld [tilespmem:s2+$0x7378];
	_ =	sdelay $0x4  }
0x124: {  	[tilespmem:s5+$0x278] =	vst.add.f32.msk $0xffff, v1  }
0x125: {  	v1 =	vld [tilespmem:s2+$0x7388];
	_ =	sdelay $0x4  }
0x126: {  	[tilespmem:s5+$0x288] =	vst.add.f32.msk $0xffff, v1  }
0x127: {  	v1 =	vld [tilespmem:s2+$0x7398];
	_ =	sdelay $0x4  }
0x128: {  	[tilespmem:s5+$0x298] =	vst.add.f32.msk $0xffff, v1  }
0x129: {  	v1 =	vld [tilespmem:s2+$0x73A8];
	_ =	sdelay $0x4  }
0x12a: {  	[tilespmem:s5+$0x2A8] =	vst.add.f32.msk $0xffff, v1  }
0x12b: {  	v1 =	vld [tilespmem:s2+$0x73B8];
	_ =	sdelay $0x4  }
0x12c: {  	[tilespmem:s5+$0x2B8] =	vst.add.f32.msk $0xffff, v1  }
0x12d: {  	v1 =	vld [tilespmem:s2+$0x73C8];
	_ =	sdelay $0x4  }
0x12e: {  	[tilespmem:s5+$0x2C8] =	vst.add.f32.msk $0xffff, v1  }
0x12f: {  	v1 =	vld [tilespmem:s2+$0x73D8];
	_ =	sdelay $0x4  }
0x130: {  	[tilespmem:s5+$0x2D8] =	vst.add.f32.msk $0xffff, v1  }
0x131: {  	v1 =	vld [tilespmem:s2+$0x73E8];
	_ =	sdelay $0x4  }
0x132: {  	[tilespmem:s5+$0x2E8] =	vst.add.f32.msk $0xffff, v1  }
0x133: {  	v1 =	vld [tilespmem:s2+$0x73F8];
	_ =	sdelay $0x2  }
0x134: {  	p2 =	sgt.u32 s31, $0x4E170  }
0x135: {  	s2 =	sand.u32 @!p2 $0x7FFF8, s31  }
0x136: {  	s3 =	sadd.s32 $0x208, s5;
	s9 =	sand.u32 @!p2 $0x7, s31;
	s2 =	sadd.s32 @!p2 s1, s2;
	[tilespmem:s5+$0x2F8] =	vst.add.f32.msk $0xffff, v1  }
0x137: {  	[hbm4b:s2+s9] =	stream.linear.scatter @!p2 [tilespmem:s3], [sflag:$0xC], $0x80, $0x38;
	[tilespmem:$0x1E678] =	vst v63  }
0x138: {  	s2 =	sadd.s32 @!p2 $0x80, s31  }
0x139: {  	s2 =	sand.u32 @!p2 $0xFFFF8, s2  }
0x13a: {  	s3 =	sadd.s32 $0x288, s5;
	s2 =	sadd.s32 @!p2 s1, s2  }
0x13b: {  	[hbm4b:s2+s9] =	stream.linear.scatter @!p2 [tilespmem:s3], [sflag:$0xC], $0x80, $0x38;
	[tilespmem:$0x1E678] =	vst v63  }
0x13c: {  	s2 =	simm.s32 $0x0  }
0x13d: {  	s2 =	simm.s32 @!p2 $0x400  }
0x13e: {  	s4 =	sadd.s32 s2, s4  }
.LBB2_22:
0x13f: {  	s2 =	sadd.s32 $0x1, s24  }
0x140: {  	s3 =	sshrl.u32 s2, $0x4  }
0x141: {  	s3 =	smulhi.u32 $0x24924925, s3  }
0x142: {  	v1 =	vld [tilespmem:s28+$0xFFFFFF80]  }
0x143: {  	s3 =	smul.u32 $0x70, s3;
	_ =	sdelay $0x1  }
0x144: {  	s24 =	ssub.s32 s2, s3  }
0x145: {  	s2 =	sshll.u32 s24, $0x8  }
0x146: {  	[tilespmem:s2+$0x208] =	vst v1  }
0x147: {  	v1 =	vld [tilespmem:s28+$0xFFFFFF90];
	_ =	sdelay $0x4  }
0x148: {  	[tilespmem:s2+$0x218] =	vst v1  }
0x149: {  	v1 =	vld [tilespmem:s28+$0xFFFFFFA0];
	_ =	sdelay $0x4  }
0x14a: {  	[tilespmem:s2+$0x228] =	vst v1  }
0x14b: {  	v1 =	vld [tilespmem:s28+$0xFFFFFFB0];
	_ =	sdelay $0x4  }
0x14c: {  	[tilespmem:s2+$0x238] =	vst v1  }
0x14d: {  	v1 =	vld [tilespmem:s28+$0xFFFFFFC0];
	_ =	sdelay $0x4  }
0x14e: {  	[tilespmem:s2+$0x248] =	vst v1  }
0x14f: {  	v1 =	vld [tilespmem:s28+$0xFFFFFFD0];
	_ =	sdelay $0x4  }
0x150: {  	[tilespmem:s2+$0x258] =	vst v1  }
0x151: {  	v1 =	vld [tilespmem:s28+$0xFFFFFFE0];
	_ =	sdelay $0x4  }
0x152: {  	[tilespmem:s2+$0x268] =	vst v1  }
0x153: {  	v1 =	vld [tilespmem:s28+$0xFFFFFFF0];
	_ =	sdelay $0x4  }
0x154: {  	[tilespmem:s2+$0x278] =	vst v1  }
0x155: {  	v1 =	vld [tilespmem:s28+$0x0];
	_ =	sdelay $0x4  }
0x156: {  	[tilespmem:s2+$0x288] =	vst v1  }
0x157: {  	v1 =	vld [tilespmem:s28+$0x10];
	_ =	sdelay $0x4  }
0x158: {  	[tilespmem:s2+$0x298] =	vst v1  }
0x159: {  	v1 =	vld [tilespmem:s28+$0x20];
	_ =	sdelay $0x4  }
0x15a: {  	[tilespmem:s2+$0x2A8] =	vst v1  }
0x15b: {  	v1 =	vld [tilespmem:s28+$0x30];
	_ =	sdelay $0x4  }
0x15c: {  	[tilespmem:s2+$0x2B8] =	vst v1  }
0x15d: {  	v1 =	vld [tilespmem:s28+$0x40];
	_ =	sdelay $0x4  }
0x15e: {  	[tilespmem:s2+$0x2C8] =	vst v1  }
0x15f: {  	v1 =	vld [tilespmem:s28+$0x50];
	_ =	sdelay $0x4  }
0x160: {  	[tilespmem:s2+$0x2D8] =	vst v1  }
0x161: {  	v1 =	vld [tilespmem:s28+$0x60];
	_ =	sdelay $0x4  }
0x162: {  	[tilespmem:s2+$0x2E8] =	vst v1  }
0x163: {  	v1 =	vld [tilespmem:s28+$0x70]  }
.Ltmp21:
0x164: {  	_ = 	snop;
	(pc) =	sbr.rel .LBB2_23-.Ltmp21, $2  }
0x165: {  	_ =	sdelay $0x2  }
0x166: {  	s30 =	sadd.s32 $0x1, s30;
	[tilespmem:s2+$0x2F8] =	vst v1  }
.LBB2_25:
.Ltmp22:
0x167: {  	(pc) =	sbr.rel .LBB2_26-.Ltmp22, $4  }
0x168: {  	_ = 	snop  }
0x169: {  	s0 =	simm.s32 $0x2  }
0x16a: {  	_ =	swait.ge [sflag:s0], $0x0  }
0x16b: {  	s2 =	simm.s32 $0x0;
	[sflag:s0] =	ssyncset.done $0x0;
	s0 =	smov.u32 s31  }
.LBB2_28:
0x16c: {  	_ =	sfence.sel $0x180000  }
0x16d: {  	s0 =	simm.s32 $0x9;
	[bflag:$0x0] =	sbarrier.arrive $0xFFFF  }
0x16e: {  	s24 =	simm.s32 $0xA;
	[sflag:s0] =	ssyncpa.u1 $0x1  }
0x16f: {  	s25 =	simm.s32 $0xB;
	[sflag:s24] =	ssyncpa.u1 $0x1  }
0x170: {  	s26 =	simm.s32 $0x2;
	[sflag:s25] =	ssyncpa.u1 $0x1  }
0x171: {  	[sflag:s26] =	ssyncpa.u1 $0x1  }
0x172: {  	v0 =	vld [tilespmem:$0xE408];
	_ =	sdelay $0x4  }
0x173: {  	(v2sf) =	vpush v0, $0x0  }
0x174: {  	(v2sf) =	vpush v0, $0x1;
	_ =	sdelay $0x1  }
0x175: {  	(v2sf) =	vpush v0, $0x2;
	_ =	sdelay $0xb  }
0x176: {  	s0 =	spop (v2sf)  }
0x177: {  	s2 =	spop (v2sf)  }
0x178: {  	s3 =	smov.u32 s0;
	p0 =	sne.s32 s0, s2  }
0x179: {  	s4 =	spop (v2sf);
	s3 =	simm.s32 @!p0 $0xFFFFFFFF  }
0x17a: {  	v2 =	vimm.s32 $0x1;
	v3 =	vlaneseq.u32;
	p0 =	seq.s32 s4, $0xFFFFFFFF;
	v1 =	vmov s3  }
0x17b: {  	s15 =	stileid.u32;
	v0 =	vperm.xlane v0, v2;
	p1 =	sne.s32 @!p0 s0, s2;
	v1 =	vperm.xlane v1, v3  }
0x17c: {  	vm0 =	vcmask $0x3F04;
	s6 =	simm.s32 $0xE408;
	s0 =	simm.s32 @!p0 $0x1;
	p1 =	por !p1, p0  }
0x17d: {  	s3 =	sshll.u32 s15, $0x1;
	s2 =	sshll.u32 @!p0 s4, $0xA;
	s0 =	simm.s32 @p1 $0x0;
	v0 =	vsel vm0, v1, v0  }
0x17e: {  	s5 =	sor.u32 $0x2000, s3;
	s2 =	sshra.s32 @!p0 s2, $0x2;
	s0 =	sor.u32 @!p0 s0, s3;
	[tilespmem:$0xE408] =	vst v0  }
0x17f: {  	[spmem:s5] =	stream.linear.scatter [tilespmem:s6], [sflag:$0x1], $0x2, $0x38;
	[tilespmem:$0x1E678] =	vst v63  }
0x180: {  	s2 =	sadd.s32 @!p0 $0x208, s2;
	s0 =	sshll.u32 @!p0 s0, $0x8  }
0x181: {  	[spmem:s0] =	stream.linear.scatter @!p0 [tilespmem:s2], [sflag:$0x1], $0x100, $0x38;
	[tilespmem:$0x1E678] =	vst v63  }
0x182: {  	s0 =	simm.s32 @!p0 $0x102  }
0x183: {  	s28 =	simm.s32 $0x1;
	s0 =	simm.s32 @p0 $0x2  }
0x184: {  	_ =	swait.ge [sflag:s28], s0  }
0x185: {  	s0 =	ssub.s32 $0x0, s0;
	[sflag:s28] =	ssyncset.done $0x0  }
0x186: {  	p0 =	sne.s32 s15, $0x0;
	[sflag:s28] =	ssyncadd.s32 s0  }
.Ltmp23:
0x187: {  	_ =	sfence.stream.spmem;
	(pc) =	sbr.rel @p0 .LBB2_45-.Ltmp23, $4  }
0x188: {  	s29 =	simm.s32 $0x3;
	[bflag:$0x0] =	sbarrier.arrive $0xFFFF  }
0x189: {  	s30 =	simm.s32 $0x4;
	[sflag:s29] =	ssyncpa.u1 $0x1  }
0x18a: {  	s31 =	simm.s32 $0x3C;
	[sflag:s30] =	ssyncpa.u1 $0x1  }
0x18b: {  	s14 =	rddreg [dreg:$0x6];
	[sflag:s31] =	ssyncpa.u1 $0x1  }
0x18c: {  	_ =	sfence.stream.spmem;
	s0 =	simm.s32 $0x5  }
0x18d: {  	s2 =	simm.s32 $0x2000;
	s3 =	simm.s32 $0xE418;
	[sflag:s0] =	ssyncpa.u1 $0x0  }
0x18e: {  	[tilespmem:s3], [sflag:$0x5] =	stream.linear.gather [spmem:s2], $0x20, $0x38;
	[tilespmem:$0x1E678] =	vst v63  }
0x18f: {  	s26 =	simm.s32 $0x0;
	s28 =	simm.s32 $0xE438  }
0x190: {  	[tilespmem:s28], [sflag:$0x5] =	stream.linear.gather [spmem:s26], $0x2000, $0x38;
	[tilespmem:$0x1E678] =	vst v63  }
0x191: {  	_ =	swait.ge [sflag:s0], $0x2020  }
0x192: {  	[sflag:s0] =	ssyncset.done $0x0  }
0x193: {  	s29 =	simm.s32 $0x0;
	[sflag:s0] =	ssyncadd.s32 $0xFFFFDFE0  }
0x194: {  	v0 =	vld.msk [tilespmem:s29+$0xE418], $0x1;
	_ =	sdelay $0x1  }
0x195: {  	s30 =	simm.s32 $0x1  }
0x196: {  	v1 =	vld.msk [tilespmem:s30+$0xE418], $0x1;
	_ =	sdelay $0x1  }
0x197: {  	(v2sf) =	vpush v0, $0x0;
	_ =	sdelay $0x2  }
0x198: {  	(v2sf) =	vpush v1, $0x0;
	_ =	sdelay $0x2  }
0x199: {  	s31 =	simm.s32 $0x2  }
0x19a: {  	v0 =	vld.msk [tilespmem:s31+$0xE418], $0x1;
	_ =	sdelay $0x2  }
0x19b: {  	s2 =	simm.s32 $0xFFFFFFFF;
	s3 =	simm.s32 $0xFFFFFFFF;
	s0 =	simm.s32 $0xC  }
.LBB2_30:
0x19c: {  	s4 =	smov.u32 s3;
	s5 =	smov.u32 s2  }
0x19d: {  	s2 =	sshra.s32 s0, $0x2;
	p1 =	sne.s32 s0, $0x7C;
	s0 =	sadd.s32 $0x4, s0;
	(v2sf) =	vpush v0, $0x0  }
0x19e: {  	v0 =	vld.msk [tilespmem:s2+$0xE418], $0x1  }
.Ltmp24:
0x19f: {  	(pc) =	sbr.rel @p1 .LBB2_30-.Ltmp24, $4  }
0x1a0: {  	s3 =	spop (v2sf)  }
0x1a1: {  	p2 =	sne.s32 s5, $0xFFFFFFFF;
	s2 =	smov.u32 s3  }
0x1a2: {  	p3 =	seq.s32 s3, $0xFFFFFFFF;
	s2 =	smov.u32 @p2 s5  }
0x1a3: {  	s3 =	smov.u32 @p3 s4;
	s2 =	smov.u32 @p3 s5  }
0x1a4: {  	(v2sf) =	vpush v0, $0x0;
	_ =	sdelay $0x8  }
0x1a5: {  	s0 =	spop (v2sf)  }
0x1a6: {  	p1 =	sne.s32 s2, $0xFFFFFFFF;
	s9 =	simm.s32 $0x6;
	s4 =	smov.u32 s0  }
0x1a7: {  	s6 =	simm.s32 $0x0;
	p2 =	seq.s32 s0, $0xFFFFFFFF;
	s4 =	smov.u32 @p1 s2  }
0x1a8: {  	s10 =	simm.s32 $0xE308;
	s4 =	smov.u32 @p2 s2;
	s2 =	spop (v2sf)  }
0x1a9: {  	s0 =	smov.u32 @p2 s3;
	p1 =	sne.s32 s4, $0xFFFFFFFF;
	s5 =	smov.u32 s2  }
.Ltmp25:
0x1aa: {  	p2 =	seq.s32 s2, $0xFFFFFFFF;
	s5 =	smov.u32 @p1 s4;
	(pc) =	sbr.rel .LBB2_32-.Ltmp25, $4  }
0x1ab: {  	s11 =	simm.s32 $0xE388;
	s5 =	smov.u32 @p2 s4;
	s7 =	spop (v2sf)  }
0x1ac: {  	s12 =	simm.s32 $0x0;
	p1 =	sne.s32 s5, $0xFFFFFFFF;
	s8 =	smov.u32 s7  }
0x1ad: {  	s2 =	smov.u32 @p2 s0;
	p2 =	seq.s32 s7, $0xFFFFFFFF;
	s8 =	smov.u32 @p1 s5  }
0x1ae: {  	[sflag:s9] =	ssyncpa.u1 $0x0;
	s7 =	smov.u32 @p2 s2;
	s8 =	smov.u32 @p2 s5  }
.LBB2_38:
0x1af: {  	p1 =	sgt.u32 s0, $0x4E170  }
0x1b0: {  	p2 =	seq.s32 @!p1 s0, s8  }
0x1b1: {  	p1 =	por p1, p2  }
0x1b2: {  	p2 =	sne.s32 @!p1 s0, s7  }
0x1b3: {  	p1 =	por p1, !p2  }
0x1b4: {  	s0 =	sshll.u32 @p1 s12, $0xA  }
0x1b5: {  	s2 =	sand.u32 @!p1 $0x7FFF8, s0;
	s3 =	sand.u32 @!p1 $0x7, s0;
	s0 =	sadd.s32 @!p1 $0x80, s0  }
0x1b6: {  	s2 =	sadd.s32 @!p1 s1, s2;
	s0 =	sand.u32 @!p1 $0xFFFF8, s0  }
0x1b7: {  	[tilespmem:s10], [sflag:$0x6] =	stream.linear.gather @!p1 [hbm4b:s2+s3], $0x80, $0x38;
	[tilespmem:$0x1E678] =	vst v63  }
0x1b8: {  	s0 =	sadd.s32 @!p1 s1, s0  }
0x1b9: {  	[tilespmem:s11], [sflag:$0x6] =	stream.linear.gather @!p1 [hbm4b:s0+s3], $0x80, $0x38;
	[tilespmem:$0x1E678] =	vst v63  }
0x1ba: {  	_ =	swait.ge @!p1 [sflag:s9], $0x100  }
0x1bb: {  	[sflag:s9] =	ssyncset.done @!p1 $0x0  }
0x1bc: {  	[sflag:s9] =	ssyncadd.s32 @!p1 $0xFFFFFF00  }
0x1bd: {  	v1 =	vld @!p1 [tilespmem:$0xE308];
	_ =	sdelay $0x2  }
0x1be: {  	s0 =	sshll.u32 @!p1 s12, $0xA  }
0x1bf: {  	s2 =	sshrl.u32 @!p1 s0, $0x2  }
0x1c0: {  	[tilespmem:s2+$0xE438] =	vst.add.f32.msk @!p1 $0xffff, v1  }
0x1c1: {  	v1 =	vld @!p1 [tilespmem:$0xE318];
	_ =	sdelay $0x4  }
0x1c2: {  	[tilespmem:s2+$0xE448] =	vst.add.f32.msk @!p1 $0xffff, v1  }
0x1c3: {  	v1 =	vld @!p1 [tilespmem:$0xE328];
	_ =	sdelay $0x4  }
0x1c4: {  	[tilespmem:s2+$0xE458] =	vst.add.f32.msk @!p1 $0xffff, v1  }
0x1c5: {  	v1 =	vld @!p1 [tilespmem:$0xE338];
	_ =	sdelay $0x4  }
0x1c6: {  	[tilespmem:s2+$0xE468] =	vst.add.f32.msk @!p1 $0xffff, v1  }
0x1c7: {  	v1 =	vld @!p1 [tilespmem:$0xE348];
	_ =	sdelay $0x4  }
0x1c8: {  	[tilespmem:s2+$0xE478] =	vst.add.f32.msk @!p1 $0xffff, v1  }
0x1c9: {  	v1 =	vld @!p1 [tilespmem:$0xE358];
	_ =	sdelay $0x4  }
0x1ca: {  	[tilespmem:s2+$0xE488] =	vst.add.f32.msk @!p1 $0xffff, v1  }
0x1cb: {  	v1 =	vld @!p1 [tilespmem:$0xE368];
	_ =	sdelay $0x4  }
0x1cc: {  	[tilespmem:s2+$0xE498] =	vst.add.f32.msk @!p1 $0xffff, v1  }
0x1cd: {  	v1 =	vld @!p1 [tilespmem:$0xE378];
	_ =	sdelay $0x4  }
0x1ce: {  	[tilespmem:s2+$0xE4A8] =	vst.add.f32.msk @!p1 $0xffff, v1  }
0x1cf: {  	v1 =	vld @!p1 [tilespmem:$0xE388];
	_ =	sdelay $0x4  }
0x1d0: {  	[tilespmem:s2+$0xE4B8] =	vst.add.f32.msk @!p1 $0xffff, v1  }
0x1d1: {  	v1 =	vld @!p1 [tilespmem:$0xE398];
	_ =	sdelay $0x4  }
0x1d2: {  	[tilespmem:s2+$0xE4C8] =	vst.add.f32.msk @!p1 $0xffff, v1  }
0x1d3: {  	v1 =	vld @!p1 [tilespmem:$0xE3A8];
	_ =	sdelay $0x4  }
0x1d4: {  	[tilespmem:s2+$0xE4D8] =	vst.add.f32.msk @!p1 $0xffff, v1  }
0x1d5: {  	v1 =	vld @!p1 [tilespmem:$0xE3B8];
	_ =	sdelay $0x4  }
0x1d6: {  	[tilespmem:s2+$0xE4E8] =	vst.add.f32.msk @!p1 $0xffff, v1  }
0x1d7: {  	v1 =	vld @!p1 [tilespmem:$0xE3C8];
	_ =	sdelay $0x4  }
0x1d8: {  	[tilespmem:s2+$0xE4F8] =	vst.add.f32.msk @!p1 $0xffff, v1  }
0x1d9: {  	v1 =	vld @!p1 [tilespmem:$0xE3D8];
	_ =	sdelay $0x4  }
0x1da: {  	[tilespmem:s2+$0xE508] =	vst.add.f32.msk @!p1 $0xffff, v1  }
0x1db: {  	v1 =	vld @!p1 [tilespmem:$0xE3E8];
	_ =	sdelay $0x4  }
0x1dc: {  	[tilespmem:s2+$0xE518] =	vst.add.f32.msk @!p1 $0xffff, v1  }
0x1dd: {  	v1 =	vld @!p1 [tilespmem:$0xE3F8];
	_ =	sdelay $0x4  }
0x1de: {  	[tilespmem:s2+$0xE528] =	vst.add.f32.msk @!p1 $0xffff, v1  }
0x1df: {  	s0 =	sshrl.u32 s0, $0x2;
	[tilespmem:s6+$0xE418] =	vst.msk $0x1, v0  }
0x1e0: {  	v0 =	vld [tilespmem:s0+$0xE438];
	_ =	sdelay $0x2  }
0x1e1: {  	s31 =	sshll.u32 s6, $0xA  }
0x1e2: {  	s2 =	sshra.s32 s31, $0x2  }
0x1e3: {  	[tilespmem:s2+$0xE438] =	vst v0  }
0x1e4: {  	v0 =	vld [tilespmem:s0+$0xE448];
	_ =	sdelay $0x4  }
0x1e5: {  	[tilespmem:s2+$0xE448] =	vst v0  }
0x1e6: {  	v0 =	vld [tilespmem:s0+$0xE458];
	_ =	sdelay $0x4  }
0x1e7: {  	[tilespmem:s2+$0xE458] =	vst v0  }
0x1e8: {  	v0 =	vld [tilespmem:s0+$0xE468];
	_ =	sdelay $0x4  }
0x1e9: {  	[tilespmem:s2+$0xE468] =	vst v0  }
0x1ea: {  	v0 =	vld [tilespmem:s0+$0xE478];
	_ =	sdelay $0x4  }
0x1eb: {  	[tilespmem:s2+$0xE478] =	vst v0  }
0x1ec: {  	v0 =	vld [tilespmem:s0+$0xE488];
	_ =	sdelay $0x4  }
0x1ed: {  	[tilespmem:s2+$0xE488] =	vst v0  }
0x1ee: {  	v0 =	vld [tilespmem:s0+$0xE498];
	_ =	sdelay $0x4  }
0x1ef: {  	[tilespmem:s2+$0xE498] =	vst v0  }
0x1f0: {  	v0 =	vld [tilespmem:s0+$0xE4A8];
	_ =	sdelay $0x4  }
0x1f1: {  	[tilespmem:s2+$0xE4A8] =	vst v0  }
0x1f2: {  	v0 =	vld [tilespmem:s0+$0xE4B8];
	_ =	sdelay $0x4  }
0x1f3: {  	[tilespmem:s2+$0xE4B8] =	vst v0  }
0x1f4: {  	v0 =	vld [tilespmem:s0+$0xE4C8];
	_ =	sdelay $0x4  }
0x1f5: {  	[tilespmem:s2+$0xE4C8] =	vst v0  }
0x1f6: {  	v0 =	vld [tilespmem:s0+$0xE4D8];
	_ =	sdelay $0x4  }
0x1f7: {  	[tilespmem:s2+$0xE4D8] =	vst v0  }
0x1f8: {  	v0 =	vld [tilespmem:s0+$0xE4E8];
	_ =	sdelay $0x4  }
0x1f9: {  	[tilespmem:s2+$0xE4E8] =	vst v0  }
0x1fa: {  	v0 =	vld [tilespmem:s0+$0xE4F8];
	_ =	sdelay $0x4  }
0x1fb: {  	[tilespmem:s2+$0xE4F8] =	vst v0  }
0x1fc: {  	v0 =	vld [tilespmem:s0+$0xE508];
	_ =	sdelay $0x4  }
0x1fd: {  	[tilespmem:s2+$0xE508] =	vst v0  }
0x1fe: {  	v0 =	vld [tilespmem:s0+$0xE518];
	_ =	sdelay $0x4  }
0x1ff: {  	[tilespmem:s2+$0xE518] =	vst v0  }
0x200: {  	v0 =	vld [tilespmem:s0+$0xE528];
	_ =	sdelay $0x4  }
0x201: {  	s6 =	sadd.s32 $0x1, s6;
	[tilespmem:s2+$0xE528] =	vst v0  }
.LBB2_39:
0x202: {  	s12 =	sadd.s32 $0x1, s12  }
0x203: {  	p1 =	sne.s32 s12, $0x20  }
.Ltmp26:
0x204: {  	_ = 	snop;
	(pc) =	sbr.rel @!p1 .LBB2_40-.Ltmp26, $1  }
0x205: {  	_ =	sdelay $0x3  }
.LBB2_32:
0x206: {  	v0 =	vld.msk [tilespmem:s12+$0xE418], $0x1;
	_ =	sdelay $0x4  }
0x207: {  	(v2sf) =	vpush v0, $0x0;
	_ =	sdelay $0xe  }
0x208: {  	s0 =	spop (v2sf)  }
0x209: {  	p1 =	seq.s32 s0, $0xFFFFFFFF  }
.Ltmp27:
0x20a: {  	_ = 	snop;
	(pc) =	sbr.rel @p1 .LBB2_39-.Ltmp27, $1  }
0x20b: {  	_ =	sdelay $0x3  }
0x20c: {  	p1 =	slt.s32 s6, $0x1  }
.Ltmp28:
0x20d: {  	_ = 	snop;
	(pc) =	sbr.rel @p1 .LBB2_38-.Ltmp28, $1  }
0x20e: {  	_ =	sdelay $0x3  }
0x20f: {  	s4 =	simm.s32 $0xE418;
	p1 =	por $0x0, $0x0  }
0x210: {  	v1 =	vld.msk @!p1 [tilespmem:s4+$0x0], $0x1;
	_ =	sdelay $0x4  }
0x211: {  	(v2sf) =	vpush @!p1 v1, $0x0;
	_ =	sdelay $0xd  }
0x212: {  	p3 =	sne.s32 s6, $0x1  }
.Ltmp29:
0x213: {  	s2 =	spop @!p1 (v2sf);
	(pc) =	sbr.rel @!p3 .LBB2_36-.Ltmp29, $4  }
0x214: {  	p2 =	seq.s32 @!p1 s0, s2  }
0x215: {  	s5 =	simm.s32 $0x0;
	p2 =	por !p2, p1  }
0x216: {  	s2 =	simm.s32 $0xFFFFFFFF;
	s5 =	simm.s32 @p2 $0xFFFFFFFF  }
0x217: {  	s13 =	simm.s32 $0x1;
	s5 =	smov.u32 @p1 s2  }
.LBB2_35:
0x218: {  	s2 =	smov.u32 s5;
	p1 =	sne.s32 s5, $0xFFFFFFFF  }
0x219: {  	s4 =	sadd.s32 $0x1, s4;
	s5 =	smov.u32 s13;
	s13 =	sadd.s32 $0x1, s13  }
0x21a: {  	p2 =	sne.s32 s6, s13;
	v1 =	vld.msk @!p1 [tilespmem:s4+$0x0], $0x1;
	_ =	sdelay $0x4  }
0x21b: {  	(v2sf) =	vpush @!p1 v1, $0x0;
	_ =	sdelay $0xe  }
.Ltmp30:
0x21c: {  	s3 =	spop @!p1 (v2sf);
	(pc) =	sbr.rel @p2 .LBB2_35-.Ltmp30, $4  }
0x21d: {  	p3 =	seq.s32 @!p1 s0, s3  }
0x21e: {  	p3 =	por !p3, p1  }
0x21f: {  	s5 =	simm.s32 @p3 $0xFFFFFFFF  }
0x220: {  	s5 =	smov.u32 @p1 s2  }
.LBB2_36:
0x221: {  	p1 =	seq.s32 s5, $0xFFFFFFFF  }
.Ltmp31:
0x222: {  	_ = 	snop;
	(pc) =	sbr.rel @p1 .LBB2_38-.Ltmp31, $1  }
0x223: {  	_ =	sdelay $0x3  }
0x224: {  	s0 =	sshll.u32 s12, $0x8  }
0x225: {  	s0 =	sand.u32 $0x3FFFFF00, s0  }
0x226: {  	v0 =	vld [tilespmem:s0+$0xE438];
	_ =	sdelay $0x2  }
0x227: {  	s2 =	sshll.u32 s5, $0xA  }
0x228: {  	s2 =	sshra.s32 s2, $0x2  }
0x229: {  	[tilespmem:s2+$0xE438] =	vst.add.f32.msk $0xffff, v0  }
0x22a: {  	v0 =	vld [tilespmem:s0+$0xE448];
	_ =	sdelay $0x4  }
0x22b: {  	[tilespmem:s2+$0xE448] =	vst.add.f32.msk $0xffff, v0  }
0x22c: {  	v0 =	vld [tilespmem:s0+$0xE458];
	_ =	sdelay $0x4  }
0x22d: {  	[tilespmem:s2+$0xE458] =	vst.add.f32.msk $0xffff, v0  }
0x22e: {  	v0 =	vld [tilespmem:s0+$0xE468];
	_ =	sdelay $0x4  }
0x22f: {  	[tilespmem:s2+$0xE468] =	vst.add.f32.msk $0xffff, v0  }
0x230: {  	v0 =	vld [tilespmem:s0+$0xE478];
	_ =	sdelay $0x4  }
0x231: {  	[tilespmem:s2+$0xE478] =	vst.add.f32.msk $0xffff, v0  }
0x232: {  	v0 =	vld [tilespmem:s0+$0xE488];
	_ =	sdelay $0x4  }
0x233: {  	[tilespmem:s2+$0xE488] =	vst.add.f32.msk $0xffff, v0  }
0x234: {  	v0 =	vld [tilespmem:s0+$0xE498];
	_ =	sdelay $0x4  }
0x235: {  	[tilespmem:s2+$0xE498] =	vst.add.f32.msk $0xffff, v0  }
0x236: {  	v0 =	vld [tilespmem:s0+$0xE4A8];
	_ =	sdelay $0x4  }
0x237: {  	[tilespmem:s2+$0xE4A8] =	vst.add.f32.msk $0xffff, v0  }
0x238: {  	v0 =	vld [tilespmem:s0+$0xE4B8];
	_ =	sdelay $0x4  }
0x239: {  	[tilespmem:s2+$0xE4B8] =	vst.add.f32.msk $0xffff, v0  }
0x23a: {  	v0 =	vld [tilespmem:s0+$0xE4C8];
	_ =	sdelay $0x4  }
0x23b: {  	[tilespmem:s2+$0xE4C8] =	vst.add.f32.msk $0xffff, v0  }
0x23c: {  	v0 =	vld [tilespmem:s0+$0xE4D8];
	_ =	sdelay $0x4  }
0x23d: {  	[tilespmem:s2+$0xE4D8] =	vst.add.f32.msk $0xffff, v0  }
0x23e: {  	v0 =	vld [tilespmem:s0+$0xE4E8];
	_ =	sdelay $0x4  }
0x23f: {  	[tilespmem:s2+$0xE4E8] =	vst.add.f32.msk $0xffff, v0  }
0x240: {  	v0 =	vld [tilespmem:s0+$0xE4F8];
	_ =	sdelay $0x4  }
0x241: {  	[tilespmem:s2+$0xE4F8] =	vst.add.f32.msk $0xffff, v0  }
0x242: {  	v0 =	vld [tilespmem:s0+$0xE508];
	_ =	sdelay $0x4  }
0x243: {  	[tilespmem:s2+$0xE508] =	vst.add.f32.msk $0xffff, v0  }
0x244: {  	v0 =	vld [tilespmem:s0+$0xE518];
	_ =	sdelay $0x4  }
0x245: {  	[tilespmem:s2+$0xE518] =	vst.add.f32.msk $0xffff, v0  }
0x246: {  	v0 =	vld [tilespmem:s0+$0xE528]  }
.Ltmp32:
0x247: {  	_ = 	snop;
	(pc) =	sbr.rel .LBB2_39-.Ltmp32, $2  }
0x248: {  	_ =	sdelay $0x2  }
0x249: {  	[tilespmem:s2+$0xE528] =	vst.add.f32.msk $0xffff, v0  }
.LBB2_40:
0x24a: {  	s0 =	simm.s32 $0x6;
	p1 =	seq.s32 s6, $0x0  }
0x24b: {  	[sflag:s0] =	ssyncpa.u1 $0x1;
	v0 =	vimm.s32 @p1 $0xFFFFFFFF  }
0x24c: {  	s0 =	sadd.s32 $0xFFFFFFFF, s6;
	[tilespmem:$0x10438] =	vst @p1 v0  }
0x24d: {  	v0 =	vld.msk @!p1 [tilespmem:s0+$0xE418], $0x1;
	_ =	sdelay $0x1  }
0x24e: {  	v1 =	vld.msk @!p1 [tilespmem:$0xE418], $0x1;
	_ =	sdelay $0x2  }
0x24f: {  	p2 =	seq.s32 @!p1 s0, $0x0;
	v0 =	vbroadcast @!p1 v0, $0x0  }
0x250: {  	vm0 =	vmmov @!p1 $0x1;
	p2 =	por !p2, p1  }
0x251: {  	v1 =	vnsel @!p1 vm0, $0xFFFFFFFF, v1;
	vm0 =	vcmask @!p1 $0x308;
	v0 =	vpsel !p2, $0xFFFFFFFF, v0  }
0x252: {  	p2 =	sne.s32 @!p1 s8, s7;
	v0 =	vsel @!p1 vm0, v1, v0  }
0x253: {  	s2 =	simm.s32 @!p1 $0xE438;
	s3 =	simm.s32 @!p1 $0x0;
	p3 =	por !p2, p1;
	[tilespmem:$0x10438] =	vst @!p1 v0  }
0x254: {  	[spmem:s3] =	stream.linear.scatter @!p1 [tilespmem:s2], [sflag:$0x1], $0x100, $0x38;
	[tilespmem:$0x1E678] =	vst v63  }
0x255: {  	s2 =	sshll.u32 @!p3 s0, $0xA  }
0x256: {  	s2 =	sshra.s32 @!p3 s2, $0x2  }
0x257: {  	s3 =	simm.s32 @!p3 $0x100;
	s2 =	sadd.s32 @!p3 $0xE438, s2  }
0x258: {  	[spmem:s3] =	stream.linear.scatter @!p3 [tilespmem:s2], [sflag:$0x1], $0x100, $0x38;
	[tilespmem:$0x1E678] =	vst v63  }
0x259: {  	s2 =	simm.s32 @!p3 $0x1  }
0x25a: {  	_ =	swait.ge @!p3 [sflag:s2], $0x200  }
0x25b: {  	p1 =	por p2, p1;
	[sflag:s2] =	ssyncset.done @!p3 $0x0  }
0x25c: {  	[sflag:s2] =	ssyncadd.s32 @!p3 $0xFFFFFE00;
	s2 =	simm.s32 @!p1 $0x1  }
0x25d: {  	_ =	swait.ge @!p1 [sflag:s2], $0x100  }
0x25e: {  	s29 =	simm.s32 $0x10438;
	[sflag:s2] =	ssyncset.done @!p1 $0x0  }
0x25f: {  	s30 =	simm.s32 $0x2000;
	s31 =	simm.s32 $0x1;
	[sflag:s2] =	ssyncadd.s32 @!p1 $0xFFFFFF00  }
0x260: {  	[spmem:s30] =	stream.linear.scatter [tilespmem:s29], [sflag:$0x1], $0x10, $0x38;
	[tilespmem:$0x1E678] =	vst v63  }
0x261: {  	_ =	swait.ge [sflag:s31], $0x10  }
0x262: {  	[sflag:s31] =	ssyncset.done $0x0  }
0x263: {  	p1 =	seq.s32 s14, $0x0;
	s9 =	rddreg [dreg:$0x3];
	[sflag:s31] =	ssyncadd.s32 $0xFFFFFFF0  }
0x264: {  	s3 =	sshll.u32 @p1 s9, $0xE;
	s8 =	rddreg [dreg:$0x4]  }
0x265: {  	s2 =	sadd.s32 @p1 $0x15C3C, s3;
	s3 =	sshll.u32 @p1 s8, $0x11  }
0x266: {  	_ =	sfence.stream.spmem;
	s2 =	sor.u32 @p1 s3, s2  }
0x267: {  	[sflag:s2] =	ssyncadd.remote.s32 @p1 $0x1;
	s2 =	simm.s32 @p1 $0x4  }
0x268: {  	s4 =	simm.s32 @!p1 $0x3C;
	s3 =	sand.u32 $0xFFFFFFFE, s9;
	_ =	swait.ge @p1 [sflag:s2], $0x42  }
0x269: {  	s5 =	simm.s32 @!p1 $0x0;
	s3 =	sadd.s32 @!p1 $0x4, s3;
	[sflag:s2] =	ssyncset.done @p1 $0x0  }
0x26a: {  	s7 =	simm.s32 @!p1 $0x200;
	[sflag:s2] =	ssyncadd.s32 @p1 $0xFFFFFFBE;
	s2 =	sshll.u32 @!p1 s3, $0x1A  }
0x26b: {  	s3 =	sshll.u32 @!p1 s3, $0xD;
	s2 =	sor.u32 @!p1 s2, s8;
	_ =	swait.eq @!p1 [sflag:s4], $0x1  }
0x26c: {  	s3 =	sor.u32 @!p1 $0x1C04, s3;
	s4 =	simm.s32 @!p1 $0x1C03;
	s2 =	sor.u32 @!p1 $0x80004000, s2  }
0x26d: {  	[spmem:s7], [sflag:s3] =	dma.general @!p1 [spmem:s5], [sflag:s4], length:$0x40, [dreg:$0x0], stride_count:$0x0, ici_dest:s2, dma_misc:DstOpCode:WRITE  }
0x26e: {  	p2 =	slt.s32 s0, $0x2;
	s5 =	simm.s32 @!p1 $0x400;
	s7 =	simm.s32 @!p1 $0x402  }
0x26f: {  	[spmem:s7], [sflag:s3] =	dma.general @!p1 [spmem:s5], [sflag:s4], length:$0x2, [dreg:$0x0], stride_count:$0x0, ici_dest:s2, dma_misc:DstOpCode:WRITE  }
.Ltmp33:
0x270: {  	s2 =	simm.s32 @!p1 $0x3;
	(pc) =	sbr.rel @p2 .LBB2_44-.Ltmp33, $4  }
0x271: {  	s3 =	sshll.u32 @!p1 s9, $0xE;
	_ =	swait.ge @!p1 [sflag:s2], $0x42  }
0x272: {  	s4 =	sshll.u32 @!p1 s8, $0x11;
	s3 =	sadd.s32 @!p1 $0x11C3C, s3;
	[sflag:s2] =	ssyncset.done @!p1 $0x0  }
0x273: {  	[sflag:s2] =	ssyncadd.s32 @!p1 $0xFFFFFFBE;
	s2 =	sor.u32 @!p1 s4, s3  }
0x274: {  	s0 =	simm.s32 $0x0;
	[sflag:s2] =	ssyncadd.remote.s32 @!p1 $0xFFFFFFFF  }
0x275: {  	s0 =	simm.s32 $0xE419  }
0x276: {  	v0 =	vld.msk [tilespmem:s0+$0x0], $0x1;
	_ =	sdelay $0x4  }
0x277: {  	(v2sf) =	vpush v0, $0x0;
	_ =	sdelay $0xd  }
0x278: {  	s31 =	sadd.s32 $0xFFFFFFFE, s6  }
0x279: {  	s6 =	simm.s32 $0x0;
	s0 =	sadd.s32 $0xFFFFFFFF, s31;
	s2 =	spop (v2sf)  }
0x27a: {  	s3 =	simm.s32 $0xE538;
	p1 =	sne.s32 s0, $0x0;
	p2 =	sgt.u32 s2, $0x4E170  }
.Ltmp34:
0x27b: {  	s4 =	simm.s32 $0xE638;
	s5 =	sand.u32 @!p2 $0x7FFF8, s2;
	(pc) =	sbr.rel @!p1 .LBB2_43-.Ltmp34, $4  }
0x27c: {  	s7 =	sadd.s32 @!p2 $0x80, s2;
	s2 =	sand.u32 @!p2 $0x7, s2;
	s6 =	simm.s32 @!p2 $0x400  }
0x27d: {  	s5 =	sadd.s32 @!p2 s1, s5;
	s7 =	sand.u32 @!p2 $0xFFFF8, s7;
	s6 =	sadd.s32 $0x0, s6  }
0x27e: {  	[hbm4b:s5+s2] =	stream.linear.scatter @!p2 [tilespmem:s3], [sflag:$0x5], $0x80, $0x38;
	[tilespmem:$0x1E678] =	vst v63  }
0x27f: {  	s5 =	simm.s32 $0xE41A;
	s3 =	simm.s32 @!p2 $0xE5B8;
	s7 =	sadd.s32 @!p2 s1, s7  }
.LBB2_42:
0x280: {  	[hbm4b:s7+s2] =	stream.linear.scatter @!p2 [tilespmem:s3], [sflag:$0x5], $0x80, $0x38;
	[tilespmem:$0x1E678] =	vst v63  }
0x281: {  	s0 =	sadd.s32 $0xFFFFFFFF, s0;
	s3 =	smov.u32 s4;
	v0 =	vld.msk [tilespmem:s5+$0x0], $0x1  }
0x282: {  	p1 =	sne.s32 s0, $0x0;
	_ =	sdelay $0x3  }
0x283: {  	(v2sf) =	vpush v0, $0x0;
	_ =	sdelay $0xe  }
0x284: {  	s4 =	sadd.s32 $0x100, s4;
	s8 =	simm.s32 $0x0;
	s2 =	spop (v2sf)  }
.Ltmp35:
0x285: {  	s5 =	sadd.s32 $0x1, s5;
	p2 =	sgt.u32 s2, $0x4E170;
	(pc) =	sbr.rel @p1 .LBB2_42-.Ltmp35, $4  }
0x286: {  	s8 =	simm.s32 @!p2 $0x400;
	s7 =	sand.u32 @!p2 $0x7FFF8, s2;
	s9 =	sadd.s32 @!p2 $0x80, s2  }
0x287: {  	s2 =	sand.u32 @!p2 $0x7, s2;
	s7 =	sadd.s32 @!p2 s1, s7;
	s9 =	sand.u32 @!p2 $0xFFFF8, s9  }
0x288: {  	[hbm4b:s7+s2] =	stream.linear.scatter @!p2 [tilespmem:s3], [sflag:$0x5], $0x80, $0x38;
	[tilespmem:$0x1E678] =	vst v63  }
0x289: {  	s6 =	sadd.s32 s6, s8;
	s3 =	sadd.s32 @!p2 $0x80, s3;
	s7 =	sadd.s32 @!p2 s1, s9  }
.LBB2_43:
0x28a: {  	[hbm4b:s7+s2] =	stream.linear.scatter @!p2 [tilespmem:s3], [sflag:$0x5], $0x80, $0x38;
	[tilespmem:$0x1E678] =	vst v63  }
0x28b: {  	s0 =	sshrl.u32 s6, $0x2  }
.LBB2_44:
0x28c: {  	s2 =	simm.s32 $0x5  }
0x28d: {  	_ =	swait.ge [sflag:s2], s0  }
0x28e: {  	s31 =	ssub.s32 $0x0, s0;
	[sflag:s2] =	ssyncset.done $0x0  }
0x28f: {  	[sflag:s2] =	ssyncadd.s32 s31  }
0x290: {  	[sflag:s2] =	ssyncpa.u1 $0x1  }
.LBB2_45:
0x291: {  	s0 =	sor.u32 s14, s15  }
0x292: {  	p1 =	sne.s32 s0, $0x0  }
.Ltmp36:
0x293: {  	_ = 	snop;
	(pc) =	sbr.rel @p1 .LBB2_60-.Ltmp36, $3  }
0x294: {  	_ =	sdelay $0x1  }
0x295: {  	[bflag:$0x0] =	sbarrier.arrive $0xFFFF  }
0x296: {  	_ =	sfence  }
0x297: {  	s0 =	simm.s32 $0x7  }
0x298: {  	s2 =	simm.s32 $0x2000;
	s3 =	simm.s32 $0xE418;
	[sflag:s0] =	ssyncpa.u1 $0x0  }
0x299: {  	[tilespmem:s3], [sflag:$0x7] =	stream.linear.gather [spmem:s2], $0x20, $0x38;
	[tilespmem:$0x1E678] =	vst v63  }
0x29a: {  	s30 =	simm.s32 $0xE438;
	s2 =	simm.s32 $0x0  }
0x29b: {  	[tilespmem:s30], [sflag:$0x7] =	stream.linear.gather [spmem:s2], $0x2000, $0x38;
	[tilespmem:$0x1E678] =	vst v63  }
.Ltmp37:
0x29c: {  	_ = 	snop;
	(pc) =	sbr.rel .LBB2_47-.Ltmp37, $4  }
0x29d: {  	_ =	swait.ge [sflag:s0], $0x2020  }
0x29e: {  	[sflag:s0] =	ssyncset.done $0x0  }
0x29f: {  	s31 =	simm.s32 $0x8;
	[sflag:s0] =	ssyncadd.s32 $0xFFFFDFE0  }
0x2a0: {  	s3 =	simm.s32 $0x0;
	[sflag:s31] =	ssyncpa.u1 $0x0  }
.LBB2_53:
0x2a1: {  	p1 =	slt.u32 s0, $0x4E171  }
0x2a2: {  	s4 =	sand.u32 @p1 $0x7FFF8, s0;
	s5 =	sand.u32 @p1 $0x7, s0;
	s0 =	sadd.s32 @p1 $0x80, s0  }
0x2a3: {  	s6 =	simm.s32 @p1 $0xE308;
	s4 =	sadd.s32 @p1 s1, s4;
	s0 =	sand.u32 @p1 $0xFFFF8, s0  }
0x2a4: {  	[tilespmem:s6], [sflag:$0x8] =	stream.linear.gather @p1 [hbm4b:s4+s5], $0x80, $0x38;
	[tilespmem:$0x1E678] =	vst v63  }
0x2a5: {  	s0 =	sadd.s32 @p1 s1, s0;
	s4 =	simm.s32 @p1 $0xE388  }
0x2a6: {  	[tilespmem:s4], [sflag:$0x8] =	stream.linear.gather @p1 [hbm4b:s0+s5], $0x80, $0x38;
	[tilespmem:$0x1E678] =	vst v63  }
0x2a7: {  	s0 =	simm.s32 @p1 $0x8  }
0x2a8: {  	_ =	swait.ge @p1 [sflag:s0], $0x100  }
0x2a9: {  	[sflag:s0] =	ssyncset.done @p1 $0x0  }
0x2aa: {  	[sflag:s0] =	ssyncadd.s32 @p1 $0xFFFFFF00  }
0x2ab: {  	v1 =	vld @p1 [tilespmem:$0xE308];
	_ =	sdelay $0x2  }
0x2ac: {  	s0 =	sshll.u32 @p1 s3, $0xA  }
0x2ad: {  	s4 =	sshrl.u32 @p1 s0, $0x2  }
0x2ae: {  	[tilespmem:s4+$0xE438] =	vst.add.f32.msk @p1 $0xffff, v1  }
0x2af: {  	v1 =	vld @p1 [tilespmem:$0xE318];
	_ =	sdelay $0x4  }
0x2b0: {  	[tilespmem:s4+$0xE448] =	vst.add.f32.msk @p1 $0xffff, v1  }
0x2b1: {  	v1 =	vld @p1 [tilespmem:$0xE328];
	_ =	sdelay $0x4  }
0x2b2: {  	[tilespmem:s4+$0xE458] =	vst.add.f32.msk @p1 $0xffff, v1  }
0x2b3: {  	v1 =	vld @p1 [tilespmem:$0xE338];
	_ =	sdelay $0x4  }
0x2b4: {  	[tilespmem:s4+$0xE468] =	vst.add.f32.msk @p1 $0xffff, v1  }
0x2b5: {  	v1 =	vld @p1 [tilespmem:$0xE348];
	_ =	sdelay $0x4  }
0x2b6: {  	[tilespmem:s4+$0xE478] =	vst.add.f32.msk @p1 $0xffff, v1  }
0x2b7: {  	v1 =	vld @p1 [tilespmem:$0xE358];
	_ =	sdelay $0x4  }
0x2b8: {  	[tilespmem:s4+$0xE488] =	vst.add.f32.msk @p1 $0xffff, v1  }
0x2b9: {  	v1 =	vld @p1 [tilespmem:$0xE368];
	_ =	sdelay $0x4  }
0x2ba: {  	[tilespmem:s4+$0xE498] =	vst.add.f32.msk @p1 $0xffff, v1  }
0x2bb: {  	v1 =	vld @p1 [tilespmem:$0xE378];
	_ =	sdelay $0x4  }
0x2bc: {  	[tilespmem:s4+$0xE4A8] =	vst.add.f32.msk @p1 $0xffff, v1  }
0x2bd: {  	v1 =	vld @p1 [tilespmem:$0xE388];
	_ =	sdelay $0x4  }
0x2be: {  	[tilespmem:s4+$0xE4B8] =	vst.add.f32.msk @p1 $0xffff, v1  }
0x2bf: {  	v1 =	vld @p1 [tilespmem:$0xE398];
	_ =	sdelay $0x4  }
0x2c0: {  	[tilespmem:s4+$0xE4C8] =	vst.add.f32.msk @p1 $0xffff, v1  }
0x2c1: {  	v1 =	vld @p1 [tilespmem:$0xE3A8];
	_ =	sdelay $0x4  }
0x2c2: {  	[tilespmem:s4+$0xE4D8] =	vst.add.f32.msk @p1 $0xffff, v1  }
0x2c3: {  	v1 =	vld @p1 [tilespmem:$0xE3B8];
	_ =	sdelay $0x4  }
0x2c4: {  	[tilespmem:s4+$0xE4E8] =	vst.add.f32.msk @p1 $0xffff, v1  }
0x2c5: {  	v1 =	vld @p1 [tilespmem:$0xE3C8];
	_ =	sdelay $0x4  }
0x2c6: {  	[tilespmem:s4+$0xE4F8] =	vst.add.f32.msk @p1 $0xffff, v1  }
0x2c7: {  	v1 =	vld @p1 [tilespmem:$0xE3D8];
	_ =	sdelay $0x4  }
0x2c8: {  	[tilespmem:s4+$0xE508] =	vst.add.f32.msk @p1 $0xffff, v1  }
0x2c9: {  	v1 =	vld @p1 [tilespmem:$0xE3E8];
	_ =	sdelay $0x4  }
0x2ca: {  	[tilespmem:s4+$0xE518] =	vst.add.f32.msk @p1 $0xffff, v1  }
0x2cb: {  	v1 =	vld @p1 [tilespmem:$0xE3F8];
	_ =	sdelay $0x3  }
0x2cc: {  	s5 =	sshll.u32 @!p1 s3, $0xA  }
0x2cd: {  	s5 =	smov.u32 @p1 s0;
	[tilespmem:s4+$0xE528] =	vst.add.f32.msk @p1 $0xffff, v1  }
0x2ce: {  	s0 =	sshrl.u32 s5, $0x2;
	[tilespmem:s2+$0xE418] =	vst.msk $0x1, v0  }
0x2cf: {  	v0 =	vld [tilespmem:s0+$0xE438];
	_ =	sdelay $0x2  }
0x2d0: {  	s31 =	sshll.u32 s2, $0xA  }
0x2d1: {  	s4 =	sshra.s32 s31, $0x2  }
0x2d2: {  	[tilespmem:s4+$0xE438] =	vst v0  }
0x2d3: {  	v0 =	vld [tilespmem:s0+$0xE448];
	_ =	sdelay $0x4  }
0x2d4: {  	[tilespmem:s4+$0xE448] =	vst v0  }
0x2d5: {  	v0 =	vld [tilespmem:s0+$0xE458];
	_ =	sdelay $0x4  }
0x2d6: {  	[tilespmem:s4+$0xE458] =	vst v0  }
0x2d7: {  	v0 =	vld [tilespmem:s0+$0xE468];
	_ =	sdelay $0x4  }
0x2d8: {  	[tilespmem:s4+$0xE468] =	vst v0  }
0x2d9: {  	v0 =	vld [tilespmem:s0+$0xE478];
	_ =	sdelay $0x4  }
0x2da: {  	[tilespmem:s4+$0xE478] =	vst v0  }
0x2db: {  	v0 =	vld [tilespmem:s0+$0xE488];
	_ =	sdelay $0x4  }
0x2dc: {  	[tilespmem:s4+$0xE488] =	vst v0  }
0x2dd: {  	v0 =	vld [tilespmem:s0+$0xE498];
	_ =	sdelay $0x4  }
0x2de: {  	[tilespmem:s4+$0xE498] =	vst v0  }
0x2df: {  	v0 =	vld [tilespmem:s0+$0xE4A8];
	_ =	sdelay $0x4  }
0x2e0: {  	[tilespmem:s4+$0xE4A8] =	vst v0  }
0x2e1: {  	v0 =	vld [tilespmem:s0+$0xE4B8];
	_ =	sdelay $0x4  }
0x2e2: {  	[tilespmem:s4+$0xE4B8] =	vst v0  }
0x2e3: {  	v0 =	vld [tilespmem:s0+$0xE4C8];
	_ =	sdelay $0x4  }
0x2e4: {  	[tilespmem:s4+$0xE4C8] =	vst v0  }
0x2e5: {  	v0 =	vld [tilespmem:s0+$0xE4D8];
	_ =	sdelay $0x4  }
0x2e6: {  	[tilespmem:s4+$0xE4D8] =	vst v0  }
0x2e7: {  	v0 =	vld [tilespmem:s0+$0xE4E8];
	_ =	sdelay $0x4  }
0x2e8: {  	[tilespmem:s4+$0xE4E8] =	vst v0  }
0x2e9: {  	v0 =	vld [tilespmem:s0+$0xE4F8];
	_ =	sdelay $0x4  }
0x2ea: {  	[tilespmem:s4+$0xE4F8] =	vst v0  }
0x2eb: {  	v0 =	vld [tilespmem:s0+$0xE508];
	_ =	sdelay $0x4  }
0x2ec: {  	[tilespmem:s4+$0xE508] =	vst v0  }
0x2ed: {  	v0 =	vld [tilespmem:s0+$0xE518];
	_ =	sdelay $0x4  }
0x2ee: {  	[tilespmem:s4+$0xE518] =	vst v0  }
0x2ef: {  	v0 =	vld [tilespmem:s0+$0xE528];
	_ =	sdelay $0x4  }
0x2f0: {  	s2 =	sadd.s32 $0x1, s2;
	[tilespmem:s4+$0xE528] =	vst v0  }
.LBB2_54:
0x2f1: {  	s3 =	sadd.s32 $0x1, s3  }
0x2f2: {  	p1 =	sne.s32 s3, $0x20  }
.Ltmp38:
0x2f3: {  	_ = 	snop;
	(pc) =	sbr.rel @!p1 .LBB2_55-.Ltmp38, $1  }
0x2f4: {  	_ =	sdelay $0x3  }
.LBB2_47:
0x2f5: {  	v0 =	vld.msk [tilespmem:s3+$0xE418], $0x1;
	_ =	sdelay $0x4  }
0x2f6: {  	(v2sf) =	vpush v0, $0x0;
	_ =	sdelay $0xe  }
0x2f7: {  	s0 =	spop (v2sf)  }
0x2f8: {  	p1 =	seq.s32 s0, $0xFFFFFFFF  }
.Ltmp39:
0x2f9: {  	_ = 	snop;
	(pc) =	sbr.rel @p1 .LBB2_54-.Ltmp39, $1  }
0x2fa: {  	_ =	sdelay $0x3  }
0x2fb: {  	p1 =	slt.s32 s2, $0x1  }
.Ltmp40:
0x2fc: {  	_ = 	snop;
	(pc) =	sbr.rel @p1 .LBB2_53-.Ltmp40, $1  }
0x2fd: {  	_ =	sdelay $0x3  }
0x2fe: {  	s4 =	simm.s32 $0xE418;
	p1 =	por $0x0, $0x0  }
0x2ff: {  	v1 =	vld.msk @!p1 [tilespmem:s4+$0x0], $0x1;
	_ =	sdelay $0x4  }
0x300: {  	(v2sf) =	vpush @!p1 v1, $0x0;
	_ =	sdelay $0xd  }
0x301: {  	p3 =	sne.s32 s2, $0x1  }
.Ltmp41:
0x302: {  	s5 =	spop @!p1 (v2sf);
	(pc) =	sbr.rel @!p3 .LBB2_51-.Ltmp41, $4  }
0x303: {  	p2 =	seq.s32 @!p1 s0, s5  }
0x304: {  	s5 =	simm.s32 $0x0;
	p2 =	por !p2, p1  }
0x305: {  	s7 =	simm.s32 $0xFFFFFFFF;
	s5 =	simm.s32 @p2 $0xFFFFFFFF  }
0x306: {  	s6 =	simm.s32 $0x1;
	s5 =	smov.u32 @p1 s7  }
.LBB2_50:
0x307: {  	s7 =	smov.u32 s5;
	p1 =	sne.s32 s5, $0xFFFFFFFF  }
0x308: {  	s4 =	sadd.s32 $0x1, s4;
	s5 =	smov.u32 s6;
	s6 =	sadd.s32 $0x1, s6  }
0x309: {  	p2 =	sne.s32 s2, s6;
	v1 =	vld.msk @!p1 [tilespmem:s4+$0x0], $0x1;
	_ =	sdelay $0x4  }
0x30a: {  	(v2sf) =	vpush @!p1 v1, $0x0;
	_ =	sdelay $0xe  }
.Ltmp42:
0x30b: {  	s8 =	spop @!p1 (v2sf);
	(pc) =	sbr.rel @p2 .LBB2_50-.Ltmp42, $4  }
0x30c: {  	p3 =	seq.s32 @!p1 s0, s8  }
0x30d: {  	p3 =	por !p3, p1  }
0x30e: {  	s5 =	simm.s32 @p3 $0xFFFFFFFF  }
0x30f: {  	s5 =	smov.u32 @p1 s7  }
.LBB2_51:
0x310: {  	p1 =	seq.s32 s5, $0xFFFFFFFF  }
.Ltmp43:
0x311: {  	_ = 	snop;
	(pc) =	sbr.rel @p1 .LBB2_53-.Ltmp43, $1  }
0x312: {  	_ =	sdelay $0x3  }
0x313: {  	s0 =	sshll.u32 s3, $0x8  }
0x314: {  	s0 =	sand.u32 $0x3FFFFF00, s0  }
0x315: {  	v0 =	vld [tilespmem:s0+$0xE438];
	_ =	sdelay $0x2  }
0x316: {  	s4 =	sshll.u32 s5, $0xA  }
0x317: {  	s4 =	sshra.s32 s4, $0x2  }
0x318: {  	[tilespmem:s4+$0xE438] =	vst.add.f32.msk $0xffff, v0  }
0x319: {  	v0 =	vld [tilespmem:s0+$0xE448];
	_ =	sdelay $0x4  }
0x31a: {  	[tilespmem:s4+$0xE448] =	vst.add.f32.msk $0xffff, v0  }
0x31b: {  	v0 =	vld [tilespmem:s0+$0xE458];
	_ =	sdelay $0x4  }
0x31c: {  	[tilespmem:s4+$0xE458] =	vst.add.f32.msk $0xffff, v0  }
0x31d: {  	v0 =	vld [tilespmem:s0+$0xE468];
	_ =	sdelay $0x4  }
0x31e: {  	[tilespmem:s4+$0xE468] =	vst.add.f32.msk $0xffff, v0  }
0x31f: {  	v0 =	vld [tilespmem:s0+$0xE478];
	_ =	sdelay $0x4  }
0x320: {  	[tilespmem:s4+$0xE478] =	vst.add.f32.msk $0xffff, v0  }
0x321: {  	v0 =	vld [tilespmem:s0+$0xE488];
	_ =	sdelay $0x4  }
0x322: {  	[tilespmem:s4+$0xE488] =	vst.add.f32.msk $0xffff, v0  }
0x323: {  	v0 =	vld [tilespmem:s0+$0xE498];
	_ =	sdelay $0x4  }
0x324: {  	[tilespmem:s4+$0xE498] =	vst.add.f32.msk $0xffff, v0  }
0x325: {  	v0 =	vld [tilespmem:s0+$0xE4A8];
	_ =	sdelay $0x4  }
0x326: {  	[tilespmem:s4+$0xE4A8] =	vst.add.f32.msk $0xffff, v0  }
0x327: {  	v0 =	vld [tilespmem:s0+$0xE4B8];
	_ =	sdelay $0x4  }
0x328: {  	[tilespmem:s4+$0xE4B8] =	vst.add.f32.msk $0xffff, v0  }
0x329: {  	v0 =	vld [tilespmem:s0+$0xE4C8];
	_ =	sdelay $0x4  }
0x32a: {  	[tilespmem:s4+$0xE4C8] =	vst.add.f32.msk $0xffff, v0  }
0x32b: {  	v0 =	vld [tilespmem:s0+$0xE4D8];
	_ =	sdelay $0x4  }
0x32c: {  	[tilespmem:s4+$0xE4D8] =	vst.add.f32.msk $0xffff, v0  }
0x32d: {  	v0 =	vld [tilespmem:s0+$0xE4E8];
	_ =	sdelay $0x4  }
0x32e: {  	[tilespmem:s4+$0xE4E8] =	vst.add.f32.msk $0xffff, v0  }
0x32f: {  	v0 =	vld [tilespmem:s0+$0xE4F8];
	_ =	sdelay $0x4  }
0x330: {  	[tilespmem:s4+$0xE4F8] =	vst.add.f32.msk $0xffff, v0  }
0x331: {  	v0 =	vld [tilespmem:s0+$0xE508];
	_ =	sdelay $0x4  }
0x332: {  	[tilespmem:s4+$0xE508] =	vst.add.f32.msk $0xffff, v0  }
0x333: {  	v0 =	vld [tilespmem:s0+$0xE518];
	_ =	sdelay $0x4  }
0x334: {  	[tilespmem:s4+$0xE518] =	vst.add.f32.msk $0xffff, v0  }
0x335: {  	v0 =	vld [tilespmem:s0+$0xE528]  }
.Ltmp44:
0x336: {  	_ = 	snop;
	(pc) =	sbr.rel .LBB2_54-.Ltmp44, $2  }
0x337: {  	_ =	sdelay $0x2  }
0x338: {  	[tilespmem:s4+$0xE528] =	vst.add.f32.msk $0xffff, v0  }
.LBB2_55:
0x339: {  	p1 =	slt.s32 s2, $0x1  }
.Ltmp45:
0x33a: {  	_ = 	snop;
	(pc) =	sbr.rel @p1 .LBB2_59-.Ltmp45, $3  }
0x33b: {  	_ =	sdelay $0x1  }
0x33c: {  	s0 =	simm.s32 $0x8  }
0x33d: {  	s4 =	simm.s32 $0x0;
	[sflag:s0] =	ssyncpa.u1 $0x1  }
0x33e: {  	s0 =	simm.s32 $0xE418  }
0x33f: {  	v0 =	vld.msk [tilespmem:s0+$0x0], $0x1;
	_ =	sdelay $0x4  }
0x340: {  	(v2sf) =	vpush v0, $0x0;
	_ =	sdelay $0xe  }
0x341: {  	s0 =	sadd.s32 $0xFFFFFFFF, s2;
	s3 =	spop (v2sf)  }
0x342: {  	s6 =	simm.s32 $0xE438;
	p1 =	sne.s32 s0, $0x0;
	p2 =	sgt.u32 s3, $0x4E170  }
.Ltmp46:
0x343: {  	s2 =	simm.s32 $0xE538;
	s5 =	sand.u32 @!p2 $0x7FFF8, s3;
	(pc) =	sbr.rel @!p1 .LBB2_58-.Ltmp46, $4  }
0x344: {  	s7 =	sadd.s32 @!p2 $0x80, s3;
	s4 =	simm.s32 @!p2 $0x400;
	s8 =	sadd.s32 @!p2 s1, s5  }
0x345: {  	s5 =	sand.u32 @!p2 $0x7, s3;
	s3 =	simm.s32 $0xE419;
	s7 =	sand.u32 @!p2 $0xFFFF8, s7  }
0x346: {  	[hbm4b:s8+s5] =	stream.linear.scatter @!p2 [tilespmem:s6], [sflag:$0x7], $0x80, $0x38;
	[tilespmem:$0x1E678] =	vst v63  }
0x347: {  	s4 =	sadd.s32 $0x0, s4;
	s6 =	simm.s32 @!p2 $0xE4B8;
	s7 =	sadd.s32 @!p2 s1, s7  }
.LBB2_57:
0x348: {  	[hbm4b:s7+s5] =	stream.linear.scatter @!p2 [tilespmem:s6], [sflag:$0x7], $0x80, $0x38;
	[tilespmem:$0x1E678] =	vst v63  }
0x349: {  	s0 =	sadd.s32 $0xFFFFFFFF, s0;
	s6 =	smov.u32 s2;
	v0 =	vld.msk [tilespmem:s3+$0x0], $0x1  }
0x34a: {  	p1 =	sne.s32 s0, $0x0;
	_ =	sdelay $0x3  }
0x34b: {  	(v2sf) =	vpush v0, $0x0;
	_ =	sdelay $0xe  }
0x34c: {  	s2 =	sadd.s32 $0x100, s2;
	s8 =	simm.s32 $0x0;
	s5 =	spop (v2sf)  }
.Ltmp47:
0x34d: {  	s3 =	sadd.s32 $0x1, s3;
	p2 =	sgt.u32 s5, $0x4E170;
	(pc) =	sbr.rel @p1 .LBB2_57-.Ltmp47, $4  }
0x34e: {  	s8 =	simm.s32 @!p2 $0x400;
	s7 =	sand.u32 @!p2 $0x7FFF8, s5;
	s9 =	sadd.s32 @!p2 $0x80, s5  }
0x34f: {  	s5 =	sand.u32 @!p2 $0x7, s5;
	s7 =	sadd.s32 @!p2 s1, s7;
	s9 =	sand.u32 @!p2 $0xFFFF8, s9  }
0x350: {  	[hbm4b:s7+s5] =	stream.linear.scatter @!p2 [tilespmem:s6], [sflag:$0x7], $0x80, $0x38;
	[tilespmem:$0x1E678] =	vst v63  }
0x351: {  	s4 =	sadd.s32 s4, s8;
	s6 =	sadd.s32 @!p2 $0x80, s6;
	s7 =	sadd.s32 @!p2 s1, s9  }
.LBB2_58:
0x352: {  	[hbm4b:s7+s5] =	stream.linear.scatter @!p2 [tilespmem:s6], [sflag:$0x7], $0x80, $0x38;
	[tilespmem:$0x1E678] =	vst v63  }
0x353: {  	s4 =	sshrl.u32 s4, $0x2  }
.LBB2_59:
0x354: {  	s0 =	simm.s32 $0x7  }
0x355: {  	_ =	swait.ge [sflag:s0], s4  }
0x356: {  	s1 =	ssub.s32 $0x0, s4;
	[sflag:s0] =	ssyncset.done $0x0  }
0x357: {  	[sflag:s0] =	ssyncadd.s32 s1  }
0x358: {  	[sflag:s0] =	ssyncpa.u1 $0x1  }
.LBB2_60:
0x359: {  	_ =	sfence;
	s0 =	simm.s32 $0x1  }
0x35a: {  	[sflag:s0] =	ssyncpa.u1 $0x1  }
0x35b: {  	_ =	strace $0x90000050  }
0x35c: {  	[bflag:$0x2] =	sbarrier.arrive $0xFFFF  }
0x35d: {  	s0 =	rddreg [dreg:$0x5]  }
0x35e: {  	s0 =	sadd.s32 @!p0 $0x100000, s0  }
0x35f: {  	[sflag:s0] =	ssyncadd.tile.s32 @!p0 $0x1;
	_ =	shalt  }
.Lfunc_end2:
_tile_overlayer_lowered:
.L_overlay_start_2:
0x360: {  	(tag) =	ssettag $0x2  }
0x361: {  	s0 =	rddreg [dreg:$0x0];
	s2 =	stileid.u32  }
0x362: {  	s1 =	rddreg [dreg:$0x1];
	p0 =	sne.s32 s2, $0x0  }
0x363: {  	s3 =	rddreg [dreg:$0x2];
	[bflag:$0x3] =	sbarrier.arrive $0xFFFF;
	s2 =	simm.s32 @!p0 $0x1C01  }
0x364: {  	[timem:s3], [sflag:s2] =	dma.local @!p0 [hbm:s0], s1  }
0x365: {  	s0 =	simm.s32 @!p0 $0x1  }
0x366: {  	_ =	swait.ge @!p0 [sflag:s0], s1  }
0x367: {  	s1 =	ssub.s32 @!p0 $0x0, s1;
	[sflag:s0] =	ssyncset.done @!p0 $0x0  }
0x368: {  	[sflag:s0] =	ssyncadd.s32 @!p0 s1  }
0x369: {  	[bflag:$0x3] =	sbarrier.arrive $0xFFFF  }
0x36a: {  	_ =	shalt  }

// kernel: scatter_offload_async_start
scs
__scs_entry_jumppad:
0x0: {  	(pc) =	sbr.rel $0x88, $3  }
0x1: {  	(tag) =	ssettag $0x0;
	lr =	simm.s32 $0x1  }
0x2: {  	[smem:$0x3F90] =	sst lr;
	_ =	strace $0xD0000000  }
0x3: {  	_ = 	snop  }
0x4: {  	_ = 	snop  }
0x5: {  	_ = 	snop  }
0x6: {  	_ = 	snop  }
0x7: {  	_ = 	snop  }
__scs_overlays_trampoline_lowered:
0x8: {  	[smem:$0x3F9F] =	sst s0  }
0x9: {  	[smem:$0x3FA0] =	sst s1  }
0xa: {  	[smem:$0x3FA1] =	sst s2  }
0xb: {  	[smem:$0x3FA2] =	sst s3  }
0xc: {  	[smem:$0x3FA3] =	sst s4  }
0xd: {  	[smem:$0x3FA4] =	sst s5  }
0xe: {  	[smem:$0x3FA5] =	sst s6  }
0xf: {  	[smem:$0x3FA6] =	sst s7  }
0x10: {  	[smem:$0x3FA7] =	sst s8  }
0x11: {  	[smem:$0x3FA8] =	sst s9;
	s0 =	simm.s32 @!p0 $0x0  }
0x12: {  	s1 =	sld [smem:$0x3F8E];
	s0 =	simm.s32 @p0 $0x1  }
0x13: {  	[smem:$0x3FA9] =	sst s0;
	s0 =	simm.s32 @!p1 $0x0  }
0x14: {  	s2 =	sld [smem:$0x3F8D];
	s0 =	simm.s32 @p1 $0x1  }
0x15: {  	[smem:$0x3FAA] =	sst s0;
	s0 =	simm.s32 @!p2 $0x0  }
0x16: {  	s3 =	sld [smem:$0x3FDB];
	s0 =	simm.s32 @p2 $0x1  }
0x17: {  	s4 =	simm.s32 $0x1BF5;
	[smem:$0x3FAC] =	sst s0  }
0x18: {  	s0 =	sld [smem:$0x3F8F];
	_ =	swait.ge [sflag:s4], $0x0  }
0x19: {  	s7 =	sld [smem:$0x3F90]  }
0x1a: {  	s8 =	sadd.s32 $0xFFFFE003, lr  }
0x1b: {  	s9 =	sadd.s32 $0xFFFFFEF7, lr;
	s5 =	simm.s32 $0xFFFFFFFF;
	p2 =	slt.u32 s8, $0xFFFFF086  }
0x1c: {  	p1 =	slt.u32 s9, $0xF7A;
	s5 =	simm.s32 @!p2 $0x0  }
0x1d: {  	s5 =	simm.s32 @p1 $0x1;
	p0 =	seq.s32 s7, s2  }
0x1e: {  	s7 =	smul.u32 @!p0 $0xF7A, s2;
	p2 =	seq.s32 @!p0 s5, $0x0  }
0x1f: {  	s9 =	smul.u32 $0xF7A, s1;
	s8 =	simm.s32 @!p0 $0x1BF5;
	p2 =	por !p2, p0  }
0x20: {  	[sflag:s8] =	ssyncset.s32 @!p0 $0xFFFFF086;
	s6 =	sadd.s32 @!p0 s3, s7;
	s7 =	simm.s32 @!p0 $0x108  }
0x21: {  	s3 =	sadd.s32 s3, s9;
	s6 =	sadd.s32 @!p0 $0x88, s6;
	s7 =	simm.s32 @p2 $0x1082  }
0x22: {  	[simem:s7], [sflag:s8] =	dma.local @!p0 [hbm:s6], $0xF7A  }
0x23: {  	s9 =	sor.u32 $0xD0000000, s2;
	s6 =	simm.s32 $0x108;
	_ =	swait.ge @!p0 [sflag:s8], $0x0  }
0x24: {  	s3 =	sadd.s32 $0x88, s3;
	s6 =	simm.s32 @!p1 $0x1082;
	[sflag:s4] =	ssyncset.s32 $0xFFFFF086  }
0x25: {  	[simem:s6], [sflag:s4] =	dma.local [hbm:s3], $0xF7A  }
0x26: {  	[smem:$0x3F90] =	sst s1;
	(tag) =	ssettag s2;
	_ =	strace s9  }
0x27: {  	s1 =	sld [smem:$0x3FA0]  }
0x28: {  	s2 =	sld [smem:$0x3FA1]  }
0x29: {  	s4 =	sld [smem:$0x3FA3]  }
0x2a: {  	p0 =	seq.s32 s5, $0x0;
	s5 =	sld [smem:$0x3FA4]  }
0x2b: {  	s6 =	sld [smem:$0x3FA5]  }
0x2c: {  	s7 =	sld [smem:$0x3FA6]  }
0x2d: {  	s3 =	simm.s32 $0x108;
	s8 =	sld [smem:$0x3FA7]  }
0x2e: {  	s3 =	simm.s32 @!p0 $0x1082;
	s9 =	sld [smem:$0x3FA8]  }
0x2f: {  	lr =	sadd.s32 s0, s3;
	s0 =	sld [smem:$0x3F9F]  }
0x30: {  	s3 =	sld [smem:$0x3FA2]  }
0x31: {  	[smem:$0x3FAB] =	sst s10  }
0x32: {  	s10 =	sld [smem:$0x3FA9];
	_ =	sdelay $0x3  }
0x33: {  	p0 =	seq.s32 s10, $0x1;
	s10 =	sld [smem:$0x3FAB];
	_ =	sdelay $0x3  }
0x34: {  	[smem:$0x3FAB] =	sst s10  }
0x35: {  	s10 =	sld [smem:$0x3FAA];
	_ =	sdelay $0x3  }
0x36: {  	p1 =	seq.s32 s10, $0x1;
	s10 =	sld [smem:$0x3FAB];
	_ =	sdelay $0x3  }
0x37: {  	[smem:$0x3FAB] =	sst s10  }
0x38: {  	s10 =	sld [smem:$0x3FAC]  }
0x39: {  	_ = 	snop;
	(pc) =	sbr.ind lr, $3  }
0x3a: {  	_ = 	snop  }
0x3b: {  	_ = 	snop  }
0x3c: {  	p2 =	seq.s32 s10, $0x1;
	s10 =	sld [smem:$0x3FAB]  }
0x3d: {  	_ =	shalt  }
0x3e: {  	_ =	shalt  }
0x3f: {  	_ =	shalt  }
0x40: {  	_ =	shalt  }
0x41: {  	_ =	shalt  }
0x42: {  	_ =	shalt  }
0x43: {  	_ =	shalt  }
0x44: {  	_ =	shalt  }
0x45: {  	_ =	shalt  }
0x46: {  	_ =	shalt  }
0x47: {  	_ =	shalt  }
0x48: {  	_ =	shalt  }
0x49: {  	_ =	shalt  }
0x4a: {  	_ =	shalt  }
0x4b: {  	_ =	shalt  }
0x4c: {  	_ =	shalt  }
0x4d: {  	_ =	shalt  }
0x4e: {  	_ =	shalt  }
0x4f: {  	_ =	shalt  }
0x50: {  	_ =	shalt  }
0x51: {  	_ =	shalt  }
0x52: {  	_ =	shalt  }
0x53: {  	_ =	shalt  }
0x54: {  	_ =	shalt  }
0x55: {  	_ =	shalt  }
0x56: {  	_ =	shalt  }
0x57: {  	_ =	shalt  }
0x58: {  	_ =	shalt  }
0x59: {  	_ =	shalt  }
0x5a: {  	_ =	shalt  }
0x5b: {  	_ =	shalt  }
0x5c: {  	_ =	shalt  }
0x5d: {  	_ =	shalt  }
0x5e: {  	_ =	shalt  }
0x5f: {  	_ =	shalt  }
0x60: {  	_ =	shalt  }
0x61: {  	_ =	shalt  }
0x62: {  	_ =	shalt  }
0x63: {  	_ =	shalt  }
0x64: {  	_ =	shalt  }
0x65: {  	_ =	shalt  }
0x66: {  	_ =	shalt  }
0x67: {  	_ =	shalt  }
0x68: {  	_ =	shalt  }
0x69: {  	_ =	shalt  }
0x6a: {  	_ =	shalt  }
0x6b: {  	_ =	shalt  }
0x6c: {  	_ =	shalt  }
0x6d: {  	_ =	shalt  }
0x6e: {  	_ =	shalt  }
0x6f: {  	_ =	shalt  }
0x70: {  	_ =	shalt  }
0x71: {  	_ =	shalt  }
0x72: {  	_ =	shalt  }
0x73: {  	_ =	shalt  }
0x74: {  	_ =	shalt  }
0x75: {  	_ =	shalt  }
0x76: {  	_ =	shalt  }
0x77: {  	_ =	shalt  }
0x78: {  	_ =	shalt  }
0x79: {  	_ =	shalt  }
0x7a: {  	_ =	shalt  }
0x7b: {  	_ =	shalt  }
0x7c: {  	_ =	shalt  }
0x7d: {  	_ =	shalt  }
0x7e: {  	_ =	shalt  }
0x7f: {  	_ =	shalt  }
0x80: {  	_ =	shalt  }
0x81: {  	_ =	shalt  }
0x82: {  	_ =	shalt  }
0x83: {  	_ =	shalt  }
0x84: {  	_ =	shalt  }
0x85: {  	_ =	shalt  }
0x86: {  	_ =	shalt  }
0x87: {  	_ =	shalt  }
.Lfunc_end0:
.L_simem_size_0:
called_computation_lowered:
.L_overlay_start_0:
0x88: {  	s0 =	sld [smem:$0x3FD9]  }
0x89: {  	s1 =	sld [smem:$0x3FFE];
	_ =	sdelay $0x3  }
0x8a: {  	s0 =	sadd.s32 s1, s0  }
0x8b: {  	[smem:$0x3FB7] =	sst s0  }
0x8c: {  	_ = 	snop  }
0x8d: {  	(tm) =	ssettm $0x1  }
0x8e: {  	s15 =	sld [smem:$0x3FFB];
	_ =	sdelay $0x3  }
0x8f: {  	_ =	strace s15  }
0x90: {  	s0 =	sld [smem:$0x3FFC];
	_ =	sdelay $0x3  }
0x91: {  	_ =	strace s0  }
0x92: {  	s0 =	sld [smem:$0x3FFD];
	_ =	sdelay $0x3  }
0x93: {  	_ =	strace s0  }
0x94: {  	_ =	strace $0x8FFFFFFF  }
0x95: {  	s16 =	sld [smem:$0x3FDB];
	_ =	sdelay $0x1  }
0x96: {  	s17 =	simm.s32 $_scs_section_size  }
0x97: {  	s2 =	simm.s32 $_size__tile_overlayer_lowered;
	s3 =	simm.s32 $_tile_overlayer_lowered  }
0x98: {  	s20 =	simm.s32 $0x1BFF;
	s19 =	sshll.u32 s3, $0x1;
	s0 =	sadd.s32 s17, s16  }
0x99: {  	s4 =	simm.s32 $0x0;
	s18 =	sshll.u32 s2, $0x1;
	s2 =	sadd.s32 s19, s0  }
0x9a: {  	[timem:s4], [sflag:s20] =	dma.local [hbm:s2], s18  }
0x9b: {  	_ =	swait.ge [sflag:s20], s18  }
0x9c: {  	s1 =	ssub.s32 $0x0, s18;
	[sflag:s20] =	ssyncset.done $0x0  }
0x9d: {  	[sflag:s20] =	ssyncadd.s32 s1;
	_ =	sdelay $0x1  }
0x9e: {  	s21 =	simm.s32 $0x1B8B  }
0x9f: {  	_ =	swait.ge [sflag:s21], $0x1  }
0xa0: {  	[sflag:s21] =	ssyncset.done $0x0  }
0xa1: {  	s23 =	simm.s32 $0x1B8E;
	s22 =	sld [smem:$0x3FFE];
	[sflag:s21] =	ssyncadd.s32 $0xFFFFFFFF  }
0xa2: {  	s24 =	simm.s32 $execute0_lowered;
	[smem:$0x3FD2] =	sst s23  }
0xa3: {  	s2 =	sshll.u32 s24, $0x1;
	_ =	strace $0x80000046;
	[dreg:$0x1] =	wrdreg $0xFFFFFFFF  }
0xa4: {  	s25 =	simm.s32 $_size_execute0_lowered;
	s0 =	sadd.s32 s0, s2;
	[dreg:$0x0] =	wrdreg $0x0  }
0xa5: {  	s2 =	sshll.u32 s25, $0x1;
	[dreg:$0x2] =	wrdreg s0  }
0xa6: {  	[dreg:$0x3] =	wrdreg s2  }
0xa7: {  	[dreg:$0x4] =	wrdreg $0xC0  }
0xa8: {  	_ =	task [dreg:s4], $0x5FFFF  }
0xa9: {  	[dreg:$0x1] =	wrdreg $0xFFFFFFFF  }
0xaa: {  	[dreg:$0x0] =	wrdreg $0x60  }
0xab: {  	[dreg:$0x2] =	wrdreg s22  }
0xac: {  	[dreg:$0x3] =	wrdreg $0x9  }
0xad: {  	_ =	task.clear_ibuf [dreg:s4], $0x4FFFF;
	_ =	strace $0x90000046  }
0xae: {  	s26 =	simm.s32 $0x9;
	_ =	strace $0x80000048  }
0xaf: {  	_ =	swait.ge [sflag:s26], $0x1  }
0xb0: {  	[sflag:s26] =	ssyncadd.s32 $0xFFFFFFFF  }
0xb1: {  	_ =	strace $0x90000048  }
0xb2: {  	_ =	sfence  }
0xb3: {  	s28 =	sld [smem:$0x0];
	_ =	sdelay $0x1  }
0xb4: {  	s29 =	srdreg.scid  }
0xb5: {  	s30 =	sshll.u32 s29, $0xD;
	s31 =	sshrl.u32 s29, $0x2  }
0xb6: {  	s1 =	sand.u32 $0x1, s29;
	s2 =	sand.u32 $0x4000, s30;
	s0 =	sadd.s32 s31, s28  }
0xb7: {  	s1 =	sor.u32 s2, s1;
	s0 =	sshll.u32 s0, $0x11  }
0xb8: {  	s0 =	sor.u32 s0, s1  }
0xb9: {  	s0 =	sadd.s32 $0x8F2B, s0  }
0xba: {  	[sflag:s0] =	ssyncadd.remote.s32 $0x1  }
0xbb: {  	_ =	sfence.sel $0xFFFF  }
0xbc: {  	[dreg:$0x0] =	wrdreg $0xFFFFFFFF;
	(pc) =	sbr.abs _section_cstart, $3  }
0xbd: {  	[dreg:$0x1] =	wrdreg $0xFFFFFFFF  }
0xbe: {  	_ =	task.clear_ibuf [dreg:s4], $0x2FFFF;
	_ =	strace $0x9FFFFFFF  }
0xbf: {  	(tm) =	ssettm $0x7FFFFFFF  }
tec
execute0_lowered:
.L_overlay_start_1:
0x0: {  	(tag) =	ssettag $0x1  }
0x1: {  	s0 =	rddreg [dreg:$0x0]  }
0x2: {  	s14 =	stileid.u32;
	_ =	strace $0x80000047;
	s2 =	simm.s32 $0x1  }
0x3: {  	v1 =	vimm.s32 $0xFFFFFFFF;
	s1 =	smin.u32 s14, $0x4;
	[sflag:s2] =	ssyncpa.u1 $0x0  }
0x4: {  	s1 =	sadd.s32 s14, s1;
	[tilespmem:$0x10] =	vst v1  }
0x5: {  	v0 =	vimm.f32 $0.0e+00;
	p0 =	slt.u32 s14, $0x4;
	[tilespmem:$0x20] =	vst v1;
	s3 =	smul.u32 $0x1F40, s1;
	s1 =	simm.s32 $0x3E80  }
0x6: {  	[tilespmem:$0x30] =	vst v0;
	s1 =	simm.s32 @!p0 $0x1F40  }
0x7: {  	[tilespmem:$0x40] =	vst v0;
	s1 =	sadd.s32 s1, s3  }
0x8: {  	[tilespmem:$0x50] =	vst v0;
	s4 =	smin.u32 s1, $0x27100  }
0x9: {  	[tilespmem:$0x60] =	vst v1;
	s9 =	ssub.s32 s4, s3  }
0xa: {  	s7 =	simm.s32 $0x2;
	s8 =	simm.s32 $0x8;
	[tilespmem:$0x70] =	vst v1;
	p0 =	sgt.s32 s9, $0x0  }
0xb: {  	s31 =	simm.s32 $0x9;
	s16 =	simm.s32 $0x0;
	[tilespmem:$0x80] =	vst v1;
	s9 =	simm.s32 @!p0 $0x0  }
0xc: {  	s17 =	simm.s32 $0xF0;
	s18 =	simm.s32 $0xFFFFFFFF;
	v1 =	vimm.s32 $0x0;
	[tilespmem:$0xB0] =	vst v0;
	s5 =	smulhi.u32 $0x10624DD3, s9  }
0xd: {  	s19 =	simm.s32 $0xFFFFC280;
	s20 =	simm.s32 $0xFFFFFFFE;
	s21 =	simm.s32 $0xF;
	[tilespmem:$0x90] =	vst v1  }
0xe: {  	[tilespmem:$0xA0] =	vst v1;
	[sflag:s7] =	ssyncpa.u1 $0x0;
	s7 =	simm.s32 $0x7;
	s10 =	sshrl.u32 s5, $0x9  }
0xf: {  	s25 =	simm.s32 $0x0;
	[sflag:s7] =	ssyncpa.u1 $0x0;
	s11 =	smul.u32 $0x1F40, s10  }
0x10: {  	s24 =	simm.s32 $0x0;
	s6 =	sadd.s32 $0x36200, s0;
	[sflag:s8] =	ssyncpa.u1 $0x0  }
.Ltmp0:
0x11: {  	s23 =	smov.u32 s3;
	p0 =	sne.s32 s9, s11;
	(pc) =	sbr.rel .LBB2_1-.Ltmp0, $4  }
0x12: {  	s1 =	sadd.s32 $0x40200, s0;
	[sflag:s31] =	ssyncpa.u1 $0x0;
	s2 =	simm.s32 @!p0 $0x0  }
0x13: {  	s5 =	sadd.s32 $0x31200, s0;
	p0 =	por $0x0, $0x0;
	s9 =	sadd.s32 s2, s10  }
0x14: {  	vm0 =	vmmov $0xffff;
	v2 =	vlaneseq.u32;
	s10 =	sshll.u32 s14, $0x1;
	s14 =	sshllo.u32 s14, $0x1;
	s11 =	sadd.s32 $0x1, s9  }
0x15: {  	vm1 =	vmxor vm1, vm1;
	vm2 =	vmmov $0x1;
	vm3 =	vcmask $0x3F3C;
	s12 =	sadd.s32 $0x2, s9;
	s13 =	sor.u32 $0x81, s10;
	s15 =	sor.u32 $0x80, s10  }
.LBB2_9:
0x16: {  	p1 =	slt.u32 s24, $0x3  }
0x17: {  	s0 =	simm.s32 @!p1 $0x2  }
0x18: {  	_ =	swait.ge @!p1 [sflag:s0], $0x1F40  }
0x19: {  	[sflag:s0] =	ssyncset.done @!p1 $0x0  }
0x1a: {  	[sflag:s0] =	ssyncadd.s32 @!p1 $0xFFFFE0C0;
	s0 =	simm.s32 @!p1 $0x9  }
0x1b: {  	_ =	swait.ge @!p1 [sflag:s0], $0x10  }
0x1c: {  	[sflag:s0] =	ssyncset.done @!p1 $0x0  }
0x1d: {  	[sflag:s0] =	ssyncadd.s32 @!p1 $0xFFFFFFF0;
	p1 =	sne.s32 s24, s12  }
.Ltmp1:
0x1e: {  	s2 =	sadd.s32 $0x1F40, s23;
	(pc) =	sbr.rel @!p1 .LBB2_10-.Ltmp1, $4  }
0x1f: {  	s22 =	smov.u32 s3;
	s31 =	sadd.s32 $0x1, s24;
	s17 =	sadd.s32 $0x1F40, s17  }
0x20: {  	s18 =	sadd.s32 $0x1, s18;
	s25 =	smov.u32 s23;
	p2 =	slt.s32 s2, s4  }
0x21: {  	p0 =	por !p0, !p0;
	s19 =	sadd.s32 $0x1F40, s19;
	s22 =	smov.u32 @p2 s2  }
0x22: {  	s20 =	sadd.s32 $0x1, s20;
	s23 =	smov.u32 s22;
	s24 =	smov.u32 s31  }
.LBB2_1:
0x23: {  	p1 =	sge.u32 s24, s9  }
0x24: {  	s0 =	smulhi.u32 @!p1 $0xAAAAAAAB, s24;
	_ =	sdelay $0x1  }
0x25: {  	s0 =	sshrl.u32 @!p1 s0, $0x1  }
0x26: {  	s0 =	smul.u32 @!p1 $0x3, s0;
	_ =	sdelay $0x1  }
0x27: {  	s0 =	ssub.s32 @!p1 s24, s0  }
0x28: {  	s0 =	smul.u32 @!p1 $0x7D00, s0;
	_ =	sdelay $0x1  }
0x29: {  	s2 =	sshrl.u32 @!p1 s23, $0x3;
	s0 =	sshrl.u32 @!p1 s0, $0x2  }
0x2a: {  	s22 =	sand.u32 @!p1 $0x7, s23;
	s2 =	sadd.s32 @!p1 s5, s2;
	s0 =	sadd.s32 @!p1 $0x100, s0  }
0x2b: {  	[tilespmem:s0], [sflag:$0x7] =	stream.linear.gather @!p1 [hbm4b:s2+s22], $0x1F40, $0x38;
	[tilespmem:$0x11A60] =	vst v63  }
0x2c: {  	s0 =	sadd.s32 $0xFFFFFFFF, s24  }
0x2d: {  	p1 =	sge.u32 s0, s9  }
.Ltmp2:
0x2e: {  	_ = 	snop;
	(pc) =	sbr.rel @p1 .LBB2_5-.Ltmp2, $1  }
0x2f: {  	_ =	sdelay $0x3  }
0x30: {  	s2 =	smulhi.u32 $0xAAAAAAAB, s0;
	_ =	sdelay $0x1  }
0x31: {  	s2 =	sshrl.u32 s2, $0x1  }
0x32: {  	s2 =	smul.u32 $0x3, s2;
	_ =	sdelay $0x1  }
0x33: {  	s2 =	ssub.s32 s0, s2  }
0x34: {  	s2 =	smul.u32 $0x7D00, s2  }
0x35: {  	_ =	swait.ge [sflag:s7], $0x1F40  }
0x36: {  	[sflag:s7] =	ssyncset.done $0x0;
	s2 =	sshrl.u32 s2, $0x2  }
0x37: {  	[sflag:s7] =	ssyncadd.s32 $0xFFFFE0C0;
	(ifvalue) =	ssetifvalue $0xFFFFFFFF;
	v3 =	vld.msk [tilespmem:s2+$0x100 ss:$0x1], $0xffff;
	_ =	sdelay $0x2  }
0x38: {  	s30 =	smulhi.u32 $0xAAAAAAAB, s18;
	p1 =	sne.s32 s24, $0x1  }
0x39: {  	v4 =	vimm.s32 @!p1 $0x0  }
0x3a: {  	s2 =	sshrl.u32 s30, $0x1;
	v4 =	vperm.xlane @!p1 v3, v4  }
0x3b: {  	s22 =	sshll.u32 s24, $0x4;
	s2 =	smul.u32 $0xFFFE8900, s2;
	vm4 =	vlt.u32 v3, $0x2800  }
0x3c: {  	s22 =	sand.u32 $0x10, s22;
	v3 =	vnsel vm4, $0xFFFFFFFE, v3;
	vm4 =	vlt.u32 @!p1 v4, $0x2800  }
0x3d: {  	s2 =	sshra.s32 s2, $0x2;
	[tilespmem:s22+$0x60] =	vst v3;
	v3 =	vnsel @!p1 vm4, $0xFFFFFFFE, v4  }
0x3e: {  	s28 =	sadd.s32 s2, s17;
	[tilespmem:$0x80] =	vst @!p1 v3  }
0x3f: {  	v3 =	vld.msk [tilespmem:s28+$0x0 ss:$0x1], $0xffff;
	_ =	sdelay $0x4  }
0x40: {  	(xrf1) =	vunique.msk.u32 $0xffff, v3;
	_ =	sdelay $0xd  }
0x41: {  	v4 =	vimm.s32 $0xFFFFFFFF;
	v5, _, _ =	vpop (xrf1)  }
0x42: {  	vm5 =	vne.s32 v3, v4;
	vm4 =	veq.s32 v5, v2  }
0x43: {  	vm6 =	vlt.u32 v3, $0x2800;
	vm4 =	vmand vm5, vm4  }
0x44: {  	vm4 =	vmand vm6, vm4  }
0x45: {  	v4 =	vnsel vm4, $0xFFFFFFFF, v3  }
0x46: {  	s31 =	sand.u32 $0x1, s0  }
0x47: {  	s0 =	simm.s32 $0x1F40;
	p1 =	seq.s32 s31, $0x1  }
0x48: {  	s0 =	simm.s32 @!p1 $0x0  }
0x49: {  	s26 =	sadd.s32 $0x7DF0, s0;
	(ifvalue) =	ssetifvalue $0xFFFFFFFF  }
0x4a: {  	v3 =	vperm.xlane v3, v1;
	[tilespmem:s26], [sflag:$0x8] =	stream.indirect_vreg.gather [hbm4b:s1+s16], $0x1, v4, vm0, $0x4038;
	v4 =	vnsel vm6, $0xFFFFFFFE, v4;
	[tilespmem:$0x11A60] =	vst v63  }
0x4b: {  	s2 =	simm.s32 $0x0;
	s22 =	sadd.s32 $0xFFFFFFF0, s28;
	[tilespmem:s28+$0x0] =	vst v4  }
.LBB2_3:
0x4c: {  	v4 =	vld.msk [tilespmem:s22+$0x0 ss:$0x1], $0xffff;
	s2 =	sadd.s32 $0x10, s2;
	v5 =	vmov v3;
	s28 =	smov.u32 s22  }
0x4d: {  	p1 =	slt.u32 s2, $0x1F30;
	_ =	sdelay $0x4  }
0x4e: {  	v3 =	vperm.xlane v4, v1;
	(xrf1) =	vunique.msk.u32 $0xffff, v4;
	_ =	sdelay $0xd  }
0x4f: {  	v6, _, _ =	vpop (xrf1)  }
0x50: {  	vm5 =	vne.s32 v4, v5;
	vm4 =	veq.s32 v6, v2  }
0x51: {  	vm6 =	vlt.u32 v4, $0x2800;
	vm4 =	vmand vm5, vm4  }
0x52: {  	vm4 =	vmand vm6, vm4  }
0x53: {  	v4 =	vnsel vm4, $0xFFFFFFFF, v4  }
.Ltmp3:
0x54: {  	v5 =	vnsel vm6, $0xFFFFFFFE, v4;
	(pc) =	sbr.rel @p1 .LBB2_3-.Ltmp3, $3  }
0x55: {  	_ =	sdelay $0x1  }
0x56: {  	s22 =	sadd.s32 $0xFFFFFFF0, s22;
	s26 =	sadd.s32 $0xFFFFFFF0, s26;
	(ifvalue) =	ssetifvalue $0xFFFFFFFF  }
0x57: {  	[tilespmem:s26], [sflag:$0x8] =	stream.indirect_vreg.gather [hbm4b:s1+s16], $0x1, v4, vm0, $0x4038;
	[tilespmem:s28+$0x0] =	vst v5  }
0x58: {  	s2 =	sshrl.u32 s25, $0x3  }
0x59: {  	s0 =	sadd.s32 $0x9D40, s0;
	s2 =	sadd.s32 s6, s2  }
0x5a: {  	[tilespmem:s0], [sflag:$0x8] =	stream.linear.gather [hbm:s2], $0x1F40, $0x38;
	[tilespmem:$0x11A60] =	vst v63  }
.LBB2_5:
0x5b: {  	p1 =	slt.u32 s24, $0x2  }
0x5c: {  	p2 =	sge.u32 @!p1 s24, s12  }
0x5d: {  	p1 =	por p1, p2  }
.Ltmp4:
0x5e: {  	_ = 	snop;
	(pc) =	sbr.rel @p1 .LBB2_9-.Ltmp4, $1  }
0x5f: {  	_ =	sdelay $0x3  }
0x60: {  	s0 =	sadd.s32 $0xFFFFFFFE, s24  }
0x61: {  	s2 =	smulhi.u32 $0xAAAAAAAB, s0;
	_ =	sdelay $0x1  }
0x62: {  	s2 =	sshrl.u32 s2, $0x1  }
0x63: {  	s2 =	smul.u32 $0x3, s2;
	_ =	sdelay $0x1  }
0x64: {  	s0 =	ssub.s32 s0, s2  }
0x65: {  	_ =	swait.ge [sflag:s8], $0x3E80;
	s0 =	smul.u32 $0x1F40, s0  }
0x66: {  	p1 =	sne.s32 s24, s11;
	[sflag:s8] =	ssyncset.done $0x0  }
0x67: {  	[sflag:s8] =	ssyncadd.s32 $0xFFFFC180;
	s2 =	sadd.s32 @!p1 $0x203F, s0  }
0x68: {  	[spmem:s13] =	stream.linear.scatter @!p1 [tilespmem:s2], [sflag:$0x1], $0x1, $0x38;
	[tilespmem:$0x11A60] =	vst v63  }
0x69: {  	s2 =	simm.s32 @!p1 $0x1  }
0x6a: {  	_ =	swait.ge @!p1 [sflag:s2], $0x1  }
0x6b: {  	s22 =	sshll.u32 s24, $0x4;
	[sflag:s2] =	ssyncset.done @!p1 $0x0  }
0x6c: {  	s25 =	sand.u32 $0x10, s22;
	[sflag:s2] =	ssyncadd.s32 @!p1 $0xFFFFFFFF  }
0x6d: {  	s2 =	sxor.u32 $0x10, s25;
	v4 =	vld [tilespmem:s25+$0x10]  }
0x6e: {  	v5 =	vld [tilespmem:s2+$0x60]  }
0x6f: {  	v3 =	vld [tilespmem:$0x80];
	_ =	sdelay $0x2  }
0x70: {  	(v2sf) =	vpush v4, $0x0  }
0x71: {  	(v2sf) =	vpush v5, $0x0  }
0x72: {  	(v2sf) =	vpush v3, $0x0;
	_ =	sdelay $0xc  }
0x73: {  	s22 =	spop (v2sf)  }
0x74: {  	s26 =	spop (v2sf)  }
0x75: {  	s28 =	spop (v2sf)  }
0x76: {  	p2 =	seq.s32 s22, s26;
	p3 =	seq.s32 s28, s22  }
0x77: {  	p3 =	por p2, p3  }
0x78: {  	s26 =	sand.u32 $0x1, s24;
	v4 =	vpsel p3, $0xFFFFFFFF, v4  }
0x79: {  	s29 =	smul.u32 $0x1F40, s26;
	[tilespmem:s25+$0x10] =	vst.msk $0x1, v4  }
0x7a: {  	v4 =	vld [tilespmem:$0x30]  }
0x7b: {  	v5 =	vld [tilespmem:s29+$0x9D40]  }
0x7c: {  	v6 =	vld [tilespmem:s25+$0x40];
	_ =	sdelay $0x3  }
0x7d: {  	vm4 =	vmmov vm1;
	v5 =	vadd.f32 v5, v4  }
0x7e: {  	vm5 =	vmmov vm2;
	vm4 =	vmmov @p2 vm2;
	s22 =	sshll.u32 s26, $0x4;
	v4 =	vadd.f32 v6, v4  }
0x7f: {  	s26 =	sor.u32 $0x11A40, s22;
	vm5 =	vmmov @p3 vm1;
	[tilespmem:s29+$0x9D40] =	vst.msk vm4, v5  }
0x80: {  	[tilespmem:s26+$0x0] =	vst.msk vm5, v4  }
0x81: {  	v4 =	vld [tilespmem:s29+$0x7DF0];
	_ =	sdelay $0x3  }
0x82: {  	v5 =	vimm.f32 $0.0e+00  }
0x83: {  	v4 =	vshift.insert v4, v5, s21  }
0x84: {  	s22 =	sor.u32 $0x40, s2  }
0x85: {  	[tilespmem:s22+$0x0] =	vst.msk $0x1, v4  }
0x86: {  	[tilespmem:s29+$0x7DFF] =	vst.msk $0x1, v5  }
0x87: {  	v4 =	vld [tilespmem:s0+$0x2030];
	_ =	sdelay $0x1  }
0x88: {  	s22 =	smulhi.u32 $0xAAAAAAAB, s20;
	s0 =	simm.s32 $0x1  }
0x89: {  	s0 =	simm.s32 @!p0 $0x0  }
0x8a: {  	s22 =	sshrl.u32 s22, $0x1;
	s0 =	smul.u32 $0x7D00, s0  }
0x8b: {  	s22 =	smul.u32 $0xFFFE8900, s22;
	v4 =	vshift.insert v4, v1, s21  }
0x8c: {  	s0 =	sshrl.u32 s0, $0x2  }
0x8d: {  	s22 =	sshra.s32 s22, $0x2;
	s30 =	sadd.s32 $0x9D40, s0;
	[tilespmem:s2+$0x10] =	vst.msk $0x1, v4  }
0x8e: {  	s22 =	sadd.s32 s22, s19;
	v6 =	vld [tilespmem:s30+$0x0]  }
0x8f: {  	v7 =	vld [tilespmem:s22+$0x0];
	_ =	sdelay $0x3  }
0x90: {  	v5 =	vadd.f32 v6, v5  }
0x91: {  	vm4 =	vne.s32 v7, $0xFFFFFFFF  }
0x92: {  	(xrf2) =	vadd.seg.scan.f32 vm4, v5;
	_ =	sdelay $0x3  }
0x93: {  	s31 =	sadd.s32 $0x5EC0, s0;
	v5 =	vperm.xlane v4, v1  }
0x94: {  	v6 =	vld [tilespmem:s31+$0x0]  }
0x95: {  	vm5 =	veq.s32 v7, v3;
	vm6 =	veq.s32 v7, v5  }
0x96: {  	vm7 =	vgt.u32 v7, $0xFFFFFFFD;
	vm6 =	vmor vm6, vm5  }
0x97: {  	vm6 =	vmor vm6, vm7  }
0x98: {  	v9 =	vld [tilespmem:$0xA0];
	v7 =	vsel vm6, $0xFFFFFFFF, v7  }
0x99: {  	v10 =	vld [tilespmem:$0x90];
	v6 =	vsel vm5, $0x0, v6;
	v8, _, _ =	vpop (xrf2)  }
0x9a: {  	v6 =	vadd.f32 v8, v6  }
0x9b: {  	s0 =	sadd.s32 $0xDBC0, s0  }
0x9c: {  	vm4 =	vmand vm4, vm3;
	[tilespmem:s0+$0x0] =	vst v6;
	(ifvalue) =	ssetifvalue $0xFFFFFFFF  }
0x9d: {  	vm6 =	veq.s32 v9, $0x1;
	[hbm4b:s1+s16] =	stream.indirect_vreg.scatter [tilespmem:s0], [sflag:$0x2], $0x1, v7, vm0, $0x4038;
	v7 =	vsel vm4, $0x0, v8;
	[tilespmem:$0x11A60] =	vst v63  }
0x9e: {  	s2 =	simm.s32 $0x0;
	s22 =	sadd.s32 $0x10, s22;
	vm4 =	vmor vm6, vm5;
	v6 =	vsel vm5, v8, v10;
	v7 =	vshift.insert v7, v0, s21  }
.LBB2_7:
0x9f: {  	v8 =	vld [tilespmem:s22+$0x0];
	s30 =	sadd.s32 $0x10, s30  }
0xa0: {  	s31 =	sadd.s32 $0x10, s31;
	v9 =	vld [tilespmem:s30+$0x0]  }
0xa1: {  	s2 =	sadd.s32 $0x10, s2;
	v10 =	vld [tilespmem:s31+$0x0]  }
0xa2: {  	p2 =	slt.u32 s2, $0x1F30;
	_ =	sdelay $0x2  }
0xa3: {  	v7 =	vadd.f32 v9, v7  }
0xa4: {  	vm5 =	vne.s32 v8, $0xFFFFFFFF  }
0xa5: {  	vm6 =	vmand vm5, vm3;
	(xrf2) =	vadd.seg.scan.f32 vm5, v7;
	_ =	sdelay $0x5  }
0xa6: {  	vm7 =	veq.s32 v8, v5;
	vm5 =	veq.s32 v8, v3  }
0xa7: {  	vm8 =	vgt.u32 v8, $0xFFFFFFFD;
	vm4 =	vmor vm4, vm5;
	vm7 =	vmor vm7, vm5  }
0xa8: {  	vm7 =	vmor vm7, vm8  }
0xa9: {  	v8 =	vsel vm7, $0xFFFFFFFF, v8  }
.Ltmp5:
0xaa: {  	v7 =	vsel vm5, $0x0, v10;
	v9, _, _ =	vpop (xrf2);
	(pc) =	sbr.rel @p2 .LBB2_7-.Ltmp5, $4  }
0xab: {  	v6 =	vsel vm5, v9, v6;
	v10 =	vadd.f32 v9, v7;
	v7 =	vsel vm6, $0x0, v9  }
0xac: {  	s0 =	sadd.s32 $0x10, s0;
	v7 =	vshift.insert v7, v0, s21  }
0xad: {  	s22 =	sadd.s32 $0x10, s22;
	[tilespmem:s0+$0x0] =	vst v10;
	(ifvalue) =	ssetifvalue $0xFFFFFFFF  }
0xae: {  	[hbm4b:s1+s16] =	stream.indirect_vreg.scatter [tilespmem:s0], [sflag:$0x2], $0x1, v8, vm0, $0x4038;
	[tilespmem:$0x11A60] =	vst v63  }
0xaf: {  	v3 =	vld [tilespmem:s29+$0xFAF0];
	_ =	sdelay $0x4  }
0xb0: {  	v3 =	vshift.insert v3, v0, s21  }
0xb1: {  	s0 =	simm.s32 $0x30  }
0xb2: {  	[tilespmem:s0+$0x0] =	vst.msk $0x1, v3  }
0xb3: {  	v3 =	vsel vm4, $0x1, v1;
	[tilespmem:$0x90] =	vst v6  }
0xb4: {  	s0 =	sadd.s32 @!p1 $0xFAFF, s29;
	[tilespmem:$0xA0] =	vst v3  }
0xb5: {  	[spmem:s14] =	stream.linear.scatter @!p1 [tilespmem:s0], [sflag:$0x1], $0x1, $0x38;
	[tilespmem:$0x11A60] =	vst v63  }
0xb6: {  	s0 =	simm.s32 @!p1 $0x1  }
0xb7: {  	v3 =	vmctz.xlane @!p1 vm4;
	_ =	swait.ge @!p1 [sflag:s0], $0x1  }
0xb8: {  	(v2sf) =	vpush @!p1 v4, $0x0  }
0xb9: {  	(v2sf) =	vpush @!p1 v3, $0x0;
	_ =	sdelay $0xd  }
0xba: {  	s2 =	spop @!p1 (v2sf)  }
0xbb: {  	s22 =	spop @!p1 (v2sf)  }
0xbc: {  	p2 =	sne.s32 @!p1 s28, s2;
	p3 =	slt.s32 @!p1 s22, $0xF  }
0xbd: {  	[sflag:s0] =	ssyncset.done @!p1 $0x0;
	p2 =	por p2, p1;
	p3 =	por !p3, p1  }
0xbe: {  	[sflag:s0] =	ssyncadd.s32 @!p1 $0xFFFFFFFF;
	v3 =	vimm.s32 @!p2 $0xFFFFFFFF;
	s22 =	simm.s32 @p3 $0xF  }
0xbf: {  	[tilespmem:$0x80] =	vst @!p2 v3;
	s2 =	sadd.s32 @!p1 $0x90, s22  }
0xc0: {  	[spmem:s10] =	stream.linear.scatter @!p1 [tilespmem:s2], [sflag:$0x1], $0x1, $0x38;
	[tilespmem:$0x11A60] =	vst v63  }
0xc1: {  	_ =	swait.ge @!p1 [sflag:s0], $0x1  }
0xc2: {  	[sflag:s0] =	ssyncset.done @!p1 $0x0  }
0xc3: {  	s2 =	simm.s32 @!p1 $0x80;
	[sflag:s0] =	ssyncadd.s32 @!p1 $0xFFFFFFFF  }
0xc4: {  	[spmem:s15] =	stream.linear.scatter @!p1 [tilespmem:s2], [sflag:$0x1], $0x1, $0x38;
	[tilespmem:$0x11A60] =	vst v63  }
0xc5: {  	_ =	swait.ge @!p1 [sflag:s0], $0x1  }
0xc6: {  	[sflag:s0] =	ssyncset.done @!p1 $0x0  }
0xc7: {  	[sflag:s0] =	ssyncadd.s32 @!p1 $0xFFFFFFFF;
	(ifvalue) =	ssetifvalue $0xFFFFFFFF;
	v3 =	vld [tilespmem:s25+$0x10];
	_ =	sdelay $0x3  }
.Ltmp6:
0xc8: {  	_ = 	snop;
	(pc) =	sbr.rel .LBB2_9-.Ltmp6, $3  }
0xc9: {  	_ =	sdelay $0x1  }
0xca: {  	(ifvalue) =	ssetifvalue $0xFFFFFFFF  }
0xcb: {  	[hbm4b:s1+s16] =	stream.indirect_vreg.scatter [tilespmem:s26], [sflag:$0x9], $0x1, v3, vm0, $0x4038;
	[tilespmem:$0x11A60] =	vst v63  }
.LBB2_10:
0xcc: {  	_ =	sfence.sel $0x180000  }
0xcd: {  	s0 =	simm.s32 $0x7;
	[bflag:$0x0] =	sbarrier.arrive $0xFFFF  }
0xce: {  	s26 =	simm.s32 $0x8;
	[sflag:s0] =	ssyncpa.u1 $0x1  }
0xcf: {  	s28 =	simm.s32 $0x9;
	[sflag:s26] =	ssyncpa.u1 $0x1  }
0xd0: {  	[sflag:s28] =	ssyncpa.u1 $0x1  }
0xd1: {  	_ =	sfence.stream.spmem  }
0xd2: {  	s29 =	simm.s32 $0x3;
	[bflag:$0x0] =	sbarrier.arrive $0xFFFF  }
0xd3: {  	s30 =	simm.s32 $0x4;
	[sflag:s29] =	ssyncpa.u1 $0x1  }
0xd4: {  	s31 =	simm.s32 $0x3C;
	s2 =	stileid.u32;
	[sflag:s30] =	ssyncpa.u1 $0x1  }
0xd5: {  	p0 =	sne.s32 s2, $0x0;
	[sflag:s31] =	ssyncpa.u1 $0x1  }
0xd6: {  	s0 =	simm.s32 @p0 $0x1;
	_ =	sfence @p0  }
0xd7: {  	[sflag:s0] =	ssyncpa.u1 @p0 $0x1;
	s0 =	simm.s32 @p0 $0x2  }
0xd8: {  	[sflag:s0] =	ssyncpa.u1 @p0 $0x1  }
0xd9: {  	_ =	strace @p0 $0x90000047  }
0xda: {  	[bflag:$0x2] =	sbarrier.arrive @p0 $0xFFFF  }
0xdb: {  	_ =	shalt @p0  }
.LBB2_11:
0xdc: {  	_ =	sfence.stream.spmem;
	s0 =	simm.s32 $0x5  }
0xdd: {  	s2 =	simm.s32 $0x80;
	s3 =	simm.s32 $0xC0;
	[sflag:s0] =	ssyncpa.u1 $0x0  }
0xde: {  	[tilespmem:s3], [sflag:$0x5] =	stream.linear.gather [spmem:s2], $0x20, $0x38;
	[tilespmem:$0x11A60] =	vst v63  }
0xdf: {  	s2 =	simm.s32 $0x0;
	s3 =	simm.s32 $0xE0  }
0xe0: {  	[tilespmem:s3], [sflag:$0x5] =	stream.linear.gather [spmem:s2], $0x20, $0x38;
	[tilespmem:$0x11A60] =	vst v63  }
.Ltmp7:
0xe1: {  	_ = 	snop;
	(pc) =	sbr.rel .LBB2_12-.Ltmp7, $4  }
0xe2: {  	_ =	swait.ge [sflag:s0], $0x40  }
0xe3: {  	[sflag:s0] =	ssyncset.done $0x0  }
0xe4: {  	s31 =	simm.s32 $0x6;
	[sflag:s0] =	ssyncadd.s32 $0xFFFFFFC0  }
0xe5: {  	s4 =	simm.s32 $0x0;
	[sflag:s31] =	ssyncpa.u1 $0x0  }
.LBB2_17:
0xe6: {  	p0 =	sgt.u32 s5, $0x27FF  }
0xe7: {  	s0 =	sshrl.u32 @!p0 s5, $0x3  }
0xe8: {  	s5 =	sand.u32 @!p0 $0x7, s5;
	s6 =	simm.s32 @!p0 $0xB0;
	s0 =	sadd.s32 @!p0 s1, s0  }
0xe9: {  	[tilespmem:s6], [sflag:$0x6] =	stream.linear.gather @!p0 [hbm4b:s0+s5], $0x1, $0x38;
	[tilespmem:$0x11A60] =	vst v63  }
0xea: {  	s0 =	simm.s32 @!p0 $0x6  }
0xeb: {  	_ =	swait.ge @!p0 [sflag:s0], $0x1  }
0xec: {  	[sflag:s0] =	ssyncset.done @!p0 $0x0  }
0xed: {  	[sflag:s0] =	ssyncadd.s32 @!p0 $0xFFFFFFFF  }
0xee: {  	v2 =	vmov @!p0 s4;
	v1 =	vld.msk @!p0 [tilespmem:$0xB0], $0x1;
	_ =	sdelay $0x3  }
0xef: {  	s0 =	simm.s32 @!p0 $0xE0  }
0xf0: {  	[tilespmem:v2+s0+$0x0], v1 =	vst.idx.ret.add.f32.msk @!p0 $0x1, v1  }
0xf1: {  	[tilespmem:s2+$0xC0] =	vst.msk $0x1, v0  }
0xf2: {  	v0 =	vld.msk [tilespmem:s4+$0xE0], $0x1;
	_ =	sdelay $0x4  }
0xf3: {  	[tilespmem:s2+$0xE0] =	vst.msk $0x1, v0;
	s2 =	sadd.s32 $0x1, s2  }
.LBB2_19:
0xf4: {  	s4 =	sadd.s32 $0x1, s4  }
0xf5: {  	p0 =	sne.s32 s4, $0x20  }
.Ltmp8:
0xf6: {  	_ = 	snop;
	(pc) =	sbr.rel @!p0 .LBB2_20-.Ltmp8, $1  }
0xf7: {  	_ =	sdelay $0x3  }
.LBB2_12:
0xf8: {  	v0 =	vld.msk [tilespmem:s4+$0xC0], $0x1;
	_ =	sdelay $0x4  }
0xf9: {  	(v2sf) =	vpush v0, $0x0;
	_ =	sdelay $0xe  }
0xfa: {  	s5 =	spop (v2sf)  }
0xfb: {  	p0 =	seq.s32 s5, $0xFFFFFFFF  }
.Ltmp9:
0xfc: {  	_ = 	snop;
	(pc) =	sbr.rel @p0 .LBB2_19-.Ltmp9, $1  }
0xfd: {  	_ =	sdelay $0x3  }
0xfe: {  	p0 =	slt.s32 s2, $0x1  }
.Ltmp10:
0xff: {  	_ = 	snop;
	(pc) =	sbr.rel @p0 .LBB2_17-.Ltmp10, $1  }
0x100: {  	_ =	sdelay $0x3  }
0x101: {  	s0 =	simm.s32 $0xC0;
	p0 =	por $0x0, $0x0  }
0x102: {  	v1 =	vld.msk @!p0 [tilespmem:s0+$0x0], $0x1;
	_ =	sdelay $0x4  }
0x103: {  	(v2sf) =	vpush @!p0 v1, $0x0;
	_ =	sdelay $0xd  }
0x104: {  	p2 =	sne.s32 s2, $0x1  }
.Ltmp11:
0x105: {  	s6 =	spop @!p0 (v2sf);
	(pc) =	sbr.rel @!p2 .LBB2_16-.Ltmp11, $4  }
0x106: {  	p1 =	seq.s32 @!p0 s5, s6  }
0x107: {  	s6 =	simm.s32 $0x0;
	p1 =	por !p1, p0  }
0x108: {  	s8 =	simm.s32 $0xFFFFFFFF;
	s6 =	simm.s32 @p1 $0xFFFFFFFF  }
0x109: {  	s7 =	simm.s32 $0x1;
	s6 =	smov.u32 @p0 s8  }
.LBB2_15:
0x10a: {  	s8 =	smov.u32 s6;
	p0 =	sne.s32 s6, $0xFFFFFFFF  }
0x10b: {  	s0 =	sadd.s32 $0x1, s0;
	s6 =	smov.u32 s7;
	s7 =	sadd.s32 $0x1, s7  }
0x10c: {  	p1 =	sne.s32 s2, s7;
	v1 =	vld.msk @!p0 [tilespmem:s0+$0x0], $0x1;
	_ =	sdelay $0x4  }
0x10d: {  	(v2sf) =	vpush @!p0 v1, $0x0;
	_ =	sdelay $0xe  }
.Ltmp12:
0x10e: {  	s9 =	spop @!p0 (v2sf);
	(pc) =	sbr.rel @p1 .LBB2_15-.Ltmp12, $4  }
0x10f: {  	p2 =	seq.s32 @!p0 s5, s9  }
0x110: {  	p2 =	por !p2, p0  }
0x111: {  	s6 =	simm.s32 @p2 $0xFFFFFFFF  }
0x112: {  	s6 =	smov.u32 @p0 s8  }
.LBB2_16:
0x113: {  	p0 =	sne.s32 s6, $0xFFFFFFFF  }
.Ltmp13:
0x114: {  	_ = 	snop;
	(pc) =	sbr.rel @!p0 .LBB2_17-.Ltmp13, $1  }
0x115: {  	_ =	sdelay $0x3  }
0x116: {  	v0 =	vld.msk [tilespmem:s4+$0xE0], $0x1;
	v1 =	vmov s6  }
.Ltmp14:
0x117: {  	_ = 	snop;
	(pc) =	sbr.rel .LBB2_19-.Ltmp14, $2  }
0x118: {  	_ =	sdelay $0x2  }
0x119: {  	[tilespmem:v1+s3+$0x0], v0 =	vst.idx.ret.add.f32.msk $0x1, v0  }
.LBB2_20:
0x11a: {  	p0 =	slt.s32 s2, $0x1  }
.Ltmp15:
0x11b: {  	_ = 	snop;
	(pc) =	sbr.rel @p0 .LBB2_24-.Ltmp15, $3  }
0x11c: {  	_ =	sdelay $0x1  }
0x11d: {  	s0 =	simm.s32 $0x6  }
0x11e: {  	s3 =	simm.s32 $0x0;
	[sflag:s0] =	ssyncpa.u1 $0x1  }
0x11f: {  	s0 =	simm.s32 $0xC0  }
0x120: {  	v0 =	vld.msk [tilespmem:s0+$0x0], $0x1;
	_ =	sdelay $0x4  }
0x121: {  	(v2sf) =	vpush v0, $0x0;
	_ =	sdelay $0xe  }
0x122: {  	s2 =	sadd.s32 $0xFFFFFFFF, s2;
	s4 =	spop (v2sf)  }
0x123: {  	p1 =	sne.s32 s2, $0x0;
	p0 =	sgt.u32 s4, $0x27FF  }
.Ltmp16:
0x124: {  	s5 =	sshrl.u32 @!p0 s4, $0x3;
	(pc) =	sbr.rel @!p1 .LBB2_23-.Ltmp16, $4  }
0x125: {  	s0 =	simm.s32 $0xE0;
	s4 =	sand.u32 @!p0 $0x7, s4;
	s5 =	sadd.s32 @!p0 s1, s5  }
0x126: {  	[hbm4b:s5+s4] =	stream.linear.scatter @!p0 [tilespmem:s0], [sflag:$0x5], $0x1, $0x38;
	[tilespmem:$0x11A60] =	vst v63  }
0x127: {  	s5 =	simm.s32 $0x0  }
0x128: {  	s4 =	simm.s32 $0xC1;
	s5 =	simm.s32 @!p0 $0x4  }
.LBB2_22:
0x129: {  	v0 =	vld.msk [tilespmem:s4+$0x0], $0x1;
	s2 =	sadd.s32 $0xFFFFFFFF, s2;
	s3 =	sadd.s32 s3, s5  }
0x12a: {  	p0 =	sne.s32 s2, $0x0;
	_ =	sdelay $0x3  }
0x12b: {  	(v2sf) =	vpush v0, $0x0;
	_ =	sdelay $0xe  }
.Ltmp17:
0x12c: {  	s6 =	spop (v2sf);
	(pc) =	sbr.rel @p0 .LBB2_22-.Ltmp17, $4  }
0x12d: {  	s5 =	simm.s32 $0x0;
	p1 =	sgt.u32 s6, $0x27FF  }
0x12e: {  	s0 =	sadd.s32 $0x1, s0;
	s5 =	simm.s32 @!p1 $0x4;
	s7 =	sshrl.u32 @!p1 s6, $0x3  }
0x12f: {  	s4 =	sadd.s32 $0x1, s4;
	s6 =	sand.u32 @!p1 $0x7, s6;
	s7 =	sadd.s32 @!p1 s1, s7  }
0x130: {  	[hbm4b:s7+s6] =	stream.linear.scatter @!p1 [tilespmem:s0], [sflag:$0x5], $0x1, $0x38;
	[tilespmem:$0x11A60] =	vst v63  }
.LBB2_23:
0x131: {  	s0 =	sadd.s32 s3, s5  }
0x132: {  	s3 =	sshrl.u32 s0, $0x2  }
.LBB2_24:
0x133: {  	s0 =	simm.s32 $0x5  }
0x134: {  	_ =	swait.ge [sflag:s0], s3  }
0x135: {  	s1 =	ssub.s32 $0x0, s3;
	[sflag:s0] =	ssyncset.done $0x0  }
0x136: {  	[sflag:s0] =	ssyncadd.s32 s1  }
0x137: {  	[sflag:s0] =	ssyncpa.u1 $0x1  }
0x138: {  	s29 =	simm.s32 $0x1;
	_ =	sfence  }
0x139: {  	s30 =	simm.s32 $0x2;
	[sflag:s29] =	ssyncpa.u1 $0x1  }
0x13a: {  	[sflag:s30] =	ssyncpa.u1 $0x1  }
0x13b: {  	_ =	strace $0x90000047  }
0x13c: {  	[bflag:$0x2] =	sbarrier.arrive $0xFFFF  }
0x13d: {  	s31 =	rddreg [dreg:$0x1]  }
0x13e: {  	s0 =	sadd.s32 $0x100000, s31  }
0x13f: {  	[sflag:s0] =	ssyncadd.tile.s32 $0x1;
	_ =	shalt  }
.Lfunc_end2:
_tile_overlayer_lowered:
.L_overlay_start_2:
0x140: {  	(tag) =	ssettag $0x2  }
0x141: {  	s0 =	rddreg [dreg:$0x0];
	s2 =	stileid.u32  }
0x142: {  	s1 =	rddreg [dreg:$0x1];
	p0 =	sne.s32 s2, $0x0  }
0x143: {  	s3 =	rddreg [dreg:$0x2];
	[bflag:$0x3] =	sbarrier.arrive $0xFFFF;
	s2 =	simm.s32 @!p0 $0x1C01  }
0x144: {  	[timem:s3], [sflag:s2] =	dma.local @!p0 [hbm:s0], s1  }
0x145: {  	s0 =	simm.s32 @!p0 $0x1  }
0x146: {  	_ =	swait.ge @!p0 [sflag:s0], s1  }
0x147: {  	s1 =	ssub.s32 @!p0 $0x0, s1;
	[sflag:s0] =	ssyncset.done @!p0 $0x0  }
0x148: {  	[sflag:s0] =	ssyncadd.s32 @!p0 s1  }
0x149: {  	[bflag:$0x3] =	sbarrier.arrive $0xFFFF  }
0x14a: {  	_ =	shalt  }

</sc_bundles>
